<compile_context>
chip_gen: v7x
topology: tpu7x:2x2x1
jax: 0.10.2.dev20260603
libtpu: 0.0.44.dev20260713+nightly
codegen_flags: <defaults>
</compile_context>

<pallas_src>
import functools

import jax
import jax.numpy as jnp
from jax import lax
from jax.experimental import pallas as pl
from jax.experimental.pallas import tpu as pltpu, tpu_sc as plsc

N_NODES = 10000
N_EDGES = 320000
D = 128
N_CLASSES = 64
N_LAYERS = 5
EPS = 1e-5

NW = 32
B = 80
NBLK = 136
NBUF = 4
G = 8
NG = NBLK // G
ROUNDS = NBLK // NBUF
E_PAD = NW * NBLK * B
N_PAD = 10112
STRIPE = N_PAD // 16
ROW_F32 = jnp.float32

_mesh = plsc.VectorSubcoreMesh(
    core_axis_name="c", subcore_axis_name="s", num_cores=2, num_subcores=16)


def _deg_body(dstp_hbm, ones_hbm, zeros_hbm, out_hbm, dst_v, ones_v, sem, acc_sh):
    c = lax.axis_index("c")
    s = lax.axis_index("s")
    wid = c * 16 + s
    pltpu.sync_copy(dstp_hbm.at[wid], dst_v)
    pltpu.sync_copy(ones_hbm, ones_v)
    pltpu.sync_copy(zeros_hbm, acc_sh.at[pl.ds(s * STRIPE, STRIPE)])
    plsc.subcore_barrier()

    K = 8

    def blk(j, carry):
        pltpu.async_copy(ones_v, acc_sh.at[dst_v.at[j]], sem, add=True)

        @pl.when(j >= K)
        def _():
            pltpu.make_async_copy(ones_v, acc_sh.at[dst_v.at[j]],
                                  sem).wait()
        return carry

    lax.fori_loop(0, NBLK, blk, 0)
    for _ in range(K):
        pltpu.make_async_copy(ones_v, acc_sh.at[dst_v.at[0]], sem).wait()
    plsc.subcore_barrier()
    pltpu.sync_copy(
        acc_sh.at[pl.ds(s * STRIPE, STRIPE)],
        out_hbm.at[c, pl.ds(s * STRIPE, STRIPE)],
    )


_deg_call = pl.kernel(
    _deg_body,
    out_type=jax.ShapeDtypeStruct((2, N_PAD, 16), ROW_F32),
    mesh=_mesh,
    scratch_types=[
        pltpu.VMEM((NBLK, B), jnp.int32),
        pltpu.VMEM((B, 16), ROW_F32),
        pltpu.SemaphoreType.DMA,
        pltpu.VMEM_SHARED((N_PAD, 16), ROW_F32),
    ],
)


def _agg_body(t_hbm, srcp_hbm, dstp_hbm, zeros_hbm, out_hbm,
              sidx_v, didx_v, rows0, rows1, rows2, rows3,
              g0, g1, g2, g3, s0, s1, s2, s3, isem, acc_sh):
    c = lax.axis_index("c")
    s = lax.axis_index("s")
    wid = c * 16 + s
    rows = (rows0, rows1, rows2, rows3)
    gsem = (g0, g1, g2, g3)
    ssem = (s0, s1, s2, s3)

    pltpu.sync_copy(srcp_hbm.at[wid, pl.ds(0, G)], sidx_v.at[pl.ds(0, G)])
    pltpu.sync_copy(dstp_hbm.at[wid, pl.ds(0, G)], didx_v.at[pl.ds(0, G)])
    pltpu.async_copy(srcp_hbm.at[wid, pl.ds(G, G)], sidx_v.at[pl.ds(G, G)],
                     isem)
    pltpu.async_copy(dstp_hbm.at[wid, pl.ds(G, G)], didx_v.at[pl.ds(G, G)],
                     isem)

    pltpu.sync_copy(zeros_hbm, acc_sh.at[pl.ds(s * STRIPE, STRIPE)])
    plsc.subcore_barrier()

    RPG = G // NBUF

    for b in range(NBUF):
        pltpu.async_copy(t_hbm.at[sidx_v.at[b]], rows[b], gsem[b])

    def rnd(i, carry):
        g = i // RPG
        phase = i % RPG

        @pl.when(jnp.logical_and(phase == RPG - 1, g + 1 < NG))
        def _():
            pltpu.make_async_copy(srcp_hbm.at[wid, pl.ds(0, G)],
                                  sidx_v.at[pl.ds(0, G)], isem).wait()
            pltpu.make_async_copy(dstp_hbm.at[wid, pl.ds(0, G)],
                                  didx_v.at[pl.ds(0, G)], isem).wait()

        @pl.when(jnp.logical_and(phase == 0,
                                 jnp.logical_and(g >= 1, g + 1 < NG)))
        def _():
            off = pl.multiple_of(((g + 1) % 2) * G, G)
            src_off = pl.multiple_of((g + 1) * G, G)
            pltpu.async_copy(srcp_hbm.at[wid, pl.ds(src_off, G)],
                             sidx_v.at[pl.ds(off, G)], isem)
            pltpu.async_copy(dstp_hbm.at[wid, pl.ds(src_off, G)],
                             didx_v.at[pl.ds(off, G)], isem)

        for b in range(NBUF):
            j = i * NBUF + b
            jj = j % (2 * G)
            pltpu.make_async_copy(t_hbm.at[sidx_v.at[jj]], rows[b],
                                  gsem[b]).wait()
            pltpu.async_copy(rows[b], acc_sh.at[didx_v.at[jj]], ssem[b],
                             add=True)

        @pl.when(i + 1 < ROUNDS)
        def _():
            for b in range(NBUF):
                j = i * NBUF + b
                jj = j % (2 * G)
                jn = (j + NBUF) % (2 * G)
                pltpu.make_async_copy(rows[b], acc_sh.at[didx_v.at[jj]],
                                      ssem[b]).wait()
                pltpu.async_copy(t_hbm.at[sidx_v.at[jn]], rows[b],
                                 gsem[b])
        return carry

    lax.fori_loop(0, ROUNDS, rnd, 0)
    for b in range(NBUF):
        jj = ((ROUNDS - 1) * NBUF + b) % (2 * G)
        pltpu.make_async_copy(rows[b], acc_sh.at[didx_v.at[jj]],
                              ssem[b]).wait()
    plsc.subcore_barrier()
    pltpu.sync_copy(
        acc_sh.at[pl.ds(s * STRIPE, STRIPE)],
        out_hbm.at[c, pl.ds(s * STRIPE, STRIPE)],
    )


_agg_call = pl.kernel(
    _agg_body,
    out_type=jax.ShapeDtypeStruct((2, N_PAD, D), ROW_F32),
    mesh=_mesh,
    scratch_types=[
        pltpu.VMEM((2 * G, B), jnp.int32),
        pltpu.VMEM((2 * G, B), jnp.int32),
        pltpu.VMEM((B, D), ROW_F32),
        pltpu.VMEM((B, D), ROW_F32),
        pltpu.VMEM((B, D), ROW_F32),
        pltpu.VMEM((B, D), ROW_F32),
        pltpu.SemaphoreType.DMA,
        pltpu.SemaphoreType.DMA,
        pltpu.SemaphoreType.DMA,
        pltpu.SemaphoreType.DMA,
        pltpu.SemaphoreType.DMA,
        pltpu.SemaphoreType.DMA,
        pltpu.SemaphoreType.DMA,
        pltpu.SemaphoreType.DMA,
        pltpu.SemaphoreType.DMA,
        pltpu.VMEM_SHARED((N_PAD, D), ROW_F32),
    ],
)


R = 1000


def _tca_body(degp_ref, x_ref, w_ref, t_ref, dinv_ref):
    dsum = degp_ref[0] + degp_ref[1]
    deg = jnp.sum(dsum, axis=-1, keepdims=True) * (1.0 / 16.0)
    dinv = lax.rsqrt(deg)
    t = jnp.dot(x_ref[...], w_ref[...], preferred_element_type=jnp.float32)
    t_ref[...] = t * dinv
    dinv_ref[...] = dinv


def _tc_first(degp, x, w0):
    return pl.pallas_call(
        _tca_body,
        grid=(N_NODES // R,),
        in_specs=[
            pl.BlockSpec((2, R, 16), lambda i: (0, i, 0)),
            pl.BlockSpec((R, D), lambda i: (i, 0)),
            pl.BlockSpec((D, D), lambda i: (0, 0)),
        ],
        out_specs=[
            pl.BlockSpec((R, D), lambda i: (i, 0)),
            pl.BlockSpec((R, 1), lambda i: (i, 0)),
        ],
        out_shape=[
            jax.ShapeDtypeStruct((N_NODES, D), jnp.float32),
            jax.ShapeDtypeStruct((N_NODES, 1), jnp.float32),
        ],
    )(degp, x, w0)


def _ln_relu(p_ref, dinv_ref, b_ref, g_ref, be_ref):
    h = (p_ref[0] + p_ref[1]) * dinv_ref[...] + b_ref[...]
    mu = jnp.mean(h, axis=-1, keepdims=True)
    hc = h - mu
    var = jnp.mean(hc * hc, axis=-1, keepdims=True)
    h = hc * lax.rsqrt(var + EPS) * g_ref[...] + be_ref[...]
    return jnp.maximum(h, 0.0)


def _tcb_body(p_ref, dinv_ref, b_ref, g_ref, be_ref, w_ref, out_ref):
    h = _ln_relu(p_ref, dinv_ref, b_ref, g_ref, be_ref)
    t = jnp.dot(h, w_ref[...], preferred_element_type=jnp.float32)
    out_ref[...] = t * dinv_ref[...]


def _tc_mid(aggp, dinv, b, g, be, w):
    return pl.pallas_call(
        _tcb_body,
        grid=(N_NODES // R,),
        in_specs=[
            pl.BlockSpec((2, R, D), lambda i: (0, i, 0)),
            pl.BlockSpec((R, 1), lambda i: (i, 0)),
            pl.BlockSpec((1, D), lambda i: (0, 0)),
            pl.BlockSpec((1, D), lambda i: (0, 0)),
            pl.BlockSpec((1, D), lambda i: (0, 0)),
            pl.BlockSpec((D, D), lambda i: (0, 0)),
        ],
        out_specs=pl.BlockSpec((R, D), lambda i: (i, 0)),
        out_shape=jax.ShapeDtypeStruct((N_NODES, D), jnp.float32),
    )(aggp, dinv, b, g, be, w)


def _tcc_body(p_ref, dinv_ref, b_ref, g_ref, be_ref, w_ref, bo_ref, out_ref):
    h = _ln_relu(p_ref, dinv_ref, b_ref, g_ref, be_ref)
    out_ref[...] = (
        jnp.dot(h, w_ref[...], preferred_element_type=jnp.float32) + bo_ref[...]
    )


def _tc_last(aggp, dinv, b, g, be, wout, bout):
    return pl.pallas_call(
        _tcc_body,
        grid=(N_NODES // R,),
        in_specs=[
            pl.BlockSpec((2, R, D), lambda i: (0, i, 0)),
            pl.BlockSpec((R, 1), lambda i: (i, 0)),
            pl.BlockSpec((1, D), lambda i: (0, 0)),
            pl.BlockSpec((1, D), lambda i: (0, 0)),
            pl.BlockSpec((1, D), lambda i: (0, 0)),
            pl.BlockSpec((D, N_CLASSES), lambda i: (0, 0)),
            pl.BlockSpec((1, N_CLASSES), lambda i: (0, 0)),
        ],
        out_specs=pl.BlockSpec((R, N_CLASSES), lambda i: (i, 0)),
        out_shape=jax.ShapeDtypeStruct((N_NODES, N_CLASSES), jnp.float32),
    )(aggp, dinv, b, g, be, wout, bout)


def kernel(x, edge_index, Ws, bs, gammas, betas, Wout, bout):
    src = edge_index[0].astype(jnp.int32)
    dst = edge_index[1].astype(jnp.int32)
    ept = NBLK * B
    n_loop_pad = NW * 320 - N_NODES
    n_tail = ept - N_EDGES // NW - 320
    loop = jnp.arange(N_NODES, dtype=jnp.int32)
    dum_src = (jnp.arange(NW * n_tail + n_loop_pad, dtype=jnp.int32)
               % N_NODES)
    dum_dst = N_NODES + (jnp.arange(NW * n_tail + n_loop_pad,
                                    dtype=jnp.int32) % (N_PAD - N_NODES))
    loop_s = jnp.concatenate([loop, dum_src[NW * n_tail:]]).reshape(NW, 320)
    loop_d = jnp.concatenate([loop, dum_dst[NW * n_tail:]]).reshape(NW, 320)
    src_a = jnp.concatenate(
        [src.reshape(NW, N_EDGES // NW), loop_s,
         dum_src[:NW * n_tail].reshape(NW, n_tail)],
        axis=1).reshape(NW, NBLK, B)
    dst_a = jnp.concatenate(
        [dst.reshape(NW, N_EDGES // NW), loop_d,
         dum_dst[:NW * n_tail].reshape(NW, n_tail)],
        axis=1).reshape(NW, NBLK, B)

    ones_r = jnp.ones((B, 16), ROW_F32)
    zer16 = jnp.zeros((STRIPE, 16), ROW_F32)
    zer128 = jnp.zeros((STRIPE, D), ROW_F32)

    degp = _deg_call(dst_a, ones_r, zer16)
    t, dinv = _tc_first(degp, x, Ws[0])

    aggp = None
    for i in range(N_LAYERS):
        aggp = _agg_call(t, src_a, dst_a, zer128)
        if i + 1 < N_LAYERS:
            t = _tc_mid(aggp, dinv, bs[i][None, :], gammas[i][None, :],
                        betas[i][None, :], Ws[i + 1])

    i = N_LAYERS - 1
    return _tc_last(aggp, dinv, bs[i][None, :], gammas[i][None, :],
                    betas[i][None, :], Wout, bout[None, :])

# --- scband reference (transcript-rebuilt; emitter-appended) ---
"""Pipeline reference for scband-gcn-39977555591298 (READ-ONLY COPY).

The authoritative reference and input builder live on the scoring server;
editing this copy changes nothing except your own understanding.
"""

import jax, jax.numpy as jnp
import numpy as np

N_NODES = 10000
N_EDGES = 320000
D_IN = 128
HIDDEN = 128
N_CLASSES = 64
N_LAYERS = 5
EPS = 1e-5


def setup_inputs(seed: int = 0) -> dict:
    key = jax.random.key(seed)
    ks = jax.random.split(key, 8)
    x = jax.random.normal(ks[0], (N_NODES, D_IN), dtype=jnp.float32)
    edge_index = jax.random.randint(ks[1], (2, N_EDGES), 0, N_NODES, dtype=jnp.int64)
    # stacked GCNConv weights (in==hidden==128 so all layers share shape)
    Ws = jax.random.normal(ks[2], (N_LAYERS, HIDDEN, HIDDEN), dtype=jnp.float32) * (1.0 / np.sqrt(HIDDEN))
    bs = jnp.zeros((N_LAYERS, HIDDEN), dtype=jnp.float32)
    gammas = jnp.ones((N_LAYERS, HIDDEN), dtype=jnp.float32)
    betas = jnp.zeros((N_LAYERS, HIDDEN), dtype=jnp.float32)
    Wout = jax.random.normal(ks[3], (HIDDEN, N_CLASSES), dtype=jnp.float32) * (1.0 / np.sqrt(HIDDEN))
    bout = jnp.zeros((N_CLASSES,), dtype=jnp.float32)
    return {"x": x, "edge_index": edge_index, "Ws": Ws, "bs": bs,
            "gammas": gammas, "betas": betas, "Wout": Wout, "bout": bout}


def _gcn_forward(x, Ws, bs, gammas, betas, Wout, bout, edge_index):
    N = x.shape[0]
    src = edge_index[0]
    dst = edge_index[1]
    loop = jnp.arange(N, dtype=src.dtype)
    src_a = jnp.concatenate([src, loop])
    dst_a = jnp.concatenate([dst, loop])
    # symmetric normalization with self-loops (PyG GCNConv default)
    deg = jax.ops.segment_sum(jnp.ones(src_a.shape[0], dtype=x.dtype), dst_a, num_segments=N)
    dinv = jax.lax.rsqrt(deg)
    norm = dinv[src_a] * dinv[dst_a]
    h = x
    for i in range(N_LAYERS):
        t = h @ Ws[i]
        msg = jnp.take(t, src_a, axis=0) * norm[:, None]
        h = jax.ops.segment_sum(msg, dst_a, num_segments=N) + bs[i]
        # LayerNorm
        mu = jnp.mean(h, axis=-1, keepdims=True)
        var = jnp.var(h, axis=-1, keepdims=True)
        h = (h - mu) / jnp.sqrt(var + EPS) * gammas[i] + betas[i]
        h = jax.nn.relu(h)
        # dropout: identity in eval mode
    return h @ Wout + bout


def reference(x, edge_index, Ws, bs, gammas, betas, Wout, bout):
    return _gcn_forward(x, Ws, bs, gammas, betas, Wout, bout, edge_index)

if __name__ == "__main__":
    import jax
    _d = setup_inputs()
    print(jax.jit(kernel)(*tuple(_d.values())))

</pallas_src>

<mosaic_0001>
#map = affine_map<(d0, d1) -> (0, 0)>
#map1 = affine_map<(d0, d1) -> (0, 0, 0)>
module attributes {stable_mosaic.version = 14 : i64} {
  func.func @_agg_body(%arg0: i32, %arg1: i32, %arg2: memref<10000x128xf32, #tpu.memory_space<hbm>>, %arg3: memref<32x136x80xi32, #tpu.memory_space<hbm>>, %arg4: memref<32x136x80xi32, #tpu.memory_space<hbm>>, %arg5: memref<632x128xf32, #tpu.memory_space<hbm>>, %arg6: memref<2x10112x128xf32, #tpu.memory_space<hbm>>, %arg7: memref<16x80xi32, #tpu.memory_space<vmem>>, %arg8: memref<16x80xi32, #tpu.memory_space<vmem>>, %arg9: memref<80x128xf32, #tpu.memory_space<vmem>>, %arg10: memref<80x128xf32, #tpu.memory_space<vmem>>, %arg11: memref<80x128xf32, #tpu.memory_space<vmem>>, %arg12: memref<80x128xf32, #tpu.memory_space<vmem>>, %arg13: memref<!tpu.dma_semaphore, #tpu.memory_space<semaphore_mem>>, %arg14: memref<!tpu.dma_semaphore, #tpu.memory_space<semaphore_mem>>, %arg15: memref<!tpu.dma_semaphore, #tpu.memory_space<semaphore_mem>>, %arg16: memref<!tpu.dma_semaphore, #tpu.memory_space<semaphore_mem>>, %arg17: memref<!tpu.dma_semaphore, #tpu.memory_space<semaphore_mem>>, %arg18: memref<!tpu.dma_semaphore, #tpu.memory_space<semaphore_mem>>, %arg19: memref<!tpu.dma_semaphore, #tpu.memory_space<semaphore_mem>>, %arg20: memref<!tpu.dma_semaphore, #tpu.memory_space<semaphore_mem>>, %arg21: memref<!tpu.dma_semaphore, #tpu.memory_space<semaphore_mem>>, %arg22: memref<10112x128xf32, #tpu.memory_space<vmem_shared>>) attributes {dimension_semantics = [#tpu.dimension_semantics<core_parallel>, #tpu.dimension_semantics<subcore_parallel>], iteration_bounds = array<i64: 2, 16>, scalar_prefetch = 0 : i64, scratch_operands = 16 : i64, tpu.core_type = #tpu.core_type<sc_vector_subcore>, window_params = [{transform_indices = #map}, {transform_indices = #map1}, {transform_indices = #map1}, {transform_indices = #map}, {transform_indices = #map1}]} {
    %mul3A = arith.constant 16 : i32
    %mul3A_0 = arith.muli %arg0, %mul3A : i32
    %add3A = arith.addi %mul3A_0, %arg1 : i32
    "tpu.region"() ({
      %run_scoped3A = tpu.sem_alloc : memref<!tpu.dma_semaphore, #tpu.memory_space<semaphore_mem>>
      %dma_start3A_95 = arith.constant 0 : i32
      %dma_start3A_96 = arith.constant 0 : i32
      %dma_start3A_97 = tpu.memref_slice %arg7[%dma_start3A_95, %dma_start3A_96] : memref<16x80xi32, #tpu.memory_space<vmem>> -> memref<8x80xi32, #tpu.memory_space<vmem>>
      %dma_start3A_98 = arith.constant 0 : i32
      %dma_start3A_99 = arith.constant 0 : i32
      %dma_start3A_100 = tpu.memref_slice %arg3[%add3A, %dma_start3A_98, %dma_start3A_99] : memref<32x136x80xi32, #tpu.memory_space<hbm>> -> memref<1x8x80xi32, #tpu.memory_space<hbm>>
      %dma_start3A_101 = tpu.memref_squeeze %dma_start3A_100 : memref<1x8x80xi32, #tpu.memory_space<hbm>> -> memref<8x80xi32, #tpu.memory_space<hbm>>
      %dma_start3A_102 = arith.constant 0 : i32
      %dma_start3A_103 = arith.constant 0 : i32
      %dma_start3A_104 = tpu.memref_slice %arg7[%dma_start3A_102, %dma_start3A_103] : memref<16x80xi32, #tpu.memory_space<vmem>> -> memref<8x80xi32, #tpu.memory_space<vmem>>
      %dma_start3A_105 = arith.constant 0 : i32
      %dma_start3A_106 = arith.constant 0 : i32
      %dma_start3A_107 = tpu.memref_slice %arg3[%add3A, %dma_start3A_105, %dma_start3A_106] : memref<32x136x80xi32, #tpu.memory_space<hbm>> -> memref<1x8x80xi32, #tpu.memory_space<hbm>>
      %dma_start3A_108 = tpu.memref_squeeze %dma_start3A_107 : memref<1x8x80xi32, #tpu.memory_space<hbm>> -> memref<8x80xi32, #tpu.memory_space<hbm>>
      tpu.enqueue_dma source(%dma_start3A_108 : memref<8x80xi32, #tpu.memory_space<hbm>>) target(%dma_start3A_104 : memref<8x80xi32, #tpu.memory_space<vmem>>) target_semaphore(%run_scoped3A : memref<!tpu.dma_semaphore, #tpu.memory_space<semaphore_mem>>)
      %dma_wait3A_109 = arith.constant 0 : i32
      %dma_wait3A_110 = arith.constant 0 : i32
      %dma_wait3A_111 = tpu.memref_slice %arg7[%dma_wait3A_109, %dma_wait3A_110] : memref<16x80xi32, #tpu.memory_space<vmem>> -> memref<8x80xi32, #tpu.memory_space<vmem>>
      %dma_wait3A_112 = arith.constant 0 : i32
      %dma_wait3A_113 = arith.constant 0 : i32
      %dma_wait3A_114 = tpu.memref_slice %arg3[%add3A, %dma_wait3A_112, %dma_wait3A_113] : memref<32x136x80xi32, #tpu.memory_space<hbm>> -> memref<1x8x80xi32, #tpu.memory_space<hbm>>
      %dma_wait3A_115 = tpu.memref_squeeze %dma_wait3A_114 : memref<1x8x80xi32, #tpu.memory_space<hbm>> -> memref<8x80xi32, #tpu.memory_space<hbm>>
      %dma_wait3A_116 = arith.constant 0 : i32
      %dma_wait3A_117 = arith.constant 0 : i32
      %dma_wait3A_118 = tpu.memref_slice %arg7[%dma_wait3A_116, %dma_wait3A_117] : memref<16x80xi32, #tpu.memory_space<vmem>> -> memref<8x80xi32, #tpu.memory_space<vmem>>
      %dma_wait3A_119 = arith.constant 0 : i32
      %dma_wait3A_120 = arith.constant 0 : i32
      %dma_wait3A_121 = tpu.memref_slice %arg3[%add3A, %dma_wait3A_119, %dma_wait3A_120] : memref<32x136x80xi32, #tpu.memory_space<hbm>> -> memref<1x8x80xi32, #tpu.memory_space<hbm>>
      %dma_wait3A_122 = tpu.memref_squeeze %dma_wait3A_121 : memref<1x8x80xi32, #tpu.memory_space<hbm>> -> memref<8x80xi32, #tpu.memory_space<hbm>>
      tpu.wait_dma2 semaphore(%run_scoped3A : memref<!tpu.dma_semaphore, #tpu.memory_space<semaphore_mem>>) src(%dma_wait3A_122 : memref<8x80xi32, #tpu.memory_space<hbm>>) dst(%dma_wait3A_118 : memref<8x80xi32, #tpu.memory_space<vmem>>)
      tpu.yield
    }) : () -> ()
    "tpu.region"() ({
      %run_scoped3A = tpu.sem_alloc : memref<!tpu.dma_semaphore, #tpu.memory_space<semaphore_mem>>
      %dma_start3A_95 = arith.constant 0 : i32
      %dma_start3A_96 = arith.constant 0 : i32
      %dma_start3A_97 = tpu.memref_slice %arg8[%dma_start3A_95, %dma_start3A_96] : memref<16x80xi32, #tpu.memory_space<vmem>> -> memref<8x80xi32, #tpu.memory_space<vmem>>
      %dma_start3A_98 = arith.constant 0 : i32
      %dma_start3A_99 = arith.constant 0 : i32
      %dma_start3A_100 = tpu.memref_slice %arg4[%add3A, %dma_start3A_98, %dma_start3A_99] : memref<32x136x80xi32, #tpu.memory_space<hbm>> -> memref<1x8x80xi32, #tpu.memory_space<hbm>>
      %dma_start3A_101 = tpu.memref_squeeze %dma_start3A_100 : memref<1x8x80xi32, #tpu.memory_space<hbm>> -> memref<8x80xi32, #tpu.memory_space<hbm>>
      %dma_start3A_102 = arith.constant 0 : i32
      %dma_start3A_103 = arith.constant 0 : i32
      %dma_start3A_104 = tpu.memref_slice %arg8[%dma_start3A_102, %dma_start3A_103] : memref<16x80xi32, #tpu.memory_space<vmem>> -> memref<8x80xi32, #tpu.memory_space<vmem>>
      %dma_start3A_105 = arith.constant 0 : i32
      %dma_start3A_106 = arith.constant 0 : i32
      %dma_start3A_107 = tpu.memref_slice %arg4[%add3A, %dma_start3A_105, %dma_start3A_106] : memref<32x136x80xi32, #tpu.memory_space<hbm>> -> memref<1x8x80xi32, #tpu.memory_space<hbm>>
      %dma_start3A_108 = tpu.memref_squeeze %dma_start3A_107 : memref<1x8x80xi32, #tpu.memory_space<hbm>> -> memref<8x80xi32, #tpu.memory_space<hbm>>
      tpu.enqueue_dma source(%dma_start3A_108 : memref<8x80xi32, #tpu.memory_space<hbm>>) target(%dma_start3A_104 : memref<8x80xi32, #tpu.memory_space<vmem>>) target_semaphore(%run_scoped3A : memref<!tpu.dma_semaphore, #tpu.memory_space<semaphore_mem>>)
      %dma_wait3A_109 = arith.constant 0 : i32
      %dma_wait3A_110 = arith.constant 0 : i32
      %dma_wait3A_111 = tpu.memref_slice %arg8[%dma_wait3A_109, %dma_wait3A_110] : memref<16x80xi32, #tpu.memory_space<vmem>> -> memref<8x80xi32, #tpu.memory_space<vmem>>
      %dma_wait3A_112 = arith.constant 0 : i32
      %dma_wait3A_113 = arith.constant 0 : i32
      %dma_wait3A_114 = tpu.memref_slice %arg4[%add3A, %dma_wait3A_112, %dma_wait3A_113] : memref<32x136x80xi32, #tpu.memory_space<hbm>> -> memref<1x8x80xi32, #tpu.memory_space<hbm>>
      %dma_wait3A_115 = tpu.memref_squeeze %dma_wait3A_114 : memref<1x8x80xi32, #tpu.memory_space<hbm>> -> memref<8x80xi32, #tpu.memory_space<hbm>>
      %dma_wait3A_116 = arith.constant 0 : i32
      %dma_wait3A_117 = arith.constant 0 : i32
      %dma_wait3A_118 = tpu.memref_slice %arg8[%dma_wait3A_116, %dma_wait3A_117] : memref<16x80xi32, #tpu.memory_space<vmem>> -> memref<8x80xi32, #tpu.memory_space<vmem>>
      %dma_wait3A_119 = arith.constant 0 : i32
      %dma_wait3A_120 = arith.constant 0 : i32
      %dma_wait3A_121 = tpu.memref_slice %arg4[%add3A, %dma_wait3A_119, %dma_wait3A_120] : memref<32x136x80xi32, #tpu.memory_space<hbm>> -> memref<1x8x80xi32, #tpu.memory_space<hbm>>
      %dma_wait3A_122 = tpu.memref_squeeze %dma_wait3A_121 : memref<1x8x80xi32, #tpu.memory_space<hbm>> -> memref<8x80xi32, #tpu.memory_space<hbm>>
      tpu.wait_dma2 semaphore(%run_scoped3A : memref<!tpu.dma_semaphore, #tpu.memory_space<semaphore_mem>>) src(%dma_wait3A_122 : memref<8x80xi32, #tpu.memory_space<hbm>>) dst(%dma_wait3A_118 : memref<8x80xi32, #tpu.memory_space<vmem>>)
      tpu.yield
    }) : () -> ()
    %dma_start3A = arith.constant 8 : i32
    %dma_start3A_1 = arith.constant 0 : i32
    %dma_start3A_2 = tpu.memref_slice %arg7[%dma_start3A, %dma_start3A_1] : memref<16x80xi32, #tpu.memory_space<vmem>> -> memref<8x80xi32, #tpu.memory_space<vmem>>
    %dma_start3A_3 = arith.constant 8 : i32
    %dma_start3A_4 = arith.constant 0 : i32
    %dma_start3A_5 = tpu.memref_slice %arg3[%add3A, %dma_start3A_3, %dma_start3A_4] : memref<32x136x80xi32, #tpu.memory_space<hbm>> -> memref<1x8x80xi32, #tpu.memory_space<hbm>>
    %dma_start3A_6 = tpu.memref_squeeze %dma_start3A_5 : memref<1x8x80xi32, #tpu.memory_space<hbm>> -> memref<8x80xi32, #tpu.memory_space<hbm>>
    %dma_start3A_7 = arith.constant 8 : i32
    %dma_start3A_8 = arith.constant 0 : i32
    %dma_start3A_9 = tpu.memref_slice %arg7[%dma_start3A_7, %dma_start3A_8] : memref<16x80xi32, #tpu.memory_space<vmem>> -> memref<8x80xi32, #tpu.memory_space<vmem>>
    %dma_start3A_10 = arith.constant 8 : i32
    %dma_start3A_11 = arith.constant 0 : i32
    %dma_start3A_12 = tpu.memref_slice %arg3[%add3A, %dma_start3A_10, %dma_start3A_11] : memref<32x136x80xi32, #tpu.memory_space<hbm>> -> memref<1x8x80xi32, #tpu.memory_space<hbm>>
    %dma_start3A_13 = tpu.memref_squeeze %dma_start3A_12 : memref<1x8x80xi32, #tpu.memory_space<hbm>> -> memref<8x80xi32, #tpu.memory_space<hbm>>
    tpu.enqueue_dma source(%dma_start3A_13 : memref<8x80xi32, #tpu.memory_space<hbm>>) target(%dma_start3A_9 : memref<8x80xi32, #tpu.memory_space<vmem>>) target_semaphore(%arg21 : memref<!tpu.dma_semaphore, #tpu.memory_space<semaphore_mem>>)
    %dma_start3A_14 = arith.constant 8 : i32
    %dma_start3A_15 = arith.constant 0 : i32
    %dma_start3A_16 = tpu.memref_slice %arg8[%dma_start3A_14, %dma_start3A_15] : memref<16x80xi32, #tpu.memory_space<vmem>> -> memref<8x80xi32, #tpu.memory_space<vmem>>
    %dma_start3A_17 = arith.constant 8 : i32
    %dma_start3A_18 = arith.constant 0 : i32
    %dma_start3A_19 = tpu.memref_slice %arg4[%add3A, %dma_start3A_17, %dma_start3A_18] : memref<32x136x80xi32, #tpu.memory_space<hbm>> -> memref<1x8x80xi32, #tpu.memory_space<hbm>>
    %dma_start3A_20 = tpu.memref_squeeze %dma_start3A_19 : memref<1x8x80xi32, #tpu.memory_space<hbm>> -> memref<8x80xi32, #tpu.memory_space<hbm>>
    %dma_start3A_21 = arith.constant 8 : i32
    %dma_start3A_22 = arith.constant 0 : i32
    %dma_start3A_23 = tpu.memref_slice %arg8[%dma_start3A_21, %dma_start3A_22] : memref<16x80xi32, #tpu.memory_space<vmem>> -> memref<8x80xi32, #tpu.memory_space<vmem>>
    %dma_start3A_24 = arith.constant 8 : i32
    %dma_start3A_25 = arith.constant 0 : i32
    %dma_start3A_26 = tpu.memref_slice %arg4[%add3A, %dma_start3A_24, %dma_start3A_25] : memref<32x136x80xi32, #tpu.memory_space<hbm>> -> memref<1x8x80xi32, #tpu.memory_space<hbm>>
    %dma_start3A_27 = tpu.memref_squeeze %dma_start3A_26 : memref<1x8x80xi32, #tpu.memory_space<hbm>> -> memref<8x80xi32, #tpu.memory_space<hbm>>
    tpu.enqueue_dma source(%dma_start3A_27 : memref<8x80xi32, #tpu.memory_space<hbm>>) target(%dma_start3A_23 : memref<8x80xi32, #tpu.memory_space<vmem>>) target_semaphore(%arg21 : memref<!tpu.dma_semaphore, #tpu.memory_space<semaphore_mem>>)
    %mul3A_28 = arith.constant 632 : i32
    %mul3A_29 = arith.muli %arg1, %mul3A_28 : i32
    "tpu.region"() ({
      %run_scoped3A = tpu.sem_alloc : memref<!tpu.dma_semaphore, #tpu.memory_space<semaphore_mem>>
      %dma_start3A_95 = arith.constant 0 : i32
      %dma_start3A_96 = tpu.memref_slice %arg22[%mul3A_29, %dma_start3A_95] : memref<10112x128xf32, #tpu.memory_space<vmem_shared>> -> memref<632x128xf32, #tpu.memory_space<vmem_shared>>
      tpu.enqueue_dma source(%arg5 : memref<632x128xf32, #tpu.memory_space<hbm>>) target(%dma_start3A_96 : memref<632x128xf32, #tpu.memory_space<vmem_shared>>) target_semaphore(%run_scoped3A : memref<!tpu.dma_semaphore, #tpu.memory_space<semaphore_mem>>)
      %dma_wait3A_97 = arith.constant 0 : i32
      %dma_wait3A_98 = tpu.memref_slice %arg22[%mul3A_29, %dma_wait3A_97] : memref<10112x128xf32, #tpu.memory_space<vmem_shared>> -> memref<632x128xf32, #tpu.memory_space<vmem_shared>>
      tpu.wait_dma2 semaphore(%run_scoped3A : memref<!tpu.dma_semaphore, #tpu.memory_space<semaphore_mem>>) src(%arg5 : memref<632x128xf32, #tpu.memory_space<hbm>>) dst(%dma_wait3A_98 : memref<632x128xf32, #tpu.memory_space<vmem_shared>>)
      tpu.yield
    }) : () -> ()
    %barrier3A = arith.constant 0 : index
    tpu.barrier barrier_id(%barrier3A)
    %dma_start3A_30 = arith.constant 0 : i32
    %dma_start3A_31 = arith.constant 0 : i32
    %dma_start3A_32 = tpu.memref_slice %arg7[%dma_start3A_30, %dma_start3A_31] : memref<16x80xi32, #tpu.memory_space<vmem>> -> memref<1x80xi32, #tpu.memory_space<vmem>>
    %dma_start3A_33 = tpu.memref_squeeze %dma_start3A_32 : memref<1x80xi32, #tpu.memory_space<vmem>> -> memref<80xi32, #tpu.memory_space<vmem>>
    %dma_start3A_34 = arith.constant 0 : i32
    %dma_start3A_35 = arith.constant 0 : i32
    %dma_start3A_36 = tpu.memref_slice %arg2[%dma_start3A_34, %dma_start3A_35] : memref<10000x128xf32, #tpu.memory_space<hbm>> -> memref<10000x128xf32, #tpu.memory_space<hbm>>
    tpu.enqueue_indirect_dma source(%dma_start3A_36 : memref<10000x128xf32, #tpu.memory_space<hbm>>) target(%arg9 : memref<80x128xf32, #tpu.memory_space<vmem>>) offsets(%dma_start3A_33 : memref<80xi32, #tpu.memory_space<vmem>>) semaphore(%arg13 : memref<!tpu.dma_semaphore, #tpu.memory_space<semaphore_mem>>)
    %dma_start3A_37 = arith.constant 1 : i32
    %dma_start3A_38 = arith.constant 0 : i32
    %dma_start3A_39 = tpu.memref_slice %arg7[%dma_start3A_37, %dma_start3A_38] : memref<16x80xi32, #tpu.memory_space<vmem>> -> memref<1x80xi32, #tpu.memory_space<vmem>>
    %dma_start3A_40 = tpu.memref_squeeze %dma_start3A_39 : memref<1x80xi32, #tpu.memory_space<vmem>> -> memref<80xi32, #tpu.memory_space<vmem>>
    %dma_start3A_41 = arith.constant 0 : i32
    %dma_start3A_42 = arith.constant 0 : i32
    %dma_start3A_43 = tpu.memref_slice %arg2[%dma_start3A_41, %dma_start3A_42] : memref<10000x128xf32, #tpu.memory_space<hbm>> -> memref<10000x128xf32, #tpu.memory_space<hbm>>
    tpu.enqueue_indirect_dma source(%dma_start3A_43 : memref<10000x128xf32, #tpu.memory_space<hbm>>) target(%arg10 : memref<80x128xf32, #tpu.memory_space<vmem>>) offsets(%dma_start3A_40 : memref<80xi32, #tpu.memory_space<vmem>>) semaphore(%arg14 : memref<!tpu.dma_semaphore, #tpu.memory_space<semaphore_mem>>)
    %dma_start3A_44 = arith.constant 2 : i32
    %dma_start3A_45 = arith.constant 0 : i32
    %dma_start3A_46 = tpu.memref_slice %arg7[%dma_start3A_44, %dma_start3A_45] : memref<16x80xi32, #tpu.memory_space<vmem>> -> memref<1x80xi32, #tpu.memory_space<vmem>>
    %dma_start3A_47 = tpu.memref_squeeze %dma_start3A_46 : memref<1x80xi32, #tpu.memory_space<vmem>> -> memref<80xi32, #tpu.memory_space<vmem>>
    %dma_start3A_48 = arith.constant 0 : i32
    %dma_start3A_49 = arith.constant 0 : i32
    %dma_start3A_50 = tpu.memref_slice %arg2[%dma_start3A_48, %dma_start3A_49] : memref<10000x128xf32, #tpu.memory_space<hbm>> -> memref<10000x128xf32, #tpu.memory_space<hbm>>
    tpu.enqueue_indirect_dma source(%dma_start3A_50 : memref<10000x128xf32, #tpu.memory_space<hbm>>) target(%arg11 : memref<80x128xf32, #tpu.memory_space<vmem>>) offsets(%dma_start3A_47 : memref<80xi32, #tpu.memory_space<vmem>>) semaphore(%arg15 : memref<!tpu.dma_semaphore, #tpu.memory_space<semaphore_mem>>)
    %dma_start3A_51 = arith.constant 3 : i32
    %dma_start3A_52 = arith.constant 0 : i32
    %dma_start3A_53 = tpu.memref_slice %arg7[%dma_start3A_51, %dma_start3A_52] : memref<16x80xi32, #tpu.memory_space<vmem>> -> memref<1x80xi32, #tpu.memory_space<vmem>>
    %dma_start3A_54 = tpu.memref_squeeze %dma_start3A_53 : memref<1x80xi32, #tpu.memory_space<vmem>> -> memref<80xi32, #tpu.memory_space<vmem>>
    %dma_start3A_55 = arith.constant 0 : i32
    %dma_start3A_56 = arith.constant 0 : i32
    %dma_start3A_57 = tpu.memref_slice %arg2[%dma_start3A_55, %dma_start3A_56] : memref<10000x128xf32, #tpu.memory_space<hbm>> -> memref<10000x128xf32, #tpu.memory_space<hbm>>
    tpu.enqueue_indirect_dma source(%dma_start3A_57 : memref<10000x128xf32, #tpu.memory_space<hbm>>) target(%arg12 : memref<80x128xf32, #tpu.memory_space<vmem>>) offsets(%dma_start3A_54 : memref<80xi32, #tpu.memory_space<vmem>>) semaphore(%arg16 : memref<!tpu.dma_semaphore, #tpu.memory_space<semaphore_mem>>)
    %scan3A = arith.constant 0 : i32
    %scan3A_58 = arith.constant 0 : i32
    %scan3A_59 = arith.constant 34 : i32
    %scan3A_60 = arith.addi %scan3A_58, %scan3A_59 : i32
    %scan3A_61 = arith.constant 1 : i32
    scf.for %scan3A_95 = %scan3A_58 to %scan3A_60 step %scan3A_61  : i32 {
      %jit3A = arith.constant 2 : i32
      %div3A = arith.divsi %scan3A_95, %jit3A : i32
      %sign3A = arith.constant 0 : i32
      %sign3A_96 = arith.cmpi sgt, %scan3A_95, %sign3A : i32
      %sign3A_97 = arith.extui %sign3A_96 : i1 to i32
      %sign3A_98 = arith.constant 0 : i32
      %sign3A_99 = arith.cmpi slt, %scan3A_95, %sign3A_98 : i32
      %sign3A_100 = arith.extui %sign3A_99 : i1 to i32
      %sign3A_101 = arith.subi %sign3A_97, %sign3A_100 : i32
      %sign3A_102 = arith.constant 0 : i32
      %sign3A_103 = arith.cmpi sgt, %jit3A, %sign3A_102 : i32
      %sign3A_104 = arith.extui %sign3A_103 : i1 to i32
      %sign3A_105 = arith.constant 0 : i32
      %sign3A_106 = arith.cmpi slt, %jit3A, %sign3A_105 : i32
      %sign3A_107 = arith.extui %sign3A_106 : i1 to i32
      %sign3A_108 = arith.subi %sign3A_104, %sign3A_107 : i32
      %ne3A = arith.cmpi ne, %sign3A_101, %sign3A_108 : i32
      %rem3A = arith.remsi %scan3A_95, %jit3A : i32
      %ne3A_109 = arith.constant 0 : i32
      %ne3A_110 = arith.cmpi ne, %rem3A, %ne3A_109 : i32
      %and3A = arith.andi %ne3A, %ne3A_110 : i1
      %sub3A = arith.constant 1 : i32
      %sub3A_111 = arith.subi %div3A, %sub3A : i32
      %select_n3A = arith.select %and3A, %sub3A_111, %div3A : i32
      %jit3A_112 = arith.constant 2 : i32
      %eq3A = arith.constant 0 : i32
      %eq3A_113 = arith.cmpi eq, %jit3A_112, %eq3A : i32
      %jit3A_114 = arith.constant 1 : i32
      %select_n3A_115 = arith.select %eq3A_113, %jit3A_114, %jit3A_112 : i32
      %rem3A_116 = arith.remsi %scan3A_95, %select_n3A_115 : i32
      %ne3A_117 = arith.constant 0 : i32
      %ne3A_118 = arith.cmpi ne, %rem3A_116, %ne3A_117 : i32
      %lt3A = arith.constant 0 : i32
      %lt3A_119 = arith.cmpi slt, %rem3A_116, %lt3A : i32
      %lt3A_120 = arith.constant 0 : i32
      %lt3A_121 = arith.cmpi slt, %select_n3A_115, %lt3A_120 : i32
      %ne3A_122 = arith.xori %lt3A_119, %lt3A_121 : i1
      %and3A_123 = arith.andi %ne3A_122, %ne3A_118 : i1
      %add3A_124 = arith.addi %rem3A_116, %select_n3A_115 : i32
      %select_n3A_125 = arith.select %and3A_123, %add3A_124, %rem3A_116 : i32
      %eq3A_126 = arith.constant 1 : i32
      %eq3A_127 = arith.cmpi eq, %select_n3A_125, %eq3A_126 : i32
      %add3A_128 = arith.constant 1 : i32
      %add3A_129 = arith.addi %select_n3A, %add3A_128 : i32
      %lt3A_130 = arith.constant 17 : i32
      %lt3A_131 = arith.cmpi slt, %add3A_129, %lt3A_130 : i32
      %and3A_132 = arith.andi %eq3A_127, %lt3A_131 : i1
      %convert_element_type3A = arith.extui %and3A_132 : i1 to i32
      %cond3A = arith.constant 0 : i32
      %cond3A_133 = arith.cmpi ne, %convert_element_type3A, %cond3A : i32
      scf.if %cond3A_133 {
        %dma_wait3A_281 = arith.constant 0 : i32
        %dma_wait3A_282 = arith.constant 0 : i32
        %dma_wait3A_283 = tpu.memref_slice %arg7[%dma_wait3A_281, %dma_wait3A_282] : memref<16x80xi32, #tpu.memory_space<vmem>> -> memref<8x80xi32, #tpu.memory_space<vmem>>
        %dma_wait3A_284 = arith.constant 0 : i32
        %dma_wait3A_285 = arith.constant 0 : i32
        %dma_wait3A_286 = tpu.memref_slice %arg3[%add3A, %dma_wait3A_284, %dma_wait3A_285] : memref<32x136x80xi32, #tpu.memory_space<hbm>> -> memref<1x8x80xi32, #tpu.memory_space<hbm>>
        %dma_wait3A_287 = tpu.memref_squeeze %dma_wait3A_286 : memref<1x8x80xi32, #tpu.memory_space<hbm>> -> memref<8x80xi32, #tpu.memory_space<hbm>>
        %dma_wait3A_288 = arith.constant 0 : i32
        %dma_wait3A_289 = arith.constant 0 : i32
        %dma_wait3A_290 = tpu.memref_slice %arg7[%dma_wait3A_288, %dma_wait3A_289] : memref<16x80xi32, #tpu.memory_space<vmem>> -> memref<8x80xi32, #tpu.memory_space<vmem>>
        %dma_wait3A_291 = arith.constant 0 : i32
        %dma_wait3A_292 = arith.constant 0 : i32
        %dma_wait3A_293 = tpu.memref_slice %arg3[%add3A, %dma_wait3A_291, %dma_wait3A_292] : memref<32x136x80xi32, #tpu.memory_space<hbm>> -> memref<1x8x80xi32, #tpu.memory_space<hbm>>
        %dma_wait3A_294 = tpu.memref_squeeze %dma_wait3A_293 : memref<1x8x80xi32, #tpu.memory_space<hbm>> -> memref<8x80xi32, #tpu.memory_space<hbm>>
        tpu.wait_dma2 semaphore(%arg21 : memref<!tpu.dma_semaphore, #tpu.memory_space<semaphore_mem>>) src(%dma_wait3A_294 : memref<8x80xi32, #tpu.memory_space<hbm>>) dst(%dma_wait3A_290 : memref<8x80xi32, #tpu.memory_space<vmem>>)
        %dma_wait3A_295 = arith.constant 0 : i32
        %dma_wait3A_296 = arith.constant 0 : i32
        %dma_wait3A_297 = tpu.memref_slice %arg8[%dma_wait3A_295, %dma_wait3A_296] : memref<16x80xi32, #tpu.memory_space<vmem>> -> memref<8x80xi32, #tpu.memory_space<vmem>>
        %dma_wait3A_298 = arith.constant 0 : i32
        %dma_wait3A_299 = arith.constant 0 : i32
        %dma_wait3A_300 = tpu.memref_slice %arg4[%add3A, %dma_wait3A_298, %dma_wait3A_299] : memref<32x136x80xi32, #tpu.memory_space<hbm>> -> memref<1x8x80xi32, #tpu.memory_space<hbm>>
        %dma_wait3A_301 = tpu.memref_squeeze %dma_wait3A_300 : memref<1x8x80xi32, #tpu.memory_space<hbm>> -> memref<8x80xi32, #tpu.memory_space<hbm>>
        %dma_wait3A_302 = arith.constant 0 : i32
        %dma_wait3A_303 = arith.constant 0 : i32
        %dma_wait3A_304 = tpu.memref_slice %arg8[%dma_wait3A_302, %dma_wait3A_303] : memref<16x80xi32, #tpu.memory_space<vmem>> -> memref<8x80xi32, #tpu.memory_space<vmem>>
        %dma_wait3A_305 = arith.constant 0 : i32
        %dma_wait3A_306 = arith.constant 0 : i32
        %dma_wait3A_307 = tpu.memref_slice %arg4[%add3A, %dma_wait3A_305, %dma_wait3A_306] : memref<32x136x80xi32, #tpu.memory_space<hbm>> -> memref<1x8x80xi32, #tpu.memory_space<hbm>>
        %dma_wait3A_308 = tpu.memref_squeeze %dma_wait3A_307 : memref<1x8x80xi32, #tpu.memory_space<hbm>> -> memref<8x80xi32, #tpu.memory_space<hbm>>
        tpu.wait_dma2 semaphore(%arg21 : memref<!tpu.dma_semaphore, #tpu.memory_space<semaphore_mem>>) src(%dma_wait3A_308 : memref<8x80xi32, #tpu.memory_space<hbm>>) dst(%dma_wait3A_304 : memref<8x80xi32, #tpu.memory_space<vmem>>)
      } else {
      }
      %eq3A_134 = arith.constant 0 : i32
      %eq3A_135 = arith.cmpi eq, %select_n3A_125, %eq3A_134 : i32
      %ge3A = arith.constant 1 : i32
      %ge3A_136 = arith.cmpi sge, %select_n3A, %ge3A : i32
      %add3A_137 = arith.constant 1 : i32
      %add3A_138 = arith.addi %select_n3A, %add3A_137 : i32
      %lt3A_139 = arith.constant 17 : i32
      %lt3A_140 = arith.cmpi slt, %add3A_138, %lt3A_139 : i32
      %and3A_141 = arith.andi %ge3A_136, %lt3A_140 : i1
      %and3A_142 = arith.andi %eq3A_135, %and3A_141 : i1
      %convert_element_type3A_143 = arith.extui %and3A_142 : i1 to i32
      %cond3A_144 = arith.constant 0 : i32
      %cond3A_145 = arith.cmpi ne, %convert_element_type3A_143, %cond3A_144 : i32
      scf.if %cond3A_145 {
        %add3A_281 = arith.constant 1 : i32
        %add3A_282 = arith.addi %select_n3A, %add3A_281 : i32
        %jit3A_283 = arith.constant 2 : i32
        %eq3A_284 = arith.constant 0 : i32
        %eq3A_285 = arith.cmpi eq, %jit3A_283, %eq3A_284 : i32
        %jit3A_286 = arith.constant 1 : i32
        %select_n3A_287 = arith.select %eq3A_285, %jit3A_286, %jit3A_283 : i32
        %rem3A_288 = arith.remsi %add3A_282, %select_n3A_287 : i32
        %ne3A_289 = arith.constant 0 : i32
        %ne3A_290 = arith.cmpi ne, %rem3A_288, %ne3A_289 : i32
        %lt3A_291 = arith.constant 0 : i32
        %lt3A_292 = arith.cmpi slt, %rem3A_288, %lt3A_291 : i32
        %lt3A_293 = arith.constant 0 : i32
        %lt3A_294 = arith.cmpi slt, %select_n3A_287, %lt3A_293 : i32
        %ne3A_295 = arith.xori %lt3A_292, %lt3A_294 : i1
        %and3A_296 = arith.andi %ne3A_295, %ne3A_290 : i1
        %add3A_297 = arith.addi %rem3A_288, %select_n3A_287 : i32
        %select_n3A_298 = arith.select %and3A_296, %add3A_297, %rem3A_288 : i32
        %mul3A_299 = arith.constant 8 : i32
        %mul3A_300 = arith.muli %select_n3A_298, %mul3A_299 : i32
        %multiple_of3A = tpu.assume_multiple %mul3A_300, 8 : i32
        %add3A_301 = arith.constant 1 : i32
        %add3A_302 = arith.addi %select_n3A, %add3A_301 : i32
        %mul3A_303 = arith.constant 8 : i32
        %mul3A_304 = arith.muli %add3A_302, %mul3A_303 : i32
        %multiple_of3A_305 = tpu.assume_multiple %mul3A_304, 8 : i32
        %dma_start3A_306 = arith.constant 0 : i32
        %dma_start3A_307 = tpu.memref_slice %arg7[%multiple_of3A, %dma_start3A_306] : memref<16x80xi32, #tpu.memory_space<vmem>> -> memref<8x80xi32, #tpu.memory_space<vmem>>
        %dma_start3A_308 = arith.constant 0 : i32
        %dma_start3A_309 = tpu.memref_slice %arg3[%add3A, %multiple_of3A_305, %dma_start3A_308] : memref<32x136x80xi32, #tpu.memory_space<hbm>> -> memref<1x8x80xi32, #tpu.memory_space<hbm>>
        %dma_start3A_310 = tpu.memref_squeeze %dma_start3A_309 : memref<1x8x80xi32, #tpu.memory_space<hbm>> -> memref<8x80xi32, #tpu.memory_space<hbm>>
        %dma_start3A_311 = arith.constant 0 : i32
        %dma_start3A_312 = tpu.memref_slice %arg7[%multiple_of3A, %dma_start3A_311] : memref<16x80xi32, #tpu.memory_space<vmem>> -> memref<8x80xi32, #tpu.memory_space<vmem>>
        %dma_start3A_313 = arith.constant 0 : i32
        %dma_start3A_314 = tpu.memref_slice %arg3[%add3A, %multiple_of3A_305, %dma_start3A_313] : memref<32x136x80xi32, #tpu.memory_space<hbm>> -> memref<1x8x80xi32, #tpu.memory_space<hbm>>
        %dma_start3A_315 = tpu.memref_squeeze %dma_start3A_314 : memref<1x8x80xi32, #tpu.memory_space<hbm>> -> memref<8x80xi32, #tpu.memory_space<hbm>>
        tpu.enqueue_dma source(%dma_start3A_315 : memref<8x80xi32, #tpu.memory_space<hbm>>) target(%dma_start3A_312 : memref<8x80xi32, #tpu.memory_space<vmem>>) target_semaphore(%arg21 : memref<!tpu.dma_semaphore, #tpu.memory_space<semaphore_mem>>)
        %dma_start3A_316 = arith.constant 0 : i32
        %dma_start3A_317 = tpu.memref_slice %arg8[%multiple_of3A, %dma_start3A_316] : memref<16x80xi32, #tpu.memory_space<vmem>> -> memref<8x80xi32, #tpu.memory_space<vmem>>
        %dma_start3A_318 = arith.constant 0 : i32
        %dma_start3A_319 = tpu.memref_slice %arg4[%add3A, %multiple_of3A_305, %dma_start3A_318] : memref<32x136x80xi32, #tpu.memory_space<hbm>> -> memref<1x8x80xi32, #tpu.memory_space<hbm>>
        %dma_start3A_320 = tpu.memref_squeeze %dma_start3A_319 : memref<1x8x80xi32, #tpu.memory_space<hbm>> -> memref<8x80xi32, #tpu.memory_space<hbm>>
        %dma_start3A_321 = arith.constant 0 : i32
        %dma_start3A_322 = tpu.memref_slice %arg8[%multiple_of3A, %dma_start3A_321] : memref<16x80xi32, #tpu.memory_space<vmem>> -> memref<8x80xi32, #tpu.memory_space<vmem>>
        %dma_start3A_323 = arith.constant 0 : i32
        %dma_start3A_324 = tpu.memref_slice %arg4[%add3A, %multiple_of3A_305, %dma_start3A_323] : memref<32x136x80xi32, #tpu.memory_space<hbm>> -> memref<1x8x80xi32, #tpu.memory_space<hbm>>
        %dma_start3A_325 = tpu.memref_squeeze %dma_start3A_324 : memref<1x8x80xi32, #tpu.memory_space<hbm>> -> memref<8x80xi32, #tpu.memory_space<hbm>>
        tpu.enqueue_dma source(%dma_start3A_325 : memref<8x80xi32, #tpu.memory_space<hbm>>) target(%dma_start3A_322 : memref<8x80xi32, #tpu.memory_space<vmem>>) target_semaphore(%arg21 : memref<!tpu.dma_semaphore, #tpu.memory_space<semaphore_mem>>)
      } else {
      }
      %mul3A_146 = arith.constant 4 : i32
      %mul3A_147 = arith.muli %scan3A_95, %mul3A_146 : i32
      %add3A_148 = arith.constant 0 : i32
      %add3A_149 = arith.addi %mul3A_147, %add3A_148 : i32
      %jit3A_150 = arith.constant 16 : i32
      %eq3A_151 = arith.constant 0 : i32
      %eq3A_152 = arith.cmpi eq, %jit3A_150, %eq3A_151 : i32
      %jit3A_153 = arith.constant 1 : i32
      %select_n3A_154 = arith.select %eq3A_152, %jit3A_153, %jit3A_150 : i32
      %rem3A_155 = arith.remsi %add3A_149, %select_n3A_154 : i32
      %ne3A_156 = arith.constant 0 : i32
      %ne3A_157 = arith.cmpi ne, %rem3A_155, %ne3A_156 : i32
      %lt3A_158 = arith.constant 0 : i32
      %lt3A_159 = arith.cmpi slt, %rem3A_155, %lt3A_158 : i32
      %lt3A_160 = arith.constant 0 : i32
      %lt3A_161 = arith.cmpi slt, %select_n3A_154, %lt3A_160 : i32
      %ne3A_162 = arith.xori %lt3A_159, %lt3A_161 : i1
      %and3A_163 = arith.andi %ne3A_162, %ne3A_157 : i1
      %add3A_164 = arith.addi %rem3A_155, %select_n3A_154 : i32
      %select_n3A_165 = arith.select %and3A_163, %add3A_164, %rem3A_155 : i32
      %dma_wait3A_166 = arith.constant 0 : i32
      %dma_wait3A_167 = tpu.memref_slice %arg7[%select_n3A_165, %dma_wait3A_166] : memref<16x80xi32, #tpu.memory_space<vmem>> -> memref<1x80xi32, #tpu.memory_space<vmem>>
      %dma_wait3A_168 = tpu.memref_squeeze %dma_wait3A_167 : memref<1x80xi32, #tpu.memory_space<vmem>> -> memref<80xi32, #tpu.memory_space<vmem>>
      %dma_wait3A_169 = arith.constant 0 : i32
      %dma_wait3A_170 = arith.constant 0 : i32
      %dma_wait3A_171 = tpu.memref_slice %arg2[%dma_wait3A_169, %dma_wait3A_170] : memref<10000x128xf32, #tpu.memory_space<hbm>> -> memref<10000x128xf32, #tpu.memory_space<hbm>>
      tpu.wait_indirect_dma semaphore(%arg13 : memref<!tpu.dma_semaphore, #tpu.memory_space<semaphore_mem>>) src(%dma_wait3A_171 : memref<10000x128xf32, #tpu.memory_space<hbm>>) dst(%arg9 : memref<80x128xf32, #tpu.memory_space<vmem>>)
      %dma_start3A_172 = arith.constant 0 : i32
      %dma_start3A_173 = tpu.memref_slice %arg8[%select_n3A_165, %dma_start3A_172] : memref<16x80xi32, #tpu.memory_space<vmem>> -> memref<1x80xi32, #tpu.memory_space<vmem>>
      %dma_start3A_174 = tpu.memref_squeeze %dma_start3A_173 : memref<1x80xi32, #tpu.memory_space<vmem>> -> memref<80xi32, #tpu.memory_space<vmem>>
      %dma_start3A_175 = arith.constant 0 : i32
      %dma_start3A_176 = arith.constant 0 : i32
      %dma_start3A_177 = tpu.memref_slice %arg22[%dma_start3A_175, %dma_start3A_176] : memref<10112x128xf32, #tpu.memory_space<vmem_shared>> -> memref<10112x128xf32, #tpu.memory_space<vmem_shared>>
      tpu.enqueue_indirect_dma source(%arg9 : memref<80x128xf32, #tpu.memory_space<vmem>>) target(%dma_start3A_177 : memref<10112x128xf32, #tpu.memory_space<vmem_shared>>) offsets(%dma_start3A_174 : memref<80xi32, #tpu.memory_space<vmem>>) semaphore(%arg17 : memref<!tpu.dma_semaphore, #tpu.memory_space<semaphore_mem>>) {add = true}
      %mul3A_178 = arith.constant 4 : i32
      %mul3A_179 = arith.muli %scan3A_95, %mul3A_178 : i32
      %add3A_180 = arith.constant 1 : i32
      %add3A_181 = arith.addi %mul3A_179, %add3A_180 : i32
      %jit3A_182 = arith.constant 16 : i32
      %eq3A_183 = arith.constant 0 : i32
      %eq3A_184 = arith.cmpi eq, %jit3A_182, %eq3A_183 : i32
      %jit3A_185 = arith.constant 1 : i32
      %select_n3A_186 = arith.select %eq3A_184, %jit3A_185, %jit3A_182 : i32
      %rem3A_187 = arith.remsi %add3A_181, %select_n3A_186 : i32
      %ne3A_188 = arith.constant 0 : i32
      %ne3A_189 = arith.cmpi ne, %rem3A_187, %ne3A_188 : i32
      %lt3A_190 = arith.constant 0 : i32
      %lt3A_191 = arith.cmpi slt, %rem3A_187, %lt3A_190 : i32
      %lt3A_192 = arith.constant 0 : i32
      %lt3A_193 = arith.cmpi slt, %select_n3A_186, %lt3A_192 : i32
      %ne3A_194 = arith.xori %lt3A_191, %lt3A_193 : i1
      %and3A_195 = arith.andi %ne3A_194, %ne3A_189 : i1
      %add3A_196 = arith.addi %rem3A_187, %select_n3A_186 : i32
      %select_n3A_197 = arith.select %and3A_195, %add3A_196, %rem3A_187 : i32
      %dma_wait3A_198 = arith.constant 0 : i32
      %dma_wait3A_199 = tpu.memref_slice %arg7[%select_n3A_197, %dma_wait3A_198] : memref<16x80xi32, #tpu.memory_space<vmem>> -> memref<1x80xi32, #tpu.memory_space<vmem>>
      %dma_wait3A_200 = tpu.memref_squeeze %dma_wait3A_199 : memref<1x80xi32, #tpu.memory_space<vmem>> -> memref<80xi32, #tpu.memory_space<vmem>>
      %dma_wait3A_201 = arith.constant 0 : i32
      %dma_wait3A_202 = arith.constant 0 : i32
      %dma_wait3A_203 = tpu.memref_slice %arg2[%dma_wait3A_201, %dma_wait3A_202] : memref<10000x128xf32, #tpu.memory_space<hbm>> -> memref<10000x128xf32, #tpu.memory_space<hbm>>
      tpu.wait_indirect_dma semaphore(%arg14 : memref<!tpu.dma_semaphore, #tpu.memory_space<semaphore_mem>>) src(%dma_wait3A_203 : memref<10000x128xf32, #tpu.memory_space<hbm>>) dst(%arg10 : memref<80x128xf32, #tpu.memory_space<vmem>>)
      %dma_start3A_204 = arith.constant 0 : i32
      %dma_start3A_205 = tpu.memref_slice %arg8[%select_n3A_197, %dma_start3A_204] : memref<16x80xi32, #tpu.memory_space<vmem>> -> memref<1x80xi32, #tpu.memory_space<vmem>>
      %dma_start3A_206 = tpu.memref_squeeze %dma_start3A_205 : memref<1x80xi32, #tpu.memory_space<vmem>> -> memref<80xi32, #tpu.memory_space<vmem>>
      %dma_start3A_207 = arith.constant 0 : i32
      %dma_start3A_208 = arith.constant 0 : i32
      %dma_start3A_209 = tpu.memref_slice %arg22[%dma_start3A_207, %dma_start3A_208] : memref<10112x128xf32, #tpu.memory_space<vmem_shared>> -> memref<10112x128xf32, #tpu.memory_space<vmem_shared>>
      tpu.enqueue_indirect_dma source(%arg10 : memref<80x128xf32, #tpu.memory_space<vmem>>) target(%dma_start3A_209 : memref<10112x128xf32, #tpu.memory_space<vmem_shared>>) offsets(%dma_start3A_206 : memref<80xi32, #tpu.memory_space<vmem>>) semaphore(%arg18 : memref<!tpu.dma_semaphore, #tpu.memory_space<semaphore_mem>>) {add = true}
      %mul3A_210 = arith.constant 4 : i32
      %mul3A_211 = arith.muli %scan3A_95, %mul3A_210 : i32
      %add3A_212 = arith.constant 2 : i32
      %add3A_213 = arith.addi %mul3A_211, %add3A_212 : i32
      %jit3A_214 = arith.constant 16 : i32
      %eq3A_215 = arith.constant 0 : i32
      %eq3A_216 = arith.cmpi eq, %jit3A_214, %eq3A_215 : i32
      %jit3A_217 = arith.constant 1 : i32
      %select_n3A_218 = arith.select %eq3A_216, %jit3A_217, %jit3A_214 : i32
      %rem3A_219 = arith.remsi %add3A_213, %select_n3A_218 : i32
      %ne3A_220 = arith.constant 0 : i32
      %ne3A_221 = arith.cmpi ne, %rem3A_219, %ne3A_220 : i32
      %lt3A_222 = arith.constant 0 : i32
      %lt3A_223 = arith.cmpi slt, %rem3A_219, %lt3A_222 : i32
      %lt3A_224 = arith.constant 0 : i32
      %lt3A_225 = arith.cmpi slt, %select_n3A_218, %lt3A_224 : i32
      %ne3A_226 = arith.xori %lt3A_223, %lt3A_225 : i1
      %and3A_227 = arith.andi %ne3A_226, %ne3A_221 : i1
      %add3A_228 = arith.addi %rem3A_219, %select_n3A_218 : i32
      %select_n3A_229 = arith.select %and3A_227, %add3A_228, %rem3A_219 : i32
      %dma_wait3A_230 = arith.constant 0 : i32
      %dma_wait3A_231 = tpu.memref_slice %arg7[%select_n3A_229, %dma_wait3A_230] : memref<16x80xi32, #tpu.memory_space<vmem>> -> memref<1x80xi32, #tpu.memory_space<vmem>>
      %dma_wait3A_232 = tpu.memref_squeeze %dma_wait3A_231 : memref<1x80xi32, #tpu.memory_space<vmem>> -> memref<80xi32, #tpu.memory_space<vmem>>
      %dma_wait3A_233 = arith.constant 0 : i32
      %dma_wait3A_234 = arith.constant 0 : i32
      %dma_wait3A_235 = tpu.memref_slice %arg2[%dma_wait3A_233, %dma_wait3A_234] : memref<10000x128xf32, #tpu.memory_space<hbm>> -> memref<10000x128xf32, #tpu.memory_space<hbm>>
      tpu.wait_indirect_dma semaphore(%arg15 : memref<!tpu.dma_semaphore, #tpu.memory_space<semaphore_mem>>) src(%dma_wait3A_235 : memref<10000x128xf32, #tpu.memory_space<hbm>>) dst(%arg11 : memref<80x128xf32, #tpu.memory_space<vmem>>)
      %dma_start3A_236 = arith.constant 0 : i32
      %dma_start3A_237 = tpu.memref_slice %arg8[%select_n3A_229, %dma_start3A_236] : memref<16x80xi32, #tpu.memory_space<vmem>> -> memref<1x80xi32, #tpu.memory_space<vmem>>
      %dma_start3A_238 = tpu.memref_squeeze %dma_start3A_237 : memref<1x80xi32, #tpu.memory_space<vmem>> -> memref<80xi32, #tpu.memory_space<vmem>>
      %dma_start3A_239 = arith.constant 0 : i32
      %dma_start3A_240 = arith.constant 0 : i32
      %dma_start3A_241 = tpu.memref_slice %arg22[%dma_start3A_239, %dma_start3A_240] : memref<10112x128xf32, #tpu.memory_space<vmem_shared>> -> memref<10112x128xf32, #tpu.memory_space<vmem_shared>>
      tpu.enqueue_indirect_dma source(%arg11 : memref<80x128xf32, #tpu.memory_space<vmem>>) target(%dma_start3A_241 : memref<10112x128xf32, #tpu.memory_space<vmem_shared>>) offsets(%dma_start3A_238 : memref<80xi32, #tpu.memory_space<vmem>>) semaphore(%arg19 : memref<!tpu.dma_semaphore, #tpu.memory_space<semaphore_mem>>) {add = true}
      %mul3A_242 = arith.constant 4 : i32
      %mul3A_243 = arith.muli %scan3A_95, %mul3A_242 : i32
      %add3A_244 = arith.constant 3 : i32
      %add3A_245 = arith.addi %mul3A_243, %add3A_244 : i32
      %jit3A_246 = arith.constant 16 : i32
      %eq3A_247 = arith.constant 0 : i32
      %eq3A_248 = arith.cmpi eq, %jit3A_246, %eq3A_247 : i32
      %jit3A_249 = arith.constant 1 : i32
      %select_n3A_250 = arith.select %eq3A_248, %jit3A_249, %jit3A_246 : i32
      %rem3A_251 = arith.remsi %add3A_245, %select_n3A_250 : i32
      %ne3A_252 = arith.constant 0 : i32
      %ne3A_253 = arith.cmpi ne, %rem3A_251, %ne3A_252 : i32
      %lt3A_254 = arith.constant 0 : i32
      %lt3A_255 = arith.cmpi slt, %rem3A_251, %lt3A_254 : i32
      %lt3A_256 = arith.constant 0 : i32
      %lt3A_257 = arith.cmpi slt, %select_n3A_250, %lt3A_256 : i32
      %ne3A_258 = arith.xori %lt3A_255, %lt3A_257 : i1
      %and3A_259 = arith.andi %ne3A_258, %ne3A_253 : i1
      %add3A_260 = arith.addi %rem3A_251, %select_n3A_250 : i32
      %select_n3A_261 = arith.select %and3A_259, %add3A_260, %rem3A_251 : i32
      %dma_wait3A_262 = arith.constant 0 : i32
      %dma_wait3A_263 = tpu.memref_slice %arg7[%select_n3A_261, %dma_wait3A_262] : memref<16x80xi32, #tpu.memory_space<vmem>> -> memref<1x80xi32, #tpu.memory_space<vmem>>
      %dma_wait3A_264 = tpu.memref_squeeze %dma_wait3A_263 : memref<1x80xi32, #tpu.memory_space<vmem>> -> memref<80xi32, #tpu.memory_space<vmem>>
      %dma_wait3A_265 = arith.constant 0 : i32
      %dma_wait3A_266 = arith.constant 0 : i32
      %dma_wait3A_267 = tpu.memref_slice %arg2[%dma_wait3A_265, %dma_wait3A_266] : memref<10000x128xf32, #tpu.memory_space<hbm>> -> memref<10000x128xf32, #tpu.memory_space<hbm>>
      tpu.wait_indirect_dma semaphore(%arg16 : memref<!tpu.dma_semaphore, #tpu.memory_space<semaphore_mem>>) src(%dma_wait3A_267 : memref<10000x128xf32, #tpu.memory_space<hbm>>) dst(%arg12 : memref<80x128xf32, #tpu.memory_space<vmem>>)
      %dma_start3A_268 = arith.constant 0 : i32
      %dma_start3A_269 = tpu.memref_slice %arg8[%select_n3A_261, %dma_start3A_268] : memref<16x80xi32, #tpu.memory_space<vmem>> -> memref<1x80xi32, #tpu.memory_space<vmem>>
      %dma_start3A_270 = tpu.memref_squeeze %dma_start3A_269 : memref<1x80xi32, #tpu.memory_space<vmem>> -> memref<80xi32, #tpu.memory_space<vmem>>
      %dma_start3A_271 = arith.constant 0 : i32
      %dma_start3A_272 = arith.constant 0 : i32
      %dma_start3A_273 = tpu.memref_slice %arg22[%dma_start3A_271, %dma_start3A_272] : memref<10112x128xf32, #tpu.memory_space<vmem_shared>> -> memref<10112x128xf32, #tpu.memory_space<vmem_shared>>
      tpu.enqueue_indirect_dma source(%arg12 : memref<80x128xf32, #tpu.memory_space<vmem>>) target(%dma_start3A_273 : memref<10112x128xf32, #tpu.memory_space<vmem_shared>>) offsets(%dma_start3A_270 : memref<80xi32, #tpu.memory_space<vmem>>) semaphore(%arg20 : memref<!tpu.dma_semaphore, #tpu.memory_space<semaphore_mem>>) {add = true}
      %add3A_274 = arith.constant 1 : i32
      %add3A_275 = arith.addi %scan3A_95, %add3A_274 : i32
      %lt3A_276 = arith.constant 34 : i32
      %lt3A_277 = arith.cmpi slt, %add3A_275, %lt3A_276 : i32
      %convert_element_type3A_278 = arith.extui %lt3A_277 : i1 to i32
      %cond3A_279 = arith.constant 0 : i32
      %cond3A_280 = arith.cmpi ne, %convert_element_type3A_278, %cond3A_279 : i32
      scf.if %cond3A_280 {
        %mul3A_281 = arith.constant 4 : i32
        %mul3A_282 = arith.muli %scan3A_95, %mul3A_281 : i32
        %add3A_283 = arith.constant 0 : i32
        %add3A_284 = arith.addi %mul3A_282, %add3A_283 : i32
        %jit3A_285 = arith.constant 16 : i32
        %eq3A_286 = arith.constant 0 : i32
        %eq3A_287 = arith.cmpi eq, %jit3A_285, %eq3A_286 : i32
        %jit3A_288 = arith.constant 1 : i32
        %select_n3A_289 = arith.select %eq3A_287, %jit3A_288, %jit3A_285 : i32
        %rem3A_290 = arith.remsi %add3A_284, %select_n3A_289 : i32
        %ne3A_291 = arith.constant 0 : i32
        %ne3A_292 = arith.cmpi ne, %rem3A_290, %ne3A_291 : i32
        %lt3A_293 = arith.constant 0 : i32
        %lt3A_294 = arith.cmpi slt, %rem3A_290, %lt3A_293 : i32
        %lt3A_295 = arith.constant 0 : i32
        %lt3A_296 = arith.cmpi slt, %select_n3A_289, %lt3A_295 : i32
        %ne3A_297 = arith.xori %lt3A_294, %lt3A_296 : i1
        %and3A_298 = arith.andi %ne3A_297, %ne3A_292 : i1
        %add3A_299 = arith.addi %rem3A_290, %select_n3A_289 : i32
        %select_n3A_300 = arith.select %and3A_298, %add3A_299, %rem3A_290 : i32
        %add3A_301 = arith.constant 4 : i32
        %add3A_302 = arith.addi %add3A_284, %add3A_301 : i32
        %jit3A_303 = arith.constant 16 : i32
        %eq3A_304 = arith.constant 0 : i32
        %eq3A_305 = arith.cmpi eq, %jit3A_303, %eq3A_304 : i32
        %jit3A_306 = arith.constant 1 : i32
        %select_n3A_307 = arith.select %eq3A_305, %jit3A_306, %jit3A_303 : i32
        %rem3A_308 = arith.remsi %add3A_302, %select_n3A_307 : i32
        %ne3A_309 = arith.constant 0 : i32
        %ne3A_310 = arith.cmpi ne, %rem3A_308, %ne3A_309 : i32
        %lt3A_311 = arith.constant 0 : i32
        %lt3A_312 = arith.cmpi slt, %rem3A_308, %lt3A_311 : i32
        %lt3A_313 = arith.constant 0 : i32
        %lt3A_314 = arith.cmpi slt, %select_n3A_307, %lt3A_313 : i32
        %ne3A_315 = arith.xori %lt3A_312, %lt3A_314 : i1
        %and3A_316 = arith.andi %ne3A_315, %ne3A_310 : i1
        %add3A_317 = arith.addi %rem3A_308, %select_n3A_307 : i32
        %select_n3A_318 = arith.select %and3A_316, %add3A_317, %rem3A_308 : i32
        %dma_wait3A_319 = arith.constant 0 : i32
        %dma_wait3A_320 = tpu.memref_slice %arg8[%select_n3A_300, %dma_wait3A_319] : memref<16x80xi32, #tpu.memory_space<vmem>> -> memref<1x80xi32, #tpu.memory_space<vmem>>
        %dma_wait3A_321 = tpu.memref_squeeze %dma_wait3A_320 : memref<1x80xi32, #tpu.memory_space<vmem>> -> memref<80xi32, #tpu.memory_space<vmem>>
        %dma_wait3A_322 = arith.constant 0 : i32
        %dma_wait3A_323 = arith.constant 0 : i32
        %dma_wait3A_324 = tpu.memref_slice %arg22[%dma_wait3A_322, %dma_wait3A_323] : memref<10112x128xf32, #tpu.memory_space<vmem_shared>> -> memref<10112x128xf32, #tpu.memory_space<vmem_shared>>
        tpu.wait_indirect_dma semaphore(%arg17 : memref<!tpu.dma_semaphore, #tpu.memory_space<semaphore_mem>>) src(%arg9 : memref<80x128xf32, #tpu.memory_space<vmem>>) dst(%dma_wait3A_324 : memref<10112x128xf32, #tpu.memory_space<vmem_shared>>)
        %dma_start3A_325 = arith.constant 0 : i32
        %dma_start3A_326 = tpu.memref_slice %arg7[%select_n3A_318, %dma_start3A_325] : memref<16x80xi32, #tpu.memory_space<vmem>> -> memref<1x80xi32, #tpu.memory_space<vmem>>
        %dma_start3A_327 = tpu.memref_squeeze %dma_start3A_326 : memref<1x80xi32, #tpu.memory_space<vmem>> -> memref<80xi32, #tpu.memory_space<vmem>>
        %dma_start3A_328 = arith.constant 0 : i32
        %dma_start3A_329 = arith.constant 0 : i32
        %dma_start3A_330 = tpu.memref_slice %arg2[%dma_start3A_328, %dma_start3A_329] : memref<10000x128xf32, #tpu.memory_space<hbm>> -> memref<10000x128xf32, #tpu.memory_space<hbm>>
        tpu.enqueue_indirect_dma source(%dma_start3A_330 : memref<10000x128xf32, #tpu.memory_space<hbm>>) target(%arg9 : memref<80x128xf32, #tpu.memory_space<vmem>>) offsets(%dma_start3A_327 : memref<80xi32, #tpu.memory_space<vmem>>) semaphore(%arg13 : memref<!tpu.dma_semaphore, #tpu.memory_space<semaphore_mem>>)
        %mul3A_331 = arith.constant 4 : i32
        %mul3A_332 = arith.muli %scan3A_95, %mul3A_331 : i32
        %add3A_333 = arith.constant 1 : i32
        %add3A_334 = arith.addi %mul3A_332, %add3A_333 : i32
        %jit3A_335 = arith.constant 16 : i32
        %eq3A_336 = arith.constant 0 : i32
        %eq3A_337 = arith.cmpi eq, %jit3A_335, %eq3A_336 : i32
        %jit3A_338 = arith.constant 1 : i32
        %select_n3A_339 = arith.select %eq3A_337, %jit3A_338, %jit3A_335 : i32
        %rem3A_340 = arith.remsi %add3A_334, %select_n3A_339 : i32
        %ne3A_341 = arith.constant 0 : i32
        %ne3A_342 = arith.cmpi ne, %rem3A_340, %ne3A_341 : i32
        %lt3A_343 = arith.constant 0 : i32
        %lt3A_344 = arith.cmpi slt, %rem3A_340, %lt3A_343 : i32
        %lt3A_345 = arith.constant 0 : i32
        %lt3A_346 = arith.cmpi slt, %select_n3A_339, %lt3A_345 : i32
        %ne3A_347 = arith.xori %lt3A_344, %lt3A_346 : i1
        %and3A_348 = arith.andi %ne3A_347, %ne3A_342 : i1
        %add3A_349 = arith.addi %rem3A_340, %select_n3A_339 : i32
        %select_n3A_350 = arith.select %and3A_348, %add3A_349, %rem3A_340 : i32
        %add3A_351 = arith.constant 4 : i32
        %add3A_352 = arith.addi %add3A_334, %add3A_351 : i32
        %jit3A_353 = arith.constant 16 : i32
        %eq3A_354 = arith.constant 0 : i32
        %eq3A_355 = arith.cmpi eq, %jit3A_353, %eq3A_354 : i32
        %jit3A_356 = arith.constant 1 : i32
        %select_n3A_357 = arith.select %eq3A_355, %jit3A_356, %jit3A_353 : i32
        %rem3A_358 = arith.remsi %add3A_352, %select_n3A_357 : i32
        %ne3A_359 = arith.constant 0 : i32
        %ne3A_360 = arith.cmpi ne, %rem3A_358, %ne3A_359 : i32
        %lt3A_361 = arith.constant 0 : i32
        %lt3A_362 = arith.cmpi slt, %rem3A_358, %lt3A_361 : i32
        %lt3A_363 = arith.constant 0 : i32
        %lt3A_364 = arith.cmpi slt, %select_n3A_357, %lt3A_363 : i32
        %ne3A_365 = arith.xori %lt3A_362, %lt3A_364 : i1
        %and3A_366 = arith.andi %ne3A_365, %ne3A_360 : i1
        %add3A_367 = arith.addi %rem3A_358, %select_n3A_357 : i32
        %select_n3A_368 = arith.select %and3A_366, %add3A_367, %rem3A_358 : i32
        %dma_wait3A_369 = arith.constant 0 : i32
        %dma_wait3A_370 = tpu.memref_slice %arg8[%select_n3A_350, %dma_wait3A_369] : memref<16x80xi32, #tpu.memory_space<vmem>> -> memref<1x80xi32, #tpu.memory_space<vmem>>
        %dma_wait3A_371 = tpu.memref_squeeze %dma_wait3A_370 : memref<1x80xi32, #tpu.memory_space<vmem>> -> memref<80xi32, #tpu.memory_space<vmem>>
        %dma_wait3A_372 = arith.constant 0 : i32
        %dma_wait3A_373 = arith.constant 0 : i32
        %dma_wait3A_374 = tpu.memref_slice %arg22[%dma_wait3A_372, %dma_wait3A_373] : memref<10112x128xf32, #tpu.memory_space<vmem_shared>> -> memref<10112x128xf32, #tpu.memory_space<vmem_shared>>
        tpu.wait_indirect_dma semaphore(%arg18 : memref<!tpu.dma_semaphore, #tpu.memory_space<semaphore_mem>>) src(%arg10 : memref<80x128xf32, #tpu.memory_space<vmem>>) dst(%dma_wait3A_374 : memref<10112x128xf32, #tpu.memory_space<vmem_shared>>)
        %dma_start3A_375 = arith.constant 0 : i32
        %dma_start3A_376 = tpu.memref_slice %arg7[%select_n3A_368, %dma_start3A_375] : memref<16x80xi32, #tpu.memory_space<vmem>> -> memref<1x80xi32, #tpu.memory_space<vmem>>
        %dma_start3A_377 = tpu.memref_squeeze %dma_start3A_376 : memref<1x80xi32, #tpu.memory_space<vmem>> -> memref<80xi32, #tpu.memory_space<vmem>>
        %dma_start3A_378 = arith.constant 0 : i32
        %dma_start3A_379 = arith.constant 0 : i32
        %dma_start3A_380 = tpu.memref_slice %arg2[%dma_start3A_378, %dma_start3A_379] : memref<10000x128xf32, #tpu.memory_space<hbm>> -> memref<10000x128xf32, #tpu.memory_space<hbm>>
        tpu.enqueue_indirect_dma source(%dma_start3A_380 : memref<10000x128xf32, #tpu.memory_space<hbm>>) target(%arg10 : memref<80x128xf32, #tpu.memory_space<vmem>>) offsets(%dma_start3A_377 : memref<80xi32, #tpu.memory_space<vmem>>) semaphore(%arg14 : memref<!tpu.dma_semaphore, #tpu.memory_space<semaphore_mem>>)
        %mul3A_381 = arith.constant 4 : i32
        %mul3A_382 = arith.muli %scan3A_95, %mul3A_381 : i32
        %add3A_383 = arith.constant 2 : i32
        %add3A_384 = arith.addi %mul3A_382, %add3A_383 : i32
        %jit3A_385 = arith.constant 16 : i32
        %eq3A_386 = arith.constant 0 : i32
        %eq3A_387 = arith.cmpi eq, %jit3A_385, %eq3A_386 : i32
        %jit3A_388 = arith.constant 1 : i32
        %select_n3A_389 = arith.select %eq3A_387, %jit3A_388, %jit3A_385 : i32
        %rem3A_390 = arith.remsi %add3A_384, %select_n3A_389 : i32
        %ne3A_391 = arith.constant 0 : i32
        %ne3A_392 = arith.cmpi ne, %rem3A_390, %ne3A_391 : i32
        %lt3A_393 = arith.constant 0 : i32
        %lt3A_394 = arith.cmpi slt, %rem3A_390, %lt3A_393 : i32
        %lt3A_395 = arith.constant 0 : i32
        %lt3A_396 = arith.cmpi slt, %select_n3A_389, %lt3A_395 : i32
        %ne3A_397 = arith.xori %lt3A_394, %lt3A_396 : i1
        %and3A_398 = arith.andi %ne3A_397, %ne3A_392 : i1
        %add3A_399 = arith.addi %rem3A_390, %select_n3A_389 : i32
        %select_n3A_400 = arith.select %and3A_398, %add3A_399, %rem3A_390 : i32
        %add3A_401 = arith.constant 4 : i32
        %add3A_402 = arith.addi %add3A_384, %add3A_401 : i32
        %jit3A_403 = arith.constant 16 : i32
        %eq3A_404 = arith.constant 0 : i32
        %eq3A_405 = arith.cmpi eq, %jit3A_403, %eq3A_404 : i32
        %jit3A_406 = arith.constant 1 : i32
        %select_n3A_407 = arith.select %eq3A_405, %jit3A_406, %jit3A_403 : i32
        %rem3A_408 = arith.remsi %add3A_402, %select_n3A_407 : i32
        %ne3A_409 = arith.constant 0 : i32
        %ne3A_410 = arith.cmpi ne, %rem3A_408, %ne3A_409 : i32
        %lt3A_411 = arith.constant 0 : i32
        %lt3A_412 = arith.cmpi slt, %rem3A_408, %lt3A_411 : i32
        %lt3A_413 = arith.constant 0 : i32
        %lt3A_414 = arith.cmpi slt, %select_n3A_407, %lt3A_413 : i32
        %ne3A_415 = arith.xori %lt3A_412, %lt3A_414 : i1
        %and3A_416 = arith.andi %ne3A_415, %ne3A_410 : i1
        %add3A_417 = arith.addi %rem3A_408, %select_n3A_407 : i32
        %select_n3A_418 = arith.select %and3A_416, %add3A_417, %rem3A_408 : i32
        %dma_wait3A_419 = arith.constant 0 : i32
        %dma_wait3A_420 = tpu.memref_slice %arg8[%select_n3A_400, %dma_wait3A_419] : memref<16x80xi32, #tpu.memory_space<vmem>> -> memref<1x80xi32, #tpu.memory_space<vmem>>
        %dma_wait3A_421 = tpu.memref_squeeze %dma_wait3A_420 : memref<1x80xi32, #tpu.memory_space<vmem>> -> memref<80xi32, #tpu.memory_space<vmem>>
        %dma_wait3A_422 = arith.constant 0 : i32
        %dma_wait3A_423 = arith.constant 0 : i32
        %dma_wait3A_424 = tpu.memref_slice %arg22[%dma_wait3A_422, %dma_wait3A_423] : memref<10112x128xf32, #tpu.memory_space<vmem_shared>> -> memref<10112x128xf32, #tpu.memory_space<vmem_shared>>
        tpu.wait_indirect_dma semaphore(%arg19 : memref<!tpu.dma_semaphore, #tpu.memory_space<semaphore_mem>>) src(%arg11 : memref<80x128xf32, #tpu.memory_space<vmem>>) dst(%dma_wait3A_424 : memref<10112x128xf32, #tpu.memory_space<vmem_shared>>)
        %dma_start3A_425 = arith.constant 0 : i32
        %dma_start3A_426 = tpu.memref_slice %arg7[%select_n3A_418, %dma_start3A_425] : memref<16x80xi32, #tpu.memory_space<vmem>> -> memref<1x80xi32, #tpu.memory_space<vmem>>
        %dma_start3A_427 = tpu.memref_squeeze %dma_start3A_426 : memref<1x80xi32, #tpu.memory_space<vmem>> -> memref<80xi32, #tpu.memory_space<vmem>>
        %dma_start3A_428 = arith.constant 0 : i32
        %dma_start3A_429 = arith.constant 0 : i32
        %dma_start3A_430 = tpu.memref_slice %arg2[%dma_start3A_428, %dma_start3A_429] : memref<10000x128xf32, #tpu.memory_space<hbm>> -> memref<10000x128xf32, #tpu.memory_space<hbm>>
        tpu.enqueue_indirect_dma source(%dma_start3A_430 : memref<10000x128xf32, #tpu.memory_space<hbm>>) target(%arg11 : memref<80x128xf32, #tpu.memory_space<vmem>>) offsets(%dma_start3A_427 : memref<80xi32, #tpu.memory_space<vmem>>) semaphore(%arg15 : memref<!tpu.dma_semaphore, #tpu.memory_space<semaphore_mem>>)
        %mul3A_431 = arith.constant 4 : i32
        %mul3A_432 = arith.muli %scan3A_95, %mul3A_431 : i32
        %add3A_433 = arith.constant 3 : i32
        %add3A_434 = arith.addi %mul3A_432, %add3A_433 : i32
        %jit3A_435 = arith.constant 16 : i32
        %eq3A_436 = arith.constant 0 : i32
        %eq3A_437 = arith.cmpi eq, %jit3A_435, %eq3A_436 : i32
        %jit3A_438 = arith.constant 1 : i32
        %select_n3A_439 = arith.select %eq3A_437, %jit3A_438, %jit3A_435 : i32
        %rem3A_440 = arith.remsi %add3A_434, %select_n3A_439 : i32
        %ne3A_441 = arith.constant 0 : i32
        %ne3A_442 = arith.cmpi ne, %rem3A_440, %ne3A_441 : i32
        %lt3A_443 = arith.constant 0 : i32
        %lt3A_444 = arith.cmpi slt, %rem3A_440, %lt3A_443 : i32
        %lt3A_445 = arith.constant 0 : i32
        %lt3A_446 = arith.cmpi slt, %select_n3A_439, %lt3A_445 : i32
        %ne3A_447 = arith.xori %lt3A_444, %lt3A_446 : i1
        %and3A_448 = arith.andi %ne3A_447, %ne3A_442 : i1
        %add3A_449 = arith.addi %rem3A_440, %select_n3A_439 : i32
        %select_n3A_450 = arith.select %and3A_448, %add3A_449, %rem3A_440 : i32
        %add3A_451 = arith.constant 4 : i32
        %add3A_452 = arith.addi %add3A_434, %add3A_451 : i32
        %jit3A_453 = arith.constant 16 : i32
        %eq3A_454 = arith.constant 0 : i32
        %eq3A_455 = arith.cmpi eq, %jit3A_453, %eq3A_454 : i32
        %jit3A_456 = arith.constant 1 : i32
        %select_n3A_457 = arith.select %eq3A_455, %jit3A_456, %jit3A_453 : i32
        %rem3A_458 = arith.remsi %add3A_452, %select_n3A_457 : i32
        %ne3A_459 = arith.constant 0 : i32
        %ne3A_460 = arith.cmpi ne, %rem3A_458, %ne3A_459 : i32
        %lt3A_461 = arith.constant 0 : i32
        %lt3A_462 = arith.cmpi slt, %rem3A_458, %lt3A_461 : i32
        %lt3A_463 = arith.constant 0 : i32
        %lt3A_464 = arith.cmpi slt, %select_n3A_457, %lt3A_463 : i32
        %ne3A_465 = arith.xori %lt3A_462, %lt3A_464 : i1
        %and3A_466 = arith.andi %ne3A_465, %ne3A_460 : i1
        %add3A_467 = arith.addi %rem3A_458, %select_n3A_457 : i32
        %select_n3A_468 = arith.select %and3A_466, %add3A_467, %rem3A_458 : i32
        %dma_wait3A_469 = arith.constant 0 : i32
        %dma_wait3A_470 = tpu.memref_slice %arg8[%select_n3A_450, %dma_wait3A_469] : memref<16x80xi32, #tpu.memory_space<vmem>> -> memref<1x80xi32, #tpu.memory_space<vmem>>
        %dma_wait3A_471 = tpu.memref_squeeze %dma_wait3A_470 : memref<1x80xi32, #tpu.memory_space<vmem>> -> memref<80xi32, #tpu.memory_space<vmem>>
        %dma_wait3A_472 = arith.constant 0 : i32
        %dma_wait3A_473 = arith.constant 0 : i32
        %dma_wait3A_474 = tpu.memref_slice %arg22[%dma_wait3A_472, %dma_wait3A_473] : memref<10112x128xf32, #tpu.memory_space<vmem_shared>> -> memref<10112x128xf32, #tpu.memory_space<vmem_shared>>
        tpu.wait_indirect_dma semaphore(%arg20 : memref<!tpu.dma_semaphore, #tpu.memory_space<semaphore_mem>>) src(%arg12 : memref<80x128xf32, #tpu.memory_space<vmem>>) dst(%dma_wait3A_474 : memref<10112x128xf32, #tpu.memory_space<vmem_shared>>)
        %dma_start3A_475 = arith.constant 0 : i32
        %dma_start3A_476 = tpu.memref_slice %arg7[%select_n3A_468, %dma_start3A_475] : memref<16x80xi32, #tpu.memory_space<vmem>> -> memref<1x80xi32, #tpu.memory_space<vmem>>
        %dma_start3A_477 = tpu.memref_squeeze %dma_start3A_476 : memref<1x80xi32, #tpu.memory_space<vmem>> -> memref<80xi32, #tpu.memory_space<vmem>>
        %dma_start3A_478 = arith.constant 0 : i32
        %dma_start3A_479 = arith.constant 0 : i32
        %dma_start3A_480 = tpu.memref_slice %arg2[%dma_start3A_478, %dma_start3A_479] : memref<10000x128xf32, #tpu.memory_space<hbm>> -> memref<10000x128xf32, #tpu.memory_space<hbm>>
        tpu.enqueue_indirect_dma source(%dma_start3A_480 : memref<10000x128xf32, #tpu.memory_space<hbm>>) target(%arg12 : memref<80x128xf32, #tpu.memory_space<vmem>>) offsets(%dma_start3A_477 : memref<80xi32, #tpu.memory_space<vmem>>) semaphore(%arg16 : memref<!tpu.dma_semaphore, #tpu.memory_space<semaphore_mem>>)
      } else {
      }
    }
    %scan3A_62 = arith.constant 34 : i32
    %dma_wait3A = arith.constant 4 : i32
    %dma_wait3A_63 = arith.constant 0 : i32
    %dma_wait3A_64 = tpu.memref_slice %arg8[%dma_wait3A, %dma_wait3A_63] : memref<16x80xi32, #tpu.memory_space<vmem>> -> memref<1x80xi32, #tpu.memory_space<vmem>>
    %dma_wait3A_65 = tpu.memref_squeeze %dma_wait3A_64 : memref<1x80xi32, #tpu.memory_space<vmem>> -> memref<80xi32, #tpu.memory_space<vmem>>
    %dma_wait3A_66 = arith.constant 0 : i32
    %dma_wait3A_67 = arith.constant 0 : i32
    %dma_wait3A_68 = tpu.memref_slice %arg22[%dma_wait3A_66, %dma_wait3A_67] : memref<10112x128xf32, #tpu.memory_space<vmem_shared>> -> memref<10112x128xf32, #tpu.memory_space<vmem_shared>>
    tpu.wait_indirect_dma semaphore(%arg17 : memref<!tpu.dma_semaphore, #tpu.memory_space<semaphore_mem>>) src(%arg9 : memref<80x128xf32, #tpu.memory_space<vmem>>) dst(%dma_wait3A_68 : memref<10112x128xf32, #tpu.memory_space<vmem_shared>>)
    %dma_wait3A_69 = arith.constant 5 : i32
    %dma_wait3A_70 = arith.constant 0 : i32
    %dma_wait3A_71 = tpu.memref_slice %arg8[%dma_wait3A_69, %dma_wait3A_70] : memref<16x80xi32, #tpu.memory_space<vmem>> -> memref<1x80xi32, #tpu.memory_space<vmem>>
    %dma_wait3A_72 = tpu.memref_squeeze %dma_wait3A_71 : memref<1x80xi32, #tpu.memory_space<vmem>> -> memref<80xi32, #tpu.memory_space<vmem>>
    %dma_wait3A_73 = arith.constant 0 : i32
    %dma_wait3A_74 = arith.constant 0 : i32
    %dma_wait3A_75 = tpu.memref_slice %arg22[%dma_wait3A_73, %dma_wait3A_74] : memref<10112x128xf32, #tpu.memory_space<vmem_shared>> -> memref<10112x128xf32, #tpu.memory_space<vmem_shared>>
    tpu.wait_indirect_dma semaphore(%arg18 : memref<!tpu.dma_semaphore, #tpu.memory_space<semaphore_mem>>) src(%arg10 : memref<80x128xf32, #tpu.memory_space<vmem>>) dst(%dma_wait3A_75 : memref<10112x128xf32, #tpu.memory_space<vmem_shared>>)
    %dma_wait3A_76 = arith.constant 6 : i32
    %dma_wait3A_77 = arith.constant 0 : i32
    %dma_wait3A_78 = tpu.memref_slice %arg8[%dma_wait3A_76, %dma_wait3A_77] : memref<16x80xi32, #tpu.memory_space<vmem>> -> memref<1x80xi32, #tpu.memory_space<vmem>>
    %dma_wait3A_79 = tpu.memref_squeeze %dma_wait3A_78 : memref<1x80xi32, #tpu.memory_space<vmem>> -> memref<80xi32, #tpu.memory_space<vmem>>
    %dma_wait3A_80 = arith.constant 0 : i32
    %dma_wait3A_81 = arith.constant 0 : i32
    %dma_wait3A_82 = tpu.memref_slice %arg22[%dma_wait3A_80, %dma_wait3A_81] : memref<10112x128xf32, #tpu.memory_space<vmem_shared>> -> memref<10112x128xf32, #tpu.memory_space<vmem_shared>>
    tpu.wait_indirect_dma semaphore(%arg19 : memref<!tpu.dma_semaphore, #tpu.memory_space<semaphore_mem>>) src(%arg11 : memref<80x128xf32, #tpu.memory_space<vmem>>) dst(%dma_wait3A_82 : memref<10112x128xf32, #tpu.memory_space<vmem_shared>>)
    %dma_wait3A_83 = arith.constant 7 : i32
    %dma_wait3A_84 = arith.constant 0 : i32
    %dma_wait3A_85 = tpu.memref_slice %arg8[%dma_wait3A_83, %dma_wait3A_84] : memref<16x80xi32, #tpu.memory_space<vmem>> -> memref<1x80xi32, #tpu.memory_space<vmem>>
    %dma_wait3A_86 = tpu.memref_squeeze %dma_wait3A_85 : memref<1x80xi32, #tpu.memory_space<vmem>> -> memref<80xi32, #tpu.memory_space<vmem>>
    %dma_wait3A_87 = arith.constant 0 : i32
    %dma_wait3A_88 = arith.constant 0 : i32
    %dma_wait3A_89 = tpu.memref_slice %arg22[%dma_wait3A_87, %dma_wait3A_88] : memref<10112x128xf32, #tpu.memory_space<vmem_shared>> -> memref<10112x128xf32, #tpu.memory_space<vmem_shared>>
    tpu.wait_indirect_dma semaphore(%arg20 : memref<!tpu.dma_semaphore, #tpu.memory_space<semaphore_mem>>) src(%arg12 : memref<80x128xf32, #tpu.memory_space<vmem>>) dst(%dma_wait3A_89 : memref<10112x128xf32, #tpu.memory_space<vmem_shared>>)
    %barrier3A_90 = arith.constant 0 : index
    tpu.barrier barrier_id(%barrier3A_90)
    %mul3A_91 = arith.constant 632 : i32
    %mul3A_92 = arith.muli %arg1, %mul3A_91 : i32
    %mul3A_93 = arith.constant 632 : i32
    %mul3A_94 = arith.muli %arg1, %mul3A_93 : i32
    "tpu.region"() ({
      %run_scoped3A = tpu.sem_alloc : memref<!tpu.dma_semaphore, #tpu.memory_space<semaphore_mem>>
      %dma_start3A_95 = arith.constant 0 : i32
      %dma_start3A_96 = tpu.memref_slice %arg6[%arg0, %mul3A_94, %dma_start3A_95] : memref<2x10112x128xf32, #tpu.memory_space<hbm>> -> memref<1x632x128xf32, #tpu.memory_space<hbm>>
      %dma_start3A_97 = tpu.memref_squeeze %dma_start3A_96 : memref<1x632x128xf32, #tpu.memory_space<hbm>> -> memref<632x128xf32, #tpu.memory_space<hbm>>
      %dma_start3A_98 = arith.constant 0 : i32
      %dma_start3A_99 = tpu.memref_slice %arg22[%mul3A_92, %dma_start3A_98] : memref<10112x128xf32, #tpu.memory_space<vmem_shared>> -> memref<632x128xf32, #tpu.memory_space<vmem_shared>>
      tpu.enqueue_dma source(%dma_start3A_99 : memref<632x128xf32, #tpu.memory_space<vmem_shared>>) target(%dma_start3A_97 : memref<632x128xf32, #tpu.memory_space<hbm>>) target_semaphore(%run_scoped3A : memref<!tpu.dma_semaphore, #tpu.memory_space<semaphore_mem>>)
      %dma_wait3A_100 = arith.constant 0 : i32
      %dma_wait3A_101 = tpu.memref_slice %arg6[%arg0, %mul3A_94, %dma_wait3A_100] : memref<2x10112x128xf32, #tpu.memory_space<hbm>> -> memref<1x632x128xf32, #tpu.memory_space<hbm>>
      %dma_wait3A_102 = tpu.memref_squeeze %dma_wait3A_101 : memref<1x632x128xf32, #tpu.memory_space<hbm>> -> memref<632x128xf32, #tpu.memory_space<hbm>>
      %dma_wait3A_103 = arith.constant 0 : i32
      %dma_wait3A_104 = tpu.memref_slice %arg22[%mul3A_92, %dma_wait3A_103] : memref<10112x128xf32, #tpu.memory_space<vmem_shared>> -> memref<632x128xf32, #tpu.memory_space<vmem_shared>>
      tpu.wait_dma2 semaphore(%run_scoped3A : memref<!tpu.dma_semaphore, #tpu.memory_space<semaphore_mem>>) src(%dma_wait3A_104 : memref<632x128xf32, #tpu.memory_space<vmem_shared>>) dst(%dma_wait3A_102 : memref<632x128xf32, #tpu.memory_space<hbm>>)
      tpu.yield
    }) : () -> ()
    return
  }
}

#map = affine_map<(d0, d1) -> (0, 0, 0)>
#map1 = affine_map<(d0, d1) -> (0, 0)>
module attributes {stable_mosaic.version = 14 : i64} {
  func.func @_deg_body(%arg0: i32, %arg1: i32, %arg2: memref<32x136x80xi32, #tpu.memory_space<hbm>>, %arg3: memref<80x16xf32, #tpu.memory_space<hbm>>, %arg4: memref<632x16xf32, #tpu.memory_space<hbm>>, %arg5: memref<2x10112x16xf32, #tpu.memory_space<hbm>>, %arg6: memref<136x80xi32, #tpu.memory_space<vmem>>, %arg7: memref<80x16xf32, #tpu.memory_space<vmem>>, %arg8: memref<!tpu.dma_semaphore, #tpu.memory_space<semaphore_mem>>, %arg9: memref<10112x16xf32, #tpu.memory_space<vmem_shared>>) attributes {dimension_semantics = [#tpu.dimension_semantics<core_parallel>, #tpu.dimension_semantics<subcore_parallel>], iteration_bounds = array<i64: 2, 16>, scalar_prefetch = 0 : i64, scratch_operands = 4 : i64, tpu.core_type = #tpu.core_type<sc_vector_subcore>, window_params = [{transform_indices = #map}, {transform_indices = #map1}, {transform_indices = #map1}, {transform_indices = #map}]} {
    %mul3A = arith.constant 16 : i32
    %mul3A_0 = arith.muli %arg0, %mul3A : i32
    %add3A = arith.addi %mul3A_0, %arg1 : i32
    "tpu.region"() ({
      %run_scoped3A = tpu.sem_alloc : memref<!tpu.dma_semaphore, #tpu.memory_space<semaphore_mem>>
      %dma_start3A = arith.constant 0 : i32
      %dma_start3A_68 = arith.constant 0 : i32
      %dma_start3A_69 = tpu.memref_slice %arg2[%add3A, %dma_start3A, %dma_start3A_68] : memref<32x136x80xi32, #tpu.memory_space<hbm>> -> memref<1x136x80xi32, #tpu.memory_space<hbm>>
      %dma_start3A_70 = tpu.memref_squeeze %dma_start3A_69 : memref<1x136x80xi32, #tpu.memory_space<hbm>> -> memref<136x80xi32, #tpu.memory_space<hbm>>
      %dma_start3A_71 = arith.constant 0 : i32
      %dma_start3A_72 = arith.constant 0 : i32
      %dma_start3A_73 = tpu.memref_slice %arg2[%add3A, %dma_start3A_71, %dma_start3A_72] : memref<32x136x80xi32, #tpu.memory_space<hbm>> -> memref<1x136x80xi32, #tpu.memory_space<hbm>>
      %dma_start3A_74 = tpu.memref_squeeze %dma_start3A_73 : memref<1x136x80xi32, #tpu.memory_space<hbm>> -> memref<136x80xi32, #tpu.memory_space<hbm>>
      tpu.enqueue_dma source(%dma_start3A_74 : memref<136x80xi32, #tpu.memory_space<hbm>>) target(%arg6 : memref<136x80xi32, #tpu.memory_space<vmem>>) target_semaphore(%run_scoped3A : memref<!tpu.dma_semaphore, #tpu.memory_space<semaphore_mem>>)
      %dma_wait3A_75 = arith.constant 0 : i32
      %dma_wait3A_76 = arith.constant 0 : i32
      %dma_wait3A_77 = tpu.memref_slice %arg2[%add3A, %dma_wait3A_75, %dma_wait3A_76] : memref<32x136x80xi32, #tpu.memory_space<hbm>> -> memref<1x136x80xi32, #tpu.memory_space<hbm>>
      %dma_wait3A_78 = tpu.memref_squeeze %dma_wait3A_77 : memref<1x136x80xi32, #tpu.memory_space<hbm>> -> memref<136x80xi32, #tpu.memory_space<hbm>>
      %dma_wait3A_79 = arith.constant 0 : i32
      %dma_wait3A_80 = arith.constant 0 : i32
      %dma_wait3A_81 = tpu.memref_slice %arg2[%add3A, %dma_wait3A_79, %dma_wait3A_80] : memref<32x136x80xi32, #tpu.memory_space<hbm>> -> memref<1x136x80xi32, #tpu.memory_space<hbm>>
      %dma_wait3A_82 = tpu.memref_squeeze %dma_wait3A_81 : memref<1x136x80xi32, #tpu.memory_space<hbm>> -> memref<136x80xi32, #tpu.memory_space<hbm>>
      tpu.wait_dma2 semaphore(%run_scoped3A : memref<!tpu.dma_semaphore, #tpu.memory_space<semaphore_mem>>) src(%dma_wait3A_82 : memref<136x80xi32, #tpu.memory_space<hbm>>) dst(%arg6 : memref<136x80xi32, #tpu.memory_space<vmem>>)
      tpu.yield
    }) : () -> ()
    "tpu.region"() ({
      %run_scoped3A = tpu.sem_alloc : memref<!tpu.dma_semaphore, #tpu.memory_space<semaphore_mem>>
      tpu.enqueue_dma source(%arg3 : memref<80x16xf32, #tpu.memory_space<hbm>>) target(%arg7 : memref<80x16xf32, #tpu.memory_space<vmem>>) target_semaphore(%run_scoped3A : memref<!tpu.dma_semaphore, #tpu.memory_space<semaphore_mem>>)
      tpu.wait_dma2 semaphore(%run_scoped3A : memref<!tpu.dma_semaphore, #tpu.memory_space<semaphore_mem>>) src(%arg3 : memref<80x16xf32, #tpu.memory_space<hbm>>) dst(%arg7 : memref<80x16xf32, #tpu.memory_space<vmem>>)
      tpu.yield
    }) : () -> ()
    %mul3A_1 = arith.constant 632 : i32
    %mul3A_2 = arith.muli %arg1, %mul3A_1 : i32
    "tpu.region"() ({
      %run_scoped3A = tpu.sem_alloc : memref<!tpu.dma_semaphore, #tpu.memory_space<semaphore_mem>>
      %dma_start3A = arith.constant 0 : i32
      %dma_start3A_68 = tpu.memref_slice %arg9[%mul3A_2, %dma_start3A] : memref<10112x16xf32, #tpu.memory_space<vmem_shared>> -> memref<632x16xf32, #tpu.memory_space<vmem_shared>>
      tpu.enqueue_dma source(%arg4 : memref<632x16xf32, #tpu.memory_space<hbm>>) target(%dma_start3A_68 : memref<632x16xf32, #tpu.memory_space<vmem_shared>>) target_semaphore(%run_scoped3A : memref<!tpu.dma_semaphore, #tpu.memory_space<semaphore_mem>>)
      %dma_wait3A_69 = arith.constant 0 : i32
      %dma_wait3A_70 = tpu.memref_slice %arg9[%mul3A_2, %dma_wait3A_69] : memref<10112x16xf32, #tpu.memory_space<vmem_shared>> -> memref<632x16xf32, #tpu.memory_space<vmem_shared>>
      tpu.wait_dma2 semaphore(%run_scoped3A : memref<!tpu.dma_semaphore, #tpu.memory_space<semaphore_mem>>) src(%arg4 : memref<632x16xf32, #tpu.memory_space<hbm>>) dst(%dma_wait3A_70 : memref<632x16xf32, #tpu.memory_space<vmem_shared>>)
      tpu.yield
    }) : () -> ()
    %barrier3A = arith.constant 0 : index
    tpu.barrier barrier_id(%barrier3A)
    %scan3A = arith.constant 0 : i32
    %scan3A_3 = arith.constant 0 : i32
    %scan3A_4 = arith.constant 136 : i32
    %scan3A_5 = arith.addi %scan3A_3, %scan3A_4 : i32
    %scan3A_6 = arith.constant 1 : i32
    scf.for %scan3A_68 = %scan3A_3 to %scan3A_5 step %scan3A_6  : i32 {
      %dma_start3A = arith.constant 0 : i32
      %dma_start3A_69 = tpu.memref_slice %arg6[%scan3A_68, %dma_start3A] : memref<136x80xi32, #tpu.memory_space<vmem>> -> memref<1x80xi32, #tpu.memory_space<vmem>>
      %dma_start3A_70 = tpu.memref_squeeze %dma_start3A_69 : memref<1x80xi32, #tpu.memory_space<vmem>> -> memref<80xi32, #tpu.memory_space<vmem>>
      %dma_start3A_71 = arith.constant 0 : i32
      %dma_start3A_72 = arith.constant 0 : i32
      %dma_start3A_73 = tpu.memref_slice %arg9[%dma_start3A_71, %dma_start3A_72] : memref<10112x16xf32, #tpu.memory_space<vmem_shared>> -> memref<10112x16xf32, #tpu.memory_space<vmem_shared>>
      tpu.enqueue_indirect_dma source(%arg7 : memref<80x16xf32, #tpu.memory_space<vmem>>) target(%dma_start3A_73 : memref<10112x16xf32, #tpu.memory_space<vmem_shared>>) offsets(%dma_start3A_70 : memref<80xi32, #tpu.memory_space<vmem>>) semaphore(%arg8 : memref<!tpu.dma_semaphore, #tpu.memory_space<semaphore_mem>>) {add = true}
      %ge3A = arith.constant 8 : i32
      %ge3A_74 = arith.cmpi sge, %scan3A_68, %ge3A : i32
      %convert_element_type3A = arith.extui %ge3A_74 : i1 to i32
      %cond3A = arith.constant 0 : i32
      %cond3A_75 = arith.cmpi ne, %convert_element_type3A, %cond3A : i32
      scf.if %cond3A_75 {
        %dma_wait3A_76 = arith.constant 0 : i32
        %dma_wait3A_77 = tpu.memref_slice %arg6[%scan3A_68, %dma_wait3A_76] : memref<136x80xi32, #tpu.memory_space<vmem>> -> memref<1x80xi32, #tpu.memory_space<vmem>>
        %dma_wait3A_78 = tpu.memref_squeeze %dma_wait3A_77 : memref<1x80xi32, #tpu.memory_space<vmem>> -> memref<80xi32, #tpu.memory_space<vmem>>
        %dma_wait3A_79 = arith.constant 0 : i32
        %dma_wait3A_80 = arith.constant 0 : i32
        %dma_wait3A_81 = tpu.memref_slice %arg9[%dma_wait3A_79, %dma_wait3A_80] : memref<10112x16xf32, #tpu.memory_space<vmem_shared>> -> memref<10112x16xf32, #tpu.memory_space<vmem_shared>>
        tpu.wait_indirect_dma semaphore(%arg8 : memref<!tpu.dma_semaphore, #tpu.memory_space<semaphore_mem>>) src(%arg7 : memref<80x16xf32, #tpu.memory_space<vmem>>) dst(%dma_wait3A_81 : memref<10112x16xf32, #tpu.memory_space<vmem_shared>>)
      } else {
      }
    }
    %scan3A_7 = arith.constant 136 : i32
    %dma_wait3A = arith.constant 0 : i32
    %dma_wait3A_8 = arith.constant 0 : i32
    %dma_wait3A_9 = tpu.memref_slice %arg6[%dma_wait3A, %dma_wait3A_8] : memref<136x80xi32, #tpu.memory_space<vmem>> -> memref<1x80xi32, #tpu.memory_space<vmem>>
    %dma_wait3A_10 = tpu.memref_squeeze %dma_wait3A_9 : memref<1x80xi32, #tpu.memory_space<vmem>> -> memref<80xi32, #tpu.memory_space<vmem>>
    %dma_wait3A_11 = arith.constant 0 : i32
    %dma_wait3A_12 = arith.constant 0 : i32
    %dma_wait3A_13 = tpu.memref_slice %arg9[%dma_wait3A_11, %dma_wait3A_12] : memref<10112x16xf32, #tpu.memory_space<vmem_shared>> -> memref<10112x16xf32, #tpu.memory_space<vmem_shared>>
    tpu.wait_indirect_dma semaphore(%arg8 : memref<!tpu.dma_semaphore, #tpu.memory_space<semaphore_mem>>) src(%arg7 : memref<80x16xf32, #tpu.memory_space<vmem>>) dst(%dma_wait3A_13 : memref<10112x16xf32, #tpu.memory_space<vmem_shared>>)
    %dma_wait3A_14 = arith.constant 0 : i32
    %dma_wait3A_15 = arith.constant 0 : i32
    %dma_wait3A_16 = tpu.memref_slice %arg6[%dma_wait3A_14, %dma_wait3A_15] : memref<136x80xi32, #tpu.memory_space<vmem>> -> memref<1x80xi32, #tpu.memory_space<vmem>>
    %dma_wait3A_17 = tpu.memref_squeeze %dma_wait3A_16 : memref<1x80xi32, #tpu.memory_space<vmem>> -> memref<80xi32, #tpu.memory_space<vmem>>
    %dma_wait3A_18 = arith.constant 0 : i32
    %dma_wait3A_19 = arith.constant 0 : i32
    %dma_wait3A_20 = tpu.memref_slice %arg9[%dma_wait3A_18, %dma_wait3A_19] : memref<10112x16xf32, #tpu.memory_space<vmem_shared>> -> memref<10112x16xf32, #tpu.memory_space<vmem_shared>>
    tpu.wait_indirect_dma semaphore(%arg8 : memref<!tpu.dma_semaphore, #tpu.memory_space<semaphore_mem>>) src(%arg7 : memref<80x16xf32, #tpu.memory_space<vmem>>) dst(%dma_wait3A_20 : memref<10112x16xf32, #tpu.memory_space<vmem_shared>>)
    %dma_wait3A_21 = arith.constant 0 : i32
    %dma_wait3A_22 = arith.constant 0 : i32
    %dma_wait3A_23 = tpu.memref_slice %arg6[%dma_wait3A_21, %dma_wait3A_22] : memref<136x80xi32, #tpu.memory_space<vmem>> -> memref<1x80xi32, #tpu.memory_space<vmem>>
    %dma_wait3A_24 = tpu.memref_squeeze %dma_wait3A_23 : memref<1x80xi32, #tpu.memory_space<vmem>> -> memref<80xi32, #tpu.memory_space<vmem>>
    %dma_wait3A_25 = arith.constant 0 : i32
    %dma_wait3A_26 = arith.constant 0 : i32
    %dma_wait3A_27 = tpu.memref_slice %arg9[%dma_wait3A_25, %dma_wait3A_26] : memref<10112x16xf32, #tpu.memory_space<vmem_shared>> -> memref<10112x16xf32, #tpu.memory_space<vmem_shared>>
    tpu.wait_indirect_dma semaphore(%arg8 : memref<!tpu.dma_semaphore, #tpu.memory_space<semaphore_mem>>) src(%arg7 : memref<80x16xf32, #tpu.memory_space<vmem>>) dst(%dma_wait3A_27 : memref<10112x16xf32, #tpu.memory_space<vmem_shared>>)
    %dma_wait3A_28 = arith.constant 0 : i32
    %dma_wait3A_29 = arith.constant 0 : i32
    %dma_wait3A_30 = tpu.memref_slice %arg6[%dma_wait3A_28, %dma_wait3A_29] : memref<136x80xi32, #tpu.memory_space<vmem>> -> memref<1x80xi32, #tpu.memory_space<vmem>>
    %dma_wait3A_31 = tpu.memref_squeeze %dma_wait3A_30 : memref<1x80xi32, #tpu.memory_space<vmem>> -> memref<80xi32, #tpu.memory_space<vmem>>
    %dma_wait3A_32 = arith.constant 0 : i32
    %dma_wait3A_33 = arith.constant 0 : i32
    %dma_wait3A_34 = tpu.memref_slice %arg9[%dma_wait3A_32, %dma_wait3A_33] : memref<10112x16xf32, #tpu.memory_space<vmem_shared>> -> memref<10112x16xf32, #tpu.memory_space<vmem_shared>>
    tpu.wait_indirect_dma semaphore(%arg8 : memref<!tpu.dma_semaphore, #tpu.memory_space<semaphore_mem>>) src(%arg7 : memref<80x16xf32, #tpu.memory_space<vmem>>) dst(%dma_wait3A_34 : memref<10112x16xf32, #tpu.memory_space<vmem_shared>>)
    %dma_wait3A_35 = arith.constant 0 : i32
    %dma_wait3A_36 = arith.constant 0 : i32
    %dma_wait3A_37 = tpu.memref_slice %arg6[%dma_wait3A_35, %dma_wait3A_36] : memref<136x80xi32, #tpu.memory_space<vmem>> -> memref<1x80xi32, #tpu.memory_space<vmem>>
    %dma_wait3A_38 = tpu.memref_squeeze %dma_wait3A_37 : memref<1x80xi32, #tpu.memory_space<vmem>> -> memref<80xi32, #tpu.memory_space<vmem>>
    %dma_wait3A_39 = arith.constant 0 : i32
    %dma_wait3A_40 = arith.constant 0 : i32
    %dma_wait3A_41 = tpu.memref_slice %arg9[%dma_wait3A_39, %dma_wait3A_40] : memref<10112x16xf32, #tpu.memory_space<vmem_shared>> -> memref<10112x16xf32, #tpu.memory_space<vmem_shared>>
    tpu.wait_indirect_dma semaphore(%arg8 : memref<!tpu.dma_semaphore, #tpu.memory_space<semaphore_mem>>) src(%arg7 : memref<80x16xf32, #tpu.memory_space<vmem>>) dst(%dma_wait3A_41 : memref<10112x16xf32, #tpu.memory_space<vmem_shared>>)
    %dma_wait3A_42 = arith.constant 0 : i32
    %dma_wait3A_43 = arith.constant 0 : i32
    %dma_wait3A_44 = tpu.memref_slice %arg6[%dma_wait3A_42, %dma_wait3A_43] : memref<136x80xi32, #tpu.memory_space<vmem>> -> memref<1x80xi32, #tpu.memory_space<vmem>>
    %dma_wait3A_45 = tpu.memref_squeeze %dma_wait3A_44 : memref<1x80xi32, #tpu.memory_space<vmem>> -> memref<80xi32, #tpu.memory_space<vmem>>
    %dma_wait3A_46 = arith.constant 0 : i32
    %dma_wait3A_47 = arith.constant 0 : i32
    %dma_wait3A_48 = tpu.memref_slice %arg9[%dma_wait3A_46, %dma_wait3A_47] : memref<10112x16xf32, #tpu.memory_space<vmem_shared>> -> memref<10112x16xf32, #tpu.memory_space<vmem_shared>>
    tpu.wait_indirect_dma semaphore(%arg8 : memref<!tpu.dma_semaphore, #tpu.memory_space<semaphore_mem>>) src(%arg7 : memref<80x16xf32, #tpu.memory_space<vmem>>) dst(%dma_wait3A_48 : memref<10112x16xf32, #tpu.memory_space<vmem_shared>>)
    %dma_wait3A_49 = arith.constant 0 : i32
    %dma_wait3A_50 = arith.constant 0 : i32
    %dma_wait3A_51 = tpu.memref_slice %arg6[%dma_wait3A_49, %dma_wait3A_50] : memref<136x80xi32, #tpu.memory_space<vmem>> -> memref<1x80xi32, #tpu.memory_space<vmem>>
    %dma_wait3A_52 = tpu.memref_squeeze %dma_wait3A_51 : memref<1x80xi32, #tpu.memory_space<vmem>> -> memref<80xi32, #tpu.memory_space<vmem>>
    %dma_wait3A_53 = arith.constant 0 : i32
    %dma_wait3A_54 = arith.constant 0 : i32
    %dma_wait3A_55 = tpu.memref_slice %arg9[%dma_wait3A_53, %dma_wait3A_54] : memref<10112x16xf32, #tpu.memory_space<vmem_shared>> -> memref<10112x16xf32, #tpu.memory_space<vmem_shared>>
    tpu.wait_indirect_dma semaphore(%arg8 : memref<!tpu.dma_semaphore, #tpu.memory_space<semaphore_mem>>) src(%arg7 : memref<80x16xf32, #tpu.memory_space<vmem>>) dst(%dma_wait3A_55 : memref<10112x16xf32, #tpu.memory_space<vmem_shared>>)
    %dma_wait3A_56 = arith.constant 0 : i32
    %dma_wait3A_57 = arith.constant 0 : i32
    %dma_wait3A_58 = tpu.memref_slice %arg6[%dma_wait3A_56, %dma_wait3A_57] : memref<136x80xi32, #tpu.memory_space<vmem>> -> memref<1x80xi32, #tpu.memory_space<vmem>>
    %dma_wait3A_59 = tpu.memref_squeeze %dma_wait3A_58 : memref<1x80xi32, #tpu.memory_space<vmem>> -> memref<80xi32, #tpu.memory_space<vmem>>
    %dma_wait3A_60 = arith.constant 0 : i32
    %dma_wait3A_61 = arith.constant 0 : i32
    %dma_wait3A_62 = tpu.memref_slice %arg9[%dma_wait3A_60, %dma_wait3A_61] : memref<10112x16xf32, #tpu.memory_space<vmem_shared>> -> memref<10112x16xf32, #tpu.memory_space<vmem_shared>>
    tpu.wait_indirect_dma semaphore(%arg8 : memref<!tpu.dma_semaphore, #tpu.memory_space<semaphore_mem>>) src(%arg7 : memref<80x16xf32, #tpu.memory_space<vmem>>) dst(%dma_wait3A_62 : memref<10112x16xf32, #tpu.memory_space<vmem_shared>>)
    %barrier3A_63 = arith.constant 0 : index
    tpu.barrier barrier_id(%barrier3A_63)
    %mul3A_64 = arith.constant 632 : i32
    %mul3A_65 = arith.muli %arg1, %mul3A_64 : i32
    %mul3A_66 = arith.constant 632 : i32
    %mul3A_67 = arith.muli %arg1, %mul3A_66 : i32
    "tpu.region"() ({
      %run_scoped3A = tpu.sem_alloc : memref<!tpu.dma_semaphore, #tpu.memory_space<semaphore_mem>>
      %dma_start3A = arith.constant 0 : i32
      %dma_start3A_68 = tpu.memref_slice %arg5[%arg0, %mul3A_67, %dma_start3A] : memref<2x10112x16xf32, #tpu.memory_space<hbm>> -> memref<1x632x16xf32, #tpu.memory_space<hbm>>
      %dma_start3A_69 = tpu.memref_squeeze %dma_start3A_68 : memref<1x632x16xf32, #tpu.memory_space<hbm>> -> memref<632x16xf32, #tpu.memory_space<hbm>>
      %dma_start3A_70 = arith.constant 0 : i32
      %dma_start3A_71 = tpu.memref_slice %arg9[%mul3A_65, %dma_start3A_70] : memref<10112x16xf32, #tpu.memory_space<vmem_shared>> -> memref<632x16xf32, #tpu.memory_space<vmem_shared>>
      tpu.enqueue_dma source(%dma_start3A_71 : memref<632x16xf32, #tpu.memory_space<vmem_shared>>) target(%dma_start3A_69 : memref<632x16xf32, #tpu.memory_space<hbm>>) target_semaphore(%run_scoped3A : memref<!tpu.dma_semaphore, #tpu.memory_space<semaphore_mem>>)
      %dma_wait3A_72 = arith.constant 0 : i32
      %dma_wait3A_73 = tpu.memref_slice %arg5[%arg0, %mul3A_67, %dma_wait3A_72] : memref<2x10112x16xf32, #tpu.memory_space<hbm>> -> memref<1x632x16xf32, #tpu.memory_space<hbm>>
      %dma_wait3A_74 = tpu.memref_squeeze %dma_wait3A_73 : memref<1x632x16xf32, #tpu.memory_space<hbm>> -> memref<632x16xf32, #tpu.memory_space<hbm>>
      %dma_wait3A_75 = arith.constant 0 : i32
      %dma_wait3A_76 = tpu.memref_slice %arg9[%mul3A_65, %dma_wait3A_75] : memref<10112x16xf32, #tpu.memory_space<vmem_shared>> -> memref<632x16xf32, #tpu.memory_space<vmem_shared>>
      tpu.wait_dma2 semaphore(%run_scoped3A : memref<!tpu.dma_semaphore, #tpu.memory_space<semaphore_mem>>) src(%dma_wait3A_76 : memref<632x16xf32, #tpu.memory_space<vmem_shared>>) dst(%dma_wait3A_74 : memref<632x16xf32, #tpu.memory_space<hbm>>)
      tpu.yield
    }) : () -> ()
    return
  }
}

#map = affine_map<(d0, d1) -> (0, 0)>
#map1 = affine_map<(d0, d1) -> (0, 0, 0)>
module attributes {stable_mosaic.version = 14 : i64} {
  func.func @_agg_body(%arg0: i32, %arg1: i32, %arg2: memref<10000x128xf32, #tpu.memory_space<hbm>>, %arg3: memref<32x136x80xi32, #tpu.memory_space<hbm>>, %arg4: memref<32x136x80xi32, #tpu.memory_space<hbm>>, %arg5: memref<632x128xf32, #tpu.memory_space<hbm>>, %arg6: memref<2x10112x128xf32, #tpu.memory_space<hbm>>, %arg7: memref<16x80xi32, #tpu.memory_space<vmem>>, %arg8: memref<16x80xi32, #tpu.memory_space<vmem>>, %arg9: memref<80x128xf32, #tpu.memory_space<vmem>>, %arg10: memref<80x128xf32, #tpu.memory_space<vmem>>, %arg11: memref<80x128xf32, #tpu.memory_space<vmem>>, %arg12: memref<80x128xf32, #tpu.memory_space<vmem>>, %arg13: memref<!tpu.dma_semaphore, #tpu.memory_space<semaphore_mem>>, %arg14: memref<!tpu.dma_semaphore, #tpu.memory_space<semaphore_mem>>, %arg15: memref<!tpu.dma_semaphore, #tpu.memory_space<semaphore_mem>>, %arg16: memref<!tpu.dma_semaphore, #tpu.memory_space<semaphore_mem>>, %arg17: memref<!tpu.dma_semaphore, #tpu.memory_space<semaphore_mem>>, %arg18: memref<!tpu.dma_semaphore, #tpu.memory_space<semaphore_mem>>, %arg19: memref<!tpu.dma_semaphore, #tpu.memory_space<semaphore_mem>>, %arg20: memref<!tpu.dma_semaphore, #tpu.memory_space<semaphore_mem>>, %arg21: memref<!tpu.dma_semaphore, #tpu.memory_space<semaphore_mem>>, %arg22: memref<10112x128xf32, #tpu.memory_space<vmem_shared>>) attributes {dimension_semantics = [#tpu.dimension_semantics<core_parallel>, #tpu.dimension_semantics<subcore_parallel>], iteration_bounds = array<i64: 2, 16>, scalar_prefetch = 0 : i64, scratch_operands = 16 : i64, tpu.core_type = #tpu.core_type<sc_vector_subcore>, window_params = [{transform_indices = #map}, {transform_indices = #map1}, {transform_indices = #map1}, {transform_indices = #map}, {transform_indices = #map1}]} {
    %mul3A = arith.constant 16 : i32
    %mul3A_0 = arith.muli %arg0, %mul3A : i32
    %add3A = arith.addi %mul3A_0, %arg1 : i32
    "tpu.region"() ({
      %run_scoped3A = tpu.sem_alloc : memref<!tpu.dma_semaphore, #tpu.memory_space<semaphore_mem>>
      %dma_start3A_95 = arith.constant 0 : i32
      %dma_start3A_96 = arith.constant 0 : i32
      %dma_start3A_97 = tpu.memref_slice %arg7[%dma_start3A_95, %dma_start3A_96] : memref<16x80xi32, #tpu.memory_space<vmem>> -> memref<8x80xi32, #tpu.memory_space<vmem>>
      %dma_start3A_98 = arith.constant 0 : i32
      %dma_start3A_99 = arith.constant 0 : i32
      %dma_start3A_100 = tpu.memref_slice %arg3[%add3A, %dma_start3A_98, %dma_start3A_99] : memref<32x136x80xi32, #tpu.memory_space<hbm>> -> memref<1x8x80xi32, #tpu.memory_space<hbm>>
      %dma_start3A_101 = tpu.memref_squeeze %dma_start3A_100 : memref<1x8x80xi32, #tpu.memory_space<hbm>> -> memref<8x80xi32, #tpu.memory_space<hbm>>
      %dma_start3A_102 = arith.constant 0 : i32
      %dma_start3A_103 = arith.constant 0 : i32
      %dma_start3A_104 = tpu.memref_slice %arg7[%dma_start3A_102, %dma_start3A_103] : memref<16x80xi32, #tpu.memory_space<vmem>> -> memref<8x80xi32, #tpu.memory_space<vmem>>
      %dma_start3A_105 = arith.constant 0 : i32
      %dma_start3A_106 = arith.constant 0 : i32
      %dma_start3A_107 = tpu.memref_slice %arg3[%add3A, %dma_start3A_105, %dma_start3A_106] : memref<32x136x80xi32, #tpu.memory_space<hbm>> -> memref<1x8x80xi32, #tpu.memory_space<hbm>>
      %dma_start3A_108 = tpu.memref_squeeze %dma_start3A_107 : memref<1x8x80xi32, #tpu.memory_space<hbm>> -> memref<8x80xi32, #tpu.memory_space<hbm>>
      tpu.enqueue_dma source(%dma_start3A_108 : memref<8x80xi32, #tpu.memory_space<hbm>>) target(%dma_start3A_104 : memref<8x80xi32, #tpu.memory_space<vmem>>) target_semaphore(%run_scoped3A : memref<!tpu.dma_semaphore, #tpu.memory_space<semaphore_mem>>)
      %dma_wait3A_109 = arith.constant 0 : i32
      %dma_wait3A_110 = arith.constant 0 : i32
      %dma_wait3A_111 = tpu.memref_slice %arg7[%dma_wait3A_109, %dma_wait3A_110] : memref<16x80xi32, #tpu.memory_space<vmem>> -> memref<8x80xi32, #tpu.memory_space<vmem>>
      %dma_wait3A_112 = arith.constant 0 : i32
      %dma_wait3A_113 = arith.constant 0 : i32
      %dma_wait3A_114 = tpu.memref_slice %arg3[%add3A, %dma_wait3A_112, %dma_wait3A_113] : memref<32x136x80xi32, #tpu.memory_space<hbm>> -> memref<1x8x80xi32, #tpu.memory_space<hbm>>
      %dma_wait3A_115 = tpu.memref_squeeze %dma_wait3A_114 : memref<1x8x80xi32, #tpu.memory_space<hbm>> -> memref<8x80xi32, #tpu.memory_space<hbm>>
      %dma_wait3A_116 = arith.constant 0 : i32
      %dma_wait3A_117 = arith.constant 0 : i32
      %dma_wait3A_118 = tpu.memref_slice %arg7[%dma_wait3A_116, %dma_wait3A_117] : memref<16x80xi32, #tpu.memory_space<vmem>> -> memref<8x80xi32, #tpu.memory_space<vmem>>
      %dma_wait3A_119 = arith.constant 0 : i32
      %dma_wait3A_120 = arith.constant 0 : i32
      %dma_wait3A_121 = tpu.memref_slice %arg3[%add3A, %dma_wait3A_119, %dma_wait3A_120] : memref<32x136x80xi32, #tpu.memory_space<hbm>> -> memref<1x8x80xi32, #tpu.memory_space<hbm>>
      %dma_wait3A_122 = tpu.memref_squeeze %dma_wait3A_121 : memref<1x8x80xi32, #tpu.memory_space<hbm>> -> memref<8x80xi32, #tpu.memory_space<hbm>>
      tpu.wait_dma2 semaphore(%run_scoped3A : memref<!tpu.dma_semaphore, #tpu.memory_space<semaphore_mem>>) src(%dma_wait3A_122 : memref<8x80xi32, #tpu.memory_space<hbm>>) dst(%dma_wait3A_118 : memref<8x80xi32, #tpu.memory_space<vmem>>)
      tpu.yield
    }) : () -> ()
    "tpu.region"() ({
      %run_scoped3A = tpu.sem_alloc : memref<!tpu.dma_semaphore, #tpu.memory_space<semaphore_mem>>
      %dma_start3A_95 = arith.constant 0 : i32
      %dma_start3A_96 = arith.constant 0 : i32
      %dma_start3A_97 = tpu.memref_slice %arg8[%dma_start3A_95, %dma_start3A_96] : memref<16x80xi32, #tpu.memory_space<vmem>> -> memref<8x80xi32, #tpu.memory_space<vmem>>
      %dma_start3A_98 = arith.constant 0 : i32
      %dma_start3A_99 = arith.constant 0 : i32
      %dma_start3A_100 = tpu.memref_slice %arg4[%add3A, %dma_start3A_98, %dma_start3A_99] : memref<32x136x80xi32, #tpu.memory_space<hbm>> -> memref<1x8x80xi32, #tpu.memory_space<hbm>>
      %dma_start3A_101 = tpu.memref_squeeze %dma_start3A_100 : memref<1x8x80xi32, #tpu.memory_space<hbm>> -> memref<8x80xi32, #tpu.memory_space<hbm>>
      %dma_start3A_102 = arith.constant 0 : i32
      %dma_start3A_103 = arith.constant 0 : i32
      %dma_start3A_104 = tpu.memref_slice %arg8[%dma_start3A_102, %dma_start3A_103] : memref<16x80xi32, #tpu.memory_space<vmem>> -> memref<8x80xi32, #tpu.memory_space<vmem>>
      %dma_start3A_105 = arith.constant 0 : i32
      %dma_start3A_106 = arith.constant 0 : i32
      %dma_start3A_107 = tpu.memref_slice %arg4[%add3A, %dma_start3A_105, %dma_start3A_106] : memref<32x136x80xi32, #tpu.memory_space<hbm>> -> memref<1x8x80xi32, #tpu.memory_space<hbm>>
      %dma_start3A_108 = tpu.memref_squeeze %dma_start3A_107 : memref<1x8x80xi32, #tpu.memory_space<hbm>> -> memref<8x80xi32, #tpu.memory_space<hbm>>
      tpu.enqueue_dma source(%dma_start3A_108 : memref<8x80xi32, #tpu.memory_space<hbm>>) target(%dma_start3A_104 : memref<8x80xi32, #tpu.memory_space<vmem>>) target_semaphore(%run_scoped3A : memref<!tpu.dma_semaphore, #tpu.memory_space<semaphore_mem>>)
      %dma_wait3A_109 = arith.constant 0 : i32
      %dma_wait3A_110 = arith.constant 0 : i32
      %dma_wait3A_111 = tpu.memref_slice %arg8[%dma_wait3A_109, %dma_wait3A_110] : memref<16x80xi32, #tpu.memory_space<vmem>> -> memref<8x80xi32, #tpu.memory_space<vmem>>
      %dma_wait3A_112 = arith.constant 0 : i32
      %dma_wait3A_113 = arith.constant 0 : i32
      %dma_wait3A_114 = tpu.memref_slice %arg4[%add3A, %dma_wait3A_112, %dma_wait3A_113] : memref<32x136x80xi32, #tpu.memory_space<hbm>> -> memref<1x8x80xi32, #tpu.memory_space<hbm>>
      %dma_wait3A_115 = tpu.memref_squeeze %dma_wait3A_114 : memref<1x8x80xi32, #tpu.memory_space<hbm>> -> memref<8x80xi32, #tpu.memory_space<hbm>>
      %dma_wait3A_116 = arith.constant 0 : i32
      %dma_wait3A_117 = arith.constant 0 : i32
      %dma_wait3A_118 = tpu.memref_slice %arg8[%dma_wait3A_116, %dma_wait3A_117] : memref<16x80xi32, #tpu.memory_space<vmem>> -> memref<8x80xi32, #tpu.memory_space<vmem>>
      %dma_wait3A_119 = arith.constant 0 : i32
      %dma_wait3A_120 = arith.constant 0 : i32
      %dma_wait3A_121 = tpu.memref_slice %arg4[%add3A, %dma_wait3A_119, %dma_wait3A_120] : memref<32x136x80xi32, #tpu.memory_space<hbm>> -> memref<1x8x80xi32, #tpu.memory_space<hbm>>
      %dma_wait3A_122 = tpu.memref_squeeze %dma_wait3A_121 : memref<1x8x80xi32, #tpu.memory_space<hbm>> -> memref<8x80xi32, #tpu.memory_space<hbm>>
      tpu.wait_dma2 semaphore(%run_scoped3A : memref<!tpu.dma_semaphore, #tpu.memory_space<semaphore_mem>>) src(%dma_wait3A_122 : memref<8x80xi32, #tpu.memory_space<hbm>>) dst(%dma_wait3A_118 : memref<8x80xi32, #tpu.memory_space<vmem>>)
      tpu.yield
    }) : () -> ()
    %dma_start3A = arith.constant 8 : i32
    %dma_start3A_1 = arith.constant 0 : i32
    %dma_start3A_2 = tpu.memref_slice %arg7[%dma_start3A, %dma_start3A_1] : memref<16x80xi32, #tpu.memory_space<vmem>> -> memref<8x80xi32, #tpu.memory_space<vmem>>
    %dma_start3A_3 = arith.constant 8 : i32
    %dma_start3A_4 = arith.constant 0 : i32
    %dma_start3A_5 = tpu.memref_slice %arg3[%add3A, %dma_start3A_3, %dma_start3A_4] : memref<32x136x80xi32, #tpu.memory_space<hbm>> -> memref<1x8x80xi32, #tpu.memory_space<hbm>>
    %dma_start3A_6 = tpu.memref_squeeze %dma_start3A_5 : memref<1x8x80xi32, #tpu.memory_space<hbm>> -> memref<8x80xi32, #tpu.memory_space<hbm>>
    %dma_start3A_7 = arith.constant 8 : i32
    %dma_start3A_8 = arith.constant 0 : i32
    %dma_start3A_9 = tpu.memref_slice %arg7[%dma_start3A_7, %dma_start3A_8] : memref<16x80xi32, #tpu.memory_space<vmem>> -> memref<8x80xi32, #tpu.memory_space<vmem>>
    %dma_start3A_10 = arith.constant 8 : i32
    %dma_start3A_11 = arith.constant 0 : i32
    %dma_start3A_12 = tpu.memref_slice %arg3[%add3A, %dma_start3A_10, %dma_start3A_11] : memref<32x136x80xi32, #tpu.memory_space<hbm>> -> memref<1x8x80xi32, #tpu.memory_space<hbm>>
    %dma_start3A_13 = tpu.memref_squeeze %dma_start3A_12 : memref<1x8x80xi32, #tpu.memory_space<hbm>> -> memref<8x80xi32, #tpu.memory_space<hbm>>
    tpu.enqueue_dma source(%dma_start3A_13 : memref<8x80xi32, #tpu.memory_space<hbm>>) target(%dma_start3A_9 : memref<8x80xi32, #tpu.memory_space<vmem>>) target_semaphore(%arg21 : memref<!tpu.dma_semaphore, #tpu.memory_space<semaphore_mem>>)
    %dma_start3A_14 = arith.constant 8 : i32
    %dma_start3A_15 = arith.constant 0 : i32
    %dma_start3A_16 = tpu.memref_slice %arg8[%dma_start3A_14, %dma_start3A_15] : memref<16x80xi32, #tpu.memory_space<vmem>> -> memref<8x80xi32, #tpu.memory_space<vmem>>
    %dma_start3A_17 = arith.constant 8 : i32
    %dma_start3A_18 = arith.constant 0 : i32
    %dma_start3A_19 = tpu.memref_slice %arg4[%add3A, %dma_start3A_17, %dma_start3A_18] : memref<32x136x80xi32, #tpu.memory_space<hbm>> -> memref<1x8x80xi32, #tpu.memory_space<hbm>>
    %dma_start3A_20 = tpu.memref_squeeze %dma_start3A_19 : memref<1x8x80xi32, #tpu.memory_space<hbm>> -> memref<8x80xi32, #tpu.memory_space<hbm>>
    %dma_start3A_21 = arith.constant 8 : i32
    %dma_start3A_22 = arith.constant 0 : i32
    %dma_start3A_23 = tpu.memref_slice %arg8[%dma_start3A_21, %dma_start3A_22] : memref<16x80xi32, #tpu.memory_space<vmem>> -> memref<8x80xi32, #tpu.memory_space<vmem>>
    %dma_start3A_24 = arith.constant 8 : i32
    %dma_start3A_25 = arith.constant 0 : i32
    %dma_start3A_26 = tpu.memref_slice %arg4[%add3A, %dma_start3A_24, %dma_start3A_25] : memref<32x136x80xi32, #tpu.memory_space<hbm>> -> memref<1x8x80xi32, #tpu.memory_space<hbm>>
    %dma_start3A_27 = tpu.memref_squeeze %dma_start3A_26 : memref<1x8x80xi32, #tpu.memory_space<hbm>> -> memref<8x80xi32, #tpu.memory_space<hbm>>
    tpu.enqueue_dma source(%dma_start3A_27 : memref<8x80xi32, #tpu.memory_space<hbm>>) target(%dma_start3A_23 : memref<8x80xi32, #tpu.memory_space<vmem>>) target_semaphore(%arg21 : memref<!tpu.dma_semaphore, #tpu.memory_space<semaphore_mem>>)
    %mul3A_28 = arith.constant 632 : i32
    %mul3A_29 = arith.muli %arg1, %mul3A_28 : i32
    "tpu.region"() ({
      %run_scoped3A = tpu.sem_alloc : memref<!tpu.dma_semaphore, #tpu.memory_space<semaphore_mem>>
      %dma_start3A_95 = arith.constant 0 : i32
      %dma_start3A_96 = tpu.memref_slice %arg22[%mul3A_29, %dma_start3A_95] : memref<10112x128xf32, #tpu.memory_space<vmem_shared>> -> memref<632x128xf32, #tpu.memory_space<vmem_shared>>
      tpu.enqueue_dma source(%arg5 : memref<632x128xf32, #tpu.memory_space<hbm>>) target(%dma_start3A_96 : memref<632x128xf32, #tpu.memory_space<vmem_shared>>) target_semaphore(%run_scoped3A : memref<!tpu.dma_semaphore, #tpu.memory_space<semaphore_mem>>)
      %dma_wait3A_97 = arith.constant 0 : i32
      %dma_wait3A_98 = tpu.memref_slice %arg22[%mul3A_29, %dma_wait3A_97] : memref<10112x128xf32, #tpu.memory_space<vmem_shared>> -> memref<632x128xf32, #tpu.memory_space<vmem_shared>>
      tpu.wait_dma2 semaphore(%run_scoped3A : memref<!tpu.dma_semaphore, #tpu.memory_space<semaphore_mem>>) src(%arg5 : memref<632x128xf32, #tpu.memory_space<hbm>>) dst(%dma_wait3A_98 : memref<632x128xf32, #tpu.memory_space<vmem_shared>>)
      tpu.yield
    }) : () -> ()
    %barrier3A = arith.constant 0 : index
    tpu.barrier barrier_id(%barrier3A)
    %dma_start3A_30 = arith.constant 0 : i32
    %dma_start3A_31 = arith.constant 0 : i32
    %dma_start3A_32 = tpu.memref_slice %arg7[%dma_start3A_30, %dma_start3A_31] : memref<16x80xi32, #tpu.memory_space<vmem>> -> memref<1x80xi32, #tpu.memory_space<vmem>>
    %dma_start3A_33 = tpu.memref_squeeze %dma_start3A_32 : memref<1x80xi32, #tpu.memory_space<vmem>> -> memref<80xi32, #tpu.memory_space<vmem>>
    %dma_start3A_34 = arith.constant 0 : i32
    %dma_start3A_35 = arith.constant 0 : i32
    %dma_start3A_36 = tpu.memref_slice %arg2[%dma_start3A_34, %dma_start3A_35] : memref<10000x128xf32, #tpu.memory_space<hbm>> -> memref<10000x128xf32, #tpu.memory_space<hbm>>
    tpu.enqueue_indirect_dma source(%dma_start3A_36 : memref<10000x128xf32, #tpu.memory_space<hbm>>) target(%arg9 : memref<80x128xf32, #tpu.memory_space<vmem>>) offsets(%dma_start3A_33 : memref<80xi32, #tpu.memory_space<vmem>>) semaphore(%arg13 : memref<!tpu.dma_semaphore, #tpu.memory_space<semaphore_mem>>)
    %dma_start3A_37 = arith.constant 1 : i32
    %dma_start3A_38 = arith.constant 0 : i32
    %dma_start3A_39 = tpu.memref_slice %arg7[%dma_start3A_37, %dma_start3A_38] : memref<16x80xi32, #tpu.memory_space<vmem>> -> memref<1x80xi32, #tpu.memory_space<vmem>>
    %dma_start3A_40 = tpu.memref_squeeze %dma_start3A_39 : memref<1x80xi32, #tpu.memory_space<vmem>> -> memref<80xi32, #tpu.memory_space<vmem>>
    %dma_start3A_41 = arith.constant 0 : i32
    %dma_start3A_42 = arith.constant 0 : i32
    %dma_start3A_43 = tpu.memref_slice %arg2[%dma_start3A_41, %dma_start3A_42] : memref<10000x128xf32, #tpu.memory_space<hbm>> -> memref<10000x128xf32, #tpu.memory_space<hbm>>
    tpu.enqueue_indirect_dma source(%dma_start3A_43 : memref<10000x128xf32, #tpu.memory_space<hbm>>) target(%arg10 : memref<80x128xf32, #tpu.memory_space<vmem>>) offsets(%dma_start3A_40 : memref<80xi32, #tpu.memory_space<vmem>>) semaphore(%arg14 : memref<!tpu.dma_semaphore, #tpu.memory_space<semaphore_mem>>)
    %dma_start3A_44 = arith.constant 2 : i32
    %dma_start3A_45 = arith.constant 0 : i32
    %dma_start3A_46 = tpu.memref_slice %arg7[%dma_start3A_44, %dma_start3A_45] : memref<16x80xi32, #tpu.memory_space<vmem>> -> memref<1x80xi32, #tpu.memory_space<vmem>>
    %dma_start3A_47 = tpu.memref_squeeze %dma_start3A_46 : memref<1x80xi32, #tpu.memory_space<vmem>> -> memref<80xi32, #tpu.memory_space<vmem>>
    %dma_start3A_48 = arith.constant 0 : i32
    %dma_start3A_49 = arith.constant 0 : i32
    %dma_start3A_50 = tpu.memref_slice %arg2[%dma_start3A_48, %dma_start3A_49] : memref<10000x128xf32, #tpu.memory_space<hbm>> -> memref<10000x128xf32, #tpu.memory_space<hbm>>
    tpu.enqueue_indirect_dma source(%dma_start3A_50 : memref<10000x128xf32, #tpu.memory_space<hbm>>) target(%arg11 : memref<80x128xf32, #tpu.memory_space<vmem>>) offsets(%dma_start3A_47 : memref<80xi32, #tpu.memory_space<vmem>>) semaphore(%arg15 : memref<!tpu.dma_semaphore, #tpu.memory_space<semaphore_mem>>)
    %dma_start3A_51 = arith.constant 3 : i32
    %dma_start3A_52 = arith.constant 0 : i32
    %dma_start3A_53 = tpu.memref_slice %arg7[%dma_start3A_51, %dma_start3A_52] : memref<16x80xi32, #tpu.memory_space<vmem>> -> memref<1x80xi32, #tpu.memory_space<vmem>>
    %dma_start3A_54 = tpu.memref_squeeze %dma_start3A_53 : memref<1x80xi32, #tpu.memory_space<vmem>> -> memref<80xi32, #tpu.memory_space<vmem>>
    %dma_start3A_55 = arith.constant 0 : i32
    %dma_start3A_56 = arith.constant 0 : i32
    %dma_start3A_57 = tpu.memref_slice %arg2[%dma_start3A_55, %dma_start3A_56] : memref<10000x128xf32, #tpu.memory_space<hbm>> -> memref<10000x128xf32, #tpu.memory_space<hbm>>
    tpu.enqueue_indirect_dma source(%dma_start3A_57 : memref<10000x128xf32, #tpu.memory_space<hbm>>) target(%arg12 : memref<80x128xf32, #tpu.memory_space<vmem>>) offsets(%dma_start3A_54 : memref<80xi32, #tpu.memory_space<vmem>>) semaphore(%arg16 : memref<!tpu.dma_semaphore, #tpu.memory_space<semaphore_mem>>)
    %scan3A = arith.constant 0 : i32
    %scan3A_58 = arith.constant 0 : i32
    %scan3A_59 = arith.constant 34 : i32
    %scan3A_60 = arith.addi %scan3A_58, %scan3A_59 : i32
    %scan3A_61 = arith.constant 1 : i32
    scf.for %scan3A_95 = %scan3A_58 to %scan3A_60 step %scan3A_61  : i32 {
      %jit3A = arith.constant 2 : i32
      %div3A = arith.divsi %scan3A_95, %jit3A : i32
      %sign3A = arith.constant 0 : i32
      %sign3A_96 = arith.cmpi sgt, %scan3A_95, %sign3A : i32
      %sign3A_97 = arith.extui %sign3A_96 : i1 to i32
      %sign3A_98 = arith.constant 0 : i32
      %sign3A_99 = arith.cmpi slt, %scan3A_95, %sign3A_98 : i32
      %sign3A_100 = arith.extui %sign3A_99 : i1 to i32
      %sign3A_101 = arith.subi %sign3A_97, %sign3A_100 : i32
      %sign3A_102 = arith.constant 0 : i32
      %sign3A_103 = arith.cmpi sgt, %jit3A, %sign3A_102 : i32
      %sign3A_104 = arith.extui %sign3A_103 : i1 to i32
      %sign3A_105 = arith.constant 0 : i32
      %sign3A_106 = arith.cmpi slt, %jit3A, %sign3A_105 : i32
      %sign3A_107 = arith.extui %sign3A_106 : i1 to i32
      %sign3A_108 = arith.subi %sign3A_104, %sign3A_107 : i32
      %ne3A = arith.cmpi ne, %sign3A_101, %sign3A_108 : i32
      %rem3A = arith.remsi %scan3A_95, %jit3A : i32
      %ne3A_109 = arith.constant 0 : i32
      %ne3A_110 = arith.cmpi ne, %rem3A, %ne3A_109 : i32
      %and3A = arith.andi %ne3A, %ne3A_110 : i1
      %sub3A = arith.constant 1 : i32
      %sub3A_111 = arith.subi %div3A, %sub3A : i32
      %select_n3A = arith.select %and3A, %sub3A_111, %div3A : i32
      %jit3A_112 = arith.constant 2 : i32
      %eq3A = arith.constant 0 : i32
      %eq3A_113 = arith.cmpi eq, %jit3A_112, %eq3A : i32
      %jit3A_114 = arith.constant 1 : i32
      %select_n3A_115 = arith.select %eq3A_113, %jit3A_114, %jit3A_112 : i32
      %rem3A_116 = arith.remsi %scan3A_95, %select_n3A_115 : i32
      %ne3A_117 = arith.constant 0 : i32
      %ne3A_118 = arith.cmpi ne, %rem3A_116, %ne3A_117 : i32
      %lt3A = arith.constant 0 : i32
      %lt3A_119 = arith.cmpi slt, %rem3A_116, %lt3A : i32
      %lt3A_120 = arith.constant 0 : i32
      %lt3A_121 = arith.cmpi slt, %select_n3A_115, %lt3A_120 : i32
      %ne3A_122 = arith.xori %lt3A_119, %lt3A_121 : i1
      %and3A_123 = arith.andi %ne3A_122, %ne3A_118 : i1
      %add3A_124 = arith.addi %rem3A_116, %select_n3A_115 : i32
      %select_n3A_125 = arith.select %and3A_123, %add3A_124, %rem3A_116 : i32
      %eq3A_126 = arith.constant 1 : i32
      %eq3A_127 = arith.cmpi eq, %select_n3A_125, %eq3A_126 : i32
      %add3A_128 = arith.constant 1 : i32
      %add3A_129 = arith.addi %select_n3A, %add3A_128 : i32
      %lt3A_130 = arith.constant 17 : i32
      %lt3A_131 = arith.cmpi slt, %add3A_129, %lt3A_130 : i32
      %and3A_132 = arith.andi %eq3A_127, %lt3A_131 : i1
      %convert_element_type3A = arith.extui %and3A_132 : i1 to i32
      %cond3A = arith.constant 0 : i32
      %cond3A_133 = arith.cmpi ne, %convert_element_type3A, %cond3A : i32
      scf.if %cond3A_133 {
        %dma_wait3A_281 = arith.constant 0 : i32
        %dma_wait3A_282 = arith.constant 0 : i32
        %dma_wait3A_283 = tpu.memref_slice %arg7[%dma_wait3A_281, %dma_wait3A_282] : memref<16x80xi32, #tpu.memory_space<vmem>> -> memref<8x80xi32, #tpu.memory_space<vmem>>
        %dma_wait3A_284 = arith.constant 0 : i32
        %dma_wait3A_285 = arith.constant 0 : i32
        %dma_wait3A_286 = tpu.memref_slice %arg3[%add3A, %dma_wait3A_284, %dma_wait3A_285] : memref<32x136x80xi32, #tpu.memory_space<hbm>> -> memref<1x8x80xi32, #tpu.memory_space<hbm>>
        %dma_wait3A_287 = tpu.memref_squeeze %dma_wait3A_286 : memref<1x8x80xi32, #tpu.memory_space<hbm>> -> memref<8x80xi32, #tpu.memory_space<hbm>>
        %dma_wait3A_288 = arith.constant 0 : i32
        %dma_wait3A_289 = arith.constant 0 : i32
        %dma_wait3A_290 = tpu.memref_slice %arg7[%dma_wait3A_288, %dma_wait3A_289] : memref<16x80xi32, #tpu.memory_space<vmem>> -> memref<8x80xi32, #tpu.memory_space<vmem>>
        %dma_wait3A_291 = arith.constant 0 : i32
        %dma_wait3A_292 = arith.constant 0 : i32
        %dma_wait3A_293 = tpu.memref_slice %arg3[%add3A, %dma_wait3A_291, %dma_wait3A_292] : memref<32x136x80xi32, #tpu.memory_space<hbm>> -> memref<1x8x80xi32, #tpu.memory_space<hbm>>
        %dma_wait3A_294 = tpu.memref_squeeze %dma_wait3A_293 : memref<1x8x80xi32, #tpu.memory_space<hbm>> -> memref<8x80xi32, #tpu.memory_space<hbm>>
        tpu.wait_dma2 semaphore(%arg21 : memref<!tpu.dma_semaphore, #tpu.memory_space<semaphore_mem>>) src(%dma_wait3A_294 : memref<8x80xi32, #tpu.memory_space<hbm>>) dst(%dma_wait3A_290 : memref<8x80xi32, #tpu.memory_space<vmem>>)
        %dma_wait3A_295 = arith.constant 0 : i32
        %dma_wait3A_296 = arith.constant 0 : i32
        %dma_wait3A_297 = tpu.memref_slice %arg8[%dma_wait3A_295, %dma_wait3A_296] : memref<16x80xi32, #tpu.memory_space<vmem>> -> memref<8x80xi32, #tpu.memory_space<vmem>>
        %dma_wait3A_298 = arith.constant 0 : i32
        %dma_wait3A_299 = arith.constant 0 : i32
        %dma_wait3A_300 = tpu.memref_slice %arg4[%add3A, %dma_wait3A_298, %dma_wait3A_299] : memref<32x136x80xi32, #tpu.memory_space<hbm>> -> memref<1x8x80xi32, #tpu.memory_space<hbm>>
        %dma_wait3A_301 = tpu.memref_squeeze %dma_wait3A_300 : memref<1x8x80xi32, #tpu.memory_space<hbm>> -> memref<8x80xi32, #tpu.memory_space<hbm>>
        %dma_wait3A_302 = arith.constant 0 : i32
        %dma_wait3A_303 = arith.constant 0 : i32
        %dma_wait3A_304 = tpu.memref_slice %arg8[%dma_wait3A_302, %dma_wait3A_303] : memref<16x80xi32, #tpu.memory_space<vmem>> -> memref<8x80xi32, #tpu.memory_space<vmem>>
        %dma_wait3A_305 = arith.constant 0 : i32
        %dma_wait3A_306 = arith.constant 0 : i32
        %dma_wait3A_307 = tpu.memref_slice %arg4[%add3A, %dma_wait3A_305, %dma_wait3A_306] : memref<32x136x80xi32, #tpu.memory_space<hbm>> -> memref<1x8x80xi32, #tpu.memory_space<hbm>>
        %dma_wait3A_308 = tpu.memref_squeeze %dma_wait3A_307 : memref<1x8x80xi32, #tpu.memory_space<hbm>> -> memref<8x80xi32, #tpu.memory_space<hbm>>
        tpu.wait_dma2 semaphore(%arg21 : memref<!tpu.dma_semaphore, #tpu.memory_space<semaphore_mem>>) src(%dma_wait3A_308 : memref<8x80xi32, #tpu.memory_space<hbm>>) dst(%dma_wait3A_304 : memref<8x80xi32, #tpu.memory_space<vmem>>)
      } else {
      }
      %eq3A_134 = arith.constant 0 : i32
      %eq3A_135 = arith.cmpi eq, %select_n3A_125, %eq3A_134 : i32
      %ge3A = arith.constant 1 : i32
      %ge3A_136 = arith.cmpi sge, %select_n3A, %ge3A : i32
      %add3A_137 = arith.constant 1 : i32
      %add3A_138 = arith.addi %select_n3A, %add3A_137 : i32
      %lt3A_139 = arith.constant 17 : i32
      %lt3A_140 = arith.cmpi slt, %add3A_138, %lt3A_139 : i32
      %and3A_141 = arith.andi %ge3A_136, %lt3A_140 : i1
      %and3A_142 = arith.andi %eq3A_135, %and3A_141 : i1
      %convert_element_type3A_143 = arith.extui %and3A_142 : i1 to i32
      %cond3A_144 = arith.constant 0 : i32
      %cond3A_145 = arith.cmpi ne, %convert_element_type3A_143, %cond3A_144 : i32
      scf.if %cond3A_145 {
        %add3A_281 = arith.constant 1 : i32
        %add3A_282 = arith.addi %select_n3A, %add3A_281 : i32
        %jit3A_283 = arith.constant 2 : i32
        %eq3A_284 = arith.constant 0 : i32
        %eq3A_285 = arith.cmpi eq, %jit3A_283, %eq3A_284 : i32
        %jit3A_286 = arith.constant 1 : i32
        %select_n3A_287 = arith.select %eq3A_285, %jit3A_286, %jit3A_283 : i32
        %rem3A_288 = arith.remsi %add3A_282, %select_n3A_287 : i32
        %ne3A_289 = arith.constant 0 : i32
        %ne3A_290 = arith.cmpi ne, %rem3A_288, %ne3A_289 : i32
        %lt3A_291 = arith.constant 0 : i32
        %lt3A_292 = arith.cmpi slt, %rem3A_288, %lt3A_291 : i32
        %lt3A_293 = arith.constant 0 : i32
        %lt3A_294 = arith.cmpi slt, %select_n3A_287, %lt3A_293 : i32
        %ne3A_295 = arith.xori %lt3A_292, %lt3A_294 : i1
        %and3A_296 = arith.andi %ne3A_295, %ne3A_290 : i1
        %add3A_297 = arith.addi %rem3A_288, %select_n3A_287 : i32
        %select_n3A_298 = arith.select %and3A_296, %add3A_297, %rem3A_288 : i32
        %mul3A_299 = arith.constant 8 : i32
        %mul3A_300 = arith.muli %select_n3A_298, %mul3A_299 : i32
        %multiple_of3A = tpu.assume_multiple %mul3A_300, 8 : i32
        %add3A_301 = arith.constant 1 : i32
        %add3A_302 = arith.addi %select_n3A, %add3A_301 : i32
        %mul3A_303 = arith.constant 8 : i32
        %mul3A_304 = arith.muli %add3A_302, %mul3A_303 : i32
        %multiple_of3A_305 = tpu.assume_multiple %mul3A_304, 8 : i32
        %dma_start3A_306 = arith.constant 0 : i32
        %dma_start3A_307 = tpu.memref_slice %arg7[%multiple_of3A, %dma_start3A_306] : memref<16x80xi32, #tpu.memory_space<vmem>> -> memref<8x80xi32, #tpu.memory_space<vmem>>
        %dma_start3A_308 = arith.constant 0 : i32
        %dma_start3A_309 = tpu.memref_slice %arg3[%add3A, %multiple_of3A_305, %dma_start3A_308] : memref<32x136x80xi32, #tpu.memory_space<hbm>> -> memref<1x8x80xi32, #tpu.memory_space<hbm>>
        %dma_start3A_310 = tpu.memref_squeeze %dma_start3A_309 : memref<1x8x80xi32, #tpu.memory_space<hbm>> -> memref<8x80xi32, #tpu.memory_space<hbm>>
        %dma_start3A_311 = arith.constant 0 : i32
        %dma_start3A_312 = tpu.memref_slice %arg7[%multiple_of3A, %dma_start3A_311] : memref<16x80xi32, #tpu.memory_space<vmem>> -> memref<8x80xi32, #tpu.memory_space<vmem>>
        %dma_start3A_313 = arith.constant 0 : i32
        %dma_start3A_314 = tpu.memref_slice %arg3[%add3A, %multiple_of3A_305, %dma_start3A_313] : memref<32x136x80xi32, #tpu.memory_space<hbm>> -> memref<1x8x80xi32, #tpu.memory_space<hbm>>
        %dma_start3A_315 = tpu.memref_squeeze %dma_start3A_314 : memref<1x8x80xi32, #tpu.memory_space<hbm>> -> memref<8x80xi32, #tpu.memory_space<hbm>>
        tpu.enqueue_dma source(%dma_start3A_315 : memref<8x80xi32, #tpu.memory_space<hbm>>) target(%dma_start3A_312 : memref<8x80xi32, #tpu.memory_space<vmem>>) target_semaphore(%arg21 : memref<!tpu.dma_semaphore, #tpu.memory_space<semaphore_mem>>)
        %dma_start3A_316 = arith.constant 0 : i32
        %dma_start3A_317 = tpu.memref_slice %arg8[%multiple_of3A, %dma_start3A_316] : memref<16x80xi32, #tpu.memory_space<vmem>> -> memref<8x80xi32, #tpu.memory_space<vmem>>
        %dma_start3A_318 = arith.constant 0 : i32
        %dma_start3A_319 = tpu.memref_slice %arg4[%add3A, %multiple_of3A_305, %dma_start3A_318] : memref<32x136x80xi32, #tpu.memory_space<hbm>> -> memref<1x8x80xi32, #tpu.memory_space<hbm>>
        %dma_start3A_320 = tpu.memref_squeeze %dma_start3A_319 : memref<1x8x80xi32, #tpu.memory_space<hbm>> -> memref<8x80xi32, #tpu.memory_space<hbm>>
        %dma_start3A_321 = arith.constant 0 : i32
        %dma_start3A_322 = tpu.memref_slice %arg8[%multiple_of3A, %dma_start3A_321] : memref<16x80xi32, #tpu.memory_space<vmem>> -> memref<8x80xi32, #tpu.memory_space<vmem>>
        %dma_start3A_323 = arith.constant 0 : i32
        %dma_start3A_324 = tpu.memref_slice %arg4[%add3A, %multiple_of3A_305, %dma_start3A_323] : memref<32x136x80xi32, #tpu.memory_space<hbm>> -> memref<1x8x80xi32, #tpu.memory_space<hbm>>
        %dma_start3A_325 = tpu.memref_squeeze %dma_start3A_324 : memref<1x8x80xi32, #tpu.memory_space<hbm>> -> memref<8x80xi32, #tpu.memory_space<hbm>>
        tpu.enqueue_dma source(%dma_start3A_325 : memref<8x80xi32, #tpu.memory_space<hbm>>) target(%dma_start3A_322 : memref<8x80xi32, #tpu.memory_space<vmem>>) target_semaphore(%arg21 : memref<!tpu.dma_semaphore, #tpu.memory_space<semaphore_mem>>)
      } else {
      }
      %mul3A_146 = arith.constant 4 : i32
      %mul3A_147 = arith.muli %scan3A_95, %mul3A_146 : i32
      %add3A_148 = arith.constant 0 : i32
      %add3A_149 = arith.addi %mul3A_147, %add3A_148 : i32
      %jit3A_150 = arith.constant 16 : i32
      %eq3A_151 = arith.constant 0 : i32
      %eq3A_152 = arith.cmpi eq, %jit3A_150, %eq3A_151 : i32
      %jit3A_153 = arith.constant 1 : i32
      %select_n3A_154 = arith.select %eq3A_152, %jit3A_153, %jit3A_150 : i32
      %rem3A_155 = arith.remsi %add3A_149, %select_n3A_154 : i32
      %ne3A_156 = arith.constant 0 : i32
      %ne3A_157 = arith.cmpi ne, %rem3A_155, %ne3A_156 : i32
      %lt3A_158 = arith.constant 0 : i32
      %lt3A_159 = arith.cmpi slt, %rem3A_155, %lt3A_158 : i32
      %lt3A_160 = arith.constant 0 : i32
      %lt3A_161 = arith.cmpi slt, %select_n3A_154, %lt3A_160 : i32
      %ne3A_162 = arith.xori %lt3A_159, %lt3A_161 : i1
      %and3A_163 = arith.andi %ne3A_162, %ne3A_157 : i1
      %add3A_164 = arith.addi %rem3A_155, %select_n3A_154 : i32
      %select_n3A_165 = arith.select %and3A_163, %add3A_164, %rem3A_155 : i32
      %dma_wait3A_166 = arith.constant 0 : i32
      %dma_wait3A_167 = tpu.memref_slice %arg7[%select_n3A_165, %dma_wait3A_166] : memref<16x80xi32, #tpu.memory_space<vmem>> -> memref<1x80xi32, #tpu.memory_space<vmem>>
      %dma_wait3A_168 = tpu.memref_squeeze %dma_wait3A_167 : memref<1x80xi32, #tpu.memory_space<vmem>> -> memref<80xi32, #tpu.memory_space<vmem>>
      %dma_wait3A_169 = arith.constant 0 : i32
      %dma_wait3A_170 = arith.constant 0 : i32
      %dma_wait3A_171 = tpu.memref_slice %arg2[%dma_wait3A_169, %dma_wait3A_170] : memref<10000x128xf32, #tpu.memory_space<hbm>> -> memref<10000x128xf32, #tpu.memory_space<hbm>>
      tpu.wait_indirect_dma semaphore(%arg13 : memref<!tpu.dma_semaphore, #tpu.memory_space<semaphore_mem>>) src(%dma_wait3A_171 : memref<10000x128xf32, #tpu.memory_space<hbm>>) dst(%arg9 : memref<80x128xf32, #tpu.memory_space<vmem>>)
      %dma_start3A_172 = arith.constant 0 : i32
      %dma_start3A_173 = tpu.memref_slice %arg8[%select_n3A_165, %dma_start3A_172] : memref<16x80xi32, #tpu.memory_space<vmem>> -> memref<1x80xi32, #tpu.memory_space<vmem>>
      %dma_start3A_174 = tpu.memref_squeeze %dma_start3A_173 : memref<1x80xi32, #tpu.memory_space<vmem>> -> memref<80xi32, #tpu.memory_space<vmem>>
      %dma_start3A_175 = arith.constant 0 : i32
      %dma_start3A_176 = arith.constant 0 : i32
      %dma_start3A_177 = tpu.memref_slice %arg22[%dma_start3A_175, %dma_start3A_176] : memref<10112x128xf32, #tpu.memory_space<vmem_shared>> -> memref<10112x128xf32, #tpu.memory_space<vmem_shared>>
      tpu.enqueue_indirect_dma source(%arg9 : memref<80x128xf32, #tpu.memory_space<vmem>>) target(%dma_start3A_177 : memref<10112x128xf32, #tpu.memory_space<vmem_shared>>) offsets(%dma_start3A_174 : memref<80xi32, #tpu.memory_space<vmem>>) semaphore(%arg17 : memref<!tpu.dma_semaphore, #tpu.memory_space<semaphore_mem>>) {add = true}
      %mul3A_178 = arith.constant 4 : i32
      %mul3A_179 = arith.muli %scan3A_95, %mul3A_178 : i32
      %add3A_180 = arith.constant 1 : i32
      %add3A_181 = arith.addi %mul3A_179, %add3A_180 : i32
      %jit3A_182 = arith.constant 16 : i32
      %eq3A_183 = arith.constant 0 : i32
      %eq3A_184 = arith.cmpi eq, %jit3A_182, %eq3A_183 : i32
      %jit3A_185 = arith.constant 1 : i32
      %select_n3A_186 = arith.select %eq3A_184, %jit3A_185, %jit3A_182 : i32
      %rem3A_187 = arith.remsi %add3A_181, %select_n3A_186 : i32
      %ne3A_188 = arith.constant 0 : i32
      %ne3A_189 = arith.cmpi ne, %rem3A_187, %ne3A_188 : i32
      %lt3A_190 = arith.constant 0 : i32
      %lt3A_191 = arith.cmpi slt, %rem3A_187, %lt3A_190 : i32
      %lt3A_192 = arith.constant 0 : i32
      %lt3A_193 = arith.cmpi slt, %select_n3A_186, %lt3A_192 : i32
      %ne3A_194 = arith.xori %lt3A_191, %lt3A_193 : i1
      %and3A_195 = arith.andi %ne3A_194, %ne3A_189 : i1
      %add3A_196 = arith.addi %rem3A_187, %select_n3A_186 : i32
      %select_n3A_197 = arith.select %and3A_195, %add3A_196, %rem3A_187 : i32
      %dma_wait3A_198 = arith.constant 0 : i32
      %dma_wait3A_199 = tpu.memref_slice %arg7[%select_n3A_197, %dma_wait3A_198] : memref<16x80xi32, #tpu.memory_space<vmem>> -> memref<1x80xi32, #tpu.memory_space<vmem>>
      %dma_wait3A_200 = tpu.memref_squeeze %dma_wait3A_199 : memref<1x80xi32, #tpu.memory_space<vmem>> -> memref<80xi32, #tpu.memory_space<vmem>>
      %dma_wait3A_201 = arith.constant 0 : i32
      %dma_wait3A_202 = arith.constant 0 : i32
      %dma_wait3A_203 = tpu.memref_slice %arg2[%dma_wait3A_201, %dma_wait3A_202] : memref<10000x128xf32, #tpu.memory_space<hbm>> -> memref<10000x128xf32, #tpu.memory_space<hbm>>
      tpu.wait_indirect_dma semaphore(%arg14 : memref<!tpu.dma_semaphore, #tpu.memory_space<semaphore_mem>>) src(%dma_wait3A_203 : memref<10000x128xf32, #tpu.memory_space<hbm>>) dst(%arg10 : memref<80x128xf32, #tpu.memory_space<vmem>>)
      %dma_start3A_204 = arith.constant 0 : i32
      %dma_start3A_205 = tpu.memref_slice %arg8[%select_n3A_197, %dma_start3A_204] : memref<16x80xi32, #tpu.memory_space<vmem>> -> memref<1x80xi32, #tpu.memory_space<vmem>>
      %dma_start3A_206 = tpu.memref_squeeze %dma_start3A_205 : memref<1x80xi32, #tpu.memory_space<vmem>> -> memref<80xi32, #tpu.memory_space<vmem>>
      %dma_start3A_207 = arith.constant 0 : i32
      %dma_start3A_208 = arith.constant 0 : i32
      %dma_start3A_209 = tpu.memref_slice %arg22[%dma_start3A_207, %dma_start3A_208] : memref<10112x128xf32, #tpu.memory_space<vmem_shared>> -> memref<10112x128xf32, #tpu.memory_space<vmem_shared>>
      tpu.enqueue_indirect_dma source(%arg10 : memref<80x128xf32, #tpu.memory_space<vmem>>) target(%dma_start3A_209 : memref<10112x128xf32, #tpu.memory_space<vmem_shared>>) offsets(%dma_start3A_206 : memref<80xi32, #tpu.memory_space<vmem>>) semaphore(%arg18 : memref<!tpu.dma_semaphore, #tpu.memory_space<semaphore_mem>>) {add = true}
      %mul3A_210 = arith.constant 4 : i32
      %mul3A_211 = arith.muli %scan3A_95, %mul3A_210 : i32
      %add3A_212 = arith.constant 2 : i32
      %add3A_213 = arith.addi %mul3A_211, %add3A_212 : i32
      %jit3A_214 = arith.constant 16 : i32
      %eq3A_215 = arith.constant 0 : i32
      %eq3A_216 = arith.cmpi eq, %jit3A_214, %eq3A_215 : i32
      %jit3A_217 = arith.constant 1 : i32
      %select_n3A_218 = arith.select %eq3A_216, %jit3A_217, %jit3A_214 : i32
      %rem3A_219 = arith.remsi %add3A_213, %select_n3A_218 : i32
      %ne3A_220 = arith.constant 0 : i32
      %ne3A_221 = arith.cmpi ne, %rem3A_219, %ne3A_220 : i32
      %lt3A_222 = arith.constant 0 : i32
      %lt3A_223 = arith.cmpi slt, %rem3A_219, %lt3A_222 : i32
      %lt3A_224 = arith.constant 0 : i32
      %lt3A_225 = arith.cmpi slt, %select_n3A_218, %lt3A_224 : i32
      %ne3A_226 = arith.xori %lt3A_223, %lt3A_225 : i1
      %and3A_227 = arith.andi %ne3A_226, %ne3A_221 : i1
      %add3A_228 = arith.addi %rem3A_219, %select_n3A_218 : i32
      %select_n3A_229 = arith.select %and3A_227, %add3A_228, %rem3A_219 : i32
      %dma_wait3A_230 = arith.constant 0 : i32
      %dma_wait3A_231 = tpu.memref_slice %arg7[%select_n3A_229, %dma_wait3A_230] : memref<16x80xi32, #tpu.memory_space<vmem>> -> memref<1x80xi32, #tpu.memory_space<vmem>>
      %dma_wait3A_232 = tpu.memref_squeeze %dma_wait3A_231 : memref<1x80xi32, #tpu.memory_space<vmem>> -> memref<80xi32, #tpu.memory_space<vmem>>
      %dma_wait3A_233 = arith.constant 0 : i32
      %dma_wait3A_234 = arith.constant 0 : i32
      %dma_wait3A_235 = tpu.memref_slice %arg2[%dma_wait3A_233, %dma_wait3A_234] : memref<10000x128xf32, #tpu.memory_space<hbm>> -> memref<10000x128xf32, #tpu.memory_space<hbm>>
      tpu.wait_indirect_dma semaphore(%arg15 : memref<!tpu.dma_semaphore, #tpu.memory_space<semaphore_mem>>) src(%dma_wait3A_235 : memref<10000x128xf32, #tpu.memory_space<hbm>>) dst(%arg11 : memref<80x128xf32, #tpu.memory_space<vmem>>)
      %dma_start3A_236 = arith.constant 0 : i32
      %dma_start3A_237 = tpu.memref_slice %arg8[%select_n3A_229, %dma_start3A_236] : memref<16x80xi32, #tpu.memory_space<vmem>> -> memref<1x80xi32, #tpu.memory_space<vmem>>
      %dma_start3A_238 = tpu.memref_squeeze %dma_start3A_237 : memref<1x80xi32, #tpu.memory_space<vmem>> -> memref<80xi32, #tpu.memory_space<vmem>>
      %dma_start3A_239 = arith.constant 0 : i32
      %dma_start3A_240 = arith.constant 0 : i32
      %dma_start3A_241 = tpu.memref_slice %arg22[%dma_start3A_239, %dma_start3A_240] : memref<10112x128xf32, #tpu.memory_space<vmem_shared>> -> memref<10112x128xf32, #tpu.memory_space<vmem_shared>>
      tpu.enqueue_indirect_dma source(%arg11 : memref<80x128xf32, #tpu.memory_space<vmem>>) target(%dma_start3A_241 : memref<10112x128xf32, #tpu.memory_space<vmem_shared>>) offsets(%dma_start3A_238 : memref<80xi32, #tpu.memory_space<vmem>>) semaphore(%arg19 : memref<!tpu.dma_semaphore, #tpu.memory_space<semaphore_mem>>) {add = true}
      %mul3A_242 = arith.constant 4 : i32
      %mul3A_243 = arith.muli %scan3A_95, %mul3A_242 : i32
      %add3A_244 = arith.constant 3 : i32
      %add3A_245 = arith.addi %mul3A_243, %add3A_244 : i32
      %jit3A_246 = arith.constant 16 : i32
      %eq3A_247 = arith.constant 0 : i32
      %eq3A_248 = arith.cmpi eq, %jit3A_246, %eq3A_247 : i32
      %jit3A_249 = arith.constant 1 : i32
      %select_n3A_250 = arith.select %eq3A_248, %jit3A_249, %jit3A_246 : i32
      %rem3A_251 = arith.remsi %add3A_245, %select_n3A_250 : i32
      %ne3A_252 = arith.constant 0 : i32
      %ne3A_253 = arith.cmpi ne, %rem3A_251, %ne3A_252 : i32
      %lt3A_254 = arith.constant 0 : i32
      %lt3A_255 = arith.cmpi slt, %rem3A_251, %lt3A_254 : i32
      %lt3A_256 = arith.constant 0 : i32
      %lt3A_257 = arith.cmpi slt, %select_n3A_250, %lt3A_256 : i32
      %ne3A_258 = arith.xori %lt3A_255, %lt3A_257 : i1
      %and3A_259 = arith.andi %ne3A_258, %ne3A_253 : i1
      %add3A_260 = arith.addi %rem3A_251, %select_n3A_250 : i32
      %select_n3A_261 = arith.select %and3A_259, %add3A_260, %rem3A_251 : i32
      %dma_wait3A_262 = arith.constant 0 : i32
      %dma_wait3A_263 = tpu.memref_slice %arg7[%select_n3A_261, %dma_wait3A_262] : memref<16x80xi32, #tpu.memory_space<vmem>> -> memref<1x80xi32, #tpu.memory_space<vmem>>
      %dma_wait3A_264 = tpu.memref_squeeze %dma_wait3A_263 : memref<1x80xi32, #tpu.memory_space<vmem>> -> memref<80xi32, #tpu.memory_space<vmem>>
      %dma_wait3A_265 = arith.constant 0 : i32
      %dma_wait3A_266 = arith.constant 0 : i32
      %dma_wait3A_267 = tpu.memref_slice %arg2[%dma_wait3A_265, %dma_wait3A_266] : memref<10000x128xf32, #tpu.memory_space<hbm>> -> memref<10000x128xf32, #tpu.memory_space<hbm>>
      tpu.wait_indirect_dma semaphore(%arg16 : memref<!tpu.dma_semaphore, #tpu.memory_space<semaphore_mem>>) src(%dma_wait3A_267 : memref<10000x128xf32, #tpu.memory_space<hbm>>) dst(%arg12 : memref<80x128xf32, #tpu.memory_space<vmem>>)
      %dma_start3A_268 = arith.constant 0 : i32
      %dma_start3A_269 = tpu.memref_slice %arg8[%select_n3A_261, %dma_start3A_268] : memref<16x80xi32, #tpu.memory_space<vmem>> -> memref<1x80xi32, #tpu.memory_space<vmem>>
      %dma_start3A_270 = tpu.memref_squeeze %dma_start3A_269 : memref<1x80xi32, #tpu.memory_space<vmem>> -> memref<80xi32, #tpu.memory_space<vmem>>
      %dma_start3A_271 = arith.constant 0 : i32
      %dma_start3A_272 = arith.constant 0 : i32
      %dma_start3A_273 = tpu.memref_slice %arg22[%dma_start3A_271, %dma_start3A_272] : memref<10112x128xf32, #tpu.memory_space<vmem_shared>> -> memref<10112x128xf32, #tpu.memory_space<vmem_shared>>
      tpu.enqueue_indirect_dma source(%arg12 : memref<80x128xf32, #tpu.memory_space<vmem>>) target(%dma_start3A_273 : memref<10112x128xf32, #tpu.memory_space<vmem_shared>>) offsets(%dma_start3A_270 : memref<80xi32, #tpu.memory_space<vmem>>) semaphore(%arg20 : memref<!tpu.dma_semaphore, #tpu.memory_space<semaphore_mem>>) {add = true}
      %add3A_274 = arith.constant 1 : i32
      %add3A_275 = arith.addi %scan3A_95, %add3A_274 : i32
      %lt3A_276 = arith.constant 34 : i32
      %lt3A_277 = arith.cmpi slt, %add3A_275, %lt3A_276 : i32
      %convert_element_type3A_278 = arith.extui %lt3A_277 : i1 to i32
      %cond3A_279 = arith.constant 0 : i32
      %cond3A_280 = arith.cmpi ne, %convert_element_type3A_278, %cond3A_279 : i32
      scf.if %cond3A_280 {
        %mul3A_281 = arith.constant 4 : i32
        %mul3A_282 = arith.muli %scan3A_95, %mul3A_281 : i32
        %add3A_283 = arith.constant 0 : i32
        %add3A_284 = arith.addi %mul3A_282, %add3A_283 : i32
        %jit3A_285 = arith.constant 16 : i32
        %eq3A_286 = arith.constant 0 : i32
        %eq3A_287 = arith.cmpi eq, %jit3A_285, %eq3A_286 : i32
        %jit3A_288 = arith.constant 1 : i32
        %select_n3A_289 = arith.select %eq3A_287, %jit3A_288, %jit3A_285 : i32
        %rem3A_290 = arith.remsi %add3A_284, %select_n3A_289 : i32
        %ne3A_291 = arith.constant 0 : i32
        %ne3A_292 = arith.cmpi ne, %rem3A_290, %ne3A_291 : i32
        %lt3A_293 = arith.constant 0 : i32
        %lt3A_294 = arith.cmpi slt, %rem3A_290, %lt3A_293 : i32
        %lt3A_295 = arith.constant 0 : i32
        %lt3A_296 = arith.cmpi slt, %select_n3A_289, %lt3A_295 : i32
        %ne3A_297 = arith.xori %lt3A_294, %lt3A_296 : i1
        %and3A_298 = arith.andi %ne3A_297, %ne3A_292 : i1
        %add3A_299 = arith.addi %rem3A_290, %select_n3A_289 : i32
        %select_n3A_300 = arith.select %and3A_298, %add3A_299, %rem3A_290 : i32
        %add3A_301 = arith.constant 4 : i32
        %add3A_302 = arith.addi %add3A_284, %add3A_301 : i32
        %jit3A_303 = arith.constant 16 : i32
        %eq3A_304 = arith.constant 0 : i32
        %eq3A_305 = arith.cmpi eq, %jit3A_303, %eq3A_304 : i32
        %jit3A_306 = arith.constant 1 : i32
        %select_n3A_307 = arith.select %eq3A_305, %jit3A_306, %jit3A_303 : i32
        %rem3A_308 = arith.remsi %add3A_302, %select_n3A_307 : i32
        %ne3A_309 = arith.constant 0 : i32
        %ne3A_310 = arith.cmpi ne, %rem3A_308, %ne3A_309 : i32
        %lt3A_311 = arith.constant 0 : i32
        %lt3A_312 = arith.cmpi slt, %rem3A_308, %lt3A_311 : i32
        %lt3A_313 = arith.constant 0 : i32
        %lt3A_314 = arith.cmpi slt, %select_n3A_307, %lt3A_313 : i32
        %ne3A_315 = arith.xori %lt3A_312, %lt3A_314 : i1
        %and3A_316 = arith.andi %ne3A_315, %ne3A_310 : i1
        %add3A_317 = arith.addi %rem3A_308, %select_n3A_307 : i32
        %select_n3A_318 = arith.select %and3A_316, %add3A_317, %rem3A_308 : i32
        %dma_wait3A_319 = arith.constant 0 : i32
        %dma_wait3A_320 = tpu.memref_slice %arg8[%select_n3A_300, %dma_wait3A_319] : memref<16x80xi32, #tpu.memory_space<vmem>> -> memref<1x80xi32, #tpu.memory_space<vmem>>
        %dma_wait3A_321 = tpu.memref_squeeze %dma_wait3A_320 : memref<1x80xi32, #tpu.memory_space<vmem>> -> memref<80xi32, #tpu.memory_space<vmem>>
        %dma_wait3A_322 = arith.constant 0 : i32
        %dma_wait3A_323 = arith.constant 0 : i32
        %dma_wait3A_324 = tpu.memref_slice %arg22[%dma_wait3A_322, %dma_wait3A_323] : memref<10112x128xf32, #tpu.memory_space<vmem_shared>> -> memref<10112x128xf32, #tpu.memory_space<vmem_shared>>
        tpu.wait_indirect_dma semaphore(%arg17 : memref<!tpu.dma_semaphore, #tpu.memory_space<semaphore_mem>>) src(%arg9 : memref<80x128xf32, #tpu.memory_space<vmem>>) dst(%dma_wait3A_324 : memref<10112x128xf32, #tpu.memory_space<vmem_shared>>)
        %dma_start3A_325 = arith.constant 0 : i32
        %dma_start3A_326 = tpu.memref_slice %arg7[%select_n3A_318, %dma_start3A_325] : memref<16x80xi32, #tpu.memory_space<vmem>> -> memref<1x80xi32, #tpu.memory_space<vmem>>
        %dma_start3A_327 = tpu.memref_squeeze %dma_start3A_326 : memref<1x80xi32, #tpu.memory_space<vmem>> -> memref<80xi32, #tpu.memory_space<vmem>>
        %dma_start3A_328 = arith.constant 0 : i32
        %dma_start3A_329 = arith.constant 0 : i32
        %dma_start3A_330 = tpu.memref_slice %arg2[%dma_start3A_328, %dma_start3A_329] : memref<10000x128xf32, #tpu.memory_space<hbm>> -> memref<10000x128xf32, #tpu.memory_space<hbm>>
        tpu.enqueue_indirect_dma source(%dma_start3A_330 : memref<10000x128xf32, #tpu.memory_space<hbm>>) target(%arg9 : memref<80x128xf32, #tpu.memory_space<vmem>>) offsets(%dma_start3A_327 : memref<80xi32, #tpu.memory_space<vmem>>) semaphore(%arg13 : memref<!tpu.dma_semaphore, #tpu.memory_space<semaphore_mem>>)
        %mul3A_331 = arith.constant 4 : i32
        %mul3A_332 = arith.muli %scan3A_95, %mul3A_331 : i32
        %add3A_333 = arith.constant 1 : i32
        %add3A_334 = arith.addi %mul3A_332, %add3A_333 : i32
        %jit3A_335 = arith.constant 16 : i32
        %eq3A_336 = arith.constant 0 : i32
        %eq3A_337 = arith.cmpi eq, %jit3A_335, %eq3A_336 : i32
        %jit3A_338 = arith.constant 1 : i32
        %select_n3A_339 = arith.select %eq3A_337, %jit3A_338, %jit3A_335 : i32
        %rem3A_340 = arith.remsi %add3A_334, %select_n3A_339 : i32
        %ne3A_341 = arith.constant 0 : i32
        %ne3A_342 = arith.cmpi ne, %rem3A_340, %ne3A_341 : i32
        %lt3A_343 = arith.constant 0 : i32
        %lt3A_344 = arith.cmpi slt, %rem3A_340, %lt3A_343 : i32
        %lt3A_345 = arith.constant 0 : i32
        %lt3A_346 = arith.cmpi slt, %select_n3A_339, %lt3A_345 : i32
        %ne3A_347 = arith.xori %lt3A_344, %lt3A_346 : i1
        %and3A_348 = arith.andi %ne3A_347, %ne3A_342 : i1
        %add3A_349 = arith.addi %rem3A_340, %select_n3A_339 : i32
        %select_n3A_350 = arith.select %and3A_348, %add3A_349, %rem3A_340 : i32
        %add3A_351 = arith.constant 4 : i32
        %add3A_352 = arith.addi %add3A_334, %add3A_351 : i32
        %jit3A_353 = arith.constant 16 : i32
        %eq3A_354 = arith.constant 0 : i32
        %eq3A_355 = arith.cmpi eq, %jit3A_353, %eq3A_354 : i32
        %jit3A_356 = arith.constant 1 : i32
        %select_n3A_357 = arith.select %eq3A_355, %jit3A_356, %jit3A_353 : i32
        %rem3A_358 = arith.remsi %add3A_352, %select_n3A_357 : i32
        %ne3A_359 = arith.constant 0 : i32
        %ne3A_360 = arith.cmpi ne, %rem3A_358, %ne3A_359 : i32
        %lt3A_361 = arith.constant 0 : i32
        %lt3A_362 = arith.cmpi slt, %rem3A_358, %lt3A_361 : i32
        %lt3A_363 = arith.constant 0 : i32
        %lt3A_364 = arith.cmpi slt, %select_n3A_357, %lt3A_363 : i32
        %ne3A_365 = arith.xori %lt3A_362, %lt3A_364 : i1
        %and3A_366 = arith.andi %ne3A_365, %ne3A_360 : i1
        %add3A_367 = arith.addi %rem3A_358, %select_n3A_357 : i32
        %select_n3A_368 = arith.select %and3A_366, %add3A_367, %rem3A_358 : i32
        %dma_wait3A_369 = arith.constant 0 : i32
        %dma_wait3A_370 = tpu.memref_slice %arg8[%select_n3A_350, %dma_wait3A_369] : memref<16x80xi32, #tpu.memory_space<vmem>> -> memref<1x80xi32, #tpu.memory_space<vmem>>
        %dma_wait3A_371 = tpu.memref_squeeze %dma_wait3A_370 : memref<1x80xi32, #tpu.memory_space<vmem>> -> memref<80xi32, #tpu.memory_space<vmem>>
        %dma_wait3A_372 = arith.constant 0 : i32
        %dma_wait3A_373 = arith.constant 0 : i32
        %dma_wait3A_374 = tpu.memref_slice %arg22[%dma_wait3A_372, %dma_wait3A_373] : memref<10112x128xf32, #tpu.memory_space<vmem_shared>> -> memref<10112x128xf32, #tpu.memory_space<vmem_shared>>
        tpu.wait_indirect_dma semaphore(%arg18 : memref<!tpu.dma_semaphore, #tpu.memory_space<semaphore_mem>>) src(%arg10 : memref<80x128xf32, #tpu.memory_space<vmem>>) dst(%dma_wait3A_374 : memref<10112x128xf32, #tpu.memory_space<vmem_shared>>)
        %dma_start3A_375 = arith.constant 0 : i32
        %dma_start3A_376 = tpu.memref_slice %arg7[%select_n3A_368, %dma_start3A_375] : memref<16x80xi32, #tpu.memory_space<vmem>> -> memref<1x80xi32, #tpu.memory_space<vmem>>
        %dma_start3A_377 = tpu.memref_squeeze %dma_start3A_376 : memref<1x80xi32, #tpu.memory_space<vmem>> -> memref<80xi32, #tpu.memory_space<vmem>>
        %dma_start3A_378 = arith.constant 0 : i32
        %dma_start3A_379 = arith.constant 0 : i32
        %dma_start3A_380 = tpu.memref_slice %arg2[%dma_start3A_378, %dma_start3A_379] : memref<10000x128xf32, #tpu.memory_space<hbm>> -> memref<10000x128xf32, #tpu.memory_space<hbm>>
        tpu.enqueue_indirect_dma source(%dma_start3A_380 : memref<10000x128xf32, #tpu.memory_space<hbm>>) target(%arg10 : memref<80x128xf32, #tpu.memory_space<vmem>>) offsets(%dma_start3A_377 : memref<80xi32, #tpu.memory_space<vmem>>) semaphore(%arg14 : memref<!tpu.dma_semaphore, #tpu.memory_space<semaphore_mem>>)
        %mul3A_381 = arith.constant 4 : i32
        %mul3A_382 = arith.muli %scan3A_95, %mul3A_381 : i32
        %add3A_383 = arith.constant 2 : i32
        %add3A_384 = arith.addi %mul3A_382, %add3A_383 : i32
        %jit3A_385 = arith.constant 16 : i32
        %eq3A_386 = arith.constant 0 : i32
        %eq3A_387 = arith.cmpi eq, %jit3A_385, %eq3A_386 : i32
        %jit3A_388 = arith.constant 1 : i32
        %select_n3A_389 = arith.select %eq3A_387, %jit3A_388, %jit3A_385 : i32
        %rem3A_390 = arith.remsi %add3A_384, %select_n3A_389 : i32
        %ne3A_391 = arith.constant 0 : i32
        %ne3A_392 = arith.cmpi ne, %rem3A_390, %ne3A_391 : i32
        %lt3A_393 = arith.constant 0 : i32
        %lt3A_394 = arith.cmpi slt, %rem3A_390, %lt3A_393 : i32
        %lt3A_395 = arith.constant 0 : i32
        %lt3A_396 = arith.cmpi slt, %select_n3A_389, %lt3A_395 : i32
        %ne3A_397 = arith.xori %lt3A_394, %lt3A_396 : i1
        %and3A_398 = arith.andi %ne3A_397, %ne3A_392 : i1
        %add3A_399 = arith.addi %rem3A_390, %select_n3A_389 : i32
        %select_n3A_400 = arith.select %and3A_398, %add3A_399, %rem3A_390 : i32
        %add3A_401 = arith.constant 4 : i32
        %add3A_402 = arith.addi %add3A_384, %add3A_401 : i32
        %jit3A_403 = arith.constant 16 : i32
        %eq3A_404 = arith.constant 0 : i32
        %eq3A_405 = arith.cmpi eq, %jit3A_403, %eq3A_404 : i32
        %jit3A_406 = arith.constant 1 : i32
        %select_n3A_407 = arith.select %eq3A_405, %jit3A_406, %jit3A_403 : i32
        %rem3A_408 = arith.remsi %add3A_402, %select_n3A_407 : i32
        %ne3A_409 = arith.constant 0 : i32
        %ne3A_410 = arith.cmpi ne, %rem3A_408, %ne3A_409 : i32
        %lt3A_411 = arith.constant 0 : i32
        %lt3A_412 = arith.cmpi slt, %rem3A_408, %lt3A_411 : i32
        %lt3A_413 = arith.constant 0 : i32
        %lt3A_414 = arith.cmpi slt, %select_n3A_407, %lt3A_413 : i32
        %ne3A_415 = arith.xori %lt3A_412, %lt3A_414 : i1
        %and3A_416 = arith.andi %ne3A_415, %ne3A_410 : i1
        %add3A_417 = arith.addi %rem3A_408, %select_n3A_407 : i32
        %select_n3A_418 = arith.select %and3A_416, %add3A_417, %rem3A_408 : i32
        %dma_wait3A_419 = arith.constant 0 : i32
        %dma_wait3A_420 = tpu.memref_slice %arg8[%select_n3A_400, %dma_wait3A_419] : memref<16x80xi32, #tpu.memory_space<vmem>> -> memref<1x80xi32, #tpu.memory_space<vmem>>
        %dma_wait3A_421 = tpu.memref_squeeze %dma_wait3A_420 : memref<1x80xi32, #tpu.memory_space<vmem>> -> memref<80xi32, #tpu.memory_space<vmem>>
        %dma_wait3A_422 = arith.constant 0 : i32
        %dma_wait3A_423 = arith.constant 0 : i32
        %dma_wait3A_424 = tpu.memref_slice %arg22[%dma_wait3A_422, %dma_wait3A_423] : memref<10112x128xf32, #tpu.memory_space<vmem_shared>> -> memref<10112x128xf32, #tpu.memory_space<vmem_shared>>
        tpu.wait_indirect_dma semaphore(%arg19 : memref<!tpu.dma_semaphore, #tpu.memory_space<semaphore_mem>>) src(%arg11 : memref<80x128xf32, #tpu.memory_space<vmem>>) dst(%dma_wait3A_424 : memref<10112x128xf32, #tpu.memory_space<vmem_shared>>)
        %dma_start3A_425 = arith.constant 0 : i32
        %dma_start3A_426 = tpu.memref_slice %arg7[%select_n3A_418, %dma_start3A_425] : memref<16x80xi32, #tpu.memory_space<vmem>> -> memref<1x80xi32, #tpu.memory_space<vmem>>
        %dma_start3A_427 = tpu.memref_squeeze %dma_start3A_426 : memref<1x80xi32, #tpu.memory_space<vmem>> -> memref<80xi32, #tpu.memory_space<vmem>>
        %dma_start3A_428 = arith.constant 0 : i32
        %dma_start3A_429 = arith.constant 0 : i32
        %dma_start3A_430 = tpu.memref_slice %arg2[%dma_start3A_428, %dma_start3A_429] : memref<10000x128xf32, #tpu.memory_space<hbm>> -> memref<10000x128xf32, #tpu.memory_space<hbm>>
        tpu.enqueue_indirect_dma source(%dma_start3A_430 : memref<10000x128xf32, #tpu.memory_space<hbm>>) target(%arg11 : memref<80x128xf32, #tpu.memory_space<vmem>>) offsets(%dma_start3A_427 : memref<80xi32, #tpu.memory_space<vmem>>) semaphore(%arg15 : memref<!tpu.dma_semaphore, #tpu.memory_space<semaphore_mem>>)
        %mul3A_431 = arith.constant 4 : i32
        %mul3A_432 = arith.muli %scan3A_95, %mul3A_431 : i32
        %add3A_433 = arith.constant 3 : i32
        %add3A_434 = arith.addi %mul3A_432, %add3A_433 : i32
        %jit3A_435 = arith.constant 16 : i32
        %eq3A_436 = arith.constant 0 : i32
        %eq3A_437 = arith.cmpi eq, %jit3A_435, %eq3A_436 : i32
        %jit3A_438 = arith.constant 1 : i32
        %select_n3A_439 = arith.select %eq3A_437, %jit3A_438, %jit3A_435 : i32
        %rem3A_440 = arith.remsi %add3A_434, %select_n3A_439 : i32
        %ne3A_441 = arith.constant 0 : i32
        %ne3A_442 = arith.cmpi ne, %rem3A_440, %ne3A_441 : i32
        %lt3A_443 = arith.constant 0 : i32
        %lt3A_444 = arith.cmpi slt, %rem3A_440, %lt3A_443 : i32
        %lt3A_445 = arith.constant 0 : i32
        %lt3A_446 = arith.cmpi slt, %select_n3A_439, %lt3A_445 : i32
        %ne3A_447 = arith.xori %lt3A_444, %lt3A_446 : i1
        %and3A_448 = arith.andi %ne3A_447, %ne3A_442 : i1
        %add3A_449 = arith.addi %rem3A_440, %select_n3A_439 : i32
        %select_n3A_450 = arith.select %and3A_448, %add3A_449, %rem3A_440 : i32
        %add3A_451 = arith.constant 4 : i32
        %add3A_452 = arith.addi %add3A_434, %add3A_451 : i32
        %jit3A_453 = arith.constant 16 : i32
        %eq3A_454 = arith.constant 0 : i32
        %eq3A_455 = arith.cmpi eq, %jit3A_453, %eq3A_454 : i32
        %jit3A_456 = arith.constant 1 : i32
        %select_n3A_457 = arith.select %eq3A_455, %jit3A_456, %jit3A_453 : i32
        %rem3A_458 = arith.remsi %add3A_452, %select_n3A_457 : i32
        %ne3A_459 = arith.constant 0 : i32
        %ne3A_460 = arith.cmpi ne, %rem3A_458, %ne3A_459 : i32
        %lt3A_461 = arith.constant 0 : i32
        %lt3A_462 = arith.cmpi slt, %rem3A_458, %lt3A_461 : i32
        %lt3A_463 = arith.constant 0 : i32
        %lt3A_464 = arith.cmpi slt, %select_n3A_457, %lt3A_463 : i32
        %ne3A_465 = arith.xori %lt3A_462, %lt3A_464 : i1
        %and3A_466 = arith.andi %ne3A_465, %ne3A_460 : i1
        %add3A_467 = arith.addi %rem3A_458, %select_n3A_457 : i32
        %select_n3A_468 = arith.select %and3A_466, %add3A_467, %rem3A_458 : i32
        %dma_wait3A_469 = arith.constant 0 : i32
        %dma_wait3A_470 = tpu.memref_slice %arg8[%select_n3A_450, %dma_wait3A_469] : memref<16x80xi32, #tpu.memory_space<vmem>> -> memref<1x80xi32, #tpu.memory_space<vmem>>
        %dma_wait3A_471 = tpu.memref_squeeze %dma_wait3A_470 : memref<1x80xi32, #tpu.memory_space<vmem>> -> memref<80xi32, #tpu.memory_space<vmem>>
        %dma_wait3A_472 = arith.constant 0 : i32
        %dma_wait3A_473 = arith.constant 0 : i32
        %dma_wait3A_474 = tpu.memref_slice %arg22[%dma_wait3A_472, %dma_wait3A_473] : memref<10112x128xf32, #tpu.memory_space<vmem_shared>> -> memref<10112x128xf32, #tpu.memory_space<vmem_shared>>
        tpu.wait_indirect_dma semaphore(%arg20 : memref<!tpu.dma_semaphore, #tpu.memory_space<semaphore_mem>>) src(%arg12 : memref<80x128xf32, #tpu.memory_space<vmem>>) dst(%dma_wait3A_474 : memref<10112x128xf32, #tpu.memory_space<vmem_shared>>)
        %dma_start3A_475 = arith.constant 0 : i32
        %dma_start3A_476 = tpu.memref_slice %arg7[%select_n3A_468, %dma_start3A_475] : memref<16x80xi32, #tpu.memory_space<vmem>> -> memref<1x80xi32, #tpu.memory_space<vmem>>
        %dma_start3A_477 = tpu.memref_squeeze %dma_start3A_476 : memref<1x80xi32, #tpu.memory_space<vmem>> -> memref<80xi32, #tpu.memory_space<vmem>>
        %dma_start3A_478 = arith.constant 0 : i32
        %dma_start3A_479 = arith.constant 0 : i32
        %dma_start3A_480 = tpu.memref_slice %arg2[%dma_start3A_478, %dma_start3A_479] : memref<10000x128xf32, #tpu.memory_space<hbm>> -> memref<10000x128xf32, #tpu.memory_space<hbm>>
        tpu.enqueue_indirect_dma source(%dma_start3A_480 : memref<10000x128xf32, #tpu.memory_space<hbm>>) target(%arg12 : memref<80x128xf32, #tpu.memory_space<vmem>>) offsets(%dma_start3A_477 : memref<80xi32, #tpu.memory_space<vmem>>) semaphore(%arg16 : memref<!tpu.dma_semaphore, #tpu.memory_space<semaphore_mem>>)
      } else {
      }
    }
    %scan3A_62 = arith.constant 34 : i32
    %dma_wait3A = arith.constant 4 : i32
    %dma_wait3A_63 = arith.constant 0 : i32
    %dma_wait3A_64 = tpu.memref_slice %arg8[%dma_wait3A, %dma_wait3A_63] : memref<16x80xi32, #tpu.memory_space<vmem>> -> memref<1x80xi32, #tpu.memory_space<vmem>>
    %dma_wait3A_65 = tpu.memref_squeeze %dma_wait3A_64 : memref<1x80xi32, #tpu.memory_space<vmem>> -> memref<80xi32, #tpu.memory_space<vmem>>
    %dma_wait3A_66 = arith.constant 0 : i32
    %dma_wait3A_67 = arith.constant 0 : i32
    %dma_wait3A_68 = tpu.memref_slice %arg22[%dma_wait3A_66, %dma_wait3A_67] : memref<10112x128xf32, #tpu.memory_space<vmem_shared>> -> memref<10112x128xf32, #tpu.memory_space<vmem_shared>>
    tpu.wait_indirect_dma semaphore(%arg17 : memref<!tpu.dma_semaphore, #tpu.memory_space<semaphore_mem>>) src(%arg9 : memref<80x128xf32, #tpu.memory_space<vmem>>) dst(%dma_wait3A_68 : memref<10112x128xf32, #tpu.memory_space<vmem_shared>>)
    %dma_wait3A_69 = arith.constant 5 : i32
    %dma_wait3A_70 = arith.constant 0 : i32
    %dma_wait3A_71 = tpu.memref_slice %arg8[%dma_wait3A_69, %dma_wait3A_70] : memref<16x80xi32, #tpu.memory_space<vmem>> -> memref<1x80xi32, #tpu.memory_space<vmem>>
    %dma_wait3A_72 = tpu.memref_squeeze %dma_wait3A_71 : memref<1x80xi32, #tpu.memory_space<vmem>> -> memref<80xi32, #tpu.memory_space<vmem>>
    %dma_wait3A_73 = arith.constant 0 : i32
    %dma_wait3A_74 = arith.constant 0 : i32
    %dma_wait3A_75 = tpu.memref_slice %arg22[%dma_wait3A_73, %dma_wait3A_74] : memref<10112x128xf32, #tpu.memory_space<vmem_shared>> -> memref<10112x128xf32, #tpu.memory_space<vmem_shared>>
    tpu.wait_indirect_dma semaphore(%arg18 : memref<!tpu.dma_semaphore, #tpu.memory_space<semaphore_mem>>) src(%arg10 : memref<80x128xf32, #tpu.memory_space<vmem>>) dst(%dma_wait3A_75 : memref<10112x128xf32, #tpu.memory_space<vmem_shared>>)
    %dma_wait3A_76 = arith.constant 6 : i32
    %dma_wait3A_77 = arith.constant 0 : i32
    %dma_wait3A_78 = tpu.memref_slice %arg8[%dma_wait3A_76, %dma_wait3A_77] : memref<16x80xi32, #tpu.memory_space<vmem>> -> memref<1x80xi32, #tpu.memory_space<vmem>>
    %dma_wait3A_79 = tpu.memref_squeeze %dma_wait3A_78 : memref<1x80xi32, #tpu.memory_space<vmem>> -> memref<80xi32, #tpu.memory_space<vmem>>
    %dma_wait3A_80 = arith.constant 0 : i32
    %dma_wait3A_81 = arith.constant 0 : i32
    %dma_wait3A_82 = tpu.memref_slice %arg22[%dma_wait3A_80, %dma_wait3A_81] : memref<10112x128xf32, #tpu.memory_space<vmem_shared>> -> memref<10112x128xf32, #tpu.memory_space<vmem_shared>>
    tpu.wait_indirect_dma semaphore(%arg19 : memref<!tpu.dma_semaphore, #tpu.memory_space<semaphore_mem>>) src(%arg11 : memref<80x128xf32, #tpu.memory_space<vmem>>) dst(%dma_wait3A_82 : memref<10112x128xf32, #tpu.memory_space<vmem_shared>>)
    %dma_wait3A_83 = arith.constant 7 : i32
    %dma_wait3A_84 = arith.constant 0 : i32
    %dma_wait3A_85 = tpu.memref_slice %arg8[%dma_wait3A_83, %dma_wait3A_84] : memref<16x80xi32, #tpu.memory_space<vmem>> -> memref<1x80xi32, #tpu.memory_space<vmem>>
    %dma_wait3A_86 = tpu.memref_squeeze %dma_wait3A_85 : memref<1x80xi32, #tpu.memory_space<vmem>> -> memref<80xi32, #tpu.memory_space<vmem>>
    %dma_wait3A_87 = arith.constant 0 : i32
    %dma_wait3A_88 = arith.constant 0 : i32
    %dma_wait3A_89 = tpu.memref_slice %arg22[%dma_wait3A_87, %dma_wait3A_88] : memref<10112x128xf32, #tpu.memory_space<vmem_shared>> -> memref<10112x128xf32, #tpu.memory_space<vmem_shared>>
    tpu.wait_indirect_dma semaphore(%arg20 : memref<!tpu.dma_semaphore, #tpu.memory_space<semaphore_mem>>) src(%arg12 : memref<80x128xf32, #tpu.memory_space<vmem>>) dst(%dma_wait3A_89 : memref<10112x128xf32, #tpu.memory_space<vmem_shared>>)
    %barrier3A_90 = arith.constant 0 : index
    tpu.barrier barrier_id(%barrier3A_90)
    %mul3A_91 = arith.constant 632 : i32
    %mul3A_92 = arith.muli %arg1, %mul3A_91 : i32
    %mul3A_93 = arith.constant 632 : i32
    %mul3A_94 = arith.muli %arg1, %mul3A_93 : i32
    "tpu.region"() ({
      %run_scoped3A = tpu.sem_alloc : memref<!tpu.dma_semaphore, #tpu.memory_space<semaphore_mem>>
      %dma_start3A_95 = arith.constant 0 : i32
      %dma_start3A_96 = tpu.memref_slice %arg6[%arg0, %mul3A_94, %dma_start3A_95] : memref<2x10112x128xf32, #tpu.memory_space<hbm>> -> memref<1x632x128xf32, #tpu.memory_space<hbm>>
      %dma_start3A_97 = tpu.memref_squeeze %dma_start3A_96 : memref<1x632x128xf32, #tpu.memory_space<hbm>> -> memref<632x128xf32, #tpu.memory_space<hbm>>
      %dma_start3A_98 = arith.constant 0 : i32
      %dma_start3A_99 = tpu.memref_slice %arg22[%mul3A_92, %dma_start3A_98] : memref<10112x128xf32, #tpu.memory_space<vmem_shared>> -> memref<632x128xf32, #tpu.memory_space<vmem_shared>>
      tpu.enqueue_dma source(%dma_start3A_99 : memref<632x128xf32, #tpu.memory_space<vmem_shared>>) target(%dma_start3A_97 : memref<632x128xf32, #tpu.memory_space<hbm>>) target_semaphore(%run_scoped3A : memref<!tpu.dma_semaphore, #tpu.memory_space<semaphore_mem>>)
      %dma_wait3A_100 = arith.constant 0 : i32
      %dma_wait3A_101 = tpu.memref_slice %arg6[%arg0, %mul3A_94, %dma_wait3A_100] : memref<2x10112x128xf32, #tpu.memory_space<hbm>> -> memref<1x632x128xf32, #tpu.memory_space<hbm>>
      %dma_wait3A_102 = tpu.memref_squeeze %dma_wait3A_101 : memref<1x632x128xf32, #tpu.memory_space<hbm>> -> memref<632x128xf32, #tpu.memory_space<hbm>>
      %dma_wait3A_103 = arith.constant 0 : i32
      %dma_wait3A_104 = tpu.memref_slice %arg22[%mul3A_92, %dma_wait3A_103] : memref<10112x128xf32, #tpu.memory_space<vmem_shared>> -> memref<632x128xf32, #tpu.memory_space<vmem_shared>>
      tpu.wait_dma2 semaphore(%run_scoped3A : memref<!tpu.dma_semaphore, #tpu.memory_space<semaphore_mem>>) src(%dma_wait3A_104 : memref<632x128xf32, #tpu.memory_space<vmem_shared>>) dst(%dma_wait3A_102 : memref<632x128xf32, #tpu.memory_space<hbm>>)
      tpu.yield
    }) : () -> ()
    return
  }
}

#map = affine_map<(d0, d1) -> (0, 0)>
#map1 = affine_map<(d0, d1) -> (0, 0, 0)>
module attributes {stable_mosaic.version = 14 : i64} {
  func.func @_agg_body(%arg0: i32, %arg1: i32, %arg2: memref<10000x128xf32, #tpu.memory_space<hbm>>, %arg3: memref<32x136x80xi32, #tpu.memory_space<hbm>>, %arg4: memref<32x136x80xi32, #tpu.memory_space<hbm>>, %arg5: memref<632x128xf32, #tpu.memory_space<hbm>>, %arg6: memref<2x10112x128xf32, #tpu.memory_space<hbm>>, %arg7: memref<16x80xi32, #tpu.memory_space<vmem>>, %arg8: memref<16x80xi32, #tpu.memory_space<vmem>>, %arg9: memref<80x128xf32, #tpu.memory_space<vmem>>, %arg10: memref<80x128xf32, #tpu.memory_space<vmem>>, %arg11: memref<80x128xf32, #tpu.memory_space<vmem>>, %arg12: memref<80x128xf32, #tpu.memory_space<vmem>>, %arg13: memref<!tpu.dma_semaphore, #tpu.memory_space<semaphore_mem>>, %arg14: memref<!tpu.dma_semaphore, #tpu.memory_space<semaphore_mem>>, %arg15: memref<!tpu.dma_semaphore, #tpu.memory_space<semaphore_mem>>, %arg16: memref<!tpu.dma_semaphore, #tpu.memory_space<semaphore_mem>>, %arg17: memref<!tpu.dma_semaphore, #tpu.memory_space<semaphore_mem>>, %arg18: memref<!tpu.dma_semaphore, #tpu.memory_space<semaphore_mem>>, %arg19: memref<!tpu.dma_semaphore, #tpu.memory_space<semaphore_mem>>, %arg20: memref<!tpu.dma_semaphore, #tpu.memory_space<semaphore_mem>>, %arg21: memref<!tpu.dma_semaphore, #tpu.memory_space<semaphore_mem>>, %arg22: memref<10112x128xf32, #tpu.memory_space<vmem_shared>>) attributes {dimension_semantics = [#tpu.dimension_semantics<core_parallel>, #tpu.dimension_semantics<subcore_parallel>], iteration_bounds = array<i64: 2, 16>, scalar_prefetch = 0 : i64, scratch_operands = 16 : i64, tpu.core_type = #tpu.core_type<sc_vector_subcore>, window_params = [{transform_indices = #map}, {transform_indices = #map1}, {transform_indices = #map1}, {transform_indices = #map}, {transform_indices = #map1}]} {
    %mul3A = arith.constant 16 : i32
    %mul3A_0 = arith.muli %arg0, %mul3A : i32
    %add3A = arith.addi %mul3A_0, %arg1 : i32
    "tpu.region"() ({
      %run_scoped3A = tpu.sem_alloc : memref<!tpu.dma_semaphore, #tpu.memory_space<semaphore_mem>>
      %dma_start3A_95 = arith.constant 0 : i32
      %dma_start3A_96 = arith.constant 0 : i32
      %dma_start3A_97 = tpu.memref_slice %arg7[%dma_start3A_95, %dma_start3A_96] : memref<16x80xi32, #tpu.memory_space<vmem>> -> memref<8x80xi32, #tpu.memory_space<vmem>>
      %dma_start3A_98 = arith.constant 0 : i32
      %dma_start3A_99 = arith.constant 0 : i32
      %dma_start3A_100 = tpu.memref_slice %arg3[%add3A, %dma_start3A_98, %dma_start3A_99] : memref<32x136x80xi32, #tpu.memory_space<hbm>> -> memref<1x8x80xi32, #tpu.memory_space<hbm>>
      %dma_start3A_101 = tpu.memref_squeeze %dma_start3A_100 : memref<1x8x80xi32, #tpu.memory_space<hbm>> -> memref<8x80xi32, #tpu.memory_space<hbm>>
      %dma_start3A_102 = arith.constant 0 : i32
      %dma_start3A_103 = arith.constant 0 : i32
      %dma_start3A_104 = tpu.memref_slice %arg7[%dma_start3A_102, %dma_start3A_103] : memref<16x80xi32, #tpu.memory_space<vmem>> -> memref<8x80xi32, #tpu.memory_space<vmem>>
      %dma_start3A_105 = arith.constant 0 : i32
      %dma_start3A_106 = arith.constant 0 : i32
      %dma_start3A_107 = tpu.memref_slice %arg3[%add3A, %dma_start3A_105, %dma_start3A_106] : memref<32x136x80xi32, #tpu.memory_space<hbm>> -> memref<1x8x80xi32, #tpu.memory_space<hbm>>
      %dma_start3A_108 = tpu.memref_squeeze %dma_start3A_107 : memref<1x8x80xi32, #tpu.memory_space<hbm>> -> memref<8x80xi32, #tpu.memory_space<hbm>>
      tpu.enqueue_dma source(%dma_start3A_108 : memref<8x80xi32, #tpu.memory_space<hbm>>) target(%dma_start3A_104 : memref<8x80xi32, #tpu.memory_space<vmem>>) target_semaphore(%run_scoped3A : memref<!tpu.dma_semaphore, #tpu.memory_space<semaphore_mem>>)
      %dma_wait3A_109 = arith.constant 0 : i32
      %dma_wait3A_110 = arith.constant 0 : i32
      %dma_wait3A_111 = tpu.memref_slice %arg7[%dma_wait3A_109, %dma_wait3A_110] : memref<16x80xi32, #tpu.memory_space<vmem>> -> memref<8x80xi32, #tpu.memory_space<vmem>>
      %dma_wait3A_112 = arith.constant 0 : i32
      %dma_wait3A_113 = arith.constant 0 : i32
      %dma_wait3A_114 = tpu.memref_slice %arg3[%add3A, %dma_wait3A_112, %dma_wait3A_113] : memref<32x136x80xi32, #tpu.memory_space<hbm>> -> memref<1x8x80xi32, #tpu.memory_space<hbm>>
      %dma_wait3A_115 = tpu.memref_squeeze %dma_wait3A_114 : memref<1x8x80xi32, #tpu.memory_space<hbm>> -> memref<8x80xi32, #tpu.memory_space<hbm>>
      %dma_wait3A_116 = arith.constant 0 : i32
      %dma_wait3A_117 = arith.constant 0 : i32
      %dma_wait3A_118 = tpu.memref_slice %arg7[%dma_wait3A_116, %dma_wait3A_117] : memref<16x80xi32, #tpu.memory_space<vmem>> -> memref<8x80xi32, #tpu.memory_space<vmem>>
      %dma_wait3A_119 = arith.constant 0 : i32
      %dma_wait3A_120 = arith.constant 0 : i32
      %dma_wait3A_121 = tpu.memref_slice %arg3[%add3A, %dma_wait3A_119, %dma_wait3A_120] : memref<32x136x80xi32, #tpu.memory_space<hbm>> -> memref<1x8x80xi32, #tpu.memory_space<hbm>>
      %dma_wait3A_122 = tpu.memref_squeeze %dma_wait3A_121 : memref<1x8x80xi32, #tpu.memory_space<hbm>> -> memref<8x80xi32, #tpu.memory_space<hbm>>
      tpu.wait_dma2 semaphore(%run_scoped3A : memref<!tpu.dma_semaphore, #tpu.memory_space<semaphore_mem>>) src(%dma_wait3A_122 : memref<8x80xi32, #tpu.memory_space<hbm>>) dst(%dma_wait3A_118 : memref<8x80xi32, #tpu.memory_space<vmem>>)
      tpu.yield
    }) : () -> ()
    "tpu.region"() ({
      %run_scoped3A = tpu.sem_alloc : memref<!tpu.dma_semaphore, #tpu.memory_space<semaphore_mem>>
      %dma_start3A_95 = arith.constant 0 : i32
      %dma_start3A_96 = arith.constant 0 : i32
      %dma_start3A_97 = tpu.memref_slice %arg8[%dma_start3A_95, %dma_start3A_96] : memref<16x80xi32, #tpu.memory_space<vmem>> -> memref<8x80xi32, #tpu.memory_space<vmem>>
      %dma_start3A_98 = arith.constant 0 : i32
      %dma_start3A_99 = arith.constant 0 : i32
      %dma_start3A_100 = tpu.memref_slice %arg4[%add3A, %dma_start3A_98, %dma_start3A_99] : memref<32x136x80xi32, #tpu.memory_space<hbm>> -> memref<1x8x80xi32, #tpu.memory_space<hbm>>
      %dma_start3A_101 = tpu.memref_squeeze %dma_start3A_100 : memref<1x8x80xi32, #tpu.memory_space<hbm>> -> memref<8x80xi32, #tpu.memory_space<hbm>>
      %dma_start3A_102 = arith.constant 0 : i32
      %dma_start3A_103 = arith.constant 0 : i32
      %dma_start3A_104 = tpu.memref_slice %arg8[%dma_start3A_102, %dma_start3A_103] : memref<16x80xi32, #tpu.memory_space<vmem>> -> memref<8x80xi32, #tpu.memory_space<vmem>>
      %dma_start3A_105 = arith.constant 0 : i32
      %dma_start3A_106 = arith.constant 0 : i32
      %dma_start3A_107 = tpu.memref_slice %arg4[%add3A, %dma_start3A_105, %dma_start3A_106] : memref<32x136x80xi32, #tpu.memory_space<hbm>> -> memref<1x8x80xi32, #tpu.memory_space<hbm>>
      %dma_start3A_108 = tpu.memref_squeeze %dma_start3A_107 : memref<1x8x80xi32, #tpu.memory_space<hbm>> -> memref<8x80xi32, #tpu.memory_space<hbm>>
      tpu.enqueue_dma source(%dma_start3A_108 : memref<8x80xi32, #tpu.memory_space<hbm>>) target(%dma_start3A_104 : memref<8x80xi32, #tpu.memory_space<vmem>>) target_semaphore(%run_scoped3A : memref<!tpu.dma_semaphore, #tpu.memory_space<semaphore_mem>>)
      %dma_wait3A_109 = arith.constant 0 : i32
      %dma_wait3A_110 = arith.constant 0 : i32
      %dma_wait3A_111 = tpu.memref_slice %arg8[%dma_wait3A_109, %dma_wait3A_110] : memref<16x80xi32, #tpu.memory_space<vmem>> -> memref<8x80xi32, #tpu.memory_space<vmem>>
      %dma_wait3A_112 = arith.constant 0 : i32
      %dma_wait3A_113 = arith.constant 0 : i32
      %dma_wait3A_114 = tpu.memref_slice %arg4[%add3A, %dma_wait3A_112, %dma_wait3A_113] : memref<32x136x80xi32, #tpu.memory_space<hbm>> -> memref<1x8x80xi32, #tpu.memory_space<hbm>>
      %dma_wait3A_115 = tpu.memref_squeeze %dma_wait3A_114 : memref<1x8x80xi32, #tpu.memory_space<hbm>> -> memref<8x80xi32, #tpu.memory_space<hbm>>
      %dma_wait3A_116 = arith.constant 0 : i32
      %dma_wait3A_117 = arith.constant 0 : i32
      %dma_wait3A_118 = tpu.memref_slice %arg8[%dma_wait3A_116, %dma_wait3A_117] : memref<16x80xi32, #tpu.memory_space<vmem>> -> memref<8x80xi32, #tpu.memory_space<vmem>>
      %dma_wait3A_119 = arith.constant 0 : i32
      %dma_wait3A_120 = arith.constant 0 : i32
      %dma_wait3A_121 = tpu.memref_slice %arg4[%add3A, %dma_wait3A_119, %dma_wait3A_120] : memref<32x136x80xi32, #tpu.memory_space<hbm>> -> memref<1x8x80xi32, #tpu.memory_space<hbm>>
      %dma_wait3A_122 = tpu.memref_squeeze %dma_wait3A_121 : memref<1x8x80xi32, #tpu.memory_space<hbm>> -> memref<8x80xi32, #tpu.memory_space<hbm>>
      tpu.wait_dma2 semaphore(%run_scoped3A : memref<!tpu.dma_semaphore, #tpu.memory_space<semaphore_mem>>) src(%dma_wait3A_122 : memref<8x80xi32, #tpu.memory_space<hbm>>) dst(%dma_wait3A_118 : memref<8x80xi32, #tpu.memory_space<vmem>>)
      tpu.yield
    }) : () -> ()
    %dma_start3A = arith.constant 8 : i32
    %dma_start3A_1 = arith.constant 0 : i32
    %dma_start3A_2 = tpu.memref_slice %arg7[%dma_start3A, %dma_start3A_1] : memref<16x80xi32, #tpu.memory_space<vmem>> -> memref<8x80xi32, #tpu.memory_space<vmem>>
    %dma_start3A_3 = arith.constant 8 : i32
    %dma_start3A_4 = arith.constant 0 : i32
    %dma_start3A_5 = tpu.memref_slice %arg3[%add3A, %dma_start3A_3, %dma_start3A_4] : memref<32x136x80xi32, #tpu.memory_space<hbm>> -> memref<1x8x80xi32, #tpu.memory_space<hbm>>
    %dma_start3A_6 = tpu.memref_squeeze %dma_start3A_5 : memref<1x8x80xi32, #tpu.memory_space<hbm>> -> memref<8x80xi32, #tpu.memory_space<hbm>>
    %dma_start3A_7 = arith.constant 8 : i32
    %dma_start3A_8 = arith.constant 0 : i32
    %dma_start3A_9 = tpu.memref_slice %arg7[%dma_start3A_7, %dma_start3A_8] : memref<16x80xi32, #tpu.memory_space<vmem>> -> memref<8x80xi32, #tpu.memory_space<vmem>>
    %dma_start3A_10 = arith.constant 8 : i32
    %dma_start3A_11 = arith.constant 0 : i32
    %dma_start3A_12 = tpu.memref_slice %arg3[%add3A, %dma_start3A_10, %dma_start3A_11] : memref<32x136x80xi32, #tpu.memory_space<hbm>> -> memref<1x8x80xi32, #tpu.memory_space<hbm>>
    %dma_start3A_13 = tpu.memref_squeeze %dma_start3A_12 : memref<1x8x80xi32, #tpu.memory_space<hbm>> -> memref<8x80xi32, #tpu.memory_space<hbm>>
    tpu.enqueue_dma source(%dma_start3A_13 : memref<8x80xi32, #tpu.memory_space<hbm>>) target(%dma_start3A_9 : memref<8x80xi32, #tpu.memory_space<vmem>>) target_semaphore(%arg21 : memref<!tpu.dma_semaphore, #tpu.memory_space<semaphore_mem>>)
    %dma_start3A_14 = arith.constant 8 : i32
    %dma_start3A_15 = arith.constant 0 : i32
    %dma_start3A_16 = tpu.memref_slice %arg8[%dma_start3A_14, %dma_start3A_15] : memref<16x80xi32, #tpu.memory_space<vmem>> -> memref<8x80xi32, #tpu.memory_space<vmem>>
    %dma_start3A_17 = arith.constant 8 : i32
    %dma_start3A_18 = arith.constant 0 : i32
    %dma_start3A_19 = tpu.memref_slice %arg4[%add3A, %dma_start3A_17, %dma_start3A_18] : memref<32x136x80xi32, #tpu.memory_space<hbm>> -> memref<1x8x80xi32, #tpu.memory_space<hbm>>
    %dma_start3A_20 = tpu.memref_squeeze %dma_start3A_19 : memref<1x8x80xi32, #tpu.memory_space<hbm>> -> memref<8x80xi32, #tpu.memory_space<hbm>>
    %dma_start3A_21 = arith.constant 8 : i32
    %dma_start3A_22 = arith.constant 0 : i32
    %dma_start3A_23 = tpu.memref_slice %arg8[%dma_start3A_21, %dma_start3A_22] : memref<16x80xi32, #tpu.memory_space<vmem>> -> memref<8x80xi32, #tpu.memory_space<vmem>>
    %dma_start3A_24 = arith.constant 8 : i32
    %dma_start3A_25 = arith.constant 0 : i32
    %dma_start3A_26 = tpu.memref_slice %arg4[%add3A, %dma_start3A_24, %dma_start3A_25] : memref<32x136x80xi32, #tpu.memory_space<hbm>> -> memref<1x8x80xi32, #tpu.memory_space<hbm>>
    %dma_start3A_27 = tpu.memref_squeeze %dma_start3A_26 : memref<1x8x80xi32, #tpu.memory_space<hbm>> -> memref<8x80xi32, #tpu.memory_space<hbm>>
    tpu.enqueue_dma source(%dma_start3A_27 : memref<8x80xi32, #tpu.memory_space<hbm>>) target(%dma_start3A_23 : memref<8x80xi32, #tpu.memory_space<vmem>>) target_semaphore(%arg21 : memref<!tpu.dma_semaphore, #tpu.memory_space<semaphore_mem>>)
    %mul3A_28 = arith.constant 632 : i32
    %mul3A_29 = arith.muli %arg1, %mul3A_28 : i32
    "tpu.region"() ({
      %run_scoped3A = tpu.sem_alloc : memref<!tpu.dma_semaphore, #tpu.memory_space<semaphore_mem>>
      %dma_start3A_95 = arith.constant 0 : i32
      %dma_start3A_96 = tpu.memref_slice %arg22[%mul3A_29, %dma_start3A_95] : memref<10112x128xf32, #tpu.memory_space<vmem_shared>> -> memref<632x128xf32, #tpu.memory_space<vmem_shared>>
      tpu.enqueue_dma source(%arg5 : memref<632x128xf32, #tpu.memory_space<hbm>>) target(%dma_start3A_96 : memref<632x128xf32, #tpu.memory_space<vmem_shared>>) target_semaphore(%run_scoped3A : memref<!tpu.dma_semaphore, #tpu.memory_space<semaphore_mem>>)
      %dma_wait3A_97 = arith.constant 0 : i32
      %dma_wait3A_98 = tpu.memref_slice %arg22[%mul3A_29, %dma_wait3A_97] : memref<10112x128xf32, #tpu.memory_space<vmem_shared>> -> memref<632x128xf32, #tpu.memory_space<vmem_shared>>
      tpu.wait_dma2 semaphore(%run_scoped3A : memref<!tpu.dma_semaphore, #tpu.memory_space<semaphore_mem>>) src(%arg5 : memref<632x128xf32, #tpu.memory_space<hbm>>) dst(%dma_wait3A_98 : memref<632x128xf32, #tpu.memory_space<vmem_shared>>)
      tpu.yield
    }) : () -> ()
    %barrier3A = arith.constant 0 : index
    tpu.barrier barrier_id(%barrier3A)
    %dma_start3A_30 = arith.constant 0 : i32
    %dma_start3A_31 = arith.constant 0 : i32
    %dma_start3A_32 = tpu.memref_slice %arg7[%dma_start3A_30, %dma_start3A_31] : memref<16x80xi32, #tpu.memory_space<vmem>> -> memref<1x80xi32, #tpu.memory_space<vmem>>
    %dma_start3A_33 = tpu.memref_squeeze %dma_start3A_32 : memref<1x80xi32, #tpu.memory_space<vmem>> -> memref<80xi32, #tpu.memory_space<vmem>>
    %dma_start3A_34 = arith.constant 0 : i32
    %dma_start3A_35 = arith.constant 0 : i32
    %dma_start3A_36 = tpu.memref_slice %arg2[%dma_start3A_34, %dma_start3A_35] : memref<10000x128xf32, #tpu.memory_space<hbm>> -> memref<10000x128xf32, #tpu.memory_space<hbm>>
    tpu.enqueue_indirect_dma source(%dma_start3A_36 : memref<10000x128xf32, #tpu.memory_space<hbm>>) target(%arg9 : memref<80x128xf32, #tpu.memory_space<vmem>>) offsets(%dma_start3A_33 : memref<80xi32, #tpu.memory_space<vmem>>) semaphore(%arg13 : memref<!tpu.dma_semaphore, #tpu.memory_space<semaphore_mem>>)
    %dma_start3A_37 = arith.constant 1 : i32
    %dma_start3A_38 = arith.constant 0 : i32
    %dma_start3A_39 = tpu.memref_slice %arg7[%dma_start3A_37, %dma_start3A_38] : memref<16x80xi32, #tpu.memory_space<vmem>> -> memref<1x80xi32, #tpu.memory_space<vmem>>
    %dma_start3A_40 = tpu.memref_squeeze %dma_start3A_39 : memref<1x80xi32, #tpu.memory_space<vmem>> -> memref<80xi32, #tpu.memory_space<vmem>>
    %dma_start3A_41 = arith.constant 0 : i32
    %dma_start3A_42 = arith.constant 0 : i32
    %dma_start3A_43 = tpu.memref_slice %arg2[%dma_start3A_41, %dma_start3A_42] : memref<10000x128xf32, #tpu.memory_space<hbm>> -> memref<10000x128xf32, #tpu.memory_space<hbm>>
    tpu.enqueue_indirect_dma source(%dma_start3A_43 : memref<10000x128xf32, #tpu.memory_space<hbm>>) target(%arg10 : memref<80x128xf32, #tpu.memory_space<vmem>>) offsets(%dma_start3A_40 : memref<80xi32, #tpu.memory_space<vmem>>) semaphore(%arg14 : memref<!tpu.dma_semaphore, #tpu.memory_space<semaphore_mem>>)
    %dma_start3A_44 = arith.constant 2 : i32
    %dma_start3A_45 = arith.constant 0 : i32
    %dma_start3A_46 = tpu.memref_slice %arg7[%dma_start3A_44, %dma_start3A_45] : memref<16x80xi32, #tpu.memory_space<vmem>> -> memref<1x80xi32, #tpu.memory_space<vmem>>
    %dma_start3A_47 = tpu.memref_squeeze %dma_start3A_46 : memref<1x80xi32, #tpu.memory_space<vmem>> -> memref<80xi32, #tpu.memory_space<vmem>>
    %dma_start3A_48 = arith.constant 0 : i32
    %dma_start3A_49 = arith.constant 0 : i32
    %dma_start3A_50 = tpu.memref_slice %arg2[%dma_start3A_48, %dma_start3A_49] : memref<10000x128xf32, #tpu.memory_space<hbm>> -> memref<10000x128xf32, #tpu.memory_space<hbm>>
    tpu.enqueue_indirect_dma source(%dma_start3A_50 : memref<10000x128xf32, #tpu.memory_space<hbm>>) target(%arg11 : memref<80x128xf32, #tpu.memory_space<vmem>>) offsets(%dma_start3A_47 : memref<80xi32, #tpu.memory_space<vmem>>) semaphore(%arg15 : memref<!tpu.dma_semaphore, #tpu.memory_space<semaphore_mem>>)
    %dma_start3A_51 = arith.constant 3 : i32
    %dma_start3A_52 = arith.constant 0 : i32
    %dma_start3A_53 = tpu.memref_slice %arg7[%dma_start3A_51, %dma_start3A_52] : memref<16x80xi32, #tpu.memory_space<vmem>> -> memref<1x80xi32, #tpu.memory_space<vmem>>
    %dma_start3A_54 = tpu.memref_squeeze %dma_start3A_53 : memref<1x80xi32, #tpu.memory_space<vmem>> -> memref<80xi32, #tpu.memory_space<vmem>>
    %dma_start3A_55 = arith.constant 0 : i32
    %dma_start3A_56 = arith.constant 0 : i32
    %dma_start3A_57 = tpu.memref_slice %arg2[%dma_start3A_55, %dma_start3A_56] : memref<10000x128xf32, #tpu.memory_space<hbm>> -> memref<10000x128xf32, #tpu.memory_space<hbm>>
    tpu.enqueue_indirect_dma source(%dma_start3A_57 : memref<10000x128xf32, #tpu.memory_space<hbm>>) target(%arg12 : memref<80x128xf32, #tpu.memory_space<vmem>>) offsets(%dma_start3A_54 : memref<80xi32, #tpu.memory_space<vmem>>) semaphore(%arg16 : memref<!tpu.dma_semaphore, #tpu.memory_space<semaphore_mem>>)
    %scan3A = arith.constant 0 : i32
    %scan3A_58 = arith.constant 0 : i32
    %scan3A_59 = arith.constant 34 : i32
    %scan3A_60 = arith.addi %scan3A_58, %scan3A_59 : i32
    %scan3A_61 = arith.constant 1 : i32
    scf.for %scan3A_95 = %scan3A_58 to %scan3A_60 step %scan3A_61  : i32 {
      %jit3A = arith.constant 2 : i32
      %div3A = arith.divsi %scan3A_95, %jit3A : i32
      %sign3A = arith.constant 0 : i32
      %sign3A_96 = arith.cmpi sgt, %scan3A_95, %sign3A : i32
      %sign3A_97 = arith.extui %sign3A_96 : i1 to i32
      %sign3A_98 = arith.constant 0 : i32
      %sign3A_99 = arith.cmpi slt, %scan3A_95, %sign3A_98 : i32
      %sign3A_100 = arith.extui %sign3A_99 : i1 to i32
      %sign3A_101 = arith.subi %sign3A_97, %sign3A_100 : i32
      %sign3A_102 = arith.constant 0 : i32
      %sign3A_103 = arith.cmpi sgt, %jit3A, %sign3A_102 : i32
      %sign3A_104 = arith.extui %sign3A_103 : i1 to i32
      %sign3A_105 = arith.constant 0 : i32
      %sign3A_106 = arith.cmpi slt, %jit3A, %sign3A_105 : i32
      %sign3A_107 = arith.extui %sign3A_106 : i1 to i32
      %sign3A_108 = arith.subi %sign3A_104, %sign3A_107 : i32
      %ne3A = arith.cmpi ne, %sign3A_101, %sign3A_108 : i32
      %rem3A = arith.remsi %scan3A_95, %jit3A : i32
      %ne3A_109 = arith.constant 0 : i32
      %ne3A_110 = arith.cmpi ne, %rem3A, %ne3A_109 : i32
      %and3A = arith.andi %ne3A, %ne3A_110 : i1
      %sub3A = arith.constant 1 : i32
      %sub3A_111 = arith.subi %div3A, %sub3A : i32
      %select_n3A = arith.select %and3A, %sub3A_111, %div3A : i32
      %jit3A_112 = arith.constant 2 : i32
      %eq3A = arith.constant 0 : i32
      %eq3A_113 = arith.cmpi eq, %jit3A_112, %eq3A : i32
      %jit3A_114 = arith.constant 1 : i32
      %select_n3A_115 = arith.select %eq3A_113, %jit3A_114, %jit3A_112 : i32
      %rem3A_116 = arith.remsi %scan3A_95, %select_n3A_115 : i32
      %ne3A_117 = arith.constant 0 : i32
      %ne3A_118 = arith.cmpi ne, %rem3A_116, %ne3A_117 : i32
      %lt3A = arith.constant 0 : i32
      %lt3A_119 = arith.cmpi slt, %rem3A_116, %lt3A : i32
      %lt3A_120 = arith.constant 0 : i32
      %lt3A_121 = arith.cmpi slt, %select_n3A_115, %lt3A_120 : i32
      %ne3A_122 = arith.xori %lt3A_119, %lt3A_121 : i1
      %and3A_123 = arith.andi %ne3A_122, %ne3A_118 : i1
      %add3A_124 = arith.addi %rem3A_116, %select_n3A_115 : i32
      %select_n3A_125 = arith.select %and3A_123, %add3A_124, %rem3A_116 : i32
      %eq3A_126 = arith.constant 1 : i32
      %eq3A_127 = arith.cmpi eq, %select_n3A_125, %eq3A_126 : i32
      %add3A_128 = arith.constant 1 : i32
      %add3A_129 = arith.addi %select_n3A, %add3A_128 : i32
      %lt3A_130 = arith.constant 17 : i32
      %lt3A_131 = arith.cmpi slt, %add3A_129, %lt3A_130 : i32
      %and3A_132 = arith.andi %eq3A_127, %lt3A_131 : i1
      %convert_element_type3A = arith.extui %and3A_132 : i1 to i32
      %cond3A = arith.constant 0 : i32
      %cond3A_133 = arith.cmpi ne, %convert_element_type3A, %cond3A : i32
      scf.if %cond3A_133 {
        %dma_wait3A_281 = arith.constant 0 : i32
        %dma_wait3A_282 = arith.constant 0 : i32
        %dma_wait3A_283 = tpu.memref_slice %arg7[%dma_wait3A_281, %dma_wait3A_282] : memref<16x80xi32, #tpu.memory_space<vmem>> -> memref<8x80xi32, #tpu.memory_space<vmem>>
        %dma_wait3A_284 = arith.constant 0 : i32
        %dma_wait3A_285 = arith.constant 0 : i32
        %dma_wait3A_286 = tpu.memref_slice %arg3[%add3A, %dma_wait3A_284, %dma_wait3A_285] : memref<32x136x80xi32, #tpu.memory_space<hbm>> -> memref<1x8x80xi32, #tpu.memory_space<hbm>>
        %dma_wait3A_287 = tpu.memref_squeeze %dma_wait3A_286 : memref<1x8x80xi32, #tpu.memory_space<hbm>> -> memref<8x80xi32, #tpu.memory_space<hbm>>
        %dma_wait3A_288 = arith.constant 0 : i32
        %dma_wait3A_289 = arith.constant 0 : i32
        %dma_wait3A_290 = tpu.memref_slice %arg7[%dma_wait3A_288, %dma_wait3A_289] : memref<16x80xi32, #tpu.memory_space<vmem>> -> memref<8x80xi32, #tpu.memory_space<vmem>>
        %dma_wait3A_291 = arith.constant 0 : i32
        %dma_wait3A_292 = arith.constant 0 : i32
        %dma_wait3A_293 = tpu.memref_slice %arg3[%add3A, %dma_wait3A_291, %dma_wait3A_292] : memref<32x136x80xi32, #tpu.memory_space<hbm>> -> memref<1x8x80xi32, #tpu.memory_space<hbm>>
        %dma_wait3A_294 = tpu.memref_squeeze %dma_wait3A_293 : memref<1x8x80xi32, #tpu.memory_space<hbm>> -> memref<8x80xi32, #tpu.memory_space<hbm>>
        tpu.wait_dma2 semaphore(%arg21 : memref<!tpu.dma_semaphore, #tpu.memory_space<semaphore_mem>>) src(%dma_wait3A_294 : memref<8x80xi32, #tpu.memory_space<hbm>>) dst(%dma_wait3A_290 : memref<8x80xi32, #tpu.memory_space<vmem>>)
        %dma_wait3A_295 = arith.constant 0 : i32
        %dma_wait3A_296 = arith.constant 0 : i32
        %dma_wait3A_297 = tpu.memref_slice %arg8[%dma_wait3A_295, %dma_wait3A_296] : memref<16x80xi32, #tpu.memory_space<vmem>> -> memref<8x80xi32, #tpu.memory_space<vmem>>
        %dma_wait3A_298 = arith.constant 0 : i32
        %dma_wait3A_299 = arith.constant 0 : i32
        %dma_wait3A_300 = tpu.memref_slice %arg4[%add3A, %dma_wait3A_298, %dma_wait3A_299] : memref<32x136x80xi32, #tpu.memory_space<hbm>> -> memref<1x8x80xi32, #tpu.memory_space<hbm>>
        %dma_wait3A_301 = tpu.memref_squeeze %dma_wait3A_300 : memref<1x8x80xi32, #tpu.memory_space<hbm>> -> memref<8x80xi32, #tpu.memory_space<hbm>>
        %dma_wait3A_302 = arith.constant 0 : i32
        %dma_wait3A_303 = arith.constant 0 : i32
        %dma_wait3A_304 = tpu.memref_slice %arg8[%dma_wait3A_302, %dma_wait3A_303] : memref<16x80xi32, #tpu.memory_space<vmem>> -> memref<8x80xi32, #tpu.memory_space<vmem>>
        %dma_wait3A_305 = arith.constant 0 : i32
        %dma_wait3A_306 = arith.constant 0 : i32
        %dma_wait3A_307 = tpu.memref_slice %arg4[%add3A, %dma_wait3A_305, %dma_wait3A_306] : memref<32x136x80xi32, #tpu.memory_space<hbm>> -> memref<1x8x80xi32, #tpu.memory_space<hbm>>
        %dma_wait3A_308 = tpu.memref_squeeze %dma_wait3A_307 : memref<1x8x80xi32, #tpu.memory_space<hbm>> -> memref<8x80xi32, #tpu.memory_space<hbm>>
        tpu.wait_dma2 semaphore(%arg21 : memref<!tpu.dma_semaphore, #tpu.memory_space<semaphore_mem>>) src(%dma_wait3A_308 : memref<8x80xi32, #tpu.memory_space<hbm>>) dst(%dma_wait3A_304 : memref<8x80xi32, #tpu.memory_space<vmem>>)
      } else {
      }
      %eq3A_134 = arith.constant 0 : i32
      %eq3A_135 = arith.cmpi eq, %select_n3A_125, %eq3A_134 : i32
      %ge3A = arith.constant 1 : i32
      %ge3A_136 = arith.cmpi sge, %select_n3A, %ge3A : i32
      %add3A_137 = arith.constant 1 : i32
      %add3A_138 = arith.addi %select_n3A, %add3A_137 : i32
      %lt3A_139 = arith.constant 17 : i32
      %lt3A_140 = arith.cmpi slt, %add3A_138, %lt3A_139 : i32
      %and3A_141 = arith.andi %ge3A_136, %lt3A_140 : i1
      %and3A_142 = arith.andi %eq3A_135, %and3A_141 : i1
      %convert_element_type3A_143 = arith.extui %and3A_142 : i1 to i32
      %cond3A_144 = arith.constant 0 : i32
      %cond3A_145 = arith.cmpi ne, %convert_element_type3A_143, %cond3A_144 : i32
      scf.if %cond3A_145 {
        %add3A_281 = arith.constant 1 : i32
        %add3A_282 = arith.addi %select_n3A, %add3A_281 : i32
        %jit3A_283 = arith.constant 2 : i32
        %eq3A_284 = arith.constant 0 : i32
        %eq3A_285 = arith.cmpi eq, %jit3A_283, %eq3A_284 : i32
        %jit3A_286 = arith.constant 1 : i32
        %select_n3A_287 = arith.select %eq3A_285, %jit3A_286, %jit3A_283 : i32
        %rem3A_288 = arith.remsi %add3A_282, %select_n3A_287 : i32
        %ne3A_289 = arith.constant 0 : i32
        %ne3A_290 = arith.cmpi ne, %rem3A_288, %ne3A_289 : i32
        %lt3A_291 = arith.constant 0 : i32
        %lt3A_292 = arith.cmpi slt, %rem3A_288, %lt3A_291 : i32
        %lt3A_293 = arith.constant 0 : i32
        %lt3A_294 = arith.cmpi slt, %select_n3A_287, %lt3A_293 : i32
        %ne3A_295 = arith.xori %lt3A_292, %lt3A_294 : i1
        %and3A_296 = arith.andi %ne3A_295, %ne3A_290 : i1
        %add3A_297 = arith.addi %rem3A_288, %select_n3A_287 : i32
        %select_n3A_298 = arith.select %and3A_296, %add3A_297, %rem3A_288 : i32
        %mul3A_299 = arith.constant 8 : i32
        %mul3A_300 = arith.muli %select_n3A_298, %mul3A_299 : i32
        %multiple_of3A = tpu.assume_multiple %mul3A_300, 8 : i32
        %add3A_301 = arith.constant 1 : i32
        %add3A_302 = arith.addi %select_n3A, %add3A_301 : i32
        %mul3A_303 = arith.constant 8 : i32
        %mul3A_304 = arith.muli %add3A_302, %mul3A_303 : i32
        %multiple_of3A_305 = tpu.assume_multiple %mul3A_304, 8 : i32
        %dma_start3A_306 = arith.constant 0 : i32
        %dma_start3A_307 = tpu.memref_slice %arg7[%multiple_of3A, %dma_start3A_306] : memref<16x80xi32, #tpu.memory_space<vmem>> -> memref<8x80xi32, #tpu.memory_space<vmem>>
        %dma_start3A_308 = arith.constant 0 : i32
        %dma_start3A_309 = tpu.memref_slice %arg3[%add3A, %multiple_of3A_305, %dma_start3A_308] : memref<32x136x80xi32, #tpu.memory_space<hbm>> -> memref<1x8x80xi32, #tpu.memory_space<hbm>>
        %dma_start3A_310 = tpu.memref_squeeze %dma_start3A_309 : memref<1x8x80xi32, #tpu.memory_space<hbm>> -> memref<8x80xi32, #tpu.memory_space<hbm>>
        %dma_start3A_311 = arith.constant 0 : i32
        %dma_start3A_312 = tpu.memref_slice %arg7[%multiple_of3A, %dma_start3A_311] : memref<16x80xi32, #tpu.memory_space<vmem>> -> memref<8x80xi32, #tpu.memory_space<vmem>>
        %dma_start3A_313 = arith.constant 0 : i32
        %dma_start3A_314 = tpu.memref_slice %arg3[%add3A, %multiple_of3A_305, %dma_start3A_313] : memref<32x136x80xi32, #tpu.memory_space<hbm>> -> memref<1x8x80xi32, #tpu.memory_space<hbm>>
        %dma_start3A_315 = tpu.memref_squeeze %dma_start3A_314 : memref<1x8x80xi32, #tpu.memory_space<hbm>> -> memref<8x80xi32, #tpu.memory_space<hbm>>
        tpu.enqueue_dma source(%dma_start3A_315 : memref<8x80xi32, #tpu.memory_space<hbm>>) target(%dma_start3A_312 : memref<8x80xi32, #tpu.memory_space<vmem>>) target_semaphore(%arg21 : memref<!tpu.dma_semaphore, #tpu.memory_space<semaphore_mem>>)
        %dma_start3A_316 = arith.constant 0 : i32
        %dma_start3A_317 = tpu.memref_slice %arg8[%multiple_of3A, %dma_start3A_316] : memref<16x80xi32, #tpu.memory_space<vmem>> -> memref<8x80xi32, #tpu.memory_space<vmem>>
        %dma_start3A_318 = arith.constant 0 : i32
        %dma_start3A_319 = tpu.memref_slice %arg4[%add3A, %multiple_of3A_305, %dma_start3A_318] : memref<32x136x80xi32, #tpu.memory_space<hbm>> -> memref<1x8x80xi32, #tpu.memory_space<hbm>>
        %dma_start3A_320 = tpu.memref_squeeze %dma_start3A_319 : memref<1x8x80xi32, #tpu.memory_space<hbm>> -> memref<8x80xi32, #tpu.memory_space<hbm>>
        %dma_start3A_321 = arith.constant 0 : i32
        %dma_start3A_322 = tpu.memref_slice %arg8[%multiple_of3A, %dma_start3A_321] : memref<16x80xi32, #tpu.memory_space<vmem>> -> memref<8x80xi32, #tpu.memory_space<vmem>>
        %dma_start3A_323 = arith.constant 0 : i32
        %dma_start3A_324 = tpu.memref_slice %arg4[%add3A, %multiple_of3A_305, %dma_start3A_323] : memref<32x136x80xi32, #tpu.memory_space<hbm>> -> memref<1x8x80xi32, #tpu.memory_space<hbm>>
        %dma_start3A_325 = tpu.memref_squeeze %dma_start3A_324 : memref<1x8x80xi32, #tpu.memory_space<hbm>> -> memref<8x80xi32, #tpu.memory_space<hbm>>
        tpu.enqueue_dma source(%dma_start3A_325 : memref<8x80xi32, #tpu.memory_space<hbm>>) target(%dma_start3A_322 : memref<8x80xi32, #tpu.memory_space<vmem>>) target_semaphore(%arg21 : memref<!tpu.dma_semaphore, #tpu.memory_space<semaphore_mem>>)
      } else {
      }
      %mul3A_146 = arith.constant 4 : i32
      %mul3A_147 = arith.muli %scan3A_95, %mul3A_146 : i32
      %add3A_148 = arith.constant 0 : i32
      %add3A_149 = arith.addi %mul3A_147, %add3A_148 : i32
      %jit3A_150 = arith.constant 16 : i32
      %eq3A_151 = arith.constant 0 : i32
      %eq3A_152 = arith.cmpi eq, %jit3A_150, %eq3A_151 : i32
      %jit3A_153 = arith.constant 1 : i32
      %select_n3A_154 = arith.select %eq3A_152, %jit3A_153, %jit3A_150 : i32
      %rem3A_155 = arith.remsi %add3A_149, %select_n3A_154 : i32
      %ne3A_156 = arith.constant 0 : i32
      %ne3A_157 = arith.cmpi ne, %rem3A_155, %ne3A_156 : i32
      %lt3A_158 = arith.constant 0 : i32
      %lt3A_159 = arith.cmpi slt, %rem3A_155, %lt3A_158 : i32
      %lt3A_160 = arith.constant 0 : i32
      %lt3A_161 = arith.cmpi slt, %select_n3A_154, %lt3A_160 : i32
      %ne3A_162 = arith.xori %lt3A_159, %lt3A_161 : i1
      %and3A_163 = arith.andi %ne3A_162, %ne3A_157 : i1
      %add3A_164 = arith.addi %rem3A_155, %select_n3A_154 : i32
      %select_n3A_165 = arith.select %and3A_163, %add3A_164, %rem3A_155 : i32
      %dma_wait3A_166 = arith.constant 0 : i32
      %dma_wait3A_167 = tpu.memref_slice %arg7[%select_n3A_165, %dma_wait3A_166] : memref<16x80xi32, #tpu.memory_space<vmem>> -> memref<1x80xi32, #tpu.memory_space<vmem>>
      %dma_wait3A_168 = tpu.memref_squeeze %dma_wait3A_167 : memref<1x80xi32, #tpu.memory_space<vmem>> -> memref<80xi32, #tpu.memory_space<vmem>>
      %dma_wait3A_169 = arith.constant 0 : i32
      %dma_wait3A_170 = arith.constant 0 : i32
      %dma_wait3A_171 = tpu.memref_slice %arg2[%dma_wait3A_169, %dma_wait3A_170] : memref<10000x128xf32, #tpu.memory_space<hbm>> -> memref<10000x128xf32, #tpu.memory_space<hbm>>
      tpu.wait_indirect_dma semaphore(%arg13 : memref<!tpu.dma_semaphore, #tpu.memory_space<semaphore_mem>>) src(%dma_wait3A_171 : memref<10000x128xf32, #tpu.memory_space<hbm>>) dst(%arg9 : memref<80x128xf32, #tpu.memory_space<vmem>>)
      %dma_start3A_172 = arith.constant 0 : i32
      %dma_start3A_173 = tpu.memref_slice %arg8[%select_n3A_165, %dma_start3A_172] : memref<16x80xi32, #tpu.memory_space<vmem>> -> memref<1x80xi32, #tpu.memory_space<vmem>>
      %dma_start3A_174 = tpu.memref_squeeze %dma_start3A_173 : memref<1x80xi32, #tpu.memory_space<vmem>> -> memref<80xi32, #tpu.memory_space<vmem>>
      %dma_start3A_175 = arith.constant 0 : i32
      %dma_start3A_176 = arith.constant 0 : i32
      %dma_start3A_177 = tpu.memref_slice %arg22[%dma_start3A_175, %dma_start3A_176] : memref<10112x128xf32, #tpu.memory_space<vmem_shared>> -> memref<10112x128xf32, #tpu.memory_space<vmem_shared>>
      tpu.enqueue_indirect_dma source(%arg9 : memref<80x128xf32, #tpu.memory_space<vmem>>) target(%dma_start3A_177 : memref<10112x128xf32, #tpu.memory_space<vmem_shared>>) offsets(%dma_start3A_174 : memref<80xi32, #tpu.memory_space<vmem>>) semaphore(%arg17 : memref<!tpu.dma_semaphore, #tpu.memory_space<semaphore_mem>>) {add = true}
      %mul3A_178 = arith.constant 4 : i32
      %mul3A_179 = arith.muli %scan3A_95, %mul3A_178 : i32
      %add3A_180 = arith.constant 1 : i32
      %add3A_181 = arith.addi %mul3A_179, %add3A_180 : i32
      %jit3A_182 = arith.constant 16 : i32
      %eq3A_183 = arith.constant 0 : i32
      %eq3A_184 = arith.cmpi eq, %jit3A_182, %eq3A_183 : i32
      %jit3A_185 = arith.constant 1 : i32
      %select_n3A_186 = arith.select %eq3A_184, %jit3A_185, %jit3A_182 : i32
      %rem3A_187 = arith.remsi %add3A_181, %select_n3A_186 : i32
      %ne3A_188 = arith.constant 0 : i32
      %ne3A_189 = arith.cmpi ne, %rem3A_187, %ne3A_188 : i32
      %lt3A_190 = arith.constant 0 : i32
      %lt3A_191 = arith.cmpi slt, %rem3A_187, %lt3A_190 : i32
      %lt3A_192 = arith.constant 0 : i32
      %lt3A_193 = arith.cmpi slt, %select_n3A_186, %lt3A_192 : i32
      %ne3A_194 = arith.xori %lt3A_191, %lt3A_193 : i1
      %and3A_195 = arith.andi %ne3A_194, %ne3A_189 : i1
      %add3A_196 = arith.addi %rem3A_187, %select_n3A_186 : i32
      %select_n3A_197 = arith.select %and3A_195, %add3A_196, %rem3A_187 : i32
      %dma_wait3A_198 = arith.constant 0 : i32
      %dma_wait3A_199 = tpu.memref_slice %arg7[%select_n3A_197, %dma_wait3A_198] : memref<16x80xi32, #tpu.memory_space<vmem>> -> memref<1x80xi32, #tpu.memory_space<vmem>>
      %dma_wait3A_200 = tpu.memref_squeeze %dma_wait3A_199 : memref<1x80xi32, #tpu.memory_space<vmem>> -> memref<80xi32, #tpu.memory_space<vmem>>
      %dma_wait3A_201 = arith.constant 0 : i32
      %dma_wait3A_202 = arith.constant 0 : i32
      %dma_wait3A_203 = tpu.memref_slice %arg2[%dma_wait3A_201, %dma_wait3A_202] : memref<10000x128xf32, #tpu.memory_space<hbm>> -> memref<10000x128xf32, #tpu.memory_space<hbm>>
      tpu.wait_indirect_dma semaphore(%arg14 : memref<!tpu.dma_semaphore, #tpu.memory_space<semaphore_mem>>) src(%dma_wait3A_203 : memref<10000x128xf32, #tpu.memory_space<hbm>>) dst(%arg10 : memref<80x128xf32, #tpu.memory_space<vmem>>)
      %dma_start3A_204 = arith.constant 0 : i32
      %dma_start3A_205 = tpu.memref_slice %arg8[%select_n3A_197, %dma_start3A_204] : memref<16x80xi32, #tpu.memory_space<vmem>> -> memref<1x80xi32, #tpu.memory_space<vmem>>
      %dma_start3A_206 = tpu.memref_squeeze %dma_start3A_205 : memref<1x80xi32, #tpu.memory_space<vmem>> -> memref<80xi32, #tpu.memory_space<vmem>>
      %dma_start3A_207 = arith.constant 0 : i32
      %dma_start3A_208 = arith.constant 0 : i32
      %dma_start3A_209 = tpu.memref_slice %arg22[%dma_start3A_207, %dma_start3A_208] : memref<10112x128xf32, #tpu.memory_space<vmem_shared>> -> memref<10112x128xf32, #tpu.memory_space<vmem_shared>>
      tpu.enqueue_indirect_dma source(%arg10 : memref<80x128xf32, #tpu.memory_space<vmem>>) target(%dma_start3A_209 : memref<10112x128xf32, #tpu.memory_space<vmem_shared>>) offsets(%dma_start3A_206 : memref<80xi32, #tpu.memory_space<vmem>>) semaphore(%arg18 : memref<!tpu.dma_semaphore, #tpu.memory_space<semaphore_mem>>) {add = true}
      %mul3A_210 = arith.constant 4 : i32
      %mul3A_211 = arith.muli %scan3A_95, %mul3A_210 : i32
      %add3A_212 = arith.constant 2 : i32
      %add3A_213 = arith.addi %mul3A_211, %add3A_212 : i32
      %jit3A_214 = arith.constant 16 : i32
      %eq3A_215 = arith.constant 0 : i32
      %eq3A_216 = arith.cmpi eq, %jit3A_214, %eq3A_215 : i32
      %jit3A_217 = arith.constant 1 : i32
      %select_n3A_218 = arith.select %eq3A_216, %jit3A_217, %jit3A_214 : i32
      %rem3A_219 = arith.remsi %add3A_213, %select_n3A_218 : i32
      %ne3A_220 = arith.constant 0 : i32
      %ne3A_221 = arith.cmpi ne, %rem3A_219, %ne3A_220 : i32
      %lt3A_222 = arith.constant 0 : i32
      %lt3A_223 = arith.cmpi slt, %rem3A_219, %lt3A_222 : i32
      %lt3A_224 = arith.constant 0 : i32
      %lt3A_225 = arith.cmpi slt, %select_n3A_218, %lt3A_224 : i32
      %ne3A_226 = arith.xori %lt3A_223, %lt3A_225 : i1
      %and3A_227 = arith.andi %ne3A_226, %ne3A_221 : i1
      %add3A_228 = arith.addi %rem3A_219, %select_n3A_218 : i32
      %select_n3A_229 = arith.select %and3A_227, %add3A_228, %rem3A_219 : i32
      %dma_wait3A_230 = arith.constant 0 : i32
      %dma_wait3A_231 = tpu.memref_slice %arg7[%select_n3A_229, %dma_wait3A_230] : memref<16x80xi32, #tpu.memory_space<vmem>> -> memref<1x80xi32, #tpu.memory_space<vmem>>
      %dma_wait3A_232 = tpu.memref_squeeze %dma_wait3A_231 : memref<1x80xi32, #tpu.memory_space<vmem>> -> memref<80xi32, #tpu.memory_space<vmem>>
      %dma_wait3A_233 = arith.constant 0 : i32
      %dma_wait3A_234 = arith.constant 0 : i32
      %dma_wait3A_235 = tpu.memref_slice %arg2[%dma_wait3A_233, %dma_wait3A_234] : memref<10000x128xf32, #tpu.memory_space<hbm>> -> memref<10000x128xf32, #tpu.memory_space<hbm>>
      tpu.wait_indirect_dma semaphore(%arg15 : memref<!tpu.dma_semaphore, #tpu.memory_space<semaphore_mem>>) src(%dma_wait3A_235 : memref<10000x128xf32, #tpu.memory_space<hbm>>) dst(%arg11 : memref<80x128xf32, #tpu.memory_space<vmem>>)
      %dma_start3A_236 = arith.constant 0 : i32
      %dma_start3A_237 = tpu.memref_slice %arg8[%select_n3A_229, %dma_start3A_236] : memref<16x80xi32, #tpu.memory_space<vmem>> -> memref<1x80xi32, #tpu.memory_space<vmem>>
      %dma_start3A_238 = tpu.memref_squeeze %dma_start3A_237 : memref<1x80xi32, #tpu.memory_space<vmem>> -> memref<80xi32, #tpu.memory_space<vmem>>
      %dma_start3A_239 = arith.constant 0 : i32
      %dma_start3A_240 = arith.constant 0 : i32
      %dma_start3A_241 = tpu.memref_slice %arg22[%dma_start3A_239, %dma_start3A_240] : memref<10112x128xf32, #tpu.memory_space<vmem_shared>> -> memref<10112x128xf32, #tpu.memory_space<vmem_shared>>
      tpu.enqueue_indirect_dma source(%arg11 : memref<80x128xf32, #tpu.memory_space<vmem>>) target(%dma_start3A_241 : memref<10112x128xf32, #tpu.memory_space<vmem_shared>>) offsets(%dma_start3A_238 : memref<80xi32, #tpu.memory_space<vmem>>) semaphore(%arg19 : memref<!tpu.dma_semaphore, #tpu.memory_space<semaphore_mem>>) {add = true}
      %mul3A_242 = arith.constant 4 : i32
      %mul3A_243 = arith.muli %scan3A_95, %mul3A_242 : i32
      %add3A_244 = arith.constant 3 : i32
      %add3A_245 = arith.addi %mul3A_243, %add3A_244 : i32
      %jit3A_246 = arith.constant 16 : i32
      %eq3A_247 = arith.constant 0 : i32
      %eq3A_248 = arith.cmpi eq, %jit3A_246, %eq3A_247 : i32
      %jit3A_249 = arith.constant 1 : i32
      %select_n3A_250 = arith.select %eq3A_248, %jit3A_249, %jit3A_246 : i32
      %rem3A_251 = arith.remsi %add3A_245, %select_n3A_250 : i32
      %ne3A_252 = arith.constant 0 : i32
      %ne3A_253 = arith.cmpi ne, %rem3A_251, %ne3A_252 : i32
      %lt3A_254 = arith.constant 0 : i32
      %lt3A_255 = arith.cmpi slt, %rem3A_251, %lt3A_254 : i32
      %lt3A_256 = arith.constant 0 : i32
      %lt3A_257 = arith.cmpi slt, %select_n3A_250, %lt3A_256 : i32
      %ne3A_258 = arith.xori %lt3A_255, %lt3A_257 : i1
      %and3A_259 = arith.andi %ne3A_258, %ne3A_253 : i1
      %add3A_260 = arith.addi %rem3A_251, %select_n3A_250 : i32
      %select_n3A_261 = arith.select %and3A_259, %add3A_260, %rem3A_251 : i32
      %dma_wait3A_262 = arith.constant 0 : i32
      %dma_wait3A_263 = tpu.memref_slice %arg7[%select_n3A_261, %dma_wait3A_262] : memref<16x80xi32, #tpu.memory_space<vmem>> -> memref<1x80xi32, #tpu.memory_space<vmem>>
      %dma_wait3A_264 = tpu.memref_squeeze %dma_wait3A_263 : memref<1x80xi32, #tpu.memory_space<vmem>> -> memref<80xi32, #tpu.memory_space<vmem>>
      %dma_wait3A_265 = arith.constant 0 : i32
      %dma_wait3A_266 = arith.constant 0 : i32
      %dma_wait3A_267 = tpu.memref_slice %arg2[%dma_wait3A_265, %dma_wait3A_266] : memref<10000x128xf32, #tpu.memory_space<hbm>> -> memref<10000x128xf32, #tpu.memory_space<hbm>>
      tpu.wait_indirect_dma semaphore(%arg16 : memref<!tpu.dma_semaphore, #tpu.memory_space<semaphore_mem>>) src(%dma_wait3A_267 : memref<10000x128xf32, #tpu.memory_space<hbm>>) dst(%arg12 : memref<80x128xf32, #tpu.memory_space<vmem>>)
      %dma_start3A_268 = arith.constant 0 : i32
      %dma_start3A_269 = tpu.memref_slice %arg8[%select_n3A_261, %dma_start3A_268] : memref<16x80xi32, #tpu.memory_space<vmem>> -> memref<1x80xi32, #tpu.memory_space<vmem>>
      %dma_start3A_270 = tpu.memref_squeeze %dma_start3A_269 : memref<1x80xi32, #tpu.memory_space<vmem>> -> memref<80xi32, #tpu.memory_space<vmem>>
      %dma_start3A_271 = arith.constant 0 : i32
      %dma_start3A_272 = arith.constant 0 : i32
      %dma_start3A_273 = tpu.memref_slice %arg22[%dma_start3A_271, %dma_start3A_272] : memref<10112x128xf32, #tpu.memory_space<vmem_shared>> -> memref<10112x128xf32, #tpu.memory_space<vmem_shared>>
      tpu.enqueue_indirect_dma source(%arg12 : memref<80x128xf32, #tpu.memory_space<vmem>>) target(%dma_start3A_273 : memref<10112x128xf32, #tpu.memory_space<vmem_shared>>) offsets(%dma_start3A_270 : memref<80xi32, #tpu.memory_space<vmem>>) semaphore(%arg20 : memref<!tpu.dma_semaphore, #tpu.memory_space<semaphore_mem>>) {add = true}
      %add3A_274 = arith.constant 1 : i32
      %add3A_275 = arith.addi %scan3A_95, %add3A_274 : i32
      %lt3A_276 = arith.constant 34 : i32
      %lt3A_277 = arith.cmpi slt, %add3A_275, %lt3A_276 : i32
      %convert_element_type3A_278 = arith.extui %lt3A_277 : i1 to i32
      %cond3A_279 = arith.constant 0 : i32
      %cond3A_280 = arith.cmpi ne, %convert_element_type3A_278, %cond3A_279 : i32
      scf.if %cond3A_280 {
        %mul3A_281 = arith.constant 4 : i32
        %mul3A_282 = arith.muli %scan3A_95, %mul3A_281 : i32
        %add3A_283 = arith.constant 0 : i32
        %add3A_284 = arith.addi %mul3A_282, %add3A_283 : i32
        %jit3A_285 = arith.constant 16 : i32
        %eq3A_286 = arith.constant 0 : i32
        %eq3A_287 = arith.cmpi eq, %jit3A_285, %eq3A_286 : i32
        %jit3A_288 = arith.constant 1 : i32
        %select_n3A_289 = arith.select %eq3A_287, %jit3A_288, %jit3A_285 : i32
        %rem3A_290 = arith.remsi %add3A_284, %select_n3A_289 : i32
        %ne3A_291 = arith.constant 0 : i32
        %ne3A_292 = arith.cmpi ne, %rem3A_290, %ne3A_291 : i32
        %lt3A_293 = arith.constant 0 : i32
        %lt3A_294 = arith.cmpi slt, %rem3A_290, %lt3A_293 : i32
        %lt3A_295 = arith.constant 0 : i32
        %lt3A_296 = arith.cmpi slt, %select_n3A_289, %lt3A_295 : i32
        %ne3A_297 = arith.xori %lt3A_294, %lt3A_296 : i1
        %and3A_298 = arith.andi %ne3A_297, %ne3A_292 : i1
        %add3A_299 = arith.addi %rem3A_290, %select_n3A_289 : i32
        %select_n3A_300 = arith.select %and3A_298, %add3A_299, %rem3A_290 : i32
        %add3A_301 = arith.constant 4 : i32
        %add3A_302 = arith.addi %add3A_284, %add3A_301 : i32
        %jit3A_303 = arith.constant 16 : i32
        %eq3A_304 = arith.constant 0 : i32
        %eq3A_305 = arith.cmpi eq, %jit3A_303, %eq3A_304 : i32
        %jit3A_306 = arith.constant 1 : i32
        %select_n3A_307 = arith.select %eq3A_305, %jit3A_306, %jit3A_303 : i32
        %rem3A_308 = arith.remsi %add3A_302, %select_n3A_307 : i32
        %ne3A_309 = arith.constant 0 : i32
        %ne3A_310 = arith.cmpi ne, %rem3A_308, %ne3A_309 : i32
        %lt3A_311 = arith.constant 0 : i32
        %lt3A_312 = arith.cmpi slt, %rem3A_308, %lt3A_311 : i32
        %lt3A_313 = arith.constant 0 : i32
        %lt3A_314 = arith.cmpi slt, %select_n3A_307, %lt3A_313 : i32
        %ne3A_315 = arith.xori %lt3A_312, %lt3A_314 : i1
        %and3A_316 = arith.andi %ne3A_315, %ne3A_310 : i1
        %add3A_317 = arith.addi %rem3A_308, %select_n3A_307 : i32
        %select_n3A_318 = arith.select %and3A_316, %add3A_317, %rem3A_308 : i32
        %dma_wait3A_319 = arith.constant 0 : i32
        %dma_wait3A_320 = tpu.memref_slice %arg8[%select_n3A_300, %dma_wait3A_319] : memref<16x80xi32, #tpu.memory_space<vmem>> -> memref<1x80xi32, #tpu.memory_space<vmem>>
        %dma_wait3A_321 = tpu.memref_squeeze %dma_wait3A_320 : memref<1x80xi32, #tpu.memory_space<vmem>> -> memref<80xi32, #tpu.memory_space<vmem>>
        %dma_wait3A_322 = arith.constant 0 : i32
        %dma_wait3A_323 = arith.constant 0 : i32
        %dma_wait3A_324 = tpu.memref_slice %arg22[%dma_wait3A_322, %dma_wait3A_323] : memref<10112x128xf32, #tpu.memory_space<vmem_shared>> -> memref<10112x128xf32, #tpu.memory_space<vmem_shared>>
        tpu.wait_indirect_dma semaphore(%arg17 : memref<!tpu.dma_semaphore, #tpu.memory_space<semaphore_mem>>) src(%arg9 : memref<80x128xf32, #tpu.memory_space<vmem>>) dst(%dma_wait3A_324 : memref<10112x128xf32, #tpu.memory_space<vmem_shared>>)
        %dma_start3A_325 = arith.constant 0 : i32
        %dma_start3A_326 = tpu.memref_slice %arg7[%select_n3A_318, %dma_start3A_325] : memref<16x80xi32, #tpu.memory_space<vmem>> -> memref<1x80xi32, #tpu.memory_space<vmem>>
        %dma_start3A_327 = tpu.memref_squeeze %dma_start3A_326 : memref<1x80xi32, #tpu.memory_space<vmem>> -> memref<80xi32, #tpu.memory_space<vmem>>
        %dma_start3A_328 = arith.constant 0 : i32
        %dma_start3A_329 = arith.constant 0 : i32
        %dma_start3A_330 = tpu.memref_slice %arg2[%dma_start3A_328, %dma_start3A_329] : memref<10000x128xf32, #tpu.memory_space<hbm>> -> memref<10000x128xf32, #tpu.memory_space<hbm>>
        tpu.enqueue_indirect_dma source(%dma_start3A_330 : memref<10000x128xf32, #tpu.memory_space<hbm>>) target(%arg9 : memref<80x128xf32, #tpu.memory_space<vmem>>) offsets(%dma_start3A_327 : memref<80xi32, #tpu.memory_space<vmem>>) semaphore(%arg13 : memref<!tpu.dma_semaphore, #tpu.memory_space<semaphore_mem>>)
        %mul3A_331 = arith.constant 4 : i32
        %mul3A_332 = arith.muli %scan3A_95, %mul3A_331 : i32
        %add3A_333 = arith.constant 1 : i32
        %add3A_334 = arith.addi %mul3A_332, %add3A_333 : i32
        %jit3A_335 = arith.constant 16 : i32
        %eq3A_336 = arith.constant 0 : i32
        %eq3A_337 = arith.cmpi eq, %jit3A_335, %eq3A_336 : i32
        %jit3A_338 = arith.constant 1 : i32
        %select_n3A_339 = arith.select %eq3A_337, %jit3A_338, %jit3A_335 : i32
        %rem3A_340 = arith.remsi %add3A_334, %select_n3A_339 : i32
        %ne3A_341 = arith.constant 0 : i32
        %ne3A_342 = arith.cmpi ne, %rem3A_340, %ne3A_341 : i32
        %lt3A_343 = arith.constant 0 : i32
        %lt3A_344 = arith.cmpi slt, %rem3A_340, %lt3A_343 : i32
        %lt3A_345 = arith.constant 0 : i32
        %lt3A_346 = arith.cmpi slt, %select_n3A_339, %lt3A_345 : i32
        %ne3A_347 = arith.xori %lt3A_344, %lt3A_346 : i1
        %and3A_348 = arith.andi %ne3A_347, %ne3A_342 : i1
        %add3A_349 = arith.addi %rem3A_340, %select_n3A_339 : i32
        %select_n3A_350 = arith.select %and3A_348, %add3A_349, %rem3A_340 : i32
        %add3A_351 = arith.constant 4 : i32
        %add3A_352 = arith.addi %add3A_334, %add3A_351 : i32
        %jit3A_353 = arith.constant 16 : i32
        %eq3A_354 = arith.constant 0 : i32
        %eq3A_355 = arith.cmpi eq, %jit3A_353, %eq3A_354 : i32
        %jit3A_356 = arith.constant 1 : i32
        %select_n3A_357 = arith.select %eq3A_355, %jit3A_356, %jit3A_353 : i32
        %rem3A_358 = arith.remsi %add3A_352, %select_n3A_357 : i32
        %ne3A_359 = arith.constant 0 : i32
        %ne3A_360 = arith.cmpi ne, %rem3A_358, %ne3A_359 : i32
        %lt3A_361 = arith.constant 0 : i32
        %lt3A_362 = arith.cmpi slt, %rem3A_358, %lt3A_361 : i32
        %lt3A_363 = arith.constant 0 : i32
        %lt3A_364 = arith.cmpi slt, %select_n3A_357, %lt3A_363 : i32
        %ne3A_365 = arith.xori %lt3A_362, %lt3A_364 : i1
        %and3A_366 = arith.andi %ne3A_365, %ne3A_360 : i1
        %add3A_367 = arith.addi %rem3A_358, %select_n3A_357 : i32
        %select_n3A_368 = arith.select %and3A_366, %add3A_367, %rem3A_358 : i32
        %dma_wait3A_369 = arith.constant 0 : i32
        %dma_wait3A_370 = tpu.memref_slice %arg8[%select_n3A_350, %dma_wait3A_369] : memref<16x80xi32, #tpu.memory_space<vmem>> -> memref<1x80xi32, #tpu.memory_space<vmem>>
        %dma_wait3A_371 = tpu.memref_squeeze %dma_wait3A_370 : memref<1x80xi32, #tpu.memory_space<vmem>> -> memref<80xi32, #tpu.memory_space<vmem>>
        %dma_wait3A_372 = arith.constant 0 : i32
        %dma_wait3A_373 = arith.constant 0 : i32
        %dma_wait3A_374 = tpu.memref_slice %arg22[%dma_wait3A_372, %dma_wait3A_373] : memref<10112x128xf32, #tpu.memory_space<vmem_shared>> -> memref<10112x128xf32, #tpu.memory_space<vmem_shared>>
        tpu.wait_indirect_dma semaphore(%arg18 : memref<!tpu.dma_semaphore, #tpu.memory_space<semaphore_mem>>) src(%arg10 : memref<80x128xf32, #tpu.memory_space<vmem>>) dst(%dma_wait3A_374 : memref<10112x128xf32, #tpu.memory_space<vmem_shared>>)
        %dma_start3A_375 = arith.constant 0 : i32
        %dma_start3A_376 = tpu.memref_slice %arg7[%select_n3A_368, %dma_start3A_375] : memref<16x80xi32, #tpu.memory_space<vmem>> -> memref<1x80xi32, #tpu.memory_space<vmem>>
        %dma_start3A_377 = tpu.memref_squeeze %dma_start3A_376 : memref<1x80xi32, #tpu.memory_space<vmem>> -> memref<80xi32, #tpu.memory_space<vmem>>
        %dma_start3A_378 = arith.constant 0 : i32
        %dma_start3A_379 = arith.constant 0 : i32
        %dma_start3A_380 = tpu.memref_slice %arg2[%dma_start3A_378, %dma_start3A_379] : memref<10000x128xf32, #tpu.memory_space<hbm>> -> memref<10000x128xf32, #tpu.memory_space<hbm>>
        tpu.enqueue_indirect_dma source(%dma_start3A_380 : memref<10000x128xf32, #tpu.memory_space<hbm>>) target(%arg10 : memref<80x128xf32, #tpu.memory_space<vmem>>) offsets(%dma_start3A_377 : memref<80xi32, #tpu.memory_space<vmem>>) semaphore(%arg14 : memref<!tpu.dma_semaphore, #tpu.memory_space<semaphore_mem>>)
        %mul3A_381 = arith.constant 4 : i32
        %mul3A_382 = arith.muli %scan3A_95, %mul3A_381 : i32
        %add3A_383 = arith.constant 2 : i32
        %add3A_384 = arith.addi %mul3A_382, %add3A_383 : i32
        %jit3A_385 = arith.constant 16 : i32
        %eq3A_386 = arith.constant 0 : i32
        %eq3A_387 = arith.cmpi eq, %jit3A_385, %eq3A_386 : i32
        %jit3A_388 = arith.constant 1 : i32
        %select_n3A_389 = arith.select %eq3A_387, %jit3A_388, %jit3A_385 : i32
        %rem3A_390 = arith.remsi %add3A_384, %select_n3A_389 : i32
        %ne3A_391 = arith.constant 0 : i32
        %ne3A_392 = arith.cmpi ne, %rem3A_390, %ne3A_391 : i32
        %lt3A_393 = arith.constant 0 : i32
        %lt3A_394 = arith.cmpi slt, %rem3A_390, %lt3A_393 : i32
        %lt3A_395 = arith.constant 0 : i32
        %lt3A_396 = arith.cmpi slt, %select_n3A_389, %lt3A_395 : i32
        %ne3A_397 = arith.xori %lt3A_394, %lt3A_396 : i1
        %and3A_398 = arith.andi %ne3A_397, %ne3A_392 : i1
        %add3A_399 = arith.addi %rem3A_390, %select_n3A_389 : i32
        %select_n3A_400 = arith.select %and3A_398, %add3A_399, %rem3A_390 : i32
        %add3A_401 = arith.constant 4 : i32
        %add3A_402 = arith.addi %add3A_384, %add3A_401 : i32
        %jit3A_403 = arith.constant 16 : i32
        %eq3A_404 = arith.constant 0 : i32
        %eq3A_405 = arith.cmpi eq, %jit3A_403, %eq3A_404 : i32
        %jit3A_406 = arith.constant 1 : i32
        %select_n3A_407 = arith.select %eq3A_405, %jit3A_406, %jit3A_403 : i32
        %rem3A_408 = arith.remsi %add3A_402, %select_n3A_407 : i32
        %ne3A_409 = arith.constant 0 : i32
        %ne3A_410 = arith.cmpi ne, %rem3A_408, %ne3A_409 : i32
        %lt3A_411 = arith.constant 0 : i32
        %lt3A_412 = arith.cmpi slt, %rem3A_408, %lt3A_411 : i32
        %lt3A_413 = arith.constant 0 : i32
        %lt3A_414 = arith.cmpi slt, %select_n3A_407, %lt3A_413 : i32
        %ne3A_415 = arith.xori %lt3A_412, %lt3A_414 : i1
        %and3A_416 = arith.andi %ne3A_415, %ne3A_410 : i1
        %add3A_417 = arith.addi %rem3A_408, %select_n3A_407 : i32
        %select_n3A_418 = arith.select %and3A_416, %add3A_417, %rem3A_408 : i32
        %dma_wait3A_419 = arith.constant 0 : i32
        %dma_wait3A_420 = tpu.memref_slice %arg8[%select_n3A_400, %dma_wait3A_419] : memref<16x80xi32, #tpu.memory_space<vmem>> -> memref<1x80xi32, #tpu.memory_space<vmem>>
        %dma_wait3A_421 = tpu.memref_squeeze %dma_wait3A_420 : memref<1x80xi32, #tpu.memory_space<vmem>> -> memref<80xi32, #tpu.memory_space<vmem>>
        %dma_wait3A_422 = arith.constant 0 : i32
        %dma_wait3A_423 = arith.constant 0 : i32
        %dma_wait3A_424 = tpu.memref_slice %arg22[%dma_wait3A_422, %dma_wait3A_423] : memref<10112x128xf32, #tpu.memory_space<vmem_shared>> -> memref<10112x128xf32, #tpu.memory_space<vmem_shared>>
        tpu.wait_indirect_dma semaphore(%arg19 : memref<!tpu.dma_semaphore, #tpu.memory_space<semaphore_mem>>) src(%arg11 : memref<80x128xf32, #tpu.memory_space<vmem>>) dst(%dma_wait3A_424 : memref<10112x128xf32, #tpu.memory_space<vmem_shared>>)
        %dma_start3A_425 = arith.constant 0 : i32
        %dma_start3A_426 = tpu.memref_slice %arg7[%select_n3A_418, %dma_start3A_425] : memref<16x80xi32, #tpu.memory_space<vmem>> -> memref<1x80xi32, #tpu.memory_space<vmem>>
        %dma_start3A_427 = tpu.memref_squeeze %dma_start3A_426 : memref<1x80xi32, #tpu.memory_space<vmem>> -> memref<80xi32, #tpu.memory_space<vmem>>
        %dma_start3A_428 = arith.constant 0 : i32
        %dma_start3A_429 = arith.constant 0 : i32
        %dma_start3A_430 = tpu.memref_slice %arg2[%dma_start3A_428, %dma_start3A_429] : memref<10000x128xf32, #tpu.memory_space<hbm>> -> memref<10000x128xf32, #tpu.memory_space<hbm>>
        tpu.enqueue_indirect_dma source(%dma_start3A_430 : memref<10000x128xf32, #tpu.memory_space<hbm>>) target(%arg11 : memref<80x128xf32, #tpu.memory_space<vmem>>) offsets(%dma_start3A_427 : memref<80xi32, #tpu.memory_space<vmem>>) semaphore(%arg15 : memref<!tpu.dma_semaphore, #tpu.memory_space<semaphore_mem>>)
        %mul3A_431 = arith.constant 4 : i32
        %mul3A_432 = arith.muli %scan3A_95, %mul3A_431 : i32
        %add3A_433 = arith.constant 3 : i32
        %add3A_434 = arith.addi %mul3A_432, %add3A_433 : i32
        %jit3A_435 = arith.constant 16 : i32
        %eq3A_436 = arith.constant 0 : i32
        %eq3A_437 = arith.cmpi eq, %jit3A_435, %eq3A_436 : i32
        %jit3A_438 = arith.constant 1 : i32
        %select_n3A_439 = arith.select %eq3A_437, %jit3A_438, %jit3A_435 : i32
        %rem3A_440 = arith.remsi %add3A_434, %select_n3A_439 : i32
        %ne3A_441 = arith.constant 0 : i32
        %ne3A_442 = arith.cmpi ne, %rem3A_440, %ne3A_441 : i32
        %lt3A_443 = arith.constant 0 : i32
        %lt3A_444 = arith.cmpi slt, %rem3A_440, %lt3A_443 : i32
        %lt3A_445 = arith.constant 0 : i32
        %lt3A_446 = arith.cmpi slt, %select_n3A_439, %lt3A_445 : i32
        %ne3A_447 = arith.xori %lt3A_444, %lt3A_446 : i1
        %and3A_448 = arith.andi %ne3A_447, %ne3A_442 : i1
        %add3A_449 = arith.addi %rem3A_440, %select_n3A_439 : i32
        %select_n3A_450 = arith.select %and3A_448, %add3A_449, %rem3A_440 : i32
        %add3A_451 = arith.constant 4 : i32
        %add3A_452 = arith.addi %add3A_434, %add3A_451 : i32
        %jit3A_453 = arith.constant 16 : i32
        %eq3A_454 = arith.constant 0 : i32
        %eq3A_455 = arith.cmpi eq, %jit3A_453, %eq3A_454 : i32
        %jit3A_456 = arith.constant 1 : i32
        %select_n3A_457 = arith.select %eq3A_455, %jit3A_456, %jit3A_453 : i32
        %rem3A_458 = arith.remsi %add3A_452, %select_n3A_457 : i32
        %ne3A_459 = arith.constant 0 : i32
        %ne3A_460 = arith.cmpi ne, %rem3A_458, %ne3A_459 : i32
        %lt3A_461 = arith.constant 0 : i32
        %lt3A_462 = arith.cmpi slt, %rem3A_458, %lt3A_461 : i32
        %lt3A_463 = arith.constant 0 : i32
        %lt3A_464 = arith.cmpi slt, %select_n3A_457, %lt3A_463 : i32
        %ne3A_465 = arith.xori %lt3A_462, %lt3A_464 : i1
        %and3A_466 = arith.andi %ne3A_465, %ne3A_460 : i1
        %add3A_467 = arith.addi %rem3A_458, %select_n3A_457 : i32
        %select_n3A_468 = arith.select %and3A_466, %add3A_467, %rem3A_458 : i32
        %dma_wait3A_469 = arith.constant 0 : i32
        %dma_wait3A_470 = tpu.memref_slice %arg8[%select_n3A_450, %dma_wait3A_469] : memref<16x80xi32, #tpu.memory_space<vmem>> -> memref<1x80xi32, #tpu.memory_space<vmem>>
        %dma_wait3A_471 = tpu.memref_squeeze %dma_wait3A_470 : memref<1x80xi32, #tpu.memory_space<vmem>> -> memref<80xi32, #tpu.memory_space<vmem>>
        %dma_wait3A_472 = arith.constant 0 : i32
        %dma_wait3A_473 = arith.constant 0 : i32
        %dma_wait3A_474 = tpu.memref_slice %arg22[%dma_wait3A_472, %dma_wait3A_473] : memref<10112x128xf32, #tpu.memory_space<vmem_shared>> -> memref<10112x128xf32, #tpu.memory_space<vmem_shared>>
        tpu.wait_indirect_dma semaphore(%arg20 : memref<!tpu.dma_semaphore, #tpu.memory_space<semaphore_mem>>) src(%arg12 : memref<80x128xf32, #tpu.memory_space<vmem>>) dst(%dma_wait3A_474 : memref<10112x128xf32, #tpu.memory_space<vmem_shared>>)
        %dma_start3A_475 = arith.constant 0 : i32
        %dma_start3A_476 = tpu.memref_slice %arg7[%select_n3A_468, %dma_start3A_475] : memref<16x80xi32, #tpu.memory_space<vmem>> -> memref<1x80xi32, #tpu.memory_space<vmem>>
        %dma_start3A_477 = tpu.memref_squeeze %dma_start3A_476 : memref<1x80xi32, #tpu.memory_space<vmem>> -> memref<80xi32, #tpu.memory_space<vmem>>
        %dma_start3A_478 = arith.constant 0 : i32
        %dma_start3A_479 = arith.constant 0 : i32
        %dma_start3A_480 = tpu.memref_slice %arg2[%dma_start3A_478, %dma_start3A_479] : memref<10000x128xf32, #tpu.memory_space<hbm>> -> memref<10000x128xf32, #tpu.memory_space<hbm>>
        tpu.enqueue_indirect_dma source(%dma_start3A_480 : memref<10000x128xf32, #tpu.memory_space<hbm>>) target(%arg12 : memref<80x128xf32, #tpu.memory_space<vmem>>) offsets(%dma_start3A_477 : memref<80xi32, #tpu.memory_space<vmem>>) semaphore(%arg16 : memref<!tpu.dma_semaphore, #tpu.memory_space<semaphore_mem>>)
      } else {
      }
    }
    %scan3A_62 = arith.constant 34 : i32
    %dma_wait3A = arith.constant 4 : i32
    %dma_wait3A_63 = arith.constant 0 : i32
    %dma_wait3A_64 = tpu.memref_slice %arg8[%dma_wait3A, %dma_wait3A_63] : memref<16x80xi32, #tpu.memory_space<vmem>> -> memref<1x80xi32, #tpu.memory_space<vmem>>
    %dma_wait3A_65 = tpu.memref_squeeze %dma_wait3A_64 : memref<1x80xi32, #tpu.memory_space<vmem>> -> memref<80xi32, #tpu.memory_space<vmem>>
    %dma_wait3A_66 = arith.constant 0 : i32
    %dma_wait3A_67 = arith.constant 0 : i32
    %dma_wait3A_68 = tpu.memref_slice %arg22[%dma_wait3A_66, %dma_wait3A_67] : memref<10112x128xf32, #tpu.memory_space<vmem_shared>> -> memref<10112x128xf32, #tpu.memory_space<vmem_shared>>
    tpu.wait_indirect_dma semaphore(%arg17 : memref<!tpu.dma_semaphore, #tpu.memory_space<semaphore_mem>>) src(%arg9 : memref<80x128xf32, #tpu.memory_space<vmem>>) dst(%dma_wait3A_68 : memref<10112x128xf32, #tpu.memory_space<vmem_shared>>)
    %dma_wait3A_69 = arith.constant 5 : i32
    %dma_wait3A_70 = arith.constant 0 : i32
    %dma_wait3A_71 = tpu.memref_slice %arg8[%dma_wait3A_69, %dma_wait3A_70] : memref<16x80xi32, #tpu.memory_space<vmem>> -> memref<1x80xi32, #tpu.memory_space<vmem>>
    %dma_wait3A_72 = tpu.memref_squeeze %dma_wait3A_71 : memref<1x80xi32, #tpu.memory_space<vmem>> -> memref<80xi32, #tpu.memory_space<vmem>>
    %dma_wait3A_73 = arith.constant 0 : i32
    %dma_wait3A_74 = arith.constant 0 : i32
    %dma_wait3A_75 = tpu.memref_slice %arg22[%dma_wait3A_73, %dma_wait3A_74] : memref<10112x128xf32, #tpu.memory_space<vmem_shared>> -> memref<10112x128xf32, #tpu.memory_space<vmem_shared>>
    tpu.wait_indirect_dma semaphore(%arg18 : memref<!tpu.dma_semaphore, #tpu.memory_space<semaphore_mem>>) src(%arg10 : memref<80x128xf32, #tpu.memory_space<vmem>>) dst(%dma_wait3A_75 : memref<10112x128xf32, #tpu.memory_space<vmem_shared>>)
    %dma_wait3A_76 = arith.constant 6 : i32
    %dma_wait3A_77 = arith.constant 0 : i32
    %dma_wait3A_78 = tpu.memref_slice %arg8[%dma_wait3A_76, %dma_wait3A_77] : memref<16x80xi32, #tpu.memory_space<vmem>> -> memref<1x80xi32, #tpu.memory_space<vmem>>
    %dma_wait3A_79 = tpu.memref_squeeze %dma_wait3A_78 : memref<1x80xi32, #tpu.memory_space<vmem>> -> memref<80xi32, #tpu.memory_space<vmem>>
    %dma_wait3A_80 = arith.constant 0 : i32
    %dma_wait3A_81 = arith.constant 0 : i32
    %dma_wait3A_82 = tpu.memref_slice %arg22[%dma_wait3A_80, %dma_wait3A_81] : memref<10112x128xf32, #tpu.memory_space<vmem_shared>> -> memref<10112x128xf32, #tpu.memory_space<vmem_shared>>
    tpu.wait_indirect_dma semaphore(%arg19 : memref<!tpu.dma_semaphore, #tpu.memory_space<semaphore_mem>>) src(%arg11 : memref<80x128xf32, #tpu.memory_space<vmem>>) dst(%dma_wait3A_82 : memref<10112x128xf32, #tpu.memory_space<vmem_shared>>)
    %dma_wait3A_83 = arith.constant 7 : i32
    %dma_wait3A_84 = arith.constant 0 : i32
    %dma_wait3A_85 = tpu.memref_slice %arg8[%dma_wait3A_83, %dma_wait3A_84] : memref<16x80xi32, #tpu.memory_space<vmem>> -> memref<1x80xi32, #tpu.memory_space<vmem>>
    %dma_wait3A_86 = tpu.memref_squeeze %dma_wait3A_85 : memref<1x80xi32, #tpu.memory_space<vmem>> -> memref<80xi32, #tpu.memory_space<vmem>>
    %dma_wait3A_87 = arith.constant 0 : i32
    %dma_wait3A_88 = arith.constant 0 : i32
    %dma_wait3A_89 = tpu.memref_slice %arg22[%dma_wait3A_87, %dma_wait3A_88] : memref<10112x128xf32, #tpu.memory_space<vmem_shared>> -> memref<10112x128xf32, #tpu.memory_space<vmem_shared>>
    tpu.wait_indirect_dma semaphore(%arg20 : memref<!tpu.dma_semaphore, #tpu.memory_space<semaphore_mem>>) src(%arg12 : memref<80x128xf32, #tpu.memory_space<vmem>>) dst(%dma_wait3A_89 : memref<10112x128xf32, #tpu.memory_space<vmem_shared>>)
    %barrier3A_90 = arith.constant 0 : index
    tpu.barrier barrier_id(%barrier3A_90)
    %mul3A_91 = arith.constant 632 : i32
    %mul3A_92 = arith.muli %arg1, %mul3A_91 : i32
    %mul3A_93 = arith.constant 632 : i32
    %mul3A_94 = arith.muli %arg1, %mul3A_93 : i32
    "tpu.region"() ({
      %run_scoped3A = tpu.sem_alloc : memref<!tpu.dma_semaphore, #tpu.memory_space<semaphore_mem>>
      %dma_start3A_95 = arith.constant 0 : i32
      %dma_start3A_96 = tpu.memref_slice %arg6[%arg0, %mul3A_94, %dma_start3A_95] : memref<2x10112x128xf32, #tpu.memory_space<hbm>> -> memref<1x632x128xf32, #tpu.memory_space<hbm>>
      %dma_start3A_97 = tpu.memref_squeeze %dma_start3A_96 : memref<1x632x128xf32, #tpu.memory_space<hbm>> -> memref<632x128xf32, #tpu.memory_space<hbm>>
      %dma_start3A_98 = arith.constant 0 : i32
      %dma_start3A_99 = tpu.memref_slice %arg22[%mul3A_92, %dma_start3A_98] : memref<10112x128xf32, #tpu.memory_space<vmem_shared>> -> memref<632x128xf32, #tpu.memory_space<vmem_shared>>
      tpu.enqueue_dma source(%dma_start3A_99 : memref<632x128xf32, #tpu.memory_space<vmem_shared>>) target(%dma_start3A_97 : memref<632x128xf32, #tpu.memory_space<hbm>>) target_semaphore(%run_scoped3A : memref<!tpu.dma_semaphore, #tpu.memory_space<semaphore_mem>>)
      %dma_wait3A_100 = arith.constant 0 : i32
      %dma_wait3A_101 = tpu.memref_slice %arg6[%arg0, %mul3A_94, %dma_wait3A_100] : memref<2x10112x128xf32, #tpu.memory_space<hbm>> -> memref<1x632x128xf32, #tpu.memory_space<hbm>>
      %dma_wait3A_102 = tpu.memref_squeeze %dma_wait3A_101 : memref<1x632x128xf32, #tpu.memory_space<hbm>> -> memref<632x128xf32, #tpu.memory_space<hbm>>
      %dma_wait3A_103 = arith.constant 0 : i32
      %dma_wait3A_104 = tpu.memref_slice %arg22[%mul3A_92, %dma_wait3A_103] : memref<10112x128xf32, #tpu.memory_space<vmem_shared>> -> memref<632x128xf32, #tpu.memory_space<vmem_shared>>
      tpu.wait_dma2 semaphore(%run_scoped3A : memref<!tpu.dma_semaphore, #tpu.memory_space<semaphore_mem>>) src(%dma_wait3A_104 : memref<632x128xf32, #tpu.memory_space<vmem_shared>>) dst(%dma_wait3A_102 : memref<632x128xf32, #tpu.memory_space<hbm>>)
      tpu.yield
    }) : () -> ()
    return
  }
}

#map = affine_map<(d0, d1) -> (0, 0)>
#map1 = affine_map<(d0, d1) -> (0, 0, 0)>
module attributes {stable_mosaic.version = 14 : i64} {
  func.func @_agg_body(%arg0: i32, %arg1: i32, %arg2: memref<10000x128xf32, #tpu.memory_space<hbm>>, %arg3: memref<32x136x80xi32, #tpu.memory_space<hbm>>, %arg4: memref<32x136x80xi32, #tpu.memory_space<hbm>>, %arg5: memref<632x128xf32, #tpu.memory_space<hbm>>, %arg6: memref<2x10112x128xf32, #tpu.memory_space<hbm>>, %arg7: memref<16x80xi32, #tpu.memory_space<vmem>>, %arg8: memref<16x80xi32, #tpu.memory_space<vmem>>, %arg9: memref<80x128xf32, #tpu.memory_space<vmem>>, %arg10: memref<80x128xf32, #tpu.memory_space<vmem>>, %arg11: memref<80x128xf32, #tpu.memory_space<vmem>>, %arg12: memref<80x128xf32, #tpu.memory_space<vmem>>, %arg13: memref<!tpu.dma_semaphore, #tpu.memory_space<semaphore_mem>>, %arg14: memref<!tpu.dma_semaphore, #tpu.memory_space<semaphore_mem>>, %arg15: memref<!tpu.dma_semaphore, #tpu.memory_space<semaphore_mem>>, %arg16: memref<!tpu.dma_semaphore, #tpu.memory_space<semaphore_mem>>, %arg17: memref<!tpu.dma_semaphore, #tpu.memory_space<semaphore_mem>>, %arg18: memref<!tpu.dma_semaphore, #tpu.memory_space<semaphore_mem>>, %arg19: memref<!tpu.dma_semaphore, #tpu.memory_space<semaphore_mem>>, %arg20: memref<!tpu.dma_semaphore, #tpu.memory_space<semaphore_mem>>, %arg21: memref<!tpu.dma_semaphore, #tpu.memory_space<semaphore_mem>>, %arg22: memref<10112x128xf32, #tpu.memory_space<vmem_shared>>) attributes {dimension_semantics = [#tpu.dimension_semantics<core_parallel>, #tpu.dimension_semantics<subcore_parallel>], iteration_bounds = array<i64: 2, 16>, scalar_prefetch = 0 : i64, scratch_operands = 16 : i64, tpu.core_type = #tpu.core_type<sc_vector_subcore>, window_params = [{transform_indices = #map}, {transform_indices = #map1}, {transform_indices = #map1}, {transform_indices = #map}, {transform_indices = #map1}]} {
    %mul3A = arith.constant 16 : i32
    %mul3A_0 = arith.muli %arg0, %mul3A : i32
    %add3A = arith.addi %mul3A_0, %arg1 : i32
    "tpu.region"() ({
      %run_scoped3A = tpu.sem_alloc : memref<!tpu.dma_semaphore, #tpu.memory_space<semaphore_mem>>
      %dma_start3A_95 = arith.constant 0 : i32
      %dma_start3A_96 = arith.constant 0 : i32
      %dma_start3A_97 = tpu.memref_slice %arg7[%dma_start3A_95, %dma_start3A_96] : memref<16x80xi32, #tpu.memory_space<vmem>> -> memref<8x80xi32, #tpu.memory_space<vmem>>
      %dma_start3A_98 = arith.constant 0 : i32
      %dma_start3A_99 = arith.constant 0 : i32
      %dma_start3A_100 = tpu.memref_slice %arg3[%add3A, %dma_start3A_98, %dma_start3A_99] : memref<32x136x80xi32, #tpu.memory_space<hbm>> -> memref<1x8x80xi32, #tpu.memory_space<hbm>>
      %dma_start3A_101 = tpu.memref_squeeze %dma_start3A_100 : memref<1x8x80xi32, #tpu.memory_space<hbm>> -> memref<8x80xi32, #tpu.memory_space<hbm>>
      %dma_start3A_102 = arith.constant 0 : i32
      %dma_start3A_103 = arith.constant 0 : i32
      %dma_start3A_104 = tpu.memref_slice %arg7[%dma_start3A_102, %dma_start3A_103] : memref<16x80xi32, #tpu.memory_space<vmem>> -> memref<8x80xi32, #tpu.memory_space<vmem>>
      %dma_start3A_105 = arith.constant 0 : i32
      %dma_start3A_106 = arith.constant 0 : i32
      %dma_start3A_107 = tpu.memref_slice %arg3[%add3A, %dma_start3A_105, %dma_start3A_106] : memref<32x136x80xi32, #tpu.memory_space<hbm>> -> memref<1x8x80xi32, #tpu.memory_space<hbm>>
      %dma_start3A_108 = tpu.memref_squeeze %dma_start3A_107 : memref<1x8x80xi32, #tpu.memory_space<hbm>> -> memref<8x80xi32, #tpu.memory_space<hbm>>
      tpu.enqueue_dma source(%dma_start3A_108 : memref<8x80xi32, #tpu.memory_space<hbm>>) target(%dma_start3A_104 : memref<8x80xi32, #tpu.memory_space<vmem>>) target_semaphore(%run_scoped3A : memref<!tpu.dma_semaphore, #tpu.memory_space<semaphore_mem>>)
      %dma_wait3A_109 = arith.constant 0 : i32
      %dma_wait3A_110 = arith.constant 0 : i32
      %dma_wait3A_111 = tpu.memref_slice %arg7[%dma_wait3A_109, %dma_wait3A_110] : memref<16x80xi32, #tpu.memory_space<vmem>> -> memref<8x80xi32, #tpu.memory_space<vmem>>
      %dma_wait3A_112 = arith.constant 0 : i32
      %dma_wait3A_113 = arith.constant 0 : i32
      %dma_wait3A_114 = tpu.memref_slice %arg3[%add3A, %dma_wait3A_112, %dma_wait3A_113] : memref<32x136x80xi32, #tpu.memory_space<hbm>> -> memref<1x8x80xi32, #tpu.memory_space<hbm>>
      %dma_wait3A_115 = tpu.memref_squeeze %dma_wait3A_114 : memref<1x8x80xi32, #tpu.memory_space<hbm>> -> memref<8x80xi32, #tpu.memory_space<hbm>>
      %dma_wait3A_116 = arith.constant 0 : i32
      %dma_wait3A_117 = arith.constant 0 : i32
      %dma_wait3A_118 = tpu.memref_slice %arg7[%dma_wait3A_116, %dma_wait3A_117] : memref<16x80xi32, #tpu.memory_space<vmem>> -> memref<8x80xi32, #tpu.memory_space<vmem>>
      %dma_wait3A_119 = arith.constant 0 : i32
      %dma_wait3A_120 = arith.constant 0 : i32
      %dma_wait3A_121 = tpu.memref_slice %arg3[%add3A, %dma_wait3A_119, %dma_wait3A_120] : memref<32x136x80xi32, #tpu.memory_space<hbm>> -> memref<1x8x80xi32, #tpu.memory_space<hbm>>
      %dma_wait3A_122 = tpu.memref_squeeze %dma_wait3A_121 : memref<1x8x80xi32, #tpu.memory_space<hbm>> -> memref<8x80xi32, #tpu.memory_space<hbm>>
      tpu.wait_dma2 semaphore(%run_scoped3A : memref<!tpu.dma_semaphore, #tpu.memory_space<semaphore_mem>>) src(%dma_wait3A_122 : memref<8x80xi32, #tpu.memory_space<hbm>>) dst(%dma_wait3A_118 : memref<8x80xi32, #tpu.memory_space<vmem>>)
      tpu.yield
    }) : () -> ()
    "tpu.region"() ({
      %run_scoped3A = tpu.sem_alloc : memref<!tpu.dma_semaphore, #tpu.memory_space<semaphore_mem>>
      %dma_start3A_95 = arith.constant 0 : i32
      %dma_start3A_96 = arith.constant 0 : i32
      %dma_start3A_97 = tpu.memref_slice %arg8[%dma_start3A_95, %dma_start3A_96] : memref<16x80xi32, #tpu.memory_space<vmem>> -> memref<8x80xi32, #tpu.memory_space<vmem>>
      %dma_start3A_98 = arith.constant 0 : i32
      %dma_start3A_99 = arith.constant 0 : i32
      %dma_start3A_100 = tpu.memref_slice %arg4[%add3A, %dma_start3A_98, %dma_start3A_99] : memref<32x136x80xi32, #tpu.memory_space<hbm>> -> memref<1x8x80xi32, #tpu.memory_space<hbm>>
      %dma_start3A_101 = tpu.memref_squeeze %dma_start3A_100 : memref<1x8x80xi32, #tpu.memory_space<hbm>> -> memref<8x80xi32, #tpu.memory_space<hbm>>
      %dma_start3A_102 = arith.constant 0 : i32
      %dma_start3A_103 = arith.constant 0 : i32
      %dma_start3A_104 = tpu.memref_slice %arg8[%dma_start3A_102, %dma_start3A_103] : memref<16x80xi32, #tpu.memory_space<vmem>> -> memref<8x80xi32, #tpu.memory_space<vmem>>
      %dma_start3A_105 = arith.constant 0 : i32
      %dma_start3A_106 = arith.constant 0 : i32
      %dma_start3A_107 = tpu.memref_slice %arg4[%add3A, %dma_start3A_105, %dma_start3A_106] : memref<32x136x80xi32, #tpu.memory_space<hbm>> -> memref<1x8x80xi32, #tpu.memory_space<hbm>>
      %dma_start3A_108 = tpu.memref_squeeze %dma_start3A_107 : memref<1x8x80xi32, #tpu.memory_space<hbm>> -> memref<8x80xi32, #tpu.memory_space<hbm>>
      tpu.enqueue_dma source(%dma_start3A_108 : memref<8x80xi32, #tpu.memory_space<hbm>>) target(%dma_start3A_104 : memref<8x80xi32, #tpu.memory_space<vmem>>) target_semaphore(%run_scoped3A : memref<!tpu.dma_semaphore, #tpu.memory_space<semaphore_mem>>)
      %dma_wait3A_109 = arith.constant 0 : i32
      %dma_wait3A_110 = arith.constant 0 : i32
      %dma_wait3A_111 = tpu.memref_slice %arg8[%dma_wait3A_109, %dma_wait3A_110] : memref<16x80xi32, #tpu.memory_space<vmem>> -> memref<8x80xi32, #tpu.memory_space<vmem>>
      %dma_wait3A_112 = arith.constant 0 : i32
      %dma_wait3A_113 = arith.constant 0 : i32
      %dma_wait3A_114 = tpu.memref_slice %arg4[%add3A, %dma_wait3A_112, %dma_wait3A_113] : memref<32x136x80xi32, #tpu.memory_space<hbm>> -> memref<1x8x80xi32, #tpu.memory_space<hbm>>
      %dma_wait3A_115 = tpu.memref_squeeze %dma_wait3A_114 : memref<1x8x80xi32, #tpu.memory_space<hbm>> -> memref<8x80xi32, #tpu.memory_space<hbm>>
      %dma_wait3A_116 = arith.constant 0 : i32
      %dma_wait3A_117 = arith.constant 0 : i32
      %dma_wait3A_118 = tpu.memref_slice %arg8[%dma_wait3A_116, %dma_wait3A_117] : memref<16x80xi32, #tpu.memory_space<vmem>> -> memref<8x80xi32, #tpu.memory_space<vmem>>
      %dma_wait3A_119 = arith.constant 0 : i32
      %dma_wait3A_120 = arith.constant 0 : i32
      %dma_wait3A_121 = tpu.memref_slice %arg4[%add3A, %dma_wait3A_119, %dma_wait3A_120] : memref<32x136x80xi32, #tpu.memory_space<hbm>> -> memref<1x8x80xi32, #tpu.memory_space<hbm>>
      %dma_wait3A_122 = tpu.memref_squeeze %dma_wait3A_121 : memref<1x8x80xi32, #tpu.memory_space<hbm>> -> memref<8x80xi32, #tpu.memory_space<hbm>>
      tpu.wait_dma2 semaphore(%run_scoped3A : memref<!tpu.dma_semaphore, #tpu.memory_space<semaphore_mem>>) src(%dma_wait3A_122 : memref<8x80xi32, #tpu.memory_space<hbm>>) dst(%dma_wait3A_118 : memref<8x80xi32, #tpu.memory_space<vmem>>)
      tpu.yield
    }) : () -> ()
    %dma_start3A = arith.constant 8 : i32
    %dma_start3A_1 = arith.constant 0 : i32
    %dma_start3A_2 = tpu.memref_slice %arg7[%dma_start3A, %dma_start3A_1] : memref<16x80xi32, #tpu.memory_space<vmem>> -> memref<8x80xi32, #tpu.memory_space<vmem>>
    %dma_start3A_3 = arith.constant 8 : i32
    %dma_start3A_4 = arith.constant 0 : i32
    %dma_start3A_5 = tpu.memref_slice %arg3[%add3A, %dma_start3A_3, %dma_start3A_4] : memref<32x136x80xi32, #tpu.memory_space<hbm>> -> memref<1x8x80xi32, #tpu.memory_space<hbm>>
    %dma_start3A_6 = tpu.memref_squeeze %dma_start3A_5 : memref<1x8x80xi32, #tpu.memory_space<hbm>> -> memref<8x80xi32, #tpu.memory_space<hbm>>
    %dma_start3A_7 = arith.constant 8 : i32
    %dma_start3A_8 = arith.constant 0 : i32
    %dma_start3A_9 = tpu.memref_slice %arg7[%dma_start3A_7, %dma_start3A_8] : memref<16x80xi32, #tpu.memory_space<vmem>> -> memref<8x80xi32, #tpu.memory_space<vmem>>
    %dma_start3A_10 = arith.constant 8 : i32
    %dma_start3A_11 = arith.constant 0 : i32
    %dma_start3A_12 = tpu.memref_slice %arg3[%add3A, %dma_start3A_10, %dma_start3A_11] : memref<32x136x80xi32, #tpu.memory_space<hbm>> -> memref<1x8x80xi32, #tpu.memory_space<hbm>>
    %dma_start3A_13 = tpu.memref_squeeze %dma_start3A_12 : memref<1x8x80xi32, #tpu.memory_space<hbm>> -> memref<8x80xi32, #tpu.memory_space<hbm>>
    tpu.enqueue_dma source(%dma_start3A_13 : memref<8x80xi32, #tpu.memory_space<hbm>>) target(%dma_start3A_9 : memref<8x80xi32, #tpu.memory_space<vmem>>) target_semaphore(%arg21 : memref<!tpu.dma_semaphore, #tpu.memory_space<semaphore_mem>>)
    %dma_start3A_14 = arith.constant 8 : i32
    %dma_start3A_15 = arith.constant 0 : i32
    %dma_start3A_16 = tpu.memref_slice %arg8[%dma_start3A_14, %dma_start3A_15] : memref<16x80xi32, #tpu.memory_space<vmem>> -> memref<8x80xi32, #tpu.memory_space<vmem>>
    %dma_start3A_17 = arith.constant 8 : i32
    %dma_start3A_18 = arith.constant 0 : i32
    %dma_start3A_19 = tpu.memref_slice %arg4[%add3A, %dma_start3A_17, %dma_start3A_18] : memref<32x136x80xi32, #tpu.memory_space<hbm>> -> memref<1x8x80xi32, #tpu.memory_space<hbm>>
    %dma_start3A_20 = tpu.memref_squeeze %dma_start3A_19 : memref<1x8x80xi32, #tpu.memory_space<hbm>> -> memref<8x80xi32, #tpu.memory_space<hbm>>
    %dma_start3A_21 = arith.constant 8 : i32
    %dma_start3A_22 = arith.constant 0 : i32
    %dma_start3A_23 = tpu.memref_slice %arg8[%dma_start3A_21, %dma_start3A_22] : memref<16x80xi32, #tpu.memory_space<vmem>> -> memref<8x80xi32, #tpu.memory_space<vmem>>
    %dma_start3A_24 = arith.constant 8 : i32
    %dma_start3A_25 = arith.constant 0 : i32
    %dma_start3A_26 = tpu.memref_slice %arg4[%add3A, %dma_start3A_24, %dma_start3A_25] : memref<32x136x80xi32, #tpu.memory_space<hbm>> -> memref<1x8x80xi32, #tpu.memory_space<hbm>>
    %dma_start3A_27 = tpu.memref_squeeze %dma_start3A_26 : memref<1x8x80xi32, #tpu.memory_space<hbm>> -> memref<8x80xi32, #tpu.memory_space<hbm>>
    tpu.enqueue_dma source(%dma_start3A_27 : memref<8x80xi32, #tpu.memory_space<hbm>>) target(%dma_start3A_23 : memref<8x80xi32, #tpu.memory_space<vmem>>) target_semaphore(%arg21 : memref<!tpu.dma_semaphore, #tpu.memory_space<semaphore_mem>>)
    %mul3A_28 = arith.constant 632 : i32
    %mul3A_29 = arith.muli %arg1, %mul3A_28 : i32
    "tpu.region"() ({
      %run_scoped3A = tpu.sem_alloc : memref<!tpu.dma_semaphore, #tpu.memory_space<semaphore_mem>>
      %dma_start3A_95 = arith.constant 0 : i32
      %dma_start3A_96 = tpu.memref_slice %arg22[%mul3A_29, %dma_start3A_95] : memref<10112x128xf32, #tpu.memory_space<vmem_shared>> -> memref<632x128xf32, #tpu.memory_space<vmem_shared>>
      tpu.enqueue_dma source(%arg5 : memref<632x128xf32, #tpu.memory_space<hbm>>) target(%dma_start3A_96 : memref<632x128xf32, #tpu.memory_space<vmem_shared>>) target_semaphore(%run_scoped3A : memref<!tpu.dma_semaphore, #tpu.memory_space<semaphore_mem>>)
      %dma_wait3A_97 = arith.constant 0 : i32
      %dma_wait3A_98 = tpu.memref_slice %arg22[%mul3A_29, %dma_wait3A_97] : memref<10112x128xf32, #tpu.memory_space<vmem_shared>> -> memref<632x128xf32, #tpu.memory_space<vmem_shared>>
      tpu.wait_dma2 semaphore(%run_scoped3A : memref<!tpu.dma_semaphore, #tpu.memory_space<semaphore_mem>>) src(%arg5 : memref<632x128xf32, #tpu.memory_space<hbm>>) dst(%dma_wait3A_98 : memref<632x128xf32, #tpu.memory_space<vmem_shared>>)
      tpu.yield
    }) : () -> ()
    %barrier3A = arith.constant 0 : index
    tpu.barrier barrier_id(%barrier3A)
    %dma_start3A_30 = arith.constant 0 : i32
    %dma_start3A_31 = arith.constant 0 : i32
    %dma_start3A_32 = tpu.memref_slice %arg7[%dma_start3A_30, %dma_start3A_31] : memref<16x80xi32, #tpu.memory_space<vmem>> -> memref<1x80xi32, #tpu.memory_space<vmem>>
    %dma_start3A_33 = tpu.memref_squeeze %dma_start3A_32 : memref<1x80xi32, #tpu.memory_space<vmem>> -> memref<80xi32, #tpu.memory_space<vmem>>
    %dma_start3A_34 = arith.constant 0 : i32
    %dma_start3A_35 = arith.constant 0 : i32
    %dma_start3A_36 = tpu.memref_slice %arg2[%dma_start3A_34, %dma_start3A_35] : memref<10000x128xf32, #tpu.memory_space<hbm>> -> memref<10000x128xf32, #tpu.memory_space<hbm>>
    tpu.enqueue_indirect_dma source(%dma_start3A_36 : memref<10000x128xf32, #tpu.memory_space<hbm>>) target(%arg9 : memref<80x128xf32, #tpu.memory_space<vmem>>) offsets(%dma_start3A_33 : memref<80xi32, #tpu.memory_space<vmem>>) semaphore(%arg13 : memref<!tpu.dma_semaphore, #tpu.memory_space<semaphore_mem>>)
    %dma_start3A_37 = arith.constant 1 : i32
    %dma_start3A_38 = arith.constant 0 : i32
    %dma_start3A_39 = tpu.memref_slice %arg7[%dma_start3A_37, %dma_start3A_38] : memref<16x80xi32, #tpu.memory_space<vmem>> -> memref<1x80xi32, #tpu.memory_space<vmem>>
    %dma_start3A_40 = tpu.memref_squeeze %dma_start3A_39 : memref<1x80xi32, #tpu.memory_space<vmem>> -> memref<80xi32, #tpu.memory_space<vmem>>
    %dma_start3A_41 = arith.constant 0 : i32
    %dma_start3A_42 = arith.constant 0 : i32
    %dma_start3A_43 = tpu.memref_slice %arg2[%dma_start3A_41, %dma_start3A_42] : memref<10000x128xf32, #tpu.memory_space<hbm>> -> memref<10000x128xf32, #tpu.memory_space<hbm>>
    tpu.enqueue_indirect_dma source(%dma_start3A_43 : memref<10000x128xf32, #tpu.memory_space<hbm>>) target(%arg10 : memref<80x128xf32, #tpu.memory_space<vmem>>) offsets(%dma_start3A_40 : memref<80xi32, #tpu.memory_space<vmem>>) semaphore(%arg14 : memref<!tpu.dma_semaphore, #tpu.memory_space<semaphore_mem>>)
    %dma_start3A_44 = arith.constant 2 : i32
    %dma_start3A_45 = arith.constant 0 : i32
    %dma_start3A_46 = tpu.memref_slice %arg7[%dma_start3A_44, %dma_start3A_45] : memref<16x80xi32, #tpu.memory_space<vmem>> -> memref<1x80xi32, #tpu.memory_space<vmem>>
    %dma_start3A_47 = tpu.memref_squeeze %dma_start3A_46 : memref<1x80xi32, #tpu.memory_space<vmem>> -> memref<80xi32, #tpu.memory_space<vmem>>
    %dma_start3A_48 = arith.constant 0 : i32
    %dma_start3A_49 = arith.constant 0 : i32
    %dma_start3A_50 = tpu.memref_slice %arg2[%dma_start3A_48, %dma_start3A_49] : memref<10000x128xf32, #tpu.memory_space<hbm>> -> memref<10000x128xf32, #tpu.memory_space<hbm>>
    tpu.enqueue_indirect_dma source(%dma_start3A_50 : memref<10000x128xf32, #tpu.memory_space<hbm>>) target(%arg11 : memref<80x128xf32, #tpu.memory_space<vmem>>) offsets(%dma_start3A_47 : memref<80xi32, #tpu.memory_space<vmem>>) semaphore(%arg15 : memref<!tpu.dma_semaphore, #tpu.memory_space<semaphore_mem>>)
    %dma_start3A_51 = arith.constant 3 : i32
    %dma_start3A_52 = arith.constant 0 : i32
    %dma_start3A_53 = tpu.memref_slice %arg7[%dma_start3A_51, %dma_start3A_52] : memref<16x80xi32, #tpu.memory_space<vmem>> -> memref<1x80xi32, #tpu.memory_space<vmem>>
    %dma_start3A_54 = tpu.memref_squeeze %dma_start3A_53 : memref<1x80xi32, #tpu.memory_space<vmem>> -> memref<80xi32, #tpu.memory_space<vmem>>
    %dma_start3A_55 = arith.constant 0 : i32
    %dma_start3A_56 = arith.constant 0 : i32
    %dma_start3A_57 = tpu.memref_slice %arg2[%dma_start3A_55, %dma_start3A_56] : memref<10000x128xf32, #tpu.memory_space<hbm>> -> memref<10000x128xf32, #tpu.memory_space<hbm>>
    tpu.enqueue_indirect_dma source(%dma_start3A_57 : memref<10000x128xf32, #tpu.memory_space<hbm>>) target(%arg12 : memref<80x128xf32, #tpu.memory_space<vmem>>) offsets(%dma_start3A_54 : memref<80xi32, #tpu.memory_space<vmem>>) semaphore(%arg16 : memref<!tpu.dma_semaphore, #tpu.memory_space<semaphore_mem>>)
    %scan3A = arith.constant 0 : i32
    %scan3A_58 = arith.constant 0 : i32
    %scan3A_59 = arith.constant 34 : i32
    %scan3A_60 = arith.addi %scan3A_58, %scan3A_59 : i32
    %scan3A_61 = arith.constant 1 : i32
    scf.for %scan3A_95 = %scan3A_58 to %scan3A_60 step %scan3A_61  : i32 {
      %jit3A = arith.constant 2 : i32
      %div3A = arith.divsi %scan3A_95, %jit3A : i32
      %sign3A = arith.constant 0 : i32
      %sign3A_96 = arith.cmpi sgt, %scan3A_95, %sign3A : i32
      %sign3A_97 = arith.extui %sign3A_96 : i1 to i32
      %sign3A_98 = arith.constant 0 : i32
      %sign3A_99 = arith.cmpi slt, %scan3A_95, %sign3A_98 : i32
      %sign3A_100 = arith.extui %sign3A_99 : i1 to i32
      %sign3A_101 = arith.subi %sign3A_97, %sign3A_100 : i32
      %sign3A_102 = arith.constant 0 : i32
      %sign3A_103 = arith.cmpi sgt, %jit3A, %sign3A_102 : i32
      %sign3A_104 = arith.extui %sign3A_103 : i1 to i32
      %sign3A_105 = arith.constant 0 : i32
      %sign3A_106 = arith.cmpi slt, %jit3A, %sign3A_105 : i32
      %sign3A_107 = arith.extui %sign3A_106 : i1 to i32
      %sign3A_108 = arith.subi %sign3A_104, %sign3A_107 : i32
      %ne3A = arith.cmpi ne, %sign3A_101, %sign3A_108 : i32
      %rem3A = arith.remsi %scan3A_95, %jit3A : i32
      %ne3A_109 = arith.constant 0 : i32
      %ne3A_110 = arith.cmpi ne, %rem3A, %ne3A_109 : i32
      %and3A = arith.andi %ne3A, %ne3A_110 : i1
      %sub3A = arith.constant 1 : i32
      %sub3A_111 = arith.subi %div3A, %sub3A : i32
      %select_n3A = arith.select %and3A, %sub3A_111, %div3A : i32
      %jit3A_112 = arith.constant 2 : i32
      %eq3A = arith.constant 0 : i32
      %eq3A_113 = arith.cmpi eq, %jit3A_112, %eq3A : i32
      %jit3A_114 = arith.constant 1 : i32
      %select_n3A_115 = arith.select %eq3A_113, %jit3A_114, %jit3A_112 : i32
      %rem3A_116 = arith.remsi %scan3A_95, %select_n3A_115 : i32
      %ne3A_117 = arith.constant 0 : i32
      %ne3A_118 = arith.cmpi ne, %rem3A_116, %ne3A_117 : i32
      %lt3A = arith.constant 0 : i32
      %lt3A_119 = arith.cmpi slt, %rem3A_116, %lt3A : i32
      %lt3A_120 = arith.constant 0 : i32
      %lt3A_121 = arith.cmpi slt, %select_n3A_115, %lt3A_120 : i32
      %ne3A_122 = arith.xori %lt3A_119, %lt3A_121 : i1
      %and3A_123 = arith.andi %ne3A_122, %ne3A_118 : i1
      %add3A_124 = arith.addi %rem3A_116, %select_n3A_115 : i32
      %select_n3A_125 = arith.select %and3A_123, %add3A_124, %rem3A_116 : i32
      %eq3A_126 = arith.constant 1 : i32
      %eq3A_127 = arith.cmpi eq, %select_n3A_125, %eq3A_126 : i32
      %add3A_128 = arith.constant 1 : i32
      %add3A_129 = arith.addi %select_n3A, %add3A_128 : i32
      %lt3A_130 = arith.constant 17 : i32
      %lt3A_131 = arith.cmpi slt, %add3A_129, %lt3A_130 : i32
      %and3A_132 = arith.andi %eq3A_127, %lt3A_131 : i1
      %convert_element_type3A = arith.extui %and3A_132 : i1 to i32
      %cond3A = arith.constant 0 : i32
      %cond3A_133 = arith.cmpi ne, %convert_element_type3A, %cond3A : i32
      scf.if %cond3A_133 {
        %dma_wait3A_281 = arith.constant 0 : i32
        %dma_wait3A_282 = arith.constant 0 : i32
        %dma_wait3A_283 = tpu.memref_slice %arg7[%dma_wait3A_281, %dma_wait3A_282] : memref<16x80xi32, #tpu.memory_space<vmem>> -> memref<8x80xi32, #tpu.memory_space<vmem>>
        %dma_wait3A_284 = arith.constant 0 : i32
        %dma_wait3A_285 = arith.constant 0 : i32
        %dma_wait3A_286 = tpu.memref_slice %arg3[%add3A, %dma_wait3A_284, %dma_wait3A_285] : memref<32x136x80xi32, #tpu.memory_space<hbm>> -> memref<1x8x80xi32, #tpu.memory_space<hbm>>
        %dma_wait3A_287 = tpu.memref_squeeze %dma_wait3A_286 : memref<1x8x80xi32, #tpu.memory_space<hbm>> -> memref<8x80xi32, #tpu.memory_space<hbm>>
        %dma_wait3A_288 = arith.constant 0 : i32
        %dma_wait3A_289 = arith.constant 0 : i32
        %dma_wait3A_290 = tpu.memref_slice %arg7[%dma_wait3A_288, %dma_wait3A_289] : memref<16x80xi32, #tpu.memory_space<vmem>> -> memref<8x80xi32, #tpu.memory_space<vmem>>
        %dma_wait3A_291 = arith.constant 0 : i32
        %dma_wait3A_292 = arith.constant 0 : i32
        %dma_wait3A_293 = tpu.memref_slice %arg3[%add3A, %dma_wait3A_291, %dma_wait3A_292] : memref<32x136x80xi32, #tpu.memory_space<hbm>> -> memref<1x8x80xi32, #tpu.memory_space<hbm>>
        %dma_wait3A_294 = tpu.memref_squeeze %dma_wait3A_293 : memref<1x8x80xi32, #tpu.memory_space<hbm>> -> memref<8x80xi32, #tpu.memory_space<hbm>>
        tpu.wait_dma2 semaphore(%arg21 : memref<!tpu.dma_semaphore, #tpu.memory_space<semaphore_mem>>) src(%dma_wait3A_294 : memref<8x80xi32, #tpu.memory_space<hbm>>) dst(%dma_wait3A_290 : memref<8x80xi32, #tpu.memory_space<vmem>>)
        %dma_wait3A_295 = arith.constant 0 : i32
        %dma_wait3A_296 = arith.constant 0 : i32
        %dma_wait3A_297 = tpu.memref_slice %arg8[%dma_wait3A_295, %dma_wait3A_296] : memref<16x80xi32, #tpu.memory_space<vmem>> -> memref<8x80xi32, #tpu.memory_space<vmem>>
        %dma_wait3A_298 = arith.constant 0 : i32
        %dma_wait3A_299 = arith.constant 0 : i32
        %dma_wait3A_300 = tpu.memref_slice %arg4[%add3A, %dma_wait3A_298, %dma_wait3A_299] : memref<32x136x80xi32, #tpu.memory_space<hbm>> -> memref<1x8x80xi32, #tpu.memory_space<hbm>>
        %dma_wait3A_301 = tpu.memref_squeeze %dma_wait3A_300 : memref<1x8x80xi32, #tpu.memory_space<hbm>> -> memref<8x80xi32, #tpu.memory_space<hbm>>
        %dma_wait3A_302 = arith.constant 0 : i32
        %dma_wait3A_303 = arith.constant 0 : i32
        %dma_wait3A_304 = tpu.memref_slice %arg8[%dma_wait3A_302, %dma_wait3A_303] : memref<16x80xi32, #tpu.memory_space<vmem>> -> memref<8x80xi32, #tpu.memory_space<vmem>>
        %dma_wait3A_305 = arith.constant 0 : i32
        %dma_wait3A_306 = arith.constant 0 : i32
        %dma_wait3A_307 = tpu.memref_slice %arg4[%add3A, %dma_wait3A_305, %dma_wait3A_306] : memref<32x136x80xi32, #tpu.memory_space<hbm>> -> memref<1x8x80xi32, #tpu.memory_space<hbm>>
        %dma_wait3A_308 = tpu.memref_squeeze %dma_wait3A_307 : memref<1x8x80xi32, #tpu.memory_space<hbm>> -> memref<8x80xi32, #tpu.memory_space<hbm>>
        tpu.wait_dma2 semaphore(%arg21 : memref<!tpu.dma_semaphore, #tpu.memory_space<semaphore_mem>>) src(%dma_wait3A_308 : memref<8x80xi32, #tpu.memory_space<hbm>>) dst(%dma_wait3A_304 : memref<8x80xi32, #tpu.memory_space<vmem>>)
      } else {
      }
      %eq3A_134 = arith.constant 0 : i32
      %eq3A_135 = arith.cmpi eq, %select_n3A_125, %eq3A_134 : i32
      %ge3A = arith.constant 1 : i32
      %ge3A_136 = arith.cmpi sge, %select_n3A, %ge3A : i32
      %add3A_137 = arith.constant 1 : i32
      %add3A_138 = arith.addi %select_n3A, %add3A_137 : i32
      %lt3A_139 = arith.constant 17 : i32
      %lt3A_140 = arith.cmpi slt, %add3A_138, %lt3A_139 : i32
      %and3A_141 = arith.andi %ge3A_136, %lt3A_140 : i1
      %and3A_142 = arith.andi %eq3A_135, %and3A_141 : i1
      %convert_element_type3A_143 = arith.extui %and3A_142 : i1 to i32
      %cond3A_144 = arith.constant 0 : i32
      %cond3A_145 = arith.cmpi ne, %convert_element_type3A_143, %cond3A_144 : i32
      scf.if %cond3A_145 {
        %add3A_281 = arith.constant 1 : i32
        %add3A_282 = arith.addi %select_n3A, %add3A_281 : i32
        %jit3A_283 = arith.constant 2 : i32
        %eq3A_284 = arith.constant 0 : i32
        %eq3A_285 = arith.cmpi eq, %jit3A_283, %eq3A_284 : i32
        %jit3A_286 = arith.constant 1 : i32
        %select_n3A_287 = arith.select %eq3A_285, %jit3A_286, %jit3A_283 : i32
        %rem3A_288 = arith.remsi %add3A_282, %select_n3A_287 : i32
        %ne3A_289 = arith.constant 0 : i32
        %ne3A_290 = arith.cmpi ne, %rem3A_288, %ne3A_289 : i32
        %lt3A_291 = arith.constant 0 : i32
        %lt3A_292 = arith.cmpi slt, %rem3A_288, %lt3A_291 : i32
        %lt3A_293 = arith.constant 0 : i32
        %lt3A_294 = arith.cmpi slt, %select_n3A_287, %lt3A_293 : i32
        %ne3A_295 = arith.xori %lt3A_292, %lt3A_294 : i1
        %and3A_296 = arith.andi %ne3A_295, %ne3A_290 : i1
        %add3A_297 = arith.addi %rem3A_288, %select_n3A_287 : i32
        %select_n3A_298 = arith.select %and3A_296, %add3A_297, %rem3A_288 : i32
        %mul3A_299 = arith.constant 8 : i32
        %mul3A_300 = arith.muli %select_n3A_298, %mul3A_299 : i32
        %multiple_of3A = tpu.assume_multiple %mul3A_300, 8 : i32
        %add3A_301 = arith.constant 1 : i32
        %add3A_302 = arith.addi %select_n3A, %add3A_301 : i32
        %mul3A_303 = arith.constant 8 : i32
        %mul3A_304 = arith.muli %add3A_302, %mul3A_303 : i32
        %multiple_of3A_305 = tpu.assume_multiple %mul3A_304, 8 : i32
        %dma_start3A_306 = arith.constant 0 : i32
        %dma_start3A_307 = tpu.memref_slice %arg7[%multiple_of3A, %dma_start3A_306] : memref<16x80xi32, #tpu.memory_space<vmem>> -> memref<8x80xi32, #tpu.memory_space<vmem>>
        %dma_start3A_308 = arith.constant 0 : i32
        %dma_start3A_309 = tpu.memref_slice %arg3[%add3A, %multiple_of3A_305, %dma_start3A_308] : memref<32x136x80xi32, #tpu.memory_space<hbm>> -> memref<1x8x80xi32, #tpu.memory_space<hbm>>
        %dma_start3A_310 = tpu.memref_squeeze %dma_start3A_309 : memref<1x8x80xi32, #tpu.memory_space<hbm>> -> memref<8x80xi32, #tpu.memory_space<hbm>>
        %dma_start3A_311 = arith.constant 0 : i32
        %dma_start3A_312 = tpu.memref_slice %arg7[%multiple_of3A, %dma_start3A_311] : memref<16x80xi32, #tpu.memory_space<vmem>> -> memref<8x80xi32, #tpu.memory_space<vmem>>
        %dma_start3A_313 = arith.constant 0 : i32
        %dma_start3A_314 = tpu.memref_slice %arg3[%add3A, %multiple_of3A_305, %dma_start3A_313] : memref<32x136x80xi32, #tpu.memory_space<hbm>> -> memref<1x8x80xi32, #tpu.memory_space<hbm>>
        %dma_start3A_315 = tpu.memref_squeeze %dma_start3A_314 : memref<1x8x80xi32, #tpu.memory_space<hbm>> -> memref<8x80xi32, #tpu.memory_space<hbm>>
        tpu.enqueue_dma source(%dma_start3A_315 : memref<8x80xi32, #tpu.memory_space<hbm>>) target(%dma_start3A_312 : memref<8x80xi32, #tpu.memory_space<vmem>>) target_semaphore(%arg21 : memref<!tpu.dma_semaphore, #tpu.memory_space<semaphore_mem>>)
        %dma_start3A_316 = arith.constant 0 : i32
        %dma_start3A_317 = tpu.memref_slice %arg8[%multiple_of3A, %dma_start3A_316] : memref<16x80xi32, #tpu.memory_space<vmem>> -> memref<8x80xi32, #tpu.memory_space<vmem>>
        %dma_start3A_318 = arith.constant 0 : i32
        %dma_start3A_319 = tpu.memref_slice %arg4[%add3A, %multiple_of3A_305, %dma_start3A_318] : memref<32x136x80xi32, #tpu.memory_space<hbm>> -> memref<1x8x80xi32, #tpu.memory_space<hbm>>
        %dma_start3A_320 = tpu.memref_squeeze %dma_start3A_319 : memref<1x8x80xi32, #tpu.memory_space<hbm>> -> memref<8x80xi32, #tpu.memory_space<hbm>>
        %dma_start3A_321 = arith.constant 0 : i32
        %dma_start3A_322 = tpu.memref_slice %arg8[%multiple_of3A, %dma_start3A_321] : memref<16x80xi32, #tpu.memory_space<vmem>> -> memref<8x80xi32, #tpu.memory_space<vmem>>
        %dma_start3A_323 = arith.constant 0 : i32
        %dma_start3A_324 = tpu.memref_slice %arg4[%add3A, %multiple_of3A_305, %dma_start3A_323] : memref<32x136x80xi32, #tpu.memory_space<hbm>> -> memref<1x8x80xi32, #tpu.memory_space<hbm>>
        %dma_start3A_325 = tpu.memref_squeeze %dma_start3A_324 : memref<1x8x80xi32, #tpu.memory_space<hbm>> -> memref<8x80xi32, #tpu.memory_space<hbm>>
        tpu.enqueue_dma source(%dma_start3A_325 : memref<8x80xi32, #tpu.memory_space<hbm>>) target(%dma_start3A_322 : memref<8x80xi32, #tpu.memory_space<vmem>>) target_semaphore(%arg21 : memref<!tpu.dma_semaphore, #tpu.memory_space<semaphore_mem>>)
      } else {
      }
      %mul3A_146 = arith.constant 4 : i32
      %mul3A_147 = arith.muli %scan3A_95, %mul3A_146 : i32
      %add3A_148 = arith.constant 0 : i32
      %add3A_149 = arith.addi %mul3A_147, %add3A_148 : i32
      %jit3A_150 = arith.constant 16 : i32
      %eq3A_151 = arith.constant 0 : i32
      %eq3A_152 = arith.cmpi eq, %jit3A_150, %eq3A_151 : i32
      %jit3A_153 = arith.constant 1 : i32
      %select_n3A_154 = arith.select %eq3A_152, %jit3A_153, %jit3A_150 : i32
      %rem3A_155 = arith.remsi %add3A_149, %select_n3A_154 : i32
      %ne3A_156 = arith.constant 0 : i32
      %ne3A_157 = arith.cmpi ne, %rem3A_155, %ne3A_156 : i32
      %lt3A_158 = arith.constant 0 : i32
      %lt3A_159 = arith.cmpi slt, %rem3A_155, %lt3A_158 : i32
      %lt3A_160 = arith.constant 0 : i32
      %lt3A_161 = arith.cmpi slt, %select_n3A_154, %lt3A_160 : i32
      %ne3A_162 = arith.xori %lt3A_159, %lt3A_161 : i1
      %and3A_163 = arith.andi %ne3A_162, %ne3A_157 : i1
      %add3A_164 = arith.addi %rem3A_155, %select_n3A_154 : i32
      %select_n3A_165 = arith.select %and3A_163, %add3A_164, %rem3A_155 : i32
      %dma_wait3A_166 = arith.constant 0 : i32
      %dma_wait3A_167 = tpu.memref_slice %arg7[%select_n3A_165, %dma_wait3A_166] : memref<16x80xi32, #tpu.memory_space<vmem>> -> memref<1x80xi32, #tpu.memory_space<vmem>>
      %dma_wait3A_168 = tpu.memref_squeeze %dma_wait3A_167 : memref<1x80xi32, #tpu.memory_space<vmem>> -> memref<80xi32, #tpu.memory_space<vmem>>
      %dma_wait3A_169 = arith.constant 0 : i32
      %dma_wait3A_170 = arith.constant 0 : i32
      %dma_wait3A_171 = tpu.memref_slice %arg2[%dma_wait3A_169, %dma_wait3A_170] : memref<10000x128xf32, #tpu.memory_space<hbm>> -> memref<10000x128xf32, #tpu.memory_space<hbm>>
      tpu.wait_indirect_dma semaphore(%arg13 : memref<!tpu.dma_semaphore, #tpu.memory_space<semaphore_mem>>) src(%dma_wait3A_171 : memref<10000x128xf32, #tpu.memory_space<hbm>>) dst(%arg9 : memref<80x128xf32, #tpu.memory_space<vmem>>)
      %dma_start3A_172 = arith.constant 0 : i32
      %dma_start3A_173 = tpu.memref_slice %arg8[%select_n3A_165, %dma_start3A_172] : memref<16x80xi32, #tpu.memory_space<vmem>> -> memref<1x80xi32, #tpu.memory_space<vmem>>
      %dma_start3A_174 = tpu.memref_squeeze %dma_start3A_173 : memref<1x80xi32, #tpu.memory_space<vmem>> -> memref<80xi32, #tpu.memory_space<vmem>>
      %dma_start3A_175 = arith.constant 0 : i32
      %dma_start3A_176 = arith.constant 0 : i32
      %dma_start3A_177 = tpu.memref_slice %arg22[%dma_start3A_175, %dma_start3A_176] : memref<10112x128xf32, #tpu.memory_space<vmem_shared>> -> memref<10112x128xf32, #tpu.memory_space<vmem_shared>>
      tpu.enqueue_indirect_dma source(%arg9 : memref<80x128xf32, #tpu.memory_space<vmem>>) target(%dma_start3A_177 : memref<10112x128xf32, #tpu.memory_space<vmem_shared>>) offsets(%dma_start3A_174 : memref<80xi32, #tpu.memory_space<vmem>>) semaphore(%arg17 : memref<!tpu.dma_semaphore, #tpu.memory_space<semaphore_mem>>) {add = true}
      %mul3A_178 = arith.constant 4 : i32
      %mul3A_179 = arith.muli %scan3A_95, %mul3A_178 : i32
      %add3A_180 = arith.constant 1 : i32
      %add3A_181 = arith.addi %mul3A_179, %add3A_180 : i32
      %jit3A_182 = arith.constant 16 : i32
      %eq3A_183 = arith.constant 0 : i32
      %eq3A_184 = arith.cmpi eq, %jit3A_182, %eq3A_183 : i32
      %jit3A_185 = arith.constant 1 : i32
      %select_n3A_186 = arith.select %eq3A_184, %jit3A_185, %jit3A_182 : i32
      %rem3A_187 = arith.remsi %add3A_181, %select_n3A_186 : i32
      %ne3A_188 = arith.constant 0 : i32
      %ne3A_189 = arith.cmpi ne, %rem3A_187, %ne3A_188 : i32
      %lt3A_190 = arith.constant 0 : i32
      %lt3A_191 = arith.cmpi slt, %rem3A_187, %lt3A_190 : i32
      %lt3A_192 = arith.constant 0 : i32
      %lt3A_193 = arith.cmpi slt, %select_n3A_186, %lt3A_192 : i32
      %ne3A_194 = arith.xori %lt3A_191, %lt3A_193 : i1
      %and3A_195 = arith.andi %ne3A_194, %ne3A_189 : i1
      %add3A_196 = arith.addi %rem3A_187, %select_n3A_186 : i32
      %select_n3A_197 = arith.select %and3A_195, %add3A_196, %rem3A_187 : i32
      %dma_wait3A_198 = arith.constant 0 : i32
      %dma_wait3A_199 = tpu.memref_slice %arg7[%select_n3A_197, %dma_wait3A_198] : memref<16x80xi32, #tpu.memory_space<vmem>> -> memref<1x80xi32, #tpu.memory_space<vmem>>
      %dma_wait3A_200 = tpu.memref_squeeze %dma_wait3A_199 : memref<1x80xi32, #tpu.memory_space<vmem>> -> memref<80xi32, #tpu.memory_space<vmem>>
      %dma_wait3A_201 = arith.constant 0 : i32
      %dma_wait3A_202 = arith.constant 0 : i32
      %dma_wait3A_203 = tpu.memref_slice %arg2[%dma_wait3A_201, %dma_wait3A_202] : memref<10000x128xf32, #tpu.memory_space<hbm>> -> memref<10000x128xf32, #tpu.memory_space<hbm>>
      tpu.wait_indirect_dma semaphore(%arg14 : memref<!tpu.dma_semaphore, #tpu.memory_space<semaphore_mem>>) src(%dma_wait3A_203 : memref<10000x128xf32, #tpu.memory_space<hbm>>) dst(%arg10 : memref<80x128xf32, #tpu.memory_space<vmem>>)
      %dma_start3A_204 = arith.constant 0 : i32
      %dma_start3A_205 = tpu.memref_slice %arg8[%select_n3A_197, %dma_start3A_204] : memref<16x80xi32, #tpu.memory_space<vmem>> -> memref<1x80xi32, #tpu.memory_space<vmem>>
      %dma_start3A_206 = tpu.memref_squeeze %dma_start3A_205 : memref<1x80xi32, #tpu.memory_space<vmem>> -> memref<80xi32, #tpu.memory_space<vmem>>
      %dma_start3A_207 = arith.constant 0 : i32
      %dma_start3A_208 = arith.constant 0 : i32
      %dma_start3A_209 = tpu.memref_slice %arg22[%dma_start3A_207, %dma_start3A_208] : memref<10112x128xf32, #tpu.memory_space<vmem_shared>> -> memref<10112x128xf32, #tpu.memory_space<vmem_shared>>
      tpu.enqueue_indirect_dma source(%arg10 : memref<80x128xf32, #tpu.memory_space<vmem>>) target(%dma_start3A_209 : memref<10112x128xf32, #tpu.memory_space<vmem_shared>>) offsets(%dma_start3A_206 : memref<80xi32, #tpu.memory_space<vmem>>) semaphore(%arg18 : memref<!tpu.dma_semaphore, #tpu.memory_space<semaphore_mem>>) {add = true}
      %mul3A_210 = arith.constant 4 : i32
      %mul3A_211 = arith.muli %scan3A_95, %mul3A_210 : i32
      %add3A_212 = arith.constant 2 : i32
      %add3A_213 = arith.addi %mul3A_211, %add3A_212 : i32
      %jit3A_214 = arith.constant 16 : i32
      %eq3A_215 = arith.constant 0 : i32
      %eq3A_216 = arith.cmpi eq, %jit3A_214, %eq3A_215 : i32
      %jit3A_217 = arith.constant 1 : i32
      %select_n3A_218 = arith.select %eq3A_216, %jit3A_217, %jit3A_214 : i32
      %rem3A_219 = arith.remsi %add3A_213, %select_n3A_218 : i32
      %ne3A_220 = arith.constant 0 : i32
      %ne3A_221 = arith.cmpi ne, %rem3A_219, %ne3A_220 : i32
      %lt3A_222 = arith.constant 0 : i32
      %lt3A_223 = arith.cmpi slt, %rem3A_219, %lt3A_222 : i32
      %lt3A_224 = arith.constant 0 : i32
      %lt3A_225 = arith.cmpi slt, %select_n3A_218, %lt3A_224 : i32
      %ne3A_226 = arith.xori %lt3A_223, %lt3A_225 : i1
      %and3A_227 = arith.andi %ne3A_226, %ne3A_221 : i1
      %add3A_228 = arith.addi %rem3A_219, %select_n3A_218 : i32
      %select_n3A_229 = arith.select %and3A_227, %add3A_228, %rem3A_219 : i32
      %dma_wait3A_230 = arith.constant 0 : i32
      %dma_wait3A_231 = tpu.memref_slice %arg7[%select_n3A_229, %dma_wait3A_230] : memref<16x80xi32, #tpu.memory_space<vmem>> -> memref<1x80xi32, #tpu.memory_space<vmem>>
      %dma_wait3A_232 = tpu.memref_squeeze %dma_wait3A_231 : memref<1x80xi32, #tpu.memory_space<vmem>> -> memref<80xi32, #tpu.memory_space<vmem>>
      %dma_wait3A_233 = arith.constant 0 : i32
      %dma_wait3A_234 = arith.constant 0 : i32
      %dma_wait3A_235 = tpu.memref_slice %arg2[%dma_wait3A_233, %dma_wait3A_234] : memref<10000x128xf32, #tpu.memory_space<hbm>> -> memref<10000x128xf32, #tpu.memory_space<hbm>>
      tpu.wait_indirect_dma semaphore(%arg15 : memref<!tpu.dma_semaphore, #tpu.memory_space<semaphore_mem>>) src(%dma_wait3A_235 : memref<10000x128xf32, #tpu.memory_space<hbm>>) dst(%arg11 : memref<80x128xf32, #tpu.memory_space<vmem>>)
      %dma_start3A_236 = arith.constant 0 : i32
      %dma_start3A_237 = tpu.memref_slice %arg8[%select_n3A_229, %dma_start3A_236] : memref<16x80xi32, #tpu.memory_space<vmem>> -> memref<1x80xi32, #tpu.memory_space<vmem>>
      %dma_start3A_238 = tpu.memref_squeeze %dma_start3A_237 : memref<1x80xi32, #tpu.memory_space<vmem>> -> memref<80xi32, #tpu.memory_space<vmem>>
      %dma_start3A_239 = arith.constant 0 : i32
      %dma_start3A_240 = arith.constant 0 : i32
      %dma_start3A_241 = tpu.memref_slice %arg22[%dma_start3A_239, %dma_start3A_240] : memref<10112x128xf32, #tpu.memory_space<vmem_shared>> -> memref<10112x128xf32, #tpu.memory_space<vmem_shared>>
      tpu.enqueue_indirect_dma source(%arg11 : memref<80x128xf32, #tpu.memory_space<vmem>>) target(%dma_start3A_241 : memref<10112x128xf32, #tpu.memory_space<vmem_shared>>) offsets(%dma_start3A_238 : memref<80xi32, #tpu.memory_space<vmem>>) semaphore(%arg19 : memref<!tpu.dma_semaphore, #tpu.memory_space<semaphore_mem>>) {add = true}
      %mul3A_242 = arith.constant 4 : i32
      %mul3A_243 = arith.muli %scan3A_95, %mul3A_242 : i32
      %add3A_244 = arith.constant 3 : i32
      %add3A_245 = arith.addi %mul3A_243, %add3A_244 : i32
      %jit3A_246 = arith.constant 16 : i32
      %eq3A_247 = arith.constant 0 : i32
      %eq3A_248 = arith.cmpi eq, %jit3A_246, %eq3A_247 : i32
      %jit3A_249 = arith.constant 1 : i32
      %select_n3A_250 = arith.select %eq3A_248, %jit3A_249, %jit3A_246 : i32
      %rem3A_251 = arith.remsi %add3A_245, %select_n3A_250 : i32
      %ne3A_252 = arith.constant 0 : i32
      %ne3A_253 = arith.cmpi ne, %rem3A_251, %ne3A_252 : i32
      %lt3A_254 = arith.constant 0 : i32
      %lt3A_255 = arith.cmpi slt, %rem3A_251, %lt3A_254 : i32
      %lt3A_256 = arith.constant 0 : i32
      %lt3A_257 = arith.cmpi slt, %select_n3A_250, %lt3A_256 : i32
      %ne3A_258 = arith.xori %lt3A_255, %lt3A_257 : i1
      %and3A_259 = arith.andi %ne3A_258, %ne3A_253 : i1
      %add3A_260 = arith.addi %rem3A_251, %select_n3A_250 : i32
      %select_n3A_261 = arith.select %and3A_259, %add3A_260, %rem3A_251 : i32
      %dma_wait3A_262 = arith.constant 0 : i32
      %dma_wait3A_263 = tpu.memref_slice %arg7[%select_n3A_261, %dma_wait3A_262] : memref<16x80xi32, #tpu.memory_space<vmem>> -> memref<1x80xi32, #tpu.memory_space<vmem>>
      %dma_wait3A_264 = tpu.memref_squeeze %dma_wait3A_263 : memref<1x80xi32, #tpu.memory_space<vmem>> -> memref<80xi32, #tpu.memory_space<vmem>>
      %dma_wait3A_265 = arith.constant 0 : i32
      %dma_wait3A_266 = arith.constant 0 : i32
      %dma_wait3A_267 = tpu.memref_slice %arg2[%dma_wait3A_265, %dma_wait3A_266] : memref<10000x128xf32, #tpu.memory_space<hbm>> -> memref<10000x128xf32, #tpu.memory_space<hbm>>
      tpu.wait_indirect_dma semaphore(%arg16 : memref<!tpu.dma_semaphore, #tpu.memory_space<semaphore_mem>>) src(%dma_wait3A_267 : memref<10000x128xf32, #tpu.memory_space<hbm>>) dst(%arg12 : memref<80x128xf32, #tpu.memory_space<vmem>>)
      %dma_start3A_268 = arith.constant 0 : i32
      %dma_start3A_269 = tpu.memref_slice %arg8[%select_n3A_261, %dma_start3A_268] : memref<16x80xi32, #tpu.memory_space<vmem>> -> memref<1x80xi32, #tpu.memory_space<vmem>>
      %dma_start3A_270 = tpu.memref_squeeze %dma_start3A_269 : memref<1x80xi32, #tpu.memory_space<vmem>> -> memref<80xi32, #tpu.memory_space<vmem>>
      %dma_start3A_271 = arith.constant 0 : i32
      %dma_start3A_272 = arith.constant 0 : i32
      %dma_start3A_273 = tpu.memref_slice %arg22[%dma_start3A_271, %dma_start3A_272] : memref<10112x128xf32, #tpu.memory_space<vmem_shared>> -> memref<10112x128xf32, #tpu.memory_space<vmem_shared>>
      tpu.enqueue_indirect_dma source(%arg12 : memref<80x128xf32, #tpu.memory_space<vmem>>) target(%dma_start3A_273 : memref<10112x128xf32, #tpu.memory_space<vmem_shared>>) offsets(%dma_start3A_270 : memref<80xi32, #tpu.memory_space<vmem>>) semaphore(%arg20 : memref<!tpu.dma_semaphore, #tpu.memory_space<semaphore_mem>>) {add = true}
      %add3A_274 = arith.constant 1 : i32
      %add3A_275 = arith.addi %scan3A_95, %add3A_274 : i32
      %lt3A_276 = arith.constant 34 : i32
      %lt3A_277 = arith.cmpi slt, %add3A_275, %lt3A_276 : i32
      %convert_element_type3A_278 = arith.extui %lt3A_277 : i1 to i32
      %cond3A_279 = arith.constant 0 : i32
      %cond3A_280 = arith.cmpi ne, %convert_element_type3A_278, %cond3A_279 : i32
      scf.if %cond3A_280 {
        %mul3A_281 = arith.constant 4 : i32
        %mul3A_282 = arith.muli %scan3A_95, %mul3A_281 : i32
        %add3A_283 = arith.constant 0 : i32
        %add3A_284 = arith.addi %mul3A_282, %add3A_283 : i32
        %jit3A_285 = arith.constant 16 : i32
        %eq3A_286 = arith.constant 0 : i32
        %eq3A_287 = arith.cmpi eq, %jit3A_285, %eq3A_286 : i32
        %jit3A_288 = arith.constant 1 : i32
        %select_n3A_289 = arith.select %eq3A_287, %jit3A_288, %jit3A_285 : i32
        %rem3A_290 = arith.remsi %add3A_284, %select_n3A_289 : i32
        %ne3A_291 = arith.constant 0 : i32
        %ne3A_292 = arith.cmpi ne, %rem3A_290, %ne3A_291 : i32
        %lt3A_293 = arith.constant 0 : i32
        %lt3A_294 = arith.cmpi slt, %rem3A_290, %lt3A_293 : i32
        %lt3A_295 = arith.constant 0 : i32
        %lt3A_296 = arith.cmpi slt, %select_n3A_289, %lt3A_295 : i32
        %ne3A_297 = arith.xori %lt3A_294, %lt3A_296 : i1
        %and3A_298 = arith.andi %ne3A_297, %ne3A_292 : i1
        %add3A_299 = arith.addi %rem3A_290, %select_n3A_289 : i32
        %select_n3A_300 = arith.select %and3A_298, %add3A_299, %rem3A_290 : i32
        %add3A_301 = arith.constant 4 : i32
        %add3A_302 = arith.addi %add3A_284, %add3A_301 : i32
        %jit3A_303 = arith.constant 16 : i32
        %eq3A_304 = arith.constant 0 : i32
        %eq3A_305 = arith.cmpi eq, %jit3A_303, %eq3A_304 : i32
        %jit3A_306 = arith.constant 1 : i32
        %select_n3A_307 = arith.select %eq3A_305, %jit3A_306, %jit3A_303 : i32
        %rem3A_308 = arith.remsi %add3A_302, %select_n3A_307 : i32
        %ne3A_309 = arith.constant 0 : i32
        %ne3A_310 = arith.cmpi ne, %rem3A_308, %ne3A_309 : i32
        %lt3A_311 = arith.constant 0 : i32
        %lt3A_312 = arith.cmpi slt, %rem3A_308, %lt3A_311 : i32
        %lt3A_313 = arith.constant 0 : i32
        %lt3A_314 = arith.cmpi slt, %select_n3A_307, %lt3A_313 : i32
        %ne3A_315 = arith.xori %lt3A_312, %lt3A_314 : i1
        %and3A_316 = arith.andi %ne3A_315, %ne3A_310 : i1
        %add3A_317 = arith.addi %rem3A_308, %select_n3A_307 : i32
        %select_n3A_318 = arith.select %and3A_316, %add3A_317, %rem3A_308 : i32
        %dma_wait3A_319 = arith.constant 0 : i32
        %dma_wait3A_320 = tpu.memref_slice %arg8[%select_n3A_300, %dma_wait3A_319] : memref<16x80xi32, #tpu.memory_space<vmem>> -> memref<1x80xi32, #tpu.memory_space<vmem>>
        %dma_wait3A_321 = tpu.memref_squeeze %dma_wait3A_320 : memref<1x80xi32, #tpu.memory_space<vmem>> -> memref<80xi32, #tpu.memory_space<vmem>>
        %dma_wait3A_322 = arith.constant 0 : i32
        %dma_wait3A_323 = arith.constant 0 : i32
        %dma_wait3A_324 = tpu.memref_slice %arg22[%dma_wait3A_322, %dma_wait3A_323] : memref<10112x128xf32, #tpu.memory_space<vmem_shared>> -> memref<10112x128xf32, #tpu.memory_space<vmem_shared>>
        tpu.wait_indirect_dma semaphore(%arg17 : memref<!tpu.dma_semaphore, #tpu.memory_space<semaphore_mem>>) src(%arg9 : memref<80x128xf32, #tpu.memory_space<vmem>>) dst(%dma_wait3A_324 : memref<10112x128xf32, #tpu.memory_space<vmem_shared>>)
        %dma_start3A_325 = arith.constant 0 : i32
        %dma_start3A_326 = tpu.memref_slice %arg7[%select_n3A_318, %dma_start3A_325] : memref<16x80xi32, #tpu.memory_space<vmem>> -> memref<1x80xi32, #tpu.memory_space<vmem>>
        %dma_start3A_327 = tpu.memref_squeeze %dma_start3A_326 : memref<1x80xi32, #tpu.memory_space<vmem>> -> memref<80xi32, #tpu.memory_space<vmem>>
        %dma_start3A_328 = arith.constant 0 : i32
        %dma_start3A_329 = arith.constant 0 : i32
        %dma_start3A_330 = tpu.memref_slice %arg2[%dma_start3A_328, %dma_start3A_329] : memref<10000x128xf32, #tpu.memory_space<hbm>> -> memref<10000x128xf32, #tpu.memory_space<hbm>>
        tpu.enqueue_indirect_dma source(%dma_start3A_330 : memref<10000x128xf32, #tpu.memory_space<hbm>>) target(%arg9 : memref<80x128xf32, #tpu.memory_space<vmem>>) offsets(%dma_start3A_327 : memref<80xi32, #tpu.memory_space<vmem>>) semaphore(%arg13 : memref<!tpu.dma_semaphore, #tpu.memory_space<semaphore_mem>>)
        %mul3A_331 = arith.constant 4 : i32
        %mul3A_332 = arith.muli %scan3A_95, %mul3A_331 : i32
        %add3A_333 = arith.constant 1 : i32
        %add3A_334 = arith.addi %mul3A_332, %add3A_333 : i32
        %jit3A_335 = arith.constant 16 : i32
        %eq3A_336 = arith.constant 0 : i32
        %eq3A_337 = arith.cmpi eq, %jit3A_335, %eq3A_336 : i32
        %jit3A_338 = arith.constant 1 : i32
        %select_n3A_339 = arith.select %eq3A_337, %jit3A_338, %jit3A_335 : i32
        %rem3A_340 = arith.remsi %add3A_334, %select_n3A_339 : i32
        %ne3A_341 = arith.constant 0 : i32
        %ne3A_342 = arith.cmpi ne, %rem3A_340, %ne3A_341 : i32
        %lt3A_343 = arith.constant 0 : i32
        %lt3A_344 = arith.cmpi slt, %rem3A_340, %lt3A_343 : i32
        %lt3A_345 = arith.constant 0 : i32
        %lt3A_346 = arith.cmpi slt, %select_n3A_339, %lt3A_345 : i32
        %ne3A_347 = arith.xori %lt3A_344, %lt3A_346 : i1
        %and3A_348 = arith.andi %ne3A_347, %ne3A_342 : i1
        %add3A_349 = arith.addi %rem3A_340, %select_n3A_339 : i32
        %select_n3A_350 = arith.select %and3A_348, %add3A_349, %rem3A_340 : i32
        %add3A_351 = arith.constant 4 : i32
        %add3A_352 = arith.addi %add3A_334, %add3A_351 : i32
        %jit3A_353 = arith.constant 16 : i32
        %eq3A_354 = arith.constant 0 : i32
        %eq3A_355 = arith.cmpi eq, %jit3A_353, %eq3A_354 : i32
        %jit3A_356 = arith.constant 1 : i32
        %select_n3A_357 = arith.select %eq3A_355, %jit3A_356, %jit3A_353 : i32
        %rem3A_358 = arith.remsi %add3A_352, %select_n3A_357 : i32
        %ne3A_359 = arith.constant 0 : i32
        %ne3A_360 = arith.cmpi ne, %rem3A_358, %ne3A_359 : i32
        %lt3A_361 = arith.constant 0 : i32
        %lt3A_362 = arith.cmpi slt, %rem3A_358, %lt3A_361 : i32
        %lt3A_363 = arith.constant 0 : i32
        %lt3A_364 = arith.cmpi slt, %select_n3A_357, %lt3A_363 : i32
        %ne3A_365 = arith.xori %lt3A_362, %lt3A_364 : i1
        %and3A_366 = arith.andi %ne3A_365, %ne3A_360 : i1
        %add3A_367 = arith.addi %rem3A_358, %select_n3A_357 : i32
        %select_n3A_368 = arith.select %and3A_366, %add3A_367, %rem3A_358 : i32
        %dma_wait3A_369 = arith.constant 0 : i32
        %dma_wait3A_370 = tpu.memref_slice %arg8[%select_n3A_350, %dma_wait3A_369] : memref<16x80xi32, #tpu.memory_space<vmem>> -> memref<1x80xi32, #tpu.memory_space<vmem>>
        %dma_wait3A_371 = tpu.memref_squeeze %dma_wait3A_370 : memref<1x80xi32, #tpu.memory_space<vmem>> -> memref<80xi32, #tpu.memory_space<vmem>>
        %dma_wait3A_372 = arith.constant 0 : i32
        %dma_wait3A_373 = arith.constant 0 : i32
        %dma_wait3A_374 = tpu.memref_slice %arg22[%dma_wait3A_372, %dma_wait3A_373] : memref<10112x128xf32, #tpu.memory_space<vmem_shared>> -> memref<10112x128xf32, #tpu.memory_space<vmem_shared>>
        tpu.wait_indirect_dma semaphore(%arg18 : memref<!tpu.dma_semaphore, #tpu.memory_space<semaphore_mem>>) src(%arg10 : memref<80x128xf32, #tpu.memory_space<vmem>>) dst(%dma_wait3A_374 : memref<10112x128xf32, #tpu.memory_space<vmem_shared>>)
        %dma_start3A_375 = arith.constant 0 : i32
        %dma_start3A_376 = tpu.memref_slice %arg7[%select_n3A_368, %dma_start3A_375] : memref<16x80xi32, #tpu.memory_space<vmem>> -> memref<1x80xi32, #tpu.memory_space<vmem>>
        %dma_start3A_377 = tpu.memref_squeeze %dma_start3A_376 : memref<1x80xi32, #tpu.memory_space<vmem>> -> memref<80xi32, #tpu.memory_space<vmem>>
        %dma_start3A_378 = arith.constant 0 : i32
        %dma_start3A_379 = arith.constant 0 : i32
        %dma_start3A_380 = tpu.memref_slice %arg2[%dma_start3A_378, %dma_start3A_379] : memref<10000x128xf32, #tpu.memory_space<hbm>> -> memref<10000x128xf32, #tpu.memory_space<hbm>>
        tpu.enqueue_indirect_dma source(%dma_start3A_380 : memref<10000x128xf32, #tpu.memory_space<hbm>>) target(%arg10 : memref<80x128xf32, #tpu.memory_space<vmem>>) offsets(%dma_start3A_377 : memref<80xi32, #tpu.memory_space<vmem>>) semaphore(%arg14 : memref<!tpu.dma_semaphore, #tpu.memory_space<semaphore_mem>>)
        %mul3A_381 = arith.constant 4 : i32
        %mul3A_382 = arith.muli %scan3A_95, %mul3A_381 : i32
        %add3A_383 = arith.constant 2 : i32
        %add3A_384 = arith.addi %mul3A_382, %add3A_383 : i32
        %jit3A_385 = arith.constant 16 : i32
        %eq3A_386 = arith.constant 0 : i32
        %eq3A_387 = arith.cmpi eq, %jit3A_385, %eq3A_386 : i32
        %jit3A_388 = arith.constant 1 : i32
        %select_n3A_389 = arith.select %eq3A_387, %jit3A_388, %jit3A_385 : i32
        %rem3A_390 = arith.remsi %add3A_384, %select_n3A_389 : i32
        %ne3A_391 = arith.constant 0 : i32
        %ne3A_392 = arith.cmpi ne, %rem3A_390, %ne3A_391 : i32
        %lt3A_393 = arith.constant 0 : i32
        %lt3A_394 = arith.cmpi slt, %rem3A_390, %lt3A_393 : i32
        %lt3A_395 = arith.constant 0 : i32
        %lt3A_396 = arith.cmpi slt, %select_n3A_389, %lt3A_395 : i32
        %ne3A_397 = arith.xori %lt3A_394, %lt3A_396 : i1
        %and3A_398 = arith.andi %ne3A_397, %ne3A_392 : i1
        %add3A_399 = arith.addi %rem3A_390, %select_n3A_389 : i32
        %select_n3A_400 = arith.select %and3A_398, %add3A_399, %rem3A_390 : i32
        %add3A_401 = arith.constant 4 : i32
        %add3A_402 = arith.addi %add3A_384, %add3A_401 : i32
        %jit3A_403 = arith.constant 16 : i32
        %eq3A_404 = arith.constant 0 : i32
        %eq3A_405 = arith.cmpi eq, %jit3A_403, %eq3A_404 : i32
        %jit3A_406 = arith.constant 1 : i32
        %select_n3A_407 = arith.select %eq3A_405, %jit3A_406, %jit3A_403 : i32
        %rem3A_408 = arith.remsi %add3A_402, %select_n3A_407 : i32
        %ne3A_409 = arith.constant 0 : i32
        %ne3A_410 = arith.cmpi ne, %rem3A_408, %ne3A_409 : i32
        %lt3A_411 = arith.constant 0 : i32
        %lt3A_412 = arith.cmpi slt, %rem3A_408, %lt3A_411 : i32
        %lt3A_413 = arith.constant 0 : i32
        %lt3A_414 = arith.cmpi slt, %select_n3A_407, %lt3A_413 : i32
        %ne3A_415 = arith.xori %lt3A_412, %lt3A_414 : i1
        %and3A_416 = arith.andi %ne3A_415, %ne3A_410 : i1
        %add3A_417 = arith.addi %rem3A_408, %select_n3A_407 : i32
        %select_n3A_418 = arith.select %and3A_416, %add3A_417, %rem3A_408 : i32
        %dma_wait3A_419 = arith.constant 0 : i32
        %dma_wait3A_420 = tpu.memref_slice %arg8[%select_n3A_400, %dma_wait3A_419] : memref<16x80xi32, #tpu.memory_space<vmem>> -> memref<1x80xi32, #tpu.memory_space<vmem>>
        %dma_wait3A_421 = tpu.memref_squeeze %dma_wait3A_420 : memref<1x80xi32, #tpu.memory_space<vmem>> -> memref<80xi32, #tpu.memory_space<vmem>>
        %dma_wait3A_422 = arith.constant 0 : i32
        %dma_wait3A_423 = arith.constant 0 : i32
        %dma_wait3A_424 = tpu.memref_slice %arg22[%dma_wait3A_422, %dma_wait3A_423] : memref<10112x128xf32, #tpu.memory_space<vmem_shared>> -> memref<10112x128xf32, #tpu.memory_space<vmem_shared>>
        tpu.wait_indirect_dma semaphore(%arg19 : memref<!tpu.dma_semaphore, #tpu.memory_space<semaphore_mem>>) src(%arg11 : memref<80x128xf32, #tpu.memory_space<vmem>>) dst(%dma_wait3A_424 : memref<10112x128xf32, #tpu.memory_space<vmem_shared>>)
        %dma_start3A_425 = arith.constant 0 : i32
        %dma_start3A_426 = tpu.memref_slice %arg7[%select_n3A_418, %dma_start3A_425] : memref<16x80xi32, #tpu.memory_space<vmem>> -> memref<1x80xi32, #tpu.memory_space<vmem>>
        %dma_start3A_427 = tpu.memref_squeeze %dma_start3A_426 : memref<1x80xi32, #tpu.memory_space<vmem>> -> memref<80xi32, #tpu.memory_space<vmem>>
        %dma_start3A_428 = arith.constant 0 : i32
        %dma_start3A_429 = arith.constant 0 : i32
        %dma_start3A_430 = tpu.memref_slice %arg2[%dma_start3A_428, %dma_start3A_429] : memref<10000x128xf32, #tpu.memory_space<hbm>> -> memref<10000x128xf32, #tpu.memory_space<hbm>>
        tpu.enqueue_indirect_dma source(%dma_start3A_430 : memref<10000x128xf32, #tpu.memory_space<hbm>>) target(%arg11 : memref<80x128xf32, #tpu.memory_space<vmem>>) offsets(%dma_start3A_427 : memref<80xi32, #tpu.memory_space<vmem>>) semaphore(%arg15 : memref<!tpu.dma_semaphore, #tpu.memory_space<semaphore_mem>>)
        %mul3A_431 = arith.constant 4 : i32
        %mul3A_432 = arith.muli %scan3A_95, %mul3A_431 : i32
        %add3A_433 = arith.constant 3 : i32
        %add3A_434 = arith.addi %mul3A_432, %add3A_433 : i32
        %jit3A_435 = arith.constant 16 : i32
        %eq3A_436 = arith.constant 0 : i32
        %eq3A_437 = arith.cmpi eq, %jit3A_435, %eq3A_436 : i32
        %jit3A_438 = arith.constant 1 : i32
        %select_n3A_439 = arith.select %eq3A_437, %jit3A_438, %jit3A_435 : i32
        %rem3A_440 = arith.remsi %add3A_434, %select_n3A_439 : i32
        %ne3A_441 = arith.constant 0 : i32
        %ne3A_442 = arith.cmpi ne, %rem3A_440, %ne3A_441 : i32
        %lt3A_443 = arith.constant 0 : i32
        %lt3A_444 = arith.cmpi slt, %rem3A_440, %lt3A_443 : i32
        %lt3A_445 = arith.constant 0 : i32
        %lt3A_446 = arith.cmpi slt, %select_n3A_439, %lt3A_445 : i32
        %ne3A_447 = arith.xori %lt3A_444, %lt3A_446 : i1
        %and3A_448 = arith.andi %ne3A_447, %ne3A_442 : i1
        %add3A_449 = arith.addi %rem3A_440, %select_n3A_439 : i32
        %select_n3A_450 = arith.select %and3A_448, %add3A_449, %rem3A_440 : i32
        %add3A_451 = arith.constant 4 : i32
        %add3A_452 = arith.addi %add3A_434, %add3A_451 : i32
        %jit3A_453 = arith.constant 16 : i32
        %eq3A_454 = arith.constant 0 : i32
        %eq3A_455 = arith.cmpi eq, %jit3A_453, %eq3A_454 : i32
        %jit3A_456 = arith.constant 1 : i32
        %select_n3A_457 = arith.select %eq3A_455, %jit3A_456, %jit3A_453 : i32
        %rem3A_458 = arith.remsi %add3A_452, %select_n3A_457 : i32
        %ne3A_459 = arith.constant 0 : i32
        %ne3A_460 = arith.cmpi ne, %rem3A_458, %ne3A_459 : i32
        %lt3A_461 = arith.constant 0 : i32
        %lt3A_462 = arith.cmpi slt, %rem3A_458, %lt3A_461 : i32
        %lt3A_463 = arith.constant 0 : i32
        %lt3A_464 = arith.cmpi slt, %select_n3A_457, %lt3A_463 : i32
        %ne3A_465 = arith.xori %lt3A_462, %lt3A_464 : i1
        %and3A_466 = arith.andi %ne3A_465, %ne3A_460 : i1
        %add3A_467 = arith.addi %rem3A_458, %select_n3A_457 : i32
        %select_n3A_468 = arith.select %and3A_466, %add3A_467, %rem3A_458 : i32
        %dma_wait3A_469 = arith.constant 0 : i32
        %dma_wait3A_470 = tpu.memref_slice %arg8[%select_n3A_450, %dma_wait3A_469] : memref<16x80xi32, #tpu.memory_space<vmem>> -> memref<1x80xi32, #tpu.memory_space<vmem>>
        %dma_wait3A_471 = tpu.memref_squeeze %dma_wait3A_470 : memref<1x80xi32, #tpu.memory_space<vmem>> -> memref<80xi32, #tpu.memory_space<vmem>>
        %dma_wait3A_472 = arith.constant 0 : i32
        %dma_wait3A_473 = arith.constant 0 : i32
        %dma_wait3A_474 = tpu.memref_slice %arg22[%dma_wait3A_472, %dma_wait3A_473] : memref<10112x128xf32, #tpu.memory_space<vmem_shared>> -> memref<10112x128xf32, #tpu.memory_space<vmem_shared>>
        tpu.wait_indirect_dma semaphore(%arg20 : memref<!tpu.dma_semaphore, #tpu.memory_space<semaphore_mem>>) src(%arg12 : memref<80x128xf32, #tpu.memory_space<vmem>>) dst(%dma_wait3A_474 : memref<10112x128xf32, #tpu.memory_space<vmem_shared>>)
        %dma_start3A_475 = arith.constant 0 : i32
        %dma_start3A_476 = tpu.memref_slice %arg7[%select_n3A_468, %dma_start3A_475] : memref<16x80xi32, #tpu.memory_space<vmem>> -> memref<1x80xi32, #tpu.memory_space<vmem>>
        %dma_start3A_477 = tpu.memref_squeeze %dma_start3A_476 : memref<1x80xi32, #tpu.memory_space<vmem>> -> memref<80xi32, #tpu.memory_space<vmem>>
        %dma_start3A_478 = arith.constant 0 : i32
        %dma_start3A_479 = arith.constant 0 : i32
        %dma_start3A_480 = tpu.memref_slice %arg2[%dma_start3A_478, %dma_start3A_479] : memref<10000x128xf32, #tpu.memory_space<hbm>> -> memref<10000x128xf32, #tpu.memory_space<hbm>>
        tpu.enqueue_indirect_dma source(%dma_start3A_480 : memref<10000x128xf32, #tpu.memory_space<hbm>>) target(%arg12 : memref<80x128xf32, #tpu.memory_space<vmem>>) offsets(%dma_start3A_477 : memref<80xi32, #tpu.memory_space<vmem>>) semaphore(%arg16 : memref<!tpu.dma_semaphore, #tpu.memory_space<semaphore_mem>>)
      } else {
      }
    }
    %scan3A_62 = arith.constant 34 : i32
    %dma_wait3A = arith.constant 4 : i32
    %dma_wait3A_63 = arith.constant 0 : i32
    %dma_wait3A_64 = tpu.memref_slice %arg8[%dma_wait3A, %dma_wait3A_63] : memref<16x80xi32, #tpu.memory_space<vmem>> -> memref<1x80xi32, #tpu.memory_space<vmem>>
    %dma_wait3A_65 = tpu.memref_squeeze %dma_wait3A_64 : memref<1x80xi32, #tpu.memory_space<vmem>> -> memref<80xi32, #tpu.memory_space<vmem>>
    %dma_wait3A_66 = arith.constant 0 : i32
    %dma_wait3A_67 = arith.constant 0 : i32
    %dma_wait3A_68 = tpu.memref_slice %arg22[%dma_wait3A_66, %dma_wait3A_67] : memref<10112x128xf32, #tpu.memory_space<vmem_shared>> -> memref<10112x128xf32, #tpu.memory_space<vmem_shared>>
    tpu.wait_indirect_dma semaphore(%arg17 : memref<!tpu.dma_semaphore, #tpu.memory_space<semaphore_mem>>) src(%arg9 : memref<80x128xf32, #tpu.memory_space<vmem>>) dst(%dma_wait3A_68 : memref<10112x128xf32, #tpu.memory_space<vmem_shared>>)
    %dma_wait3A_69 = arith.constant 5 : i32
    %dma_wait3A_70 = arith.constant 0 : i32
    %dma_wait3A_71 = tpu.memref_slice %arg8[%dma_wait3A_69, %dma_wait3A_70] : memref<16x80xi32, #tpu.memory_space<vmem>> -> memref<1x80xi32, #tpu.memory_space<vmem>>
    %dma_wait3A_72 = tpu.memref_squeeze %dma_wait3A_71 : memref<1x80xi32, #tpu.memory_space<vmem>> -> memref<80xi32, #tpu.memory_space<vmem>>
    %dma_wait3A_73 = arith.constant 0 : i32
    %dma_wait3A_74 = arith.constant 0 : i32
    %dma_wait3A_75 = tpu.memref_slice %arg22[%dma_wait3A_73, %dma_wait3A_74] : memref<10112x128xf32, #tpu.memory_space<vmem_shared>> -> memref<10112x128xf32, #tpu.memory_space<vmem_shared>>
    tpu.wait_indirect_dma semaphore(%arg18 : memref<!tpu.dma_semaphore, #tpu.memory_space<semaphore_mem>>) src(%arg10 : memref<80x128xf32, #tpu.memory_space<vmem>>) dst(%dma_wait3A_75 : memref<10112x128xf32, #tpu.memory_space<vmem_shared>>)
    %dma_wait3A_76 = arith.constant 6 : i32
    %dma_wait3A_77 = arith.constant 0 : i32
    %dma_wait3A_78 = tpu.memref_slice %arg8[%dma_wait3A_76, %dma_wait3A_77] : memref<16x80xi32, #tpu.memory_space<vmem>> -> memref<1x80xi32, #tpu.memory_space<vmem>>
    %dma_wait3A_79 = tpu.memref_squeeze %dma_wait3A_78 : memref<1x80xi32, #tpu.memory_space<vmem>> -> memref<80xi32, #tpu.memory_space<vmem>>
    %dma_wait3A_80 = arith.constant 0 : i32
    %dma_wait3A_81 = arith.constant 0 : i32
    %dma_wait3A_82 = tpu.memref_slice %arg22[%dma_wait3A_80, %dma_wait3A_81] : memref<10112x128xf32, #tpu.memory_space<vmem_shared>> -> memref<10112x128xf32, #tpu.memory_space<vmem_shared>>
    tpu.wait_indirect_dma semaphore(%arg19 : memref<!tpu.dma_semaphore, #tpu.memory_space<semaphore_mem>>) src(%arg11 : memref<80x128xf32, #tpu.memory_space<vmem>>) dst(%dma_wait3A_82 : memref<10112x128xf32, #tpu.memory_space<vmem_shared>>)
    %dma_wait3A_83 = arith.constant 7 : i32
    %dma_wait3A_84 = arith.constant 0 : i32
    %dma_wait3A_85 = tpu.memref_slice %arg8[%dma_wait3A_83, %dma_wait3A_84] : memref<16x80xi32, #tpu.memory_space<vmem>> -> memref<1x80xi32, #tpu.memory_space<vmem>>
    %dma_wait3A_86 = tpu.memref_squeeze %dma_wait3A_85 : memref<1x80xi32, #tpu.memory_space<vmem>> -> memref<80xi32, #tpu.memory_space<vmem>>
    %dma_wait3A_87 = arith.constant 0 : i32
    %dma_wait3A_88 = arith.constant 0 : i32
    %dma_wait3A_89 = tpu.memref_slice %arg22[%dma_wait3A_87, %dma_wait3A_88] : memref<10112x128xf32, #tpu.memory_space<vmem_shared>> -> memref<10112x128xf32, #tpu.memory_space<vmem_shared>>
    tpu.wait_indirect_dma semaphore(%arg20 : memref<!tpu.dma_semaphore, #tpu.memory_space<semaphore_mem>>) src(%arg12 : memref<80x128xf32, #tpu.memory_space<vmem>>) dst(%dma_wait3A_89 : memref<10112x128xf32, #tpu.memory_space<vmem_shared>>)
    %barrier3A_90 = arith.constant 0 : index
    tpu.barrier barrier_id(%barrier3A_90)
    %mul3A_91 = arith.constant 632 : i32
    %mul3A_92 = arith.muli %arg1, %mul3A_91 : i32
    %mul3A_93 = arith.constant 632 : i32
    %mul3A_94 = arith.muli %arg1, %mul3A_93 : i32
    "tpu.region"() ({
      %run_scoped3A = tpu.sem_alloc : memref<!tpu.dma_semaphore, #tpu.memory_space<semaphore_mem>>
      %dma_start3A_95 = arith.constant 0 : i32
      %dma_start3A_96 = tpu.memref_slice %arg6[%arg0, %mul3A_94, %dma_start3A_95] : memref<2x10112x128xf32, #tpu.memory_space<hbm>> -> memref<1x632x128xf32, #tpu.memory_space<hbm>>
      %dma_start3A_97 = tpu.memref_squeeze %dma_start3A_96 : memref<1x632x128xf32, #tpu.memory_space<hbm>> -> memref<632x128xf32, #tpu.memory_space<hbm>>
      %dma_start3A_98 = arith.constant 0 : i32
      %dma_start3A_99 = tpu.memref_slice %arg22[%mul3A_92, %dma_start3A_98] : memref<10112x128xf32, #tpu.memory_space<vmem_shared>> -> memref<632x128xf32, #tpu.memory_space<vmem_shared>>
      tpu.enqueue_dma source(%dma_start3A_99 : memref<632x128xf32, #tpu.memory_space<vmem_shared>>) target(%dma_start3A_97 : memref<632x128xf32, #tpu.memory_space<hbm>>) target_semaphore(%run_scoped3A : memref<!tpu.dma_semaphore, #tpu.memory_space<semaphore_mem>>)
      %dma_wait3A_100 = arith.constant 0 : i32
      %dma_wait3A_101 = tpu.memref_slice %arg6[%arg0, %mul3A_94, %dma_wait3A_100] : memref<2x10112x128xf32, #tpu.memory_space<hbm>> -> memref<1x632x128xf32, #tpu.memory_space<hbm>>
      %dma_wait3A_102 = tpu.memref_squeeze %dma_wait3A_101 : memref<1x632x128xf32, #tpu.memory_space<hbm>> -> memref<632x128xf32, #tpu.memory_space<hbm>>
      %dma_wait3A_103 = arith.constant 0 : i32
      %dma_wait3A_104 = tpu.memref_slice %arg22[%mul3A_92, %dma_wait3A_103] : memref<10112x128xf32, #tpu.memory_space<vmem_shared>> -> memref<632x128xf32, #tpu.memory_space<vmem_shared>>
      tpu.wait_dma2 semaphore(%run_scoped3A : memref<!tpu.dma_semaphore, #tpu.memory_space<semaphore_mem>>) src(%dma_wait3A_104 : memref<632x128xf32, #tpu.memory_space<vmem_shared>>) dst(%dma_wait3A_102 : memref<632x128xf32, #tpu.memory_space<hbm>>)
      tpu.yield
    }) : () -> ()
    return
  }
}

#map = affine_map<(d0, d1) -> (0, 0)>
#map1 = affine_map<(d0, d1) -> (0, 0, 0)>
module attributes {stable_mosaic.version = 14 : i64} {
  func.func @_agg_body(%arg0: i32, %arg1: i32, %arg2: memref<10000x128xf32, #tpu.memory_space<hbm>>, %arg3: memref<32x136x80xi32, #tpu.memory_space<hbm>>, %arg4: memref<32x136x80xi32, #tpu.memory_space<hbm>>, %arg5: memref<632x128xf32, #tpu.memory_space<hbm>>, %arg6: memref<2x10112x128xf32, #tpu.memory_space<hbm>>, %arg7: memref<16x80xi32, #tpu.memory_space<vmem>>, %arg8: memref<16x80xi32, #tpu.memory_space<vmem>>, %arg9: memref<80x128xf32, #tpu.memory_space<vmem>>, %arg10: memref<80x128xf32, #tpu.memory_space<vmem>>, %arg11: memref<80x128xf32, #tpu.memory_space<vmem>>, %arg12: memref<80x128xf32, #tpu.memory_space<vmem>>, %arg13: memref<!tpu.dma_semaphore, #tpu.memory_space<semaphore_mem>>, %arg14: memref<!tpu.dma_semaphore, #tpu.memory_space<semaphore_mem>>, %arg15: memref<!tpu.dma_semaphore, #tpu.memory_space<semaphore_mem>>, %arg16: memref<!tpu.dma_semaphore, #tpu.memory_space<semaphore_mem>>, %arg17: memref<!tpu.dma_semaphore, #tpu.memory_space<semaphore_mem>>, %arg18: memref<!tpu.dma_semaphore, #tpu.memory_space<semaphore_mem>>, %arg19: memref<!tpu.dma_semaphore, #tpu.memory_space<semaphore_mem>>, %arg20: memref<!tpu.dma_semaphore, #tpu.memory_space<semaphore_mem>>, %arg21: memref<!tpu.dma_semaphore, #tpu.memory_space<semaphore_mem>>, %arg22: memref<10112x128xf32, #tpu.memory_space<vmem_shared>>) attributes {dimension_semantics = [#tpu.dimension_semantics<core_parallel>, #tpu.dimension_semantics<subcore_parallel>], iteration_bounds = array<i64: 2, 16>, scalar_prefetch = 0 : i64, scratch_operands = 16 : i64, tpu.core_type = #tpu.core_type<sc_vector_subcore>, window_params = [{transform_indices = #map}, {transform_indices = #map1}, {transform_indices = #map1}, {transform_indices = #map}, {transform_indices = #map1}]} {
    %mul3A = arith.constant 16 : i32
    %mul3A_0 = arith.muli %arg0, %mul3A : i32
    %add3A = arith.addi %mul3A_0, %arg1 : i32
    "tpu.region"() ({
      %run_scoped3A = tpu.sem_alloc : memref<!tpu.dma_semaphore, #tpu.memory_space<semaphore_mem>>
      %dma_start3A_95 = arith.constant 0 : i32
      %dma_start3A_96 = arith.constant 0 : i32
      %dma_start3A_97 = tpu.memref_slice %arg7[%dma_start3A_95, %dma_start3A_96] : memref<16x80xi32, #tpu.memory_space<vmem>> -> memref<8x80xi32, #tpu.memory_space<vmem>>
      %dma_start3A_98 = arith.constant 0 : i32
      %dma_start3A_99 = arith.constant 0 : i32
      %dma_start3A_100 = tpu.memref_slice %arg3[%add3A, %dma_start3A_98, %dma_start3A_99] : memref<32x136x80xi32, #tpu.memory_space<hbm>> -> memref<1x8x80xi32, #tpu.memory_space<hbm>>
      %dma_start3A_101 = tpu.memref_squeeze %dma_start3A_100 : memref<1x8x80xi32, #tpu.memory_space<hbm>> -> memref<8x80xi32, #tpu.memory_space<hbm>>
      %dma_start3A_102 = arith.constant 0 : i32
      %dma_start3A_103 = arith.constant 0 : i32
      %dma_start3A_104 = tpu.memref_slice %arg7[%dma_start3A_102, %dma_start3A_103] : memref<16x80xi32, #tpu.memory_space<vmem>> -> memref<8x80xi32, #tpu.memory_space<vmem>>
      %dma_start3A_105 = arith.constant 0 : i32
      %dma_start3A_106 = arith.constant 0 : i32
      %dma_start3A_107 = tpu.memref_slice %arg3[%add3A, %dma_start3A_105, %dma_start3A_106] : memref<32x136x80xi32, #tpu.memory_space<hbm>> -> memref<1x8x80xi32, #tpu.memory_space<hbm>>
      %dma_start3A_108 = tpu.memref_squeeze %dma_start3A_107 : memref<1x8x80xi32, #tpu.memory_space<hbm>> -> memref<8x80xi32, #tpu.memory_space<hbm>>
      tpu.enqueue_dma source(%dma_start3A_108 : memref<8x80xi32, #tpu.memory_space<hbm>>) target(%dma_start3A_104 : memref<8x80xi32, #tpu.memory_space<vmem>>) target_semaphore(%run_scoped3A : memref<!tpu.dma_semaphore, #tpu.memory_space<semaphore_mem>>)
      %dma_wait3A_109 = arith.constant 0 : i32
      %dma_wait3A_110 = arith.constant 0 : i32
      %dma_wait3A_111 = tpu.memref_slice %arg7[%dma_wait3A_109, %dma_wait3A_110] : memref<16x80xi32, #tpu.memory_space<vmem>> -> memref<8x80xi32, #tpu.memory_space<vmem>>
      %dma_wait3A_112 = arith.constant 0 : i32
      %dma_wait3A_113 = arith.constant 0 : i32
      %dma_wait3A_114 = tpu.memref_slice %arg3[%add3A, %dma_wait3A_112, %dma_wait3A_113] : memref<32x136x80xi32, #tpu.memory_space<hbm>> -> memref<1x8x80xi32, #tpu.memory_space<hbm>>
      %dma_wait3A_115 = tpu.memref_squeeze %dma_wait3A_114 : memref<1x8x80xi32, #tpu.memory_space<hbm>> -> memref<8x80xi32, #tpu.memory_space<hbm>>
      %dma_wait3A_116 = arith.constant 0 : i32
      %dma_wait3A_117 = arith.constant 0 : i32
      %dma_wait3A_118 = tpu.memref_slice %arg7[%dma_wait3A_116, %dma_wait3A_117] : memref<16x80xi32, #tpu.memory_space<vmem>> -> memref<8x80xi32, #tpu.memory_space<vmem>>
      %dma_wait3A_119 = arith.constant 0 : i32
      %dma_wait3A_120 = arith.constant 0 : i32
      %dma_wait3A_121 = tpu.memref_slice %arg3[%add3A, %dma_wait3A_119, %dma_wait3A_120] : memref<32x136x80xi32, #tpu.memory_space<hbm>> -> memref<1x8x80xi32, #tpu.memory_space<hbm>>
      %dma_wait3A_122 = tpu.memref_squeeze %dma_wait3A_121 : memref<1x8x80xi32, #tpu.memory_space<hbm>> -> memref<8x80xi32, #tpu.memory_space<hbm>>
      tpu.wait_dma2 semaphore(%run_scoped3A : memref<!tpu.dma_semaphore, #tpu.memory_space<semaphore_mem>>) src(%dma_wait3A_122 : memref<8x80xi32, #tpu.memory_space<hbm>>) dst(%dma_wait3A_118 : memref<8x80xi32, #tpu.memory_space<vmem>>)
      tpu.yield
    }) : () -> ()
    "tpu.region"() ({
      %run_scoped3A = tpu.sem_alloc : memref<!tpu.dma_semaphore, #tpu.memory_space<semaphore_mem>>
      %dma_start3A_95 = arith.constant 0 : i32
      %dma_start3A_96 = arith.constant 0 : i32
      %dma_start3A_97 = tpu.memref_slice %arg8[%dma_start3A_95, %dma_start3A_96] : memref<16x80xi32, #tpu.memory_space<vmem>> -> memref<8x80xi32, #tpu.memory_space<vmem>>
      %dma_start3A_98 = arith.constant 0 : i32
      %dma_start3A_99 = arith.constant 0 : i32
      %dma_start3A_100 = tpu.memref_slice %arg4[%add3A, %dma_start3A_98, %dma_start3A_99] : memref<32x136x80xi32, #tpu.memory_space<hbm>> -> memref<1x8x80xi32, #tpu.memory_space<hbm>>
      %dma_start3A_101 = tpu.memref_squeeze %dma_start3A_100 : memref<1x8x80xi32, #tpu.memory_space<hbm>> -> memref<8x80xi32, #tpu.memory_space<hbm>>
      %dma_start3A_102 = arith.constant 0 : i32
      %dma_start3A_103 = arith.constant 0 : i32
      %dma_start3A_104 = tpu.memref_slice %arg8[%dma_start3A_102, %dma_start3A_103] : memref<16x80xi32, #tpu.memory_space<vmem>> -> memref<8x80xi32, #tpu.memory_space<vmem>>
      %dma_start3A_105 = arith.constant 0 : i32
      %dma_start3A_106 = arith.constant 0 : i32
      %dma_start3A_107 = tpu.memref_slice %arg4[%add3A, %dma_start3A_105, %dma_start3A_106] : memref<32x136x80xi32, #tpu.memory_space<hbm>> -> memref<1x8x80xi32, #tpu.memory_space<hbm>>
      %dma_start3A_108 = tpu.memref_squeeze %dma_start3A_107 : memref<1x8x80xi32, #tpu.memory_space<hbm>> -> memref<8x80xi32, #tpu.memory_space<hbm>>
      tpu.enqueue_dma source(%dma_start3A_108 : memref<8x80xi32, #tpu.memory_space<hbm>>) target(%dma_start3A_104 : memref<8x80xi32, #tpu.memory_space<vmem>>) target_semaphore(%run_scoped3A : memref<!tpu.dma_semaphore, #tpu.memory_space<semaphore_mem>>)
      %dma_wait3A_109 = arith.constant 0 : i32
      %dma_wait3A_110 = arith.constant 0 : i32
      %dma_wait3A_111 = tpu.memref_slice %arg8[%dma_wait3A_109, %dma_wait3A_110] : memref<16x80xi32, #tpu.memory_space<vmem>> -> memref<8x80xi32, #tpu.memory_space<vmem>>
      %dma_wait3A_112 = arith.constant 0 : i32
      %dma_wait3A_113 = arith.constant 0 : i32
      %dma_wait3A_114 = tpu.memref_slice %arg4[%add3A, %dma_wait3A_112, %dma_wait3A_113] : memref<32x136x80xi32, #tpu.memory_space<hbm>> -> memref<1x8x80xi32, #tpu.memory_space<hbm>>
      %dma_wait3A_115 = tpu.memref_squeeze %dma_wait3A_114 : memref<1x8x80xi32, #tpu.memory_space<hbm>> -> memref<8x80xi32, #tpu.memory_space<hbm>>
      %dma_wait3A_116 = arith.constant 0 : i32
      %dma_wait3A_117 = arith.constant 0 : i32
      %dma_wait3A_118 = tpu.memref_slice %arg8[%dma_wait3A_116, %dma_wait3A_117] : memref<16x80xi32, #tpu.memory_space<vmem>> -> memref<8x80xi32, #tpu.memory_space<vmem>>
      %dma_wait3A_119 = arith.constant 0 : i32
      %dma_wait3A_120 = arith.constant 0 : i32
      %dma_wait3A_121 = tpu.memref_slice %arg4[%add3A, %dma_wait3A_119, %dma_wait3A_120] : memref<32x136x80xi32, #tpu.memory_space<hbm>> -> memref<1x8x80xi32, #tpu.memory_space<hbm>>
      %dma_wait3A_122 = tpu.memref_squeeze %dma_wait3A_121 : memref<1x8x80xi32, #tpu.memory_space<hbm>> -> memref<8x80xi32, #tpu.memory_space<hbm>>
      tpu.wait_dma2 semaphore(%run_scoped3A : memref<!tpu.dma_semaphore, #tpu.memory_space<semaphore_mem>>) src(%dma_wait3A_122 : memref<8x80xi32, #tpu.memory_space<hbm>>) dst(%dma_wait3A_118 : memref<8x80xi32, #tpu.memory_space<vmem>>)
      tpu.yield
    }) : () -> ()
    %dma_start3A = arith.constant 8 : i32
    %dma_start3A_1 = arith.constant 0 : i32
    %dma_start3A_2 = tpu.memref_slice %arg7[%dma_start3A, %dma_start3A_1] : memref<16x80xi32, #tpu.memory_space<vmem>> -> memref<8x80xi32, #tpu.memory_space<vmem>>
    %dma_start3A_3 = arith.constant 8 : i32
    %dma_start3A_4 = arith.constant 0 : i32
    %dma_start3A_5 = tpu.memref_slice %arg3[%add3A, %dma_start3A_3, %dma_start3A_4] : memref<32x136x80xi32, #tpu.memory_space<hbm>> -> memref<1x8x80xi32, #tpu.memory_space<hbm>>
    %dma_start3A_6 = tpu.memref_squeeze %dma_start3A_5 : memref<1x8x80xi32, #tpu.memory_space<hbm>> -> memref<8x80xi32, #tpu.memory_space<hbm>>
    %dma_start3A_7 = arith.constant 8 : i32
    %dma_start3A_8 = arith.constant 0 : i32
    %dma_start3A_9 = tpu.memref_slice %arg7[%dma_start3A_7, %dma_start3A_8] : memref<16x80xi32, #tpu.memory_space<vmem>> -> memref<8x80xi32, #tpu.memory_space<vmem>>
    %dma_start3A_10 = arith.constant 8 : i32
    %dma_start3A_11 = arith.constant 0 : i32
    %dma_start3A_12 = tpu.memref_slice %arg3[%add3A, %dma_start3A_10, %dma_start3A_11] : memref<32x136x80xi32, #tpu.memory_space<hbm>> -> memref<1x8x80xi32, #tpu.memory_space<hbm>>
    %dma_start3A_13 = tpu.memref_squeeze %dma_start3A_12 : memref<1x8x80xi32, #tpu.memory_space<hbm>> -> memref<8x80xi32, #tpu.memory_space<hbm>>
    tpu.enqueue_dma source(%dma_start3A_13 : memref<8x80xi32, #tpu.memory_space<hbm>>) target(%dma_start3A_9 : memref<8x80xi32, #tpu.memory_space<vmem>>) target_semaphore(%arg21 : memref<!tpu.dma_semaphore, #tpu.memory_space<semaphore_mem>>)
    %dma_start3A_14 = arith.constant 8 : i32
    %dma_start3A_15 = arith.constant 0 : i32
    %dma_start3A_16 = tpu.memref_slice %arg8[%dma_start3A_14, %dma_start3A_15] : memref<16x80xi32, #tpu.memory_space<vmem>> -> memref<8x80xi32, #tpu.memory_space<vmem>>
    %dma_start3A_17 = arith.constant 8 : i32
    %dma_start3A_18 = arith.constant 0 : i32
    %dma_start3A_19 = tpu.memref_slice %arg4[%add3A, %dma_start3A_17, %dma_start3A_18] : memref<32x136x80xi32, #tpu.memory_space<hbm>> -> memref<1x8x80xi32, #tpu.memory_space<hbm>>
    %dma_start3A_20 = tpu.memref_squeeze %dma_start3A_19 : memref<1x8x80xi32, #tpu.memory_space<hbm>> -> memref<8x80xi32, #tpu.memory_space<hbm>>
    %dma_start3A_21 = arith.constant 8 : i32
    %dma_start3A_22 = arith.constant 0 : i32
    %dma_start3A_23 = tpu.memref_slice %arg8[%dma_start3A_21, %dma_start3A_22] : memref<16x80xi32, #tpu.memory_space<vmem>> -> memref<8x80xi32, #tpu.memory_space<vmem>>
    %dma_start3A_24 = arith.constant 8 : i32
    %dma_start3A_25 = arith.constant 0 : i32
    %dma_start3A_26 = tpu.memref_slice %arg4[%add3A, %dma_start3A_24, %dma_start3A_25] : memref<32x136x80xi32, #tpu.memory_space<hbm>> -> memref<1x8x80xi32, #tpu.memory_space<hbm>>
    %dma_start3A_27 = tpu.memref_squeeze %dma_start3A_26 : memref<1x8x80xi32, #tpu.memory_space<hbm>> -> memref<8x80xi32, #tpu.memory_space<hbm>>
    tpu.enqueue_dma source(%dma_start3A_27 : memref<8x80xi32, #tpu.memory_space<hbm>>) target(%dma_start3A_23 : memref<8x80xi32, #tpu.memory_space<vmem>>) target_semaphore(%arg21 : memref<!tpu.dma_semaphore, #tpu.memory_space<semaphore_mem>>)
    %mul3A_28 = arith.constant 632 : i32
    %mul3A_29 = arith.muli %arg1, %mul3A_28 : i32
    "tpu.region"() ({
      %run_scoped3A = tpu.sem_alloc : memref<!tpu.dma_semaphore, #tpu.memory_space<semaphore_mem>>
      %dma_start3A_95 = arith.constant 0 : i32
      %dma_start3A_96 = tpu.memref_slice %arg22[%mul3A_29, %dma_start3A_95] : memref<10112x128xf32, #tpu.memory_space<vmem_shared>> -> memref<632x128xf32, #tpu.memory_space<vmem_shared>>
      tpu.enqueue_dma source(%arg5 : memref<632x128xf32, #tpu.memory_space<hbm>>) target(%dma_start3A_96 : memref<632x128xf32, #tpu.memory_space<vmem_shared>>) target_semaphore(%run_scoped3A : memref<!tpu.dma_semaphore, #tpu.memory_space<semaphore_mem>>)
      %dma_wait3A_97 = arith.constant 0 : i32
      %dma_wait3A_98 = tpu.memref_slice %arg22[%mul3A_29, %dma_wait3A_97] : memref<10112x128xf32, #tpu.memory_space<vmem_shared>> -> memref<632x128xf32, #tpu.memory_space<vmem_shared>>
      tpu.wait_dma2 semaphore(%run_scoped3A : memref<!tpu.dma_semaphore, #tpu.memory_space<semaphore_mem>>) src(%arg5 : memref<632x128xf32, #tpu.memory_space<hbm>>) dst(%dma_wait3A_98 : memref<632x128xf32, #tpu.memory_space<vmem_shared>>)
      tpu.yield
    }) : () -> ()
    %barrier3A = arith.constant 0 : index
    tpu.barrier barrier_id(%barrier3A)
    %dma_start3A_30 = arith.constant 0 : i32
    %dma_start3A_31 = arith.constant 0 : i32
    %dma_start3A_32 = tpu.memref_slice %arg7[%dma_start3A_30, %dma_start3A_31] : memref<16x80xi32, #tpu.memory_space<vmem>> -> memref<1x80xi32, #tpu.memory_space<vmem>>
    %dma_start3A_33 = tpu.memref_squeeze %dma_start3A_32 : memref<1x80xi32, #tpu.memory_space<vmem>> -> memref<80xi32, #tpu.memory_space<vmem>>
    %dma_start3A_34 = arith.constant 0 : i32
    %dma_start3A_35 = arith.constant 0 : i32
    %dma_start3A_36 = tpu.memref_slice %arg2[%dma_start3A_34, %dma_start3A_35] : memref<10000x128xf32, #tpu.memory_space<hbm>> -> memref<10000x128xf32, #tpu.memory_space<hbm>>
    tpu.enqueue_indirect_dma source(%dma_start3A_36 : memref<10000x128xf32, #tpu.memory_space<hbm>>) target(%arg9 : memref<80x128xf32, #tpu.memory_space<vmem>>) offsets(%dma_start3A_33 : memref<80xi32, #tpu.memory_space<vmem>>) semaphore(%arg13 : memref<!tpu.dma_semaphore, #tpu.memory_space<semaphore_mem>>)
    %dma_start3A_37 = arith.constant 1 : i32
    %dma_start3A_38 = arith.constant 0 : i32
    %dma_start3A_39 = tpu.memref_slice %arg7[%dma_start3A_37, %dma_start3A_38] : memref<16x80xi32, #tpu.memory_space<vmem>> -> memref<1x80xi32, #tpu.memory_space<vmem>>
    %dma_start3A_40 = tpu.memref_squeeze %dma_start3A_39 : memref<1x80xi32, #tpu.memory_space<vmem>> -> memref<80xi32, #tpu.memory_space<vmem>>
    %dma_start3A_41 = arith.constant 0 : i32
    %dma_start3A_42 = arith.constant 0 : i32
    %dma_start3A_43 = tpu.memref_slice %arg2[%dma_start3A_41, %dma_start3A_42] : memref<10000x128xf32, #tpu.memory_space<hbm>> -> memref<10000x128xf32, #tpu.memory_space<hbm>>
    tpu.enqueue_indirect_dma source(%dma_start3A_43 : memref<10000x128xf32, #tpu.memory_space<hbm>>) target(%arg10 : memref<80x128xf32, #tpu.memory_space<vmem>>) offsets(%dma_start3A_40 : memref<80xi32, #tpu.memory_space<vmem>>) semaphore(%arg14 : memref<!tpu.dma_semaphore, #tpu.memory_space<semaphore_mem>>)
    %dma_start3A_44 = arith.constant 2 : i32
    %dma_start3A_45 = arith.constant 0 : i32
    %dma_start3A_46 = tpu.memref_slice %arg7[%dma_start3A_44, %dma_start3A_45] : memref<16x80xi32, #tpu.memory_space<vmem>> -> memref<1x80xi32, #tpu.memory_space<vmem>>
    %dma_start3A_47 = tpu.memref_squeeze %dma_start3A_46 : memref<1x80xi32, #tpu.memory_space<vmem>> -> memref<80xi32, #tpu.memory_space<vmem>>
    %dma_start3A_48 = arith.constant 0 : i32
    %dma_start3A_49 = arith.constant 0 : i32
    %dma_start3A_50 = tpu.memref_slice %arg2[%dma_start3A_48, %dma_start3A_49] : memref<10000x128xf32, #tpu.memory_space<hbm>> -> memref<10000x128xf32, #tpu.memory_space<hbm>>
    tpu.enqueue_indirect_dma source(%dma_start3A_50 : memref<10000x128xf32, #tpu.memory_space<hbm>>) target(%arg11 : memref<80x128xf32, #tpu.memory_space<vmem>>) offsets(%dma_start3A_47 : memref<80xi32, #tpu.memory_space<vmem>>) semaphore(%arg15 : memref<!tpu.dma_semaphore, #tpu.memory_space<semaphore_mem>>)
    %dma_start3A_51 = arith.constant 3 : i32
    %dma_start3A_52 = arith.constant 0 : i32
    %dma_start3A_53 = tpu.memref_slice %arg7[%dma_start3A_51, %dma_start3A_52] : memref<16x80xi32, #tpu.memory_space<vmem>> -> memref<1x80xi32, #tpu.memory_space<vmem>>
    %dma_start3A_54 = tpu.memref_squeeze %dma_start3A_53 : memref<1x80xi32, #tpu.memory_space<vmem>> -> memref<80xi32, #tpu.memory_space<vmem>>
    %dma_start3A_55 = arith.constant 0 : i32
    %dma_start3A_56 = arith.constant 0 : i32
    %dma_start3A_57 = tpu.memref_slice %arg2[%dma_start3A_55, %dma_start3A_56] : memref<10000x128xf32, #tpu.memory_space<hbm>> -> memref<10000x128xf32, #tpu.memory_space<hbm>>
    tpu.enqueue_indirect_dma source(%dma_start3A_57 : memref<10000x128xf32, #tpu.memory_space<hbm>>) target(%arg12 : memref<80x128xf32, #tpu.memory_space<vmem>>) offsets(%dma_start3A_54 : memref<80xi32, #tpu.memory_space<vmem>>) semaphore(%arg16 : memref<!tpu.dma_semaphore, #tpu.memory_space<semaphore_mem>>)
    %scan3A = arith.constant 0 : i32
    %scan3A_58 = arith.constant 0 : i32
    %scan3A_59 = arith.constant 34 : i32
    %scan3A_60 = arith.addi %scan3A_58, %scan3A_59 : i32
    %scan3A_61 = arith.constant 1 : i32
    scf.for %scan3A_95 = %scan3A_58 to %scan3A_60 step %scan3A_61  : i32 {
      %jit3A = arith.constant 2 : i32
      %div3A = arith.divsi %scan3A_95, %jit3A : i32
      %sign3A = arith.constant 0 : i32
      %sign3A_96 = arith.cmpi sgt, %scan3A_95, %sign3A : i32
      %sign3A_97 = arith.extui %sign3A_96 : i1 to i32
      %sign3A_98 = arith.constant 0 : i32
      %sign3A_99 = arith.cmpi slt, %scan3A_95, %sign3A_98 : i32
      %sign3A_100 = arith.extui %sign3A_99 : i1 to i32
      %sign3A_101 = arith.subi %sign3A_97, %sign3A_100 : i32
      %sign3A_102 = arith.constant 0 : i32
      %sign3A_103 = arith.cmpi sgt, %jit3A, %sign3A_102 : i32
      %sign3A_104 = arith.extui %sign3A_103 : i1 to i32
      %sign3A_105 = arith.constant 0 : i32
      %sign3A_106 = arith.cmpi slt, %jit3A, %sign3A_105 : i32
      %sign3A_107 = arith.extui %sign3A_106 : i1 to i32
      %sign3A_108 = arith.subi %sign3A_104, %sign3A_107 : i32
      %ne3A = arith.cmpi ne, %sign3A_101, %sign3A_108 : i32
      %rem3A = arith.remsi %scan3A_95, %jit3A : i32
      %ne3A_109 = arith.constant 0 : i32
      %ne3A_110 = arith.cmpi ne, %rem3A, %ne3A_109 : i32
      %and3A = arith.andi %ne3A, %ne3A_110 : i1
      %sub3A = arith.constant 1 : i32
      %sub3A_111 = arith.subi %div3A, %sub3A : i32
      %select_n3A = arith.select %and3A, %sub3A_111, %div3A : i32
      %jit3A_112 = arith.constant 2 : i32
      %eq3A = arith.constant 0 : i32
      %eq3A_113 = arith.cmpi eq, %jit3A_112, %eq3A : i32
      %jit3A_114 = arith.constant 1 : i32
      %select_n3A_115 = arith.select %eq3A_113, %jit3A_114, %jit3A_112 : i32
      %rem3A_116 = arith.remsi %scan3A_95, %select_n3A_115 : i32
      %ne3A_117 = arith.constant 0 : i32
      %ne3A_118 = arith.cmpi ne, %rem3A_116, %ne3A_117 : i32
      %lt3A = arith.constant 0 : i32
      %lt3A_119 = arith.cmpi slt, %rem3A_116, %lt3A : i32
      %lt3A_120 = arith.constant 0 : i32
      %lt3A_121 = arith.cmpi slt, %select_n3A_115, %lt3A_120 : i32
      %ne3A_122 = arith.xori %lt3A_119, %lt3A_121 : i1
      %and3A_123 = arith.andi %ne3A_122, %ne3A_118 : i1
      %add3A_124 = arith.addi %rem3A_116, %select_n3A_115 : i32
      %select_n3A_125 = arith.select %and3A_123, %add3A_124, %rem3A_116 : i32
      %eq3A_126 = arith.constant 1 : i32
      %eq3A_127 = arith.cmpi eq, %select_n3A_125, %eq3A_126 : i32
      %add3A_128 = arith.constant 1 : i32
      %add3A_129 = arith.addi %select_n3A, %add3A_128 : i32
      %lt3A_130 = arith.constant 17 : i32
      %lt3A_131 = arith.cmpi slt, %add3A_129, %lt3A_130 : i32
      %and3A_132 = arith.andi %eq3A_127, %lt3A_131 : i1
      %convert_element_type3A = arith.extui %and3A_132 : i1 to i32
      %cond3A = arith.constant 0 : i32
      %cond3A_133 = arith.cmpi ne, %convert_element_type3A, %cond3A : i32
      scf.if %cond3A_133 {
        %dma_wait3A_281 = arith.constant 0 : i32
        %dma_wait3A_282 = arith.constant 0 : i32
        %dma_wait3A_283 = tpu.memref_slice %arg7[%dma_wait3A_281, %dma_wait3A_282] : memref<16x80xi32, #tpu.memory_space<vmem>> -> memref<8x80xi32, #tpu.memory_space<vmem>>
        %dma_wait3A_284 = arith.constant 0 : i32
        %dma_wait3A_285 = arith.constant 0 : i32
        %dma_wait3A_286 = tpu.memref_slice %arg3[%add3A, %dma_wait3A_284, %dma_wait3A_285] : memref<32x136x80xi32, #tpu.memory_space<hbm>> -> memref<1x8x80xi32, #tpu.memory_space<hbm>>
        %dma_wait3A_287 = tpu.memref_squeeze %dma_wait3A_286 : memref<1x8x80xi32, #tpu.memory_space<hbm>> -> memref<8x80xi32, #tpu.memory_space<hbm>>
        %dma_wait3A_288 = arith.constant 0 : i32
        %dma_wait3A_289 = arith.constant 0 : i32
        %dma_wait3A_290 = tpu.memref_slice %arg7[%dma_wait3A_288, %dma_wait3A_289] : memref<16x80xi32, #tpu.memory_space<vmem>> -> memref<8x80xi32, #tpu.memory_space<vmem>>
        %dma_wait3A_291 = arith.constant 0 : i32
        %dma_wait3A_292 = arith.constant 0 : i32
        %dma_wait3A_293 = tpu.memref_slice %arg3[%add3A, %dma_wait3A_291, %dma_wait3A_292] : memref<32x136x80xi32, #tpu.memory_space<hbm>> -> memref<1x8x80xi32, #tpu.memory_space<hbm>>
        %dma_wait3A_294 = tpu.memref_squeeze %dma_wait3A_293 : memref<1x8x80xi32, #tpu.memory_space<hbm>> -> memref<8x80xi32, #tpu.memory_space<hbm>>
        tpu.wait_dma2 semaphore(%arg21 : memref<!tpu.dma_semaphore, #tpu.memory_space<semaphore_mem>>) src(%dma_wait3A_294 : memref<8x80xi32, #tpu.memory_space<hbm>>) dst(%dma_wait3A_290 : memref<8x80xi32, #tpu.memory_space<vmem>>)
        %dma_wait3A_295 = arith.constant 0 : i32
        %dma_wait3A_296 = arith.constant 0 : i32
        %dma_wait3A_297 = tpu.memref_slice %arg8[%dma_wait3A_295, %dma_wait3A_296] : memref<16x80xi32, #tpu.memory_space<vmem>> -> memref<8x80xi32, #tpu.memory_space<vmem>>
        %dma_wait3A_298 = arith.constant 0 : i32
        %dma_wait3A_299 = arith.constant 0 : i32
        %dma_wait3A_300 = tpu.memref_slice %arg4[%add3A, %dma_wait3A_298, %dma_wait3A_299] : memref<32x136x80xi32, #tpu.memory_space<hbm>> -> memref<1x8x80xi32, #tpu.memory_space<hbm>>
        %dma_wait3A_301 = tpu.memref_squeeze %dma_wait3A_300 : memref<1x8x80xi32, #tpu.memory_space<hbm>> -> memref<8x80xi32, #tpu.memory_space<hbm>>
        %dma_wait3A_302 = arith.constant 0 : i32
        %dma_wait3A_303 = arith.constant 0 : i32
        %dma_wait3A_304 = tpu.memref_slice %arg8[%dma_wait3A_302, %dma_wait3A_303] : memref<16x80xi32, #tpu.memory_space<vmem>> -> memref<8x80xi32, #tpu.memory_space<vmem>>
        %dma_wait3A_305 = arith.constant 0 : i32
        %dma_wait3A_306 = arith.constant 0 : i32
        %dma_wait3A_307 = tpu.memref_slice %arg4[%add3A, %dma_wait3A_305, %dma_wait3A_306] : memref<32x136x80xi32, #tpu.memory_space<hbm>> -> memref<1x8x80xi32, #tpu.memory_space<hbm>>
        %dma_wait3A_308 = tpu.memref_squeeze %dma_wait3A_307 : memref<1x8x80xi32, #tpu.memory_space<hbm>> -> memref<8x80xi32, #tpu.memory_space<hbm>>
        tpu.wait_dma2 semaphore(%arg21 : memref<!tpu.dma_semaphore, #tpu.memory_space<semaphore_mem>>) src(%dma_wait3A_308 : memref<8x80xi32, #tpu.memory_space<hbm>>) dst(%dma_wait3A_304 : memref<8x80xi32, #tpu.memory_space<vmem>>)
      } else {
      }
      %eq3A_134 = arith.constant 0 : i32
      %eq3A_135 = arith.cmpi eq, %select_n3A_125, %eq3A_134 : i32
      %ge3A = arith.constant 1 : i32
      %ge3A_136 = arith.cmpi sge, %select_n3A, %ge3A : i32
      %add3A_137 = arith.constant 1 : i32
      %add3A_138 = arith.addi %select_n3A, %add3A_137 : i32
      %lt3A_139 = arith.constant 17 : i32
      %lt3A_140 = arith.cmpi slt, %add3A_138, %lt3A_139 : i32
      %and3A_141 = arith.andi %ge3A_136, %lt3A_140 : i1
      %and3A_142 = arith.andi %eq3A_135, %and3A_141 : i1
      %convert_element_type3A_143 = arith.extui %and3A_142 : i1 to i32
      %cond3A_144 = arith.constant 0 : i32
      %cond3A_145 = arith.cmpi ne, %convert_element_type3A_143, %cond3A_144 : i32
      scf.if %cond3A_145 {
        %add3A_281 = arith.constant 1 : i32
        %add3A_282 = arith.addi %select_n3A, %add3A_281 : i32
        %jit3A_283 = arith.constant 2 : i32
        %eq3A_284 = arith.constant 0 : i32
        %eq3A_285 = arith.cmpi eq, %jit3A_283, %eq3A_284 : i32
        %jit3A_286 = arith.constant 1 : i32
        %select_n3A_287 = arith.select %eq3A_285, %jit3A_286, %jit3A_283 : i32
        %rem3A_288 = arith.remsi %add3A_282, %select_n3A_287 : i32
        %ne3A_289 = arith.constant 0 : i32
        %ne3A_290 = arith.cmpi ne, %rem3A_288, %ne3A_289 : i32
        %lt3A_291 = arith.constant 0 : i32
        %lt3A_292 = arith.cmpi slt, %rem3A_288, %lt3A_291 : i32
        %lt3A_293 = arith.constant 0 : i32
        %lt3A_294 = arith.cmpi slt, %select_n3A_287, %lt3A_293 : i32
        %ne3A_295 = arith.xori %lt3A_292, %lt3A_294 : i1
        %and3A_296 = arith.andi %ne3A_295, %ne3A_290 : i1
        %add3A_297 = arith.addi %rem3A_288, %select_n3A_287 : i32
        %select_n3A_298 = arith.select %and3A_296, %add3A_297, %rem3A_288 : i32
        %mul3A_299 = arith.constant 8 : i32
        %mul3A_300 = arith.muli %select_n3A_298, %mul3A_299 : i32
        %multiple_of3A = tpu.assume_multiple %mul3A_300, 8 : i32
        %add3A_301 = arith.constant 1 : i32
        %add3A_302 = arith.addi %select_n3A, %add3A_301 : i32
        %mul3A_303 = arith.constant 8 : i32
        %mul3A_304 = arith.muli %add3A_302, %mul3A_303 : i32
        %multiple_of3A_305 = tpu.assume_multiple %mul3A_304, 8 : i32
        %dma_start3A_306 = arith.constant 0 : i32
        %dma_start3A_307 = tpu.memref_slice %arg7[%multiple_of3A, %dma_start3A_306] : memref<16x80xi32, #tpu.memory_space<vmem>> -> memref<8x80xi32, #tpu.memory_space<vmem>>
        %dma_start3A_308 = arith.constant 0 : i32
        %dma_start3A_309 = tpu.memref_slice %arg3[%add3A, %multiple_of3A_305, %dma_start3A_308] : memref<32x136x80xi32, #tpu.memory_space<hbm>> -> memref<1x8x80xi32, #tpu.memory_space<hbm>>
        %dma_start3A_310 = tpu.memref_squeeze %dma_start3A_309 : memref<1x8x80xi32, #tpu.memory_space<hbm>> -> memref<8x80xi32, #tpu.memory_space<hbm>>
        %dma_start3A_311 = arith.constant 0 : i32
        %dma_start3A_312 = tpu.memref_slice %arg7[%multiple_of3A, %dma_start3A_311] : memref<16x80xi32, #tpu.memory_space<vmem>> -> memref<8x80xi32, #tpu.memory_space<vmem>>
        %dma_start3A_313 = arith.constant 0 : i32
        %dma_start3A_314 = tpu.memref_slice %arg3[%add3A, %multiple_of3A_305, %dma_start3A_313] : memref<32x136x80xi32, #tpu.memory_space<hbm>> -> memref<1x8x80xi32, #tpu.memory_space<hbm>>
        %dma_start3A_315 = tpu.memref_squeeze %dma_start3A_314 : memref<1x8x80xi32, #tpu.memory_space<hbm>> -> memref<8x80xi32, #tpu.memory_space<hbm>>
        tpu.enqueue_dma source(%dma_start3A_315 : memref<8x80xi32, #tpu.memory_space<hbm>>) target(%dma_start3A_312 : memref<8x80xi32, #tpu.memory_space<vmem>>) target_semaphore(%arg21 : memref<!tpu.dma_semaphore, #tpu.memory_space<semaphore_mem>>)
        %dma_start3A_316 = arith.constant 0 : i32
        %dma_start3A_317 = tpu.memref_slice %arg8[%multiple_of3A, %dma_start3A_316] : memref<16x80xi32, #tpu.memory_space<vmem>> -> memref<8x80xi32, #tpu.memory_space<vmem>>
        %dma_start3A_318 = arith.constant 0 : i32
        %dma_start3A_319 = tpu.memref_slice %arg4[%add3A, %multiple_of3A_305, %dma_start3A_318] : memref<32x136x80xi32, #tpu.memory_space<hbm>> -> memref<1x8x80xi32, #tpu.memory_space<hbm>>
        %dma_start3A_320 = tpu.memref_squeeze %dma_start3A_319 : memref<1x8x80xi32, #tpu.memory_space<hbm>> -> memref<8x80xi32, #tpu.memory_space<hbm>>
        %dma_start3A_321 = arith.constant 0 : i32
        %dma_start3A_322 = tpu.memref_slice %arg8[%multiple_of3A, %dma_start3A_321] : memref<16x80xi32, #tpu.memory_space<vmem>> -> memref<8x80xi32, #tpu.memory_space<vmem>>
        %dma_start3A_323 = arith.constant 0 : i32
        %dma_start3A_324 = tpu.memref_slice %arg4[%add3A, %multiple_of3A_305, %dma_start3A_323] : memref<32x136x80xi32, #tpu.memory_space<hbm>> -> memref<1x8x80xi32, #tpu.memory_space<hbm>>
        %dma_start3A_325 = tpu.memref_squeeze %dma_start3A_324 : memref<1x8x80xi32, #tpu.memory_space<hbm>> -> memref<8x80xi32, #tpu.memory_space<hbm>>
        tpu.enqueue_dma source(%dma_start3A_325 : memref<8x80xi32, #tpu.memory_space<hbm>>) target(%dma_start3A_322 : memref<8x80xi32, #tpu.memory_space<vmem>>) target_semaphore(%arg21 : memref<!tpu.dma_semaphore, #tpu.memory_space<semaphore_mem>>)
      } else {
      }
      %mul3A_146 = arith.constant 4 : i32
      %mul3A_147 = arith.muli %scan3A_95, %mul3A_146 : i32
      %add3A_148 = arith.constant 0 : i32
      %add3A_149 = arith.addi %mul3A_147, %add3A_148 : i32
      %jit3A_150 = arith.constant 16 : i32
      %eq3A_151 = arith.constant 0 : i32
      %eq3A_152 = arith.cmpi eq, %jit3A_150, %eq3A_151 : i32
      %jit3A_153 = arith.constant 1 : i32
      %select_n3A_154 = arith.select %eq3A_152, %jit3A_153, %jit3A_150 : i32
      %rem3A_155 = arith.remsi %add3A_149, %select_n3A_154 : i32
      %ne3A_156 = arith.constant 0 : i32
      %ne3A_157 = arith.cmpi ne, %rem3A_155, %ne3A_156 : i32
      %lt3A_158 = arith.constant 0 : i32
      %lt3A_159 = arith.cmpi slt, %rem3A_155, %lt3A_158 : i32
      %lt3A_160 = arith.constant 0 : i32
      %lt3A_161 = arith.cmpi slt, %select_n3A_154, %lt3A_160 : i32
      %ne3A_162 = arith.xori %lt3A_159, %lt3A_161 : i1
      %and3A_163 = arith.andi %ne3A_162, %ne3A_157 : i1
      %add3A_164 = arith.addi %rem3A_155, %select_n3A_154 : i32
      %select_n3A_165 = arith.select %and3A_163, %add3A_164, %rem3A_155 : i32
      %dma_wait3A_166 = arith.constant 0 : i32
      %dma_wait3A_167 = tpu.memref_slice %arg7[%select_n3A_165, %dma_wait3A_166] : memref<16x80xi32, #tpu.memory_space<vmem>> -> memref<1x80xi32, #tpu.memory_space<vmem>>
      %dma_wait3A_168 = tpu.memref_squeeze %dma_wait3A_167 : memref<1x80xi32, #tpu.memory_space<vmem>> -> memref<80xi32, #tpu.memory_space<vmem>>
      %dma_wait3A_169 = arith.constant 0 : i32
      %dma_wait3A_170 = arith.constant 0 : i32
      %dma_wait3A_171 = tpu.memref_slice %arg2[%dma_wait3A_169, %dma_wait3A_170] : memref<10000x128xf32, #tpu.memory_space<hbm>> -> memref<10000x128xf32, #tpu.memory_space<hbm>>
      tpu.wait_indirect_dma semaphore(%arg13 : memref<!tpu.dma_semaphore, #tpu.memory_space<semaphore_mem>>) src(%dma_wait3A_171 : memref<10000x128xf32, #tpu.memory_space<hbm>>) dst(%arg9 : memref<80x128xf32, #tpu.memory_space<vmem>>)
      %dma_start3A_172 = arith.constant 0 : i32
      %dma_start3A_173 = tpu.memref_slice %arg8[%select_n3A_165, %dma_start3A_172] : memref<16x80xi32, #tpu.memory_space<vmem>> -> memref<1x80xi32, #tpu.memory_space<vmem>>
      %dma_start3A_174 = tpu.memref_squeeze %dma_start3A_173 : memref<1x80xi32, #tpu.memory_space<vmem>> -> memref<80xi32, #tpu.memory_space<vmem>>
      %dma_start3A_175 = arith.constant 0 : i32
      %dma_start3A_176 = arith.constant 0 : i32
      %dma_start3A_177 = tpu.memref_slice %arg22[%dma_start3A_175, %dma_start3A_176] : memref<10112x128xf32, #tpu.memory_space<vmem_shared>> -> memref<10112x128xf32, #tpu.memory_space<vmem_shared>>
      tpu.enqueue_indirect_dma source(%arg9 : memref<80x128xf32, #tpu.memory_space<vmem>>) target(%dma_start3A_177 : memref<10112x128xf32, #tpu.memory_space<vmem_shared>>) offsets(%dma_start3A_174 : memref<80xi32, #tpu.memory_space<vmem>>) semaphore(%arg17 : memref<!tpu.dma_semaphore, #tpu.memory_space<semaphore_mem>>) {add = true}
      %mul3A_178 = arith.constant 4 : i32
      %mul3A_179 = arith.muli %scan3A_95, %mul3A_178 : i32
      %add3A_180 = arith.constant 1 : i32
      %add3A_181 = arith.addi %mul3A_179, %add3A_180 : i32
      %jit3A_182 = arith.constant 16 : i32
      %eq3A_183 = arith.constant 0 : i32
      %eq3A_184 = arith.cmpi eq, %jit3A_182, %eq3A_183 : i32
      %jit3A_185 = arith.constant 1 : i32
      %select_n3A_186 = arith.select %eq3A_184, %jit3A_185, %jit3A_182 : i32
      %rem3A_187 = arith.remsi %add3A_181, %select_n3A_186 : i32
      %ne3A_188 = arith.constant 0 : i32
      %ne3A_189 = arith.cmpi ne, %rem3A_187, %ne3A_188 : i32
      %lt3A_190 = arith.constant 0 : i32
      %lt3A_191 = arith.cmpi slt, %rem3A_187, %lt3A_190 : i32
      %lt3A_192 = arith.constant 0 : i32
      %lt3A_193 = arith.cmpi slt, %select_n3A_186, %lt3A_192 : i32
      %ne3A_194 = arith.xori %lt3A_191, %lt3A_193 : i1
      %and3A_195 = arith.andi %ne3A_194, %ne3A_189 : i1
      %add3A_196 = arith.addi %rem3A_187, %select_n3A_186 : i32
      %select_n3A_197 = arith.select %and3A_195, %add3A_196, %rem3A_187 : i32
      %dma_wait3A_198 = arith.constant 0 : i32
      %dma_wait3A_199 = tpu.memref_slice %arg7[%select_n3A_197, %dma_wait3A_198] : memref<16x80xi32, #tpu.memory_space<vmem>> -> memref<1x80xi32, #tpu.memory_space<vmem>>
      %dma_wait3A_200 = tpu.memref_squeeze %dma_wait3A_199 : memref<1x80xi32, #tpu.memory_space<vmem>> -> memref<80xi32, #tpu.memory_space<vmem>>
      %dma_wait3A_201 = arith.constant 0 : i32
      %dma_wait3A_202 = arith.constant 0 : i32
      %dma_wait3A_203 = tpu.memref_slice %arg2[%dma_wait3A_201, %dma_wait3A_202] : memref<10000x128xf32, #tpu.memory_space<hbm>> -> memref<10000x128xf32, #tpu.memory_space<hbm>>
      tpu.wait_indirect_dma semaphore(%arg14 : memref<!tpu.dma_semaphore, #tpu.memory_space<semaphore_mem>>) src(%dma_wait3A_203 : memref<10000x128xf32, #tpu.memory_space<hbm>>) dst(%arg10 : memref<80x128xf32, #tpu.memory_space<vmem>>)
      %dma_start3A_204 = arith.constant 0 : i32
      %dma_start3A_205 = tpu.memref_slice %arg8[%select_n3A_197, %dma_start3A_204] : memref<16x80xi32, #tpu.memory_space<vmem>> -> memref<1x80xi32, #tpu.memory_space<vmem>>
      %dma_start3A_206 = tpu.memref_squeeze %dma_start3A_205 : memref<1x80xi32, #tpu.memory_space<vmem>> -> memref<80xi32, #tpu.memory_space<vmem>>
      %dma_start3A_207 = arith.constant 0 : i32
      %dma_start3A_208 = arith.constant 0 : i32
      %dma_start3A_209 = tpu.memref_slice %arg22[%dma_start3A_207, %dma_start3A_208] : memref<10112x128xf32, #tpu.memory_space<vmem_shared>> -> memref<10112x128xf32, #tpu.memory_space<vmem_shared>>
      tpu.enqueue_indirect_dma source(%arg10 : memref<80x128xf32, #tpu.memory_space<vmem>>) target(%dma_start3A_209 : memref<10112x128xf32, #tpu.memory_space<vmem_shared>>) offsets(%dma_start3A_206 : memref<80xi32, #tpu.memory_space<vmem>>) semaphore(%arg18 : memref<!tpu.dma_semaphore, #tpu.memory_space<semaphore_mem>>) {add = true}
      %mul3A_210 = arith.constant 4 : i32
      %mul3A_211 = arith.muli %scan3A_95, %mul3A_210 : i32
      %add3A_212 = arith.constant 2 : i32
      %add3A_213 = arith.addi %mul3A_211, %add3A_212 : i32
      %jit3A_214 = arith.constant 16 : i32
      %eq3A_215 = arith.constant 0 : i32
      %eq3A_216 = arith.cmpi eq, %jit3A_214, %eq3A_215 : i32
      %jit3A_217 = arith.constant 1 : i32
      %select_n3A_218 = arith.select %eq3A_216, %jit3A_217, %jit3A_214 : i32
      %rem3A_219 = arith.remsi %add3A_213, %select_n3A_218 : i32
      %ne3A_220 = arith.constant 0 : i32
      %ne3A_221 = arith.cmpi ne, %rem3A_219, %ne3A_220 : i32
      %lt3A_222 = arith.constant 0 : i32
      %lt3A_223 = arith.cmpi slt, %rem3A_219, %lt3A_222 : i32
      %lt3A_224 = arith.constant 0 : i32
      %lt3A_225 = arith.cmpi slt, %select_n3A_218, %lt3A_224 : i32
      %ne3A_226 = arith.xori %lt3A_223, %lt3A_225 : i1
      %and3A_227 = arith.andi %ne3A_226, %ne3A_221 : i1
      %add3A_228 = arith.addi %rem3A_219, %select_n3A_218 : i32
      %select_n3A_229 = arith.select %and3A_227, %add3A_228, %rem3A_219 : i32
      %dma_wait3A_230 = arith.constant 0 : i32
      %dma_wait3A_231 = tpu.memref_slice %arg7[%select_n3A_229, %dma_wait3A_230] : memref<16x80xi32, #tpu.memory_space<vmem>> -> memref<1x80xi32, #tpu.memory_space<vmem>>
      %dma_wait3A_232 = tpu.memref_squeeze %dma_wait3A_231 : memref<1x80xi32, #tpu.memory_space<vmem>> -> memref<80xi32, #tpu.memory_space<vmem>>
      %dma_wait3A_233 = arith.constant 0 : i32
      %dma_wait3A_234 = arith.constant 0 : i32
      %dma_wait3A_235 = tpu.memref_slice %arg2[%dma_wait3A_233, %dma_wait3A_234] : memref<10000x128xf32, #tpu.memory_space<hbm>> -> memref<10000x128xf32, #tpu.memory_space<hbm>>
      tpu.wait_indirect_dma semaphore(%arg15 : memref<!tpu.dma_semaphore, #tpu.memory_space<semaphore_mem>>) src(%dma_wait3A_235 : memref<10000x128xf32, #tpu.memory_space<hbm>>) dst(%arg11 : memref<80x128xf32, #tpu.memory_space<vmem>>)
      %dma_start3A_236 = arith.constant 0 : i32
      %dma_start3A_237 = tpu.memref_slice %arg8[%select_n3A_229, %dma_start3A_236] : memref<16x80xi32, #tpu.memory_space<vmem>> -> memref<1x80xi32, #tpu.memory_space<vmem>>
      %dma_start3A_238 = tpu.memref_squeeze %dma_start3A_237 : memref<1x80xi32, #tpu.memory_space<vmem>> -> memref<80xi32, #tpu.memory_space<vmem>>
      %dma_start3A_239 = arith.constant 0 : i32
      %dma_start3A_240 = arith.constant 0 : i32
      %dma_start3A_241 = tpu.memref_slice %arg22[%dma_start3A_239, %dma_start3A_240] : memref<10112x128xf32, #tpu.memory_space<vmem_shared>> -> memref<10112x128xf32, #tpu.memory_space<vmem_shared>>
      tpu.enqueue_indirect_dma source(%arg11 : memref<80x128xf32, #tpu.memory_space<vmem>>) target(%dma_start3A_241 : memref<10112x128xf32, #tpu.memory_space<vmem_shared>>) offsets(%dma_start3A_238 : memref<80xi32, #tpu.memory_space<vmem>>) semaphore(%arg19 : memref<!tpu.dma_semaphore, #tpu.memory_space<semaphore_mem>>) {add = true}
      %mul3A_242 = arith.constant 4 : i32
      %mul3A_243 = arith.muli %scan3A_95, %mul3A_242 : i32
      %add3A_244 = arith.constant 3 : i32
      %add3A_245 = arith.addi %mul3A_243, %add3A_244 : i32
      %jit3A_246 = arith.constant 16 : i32
      %eq3A_247 = arith.constant 0 : i32
      %eq3A_248 = arith.cmpi eq, %jit3A_246, %eq3A_247 : i32
      %jit3A_249 = arith.constant 1 : i32
      %select_n3A_250 = arith.select %eq3A_248, %jit3A_249, %jit3A_246 : i32
      %rem3A_251 = arith.remsi %add3A_245, %select_n3A_250 : i32
      %ne3A_252 = arith.constant 0 : i32
      %ne3A_253 = arith.cmpi ne, %rem3A_251, %ne3A_252 : i32
      %lt3A_254 = arith.constant 0 : i32
      %lt3A_255 = arith.cmpi slt, %rem3A_251, %lt3A_254 : i32
      %lt3A_256 = arith.constant 0 : i32
      %lt3A_257 = arith.cmpi slt, %select_n3A_250, %lt3A_256 : i32
      %ne3A_258 = arith.xori %lt3A_255, %lt3A_257 : i1
      %and3A_259 = arith.andi %ne3A_258, %ne3A_253 : i1
      %add3A_260 = arith.addi %rem3A_251, %select_n3A_250 : i32
      %select_n3A_261 = arith.select %and3A_259, %add3A_260, %rem3A_251 : i32
      %dma_wait3A_262 = arith.constant 0 : i32
      %dma_wait3A_263 = tpu.memref_slice %arg7[%select_n3A_261, %dma_wait3A_262] : memref<16x80xi32, #tpu.memory_space<vmem>> -> memref<1x80xi32, #tpu.memory_space<vmem>>
      %dma_wait3A_264 = tpu.memref_squeeze %dma_wait3A_263 : memref<1x80xi32, #tpu.memory_space<vmem>> -> memref<80xi32, #tpu.memory_space<vmem>>
      %dma_wait3A_265 = arith.constant 0 : i32
      %dma_wait3A_266 = arith.constant 0 : i32
      %dma_wait3A_267 = tpu.memref_slice %arg2[%dma_wait3A_265, %dma_wait3A_266] : memref<10000x128xf32, #tpu.memory_space<hbm>> -> memref<10000x128xf32, #tpu.memory_space<hbm>>
      tpu.wait_indirect_dma semaphore(%arg16 : memref<!tpu.dma_semaphore, #tpu.memory_space<semaphore_mem>>) src(%dma_wait3A_267 : memref<10000x128xf32, #tpu.memory_space<hbm>>) dst(%arg12 : memref<80x128xf32, #tpu.memory_space<vmem>>)
      %dma_start3A_268 = arith.constant 0 : i32
      %dma_start3A_269 = tpu.memref_slice %arg8[%select_n3A_261, %dma_start3A_268] : memref<16x80xi32, #tpu.memory_space<vmem>> -> memref<1x80xi32, #tpu.memory_space<vmem>>
      %dma_start3A_270 = tpu.memref_squeeze %dma_start3A_269 : memref<1x80xi32, #tpu.memory_space<vmem>> -> memref<80xi32, #tpu.memory_space<vmem>>
      %dma_start3A_271 = arith.constant 0 : i32
      %dma_start3A_272 = arith.constant 0 : i32
      %dma_start3A_273 = tpu.memref_slice %arg22[%dma_start3A_271, %dma_start3A_272] : memref<10112x128xf32, #tpu.memory_space<vmem_shared>> -> memref<10112x128xf32, #tpu.memory_space<vmem_shared>>
      tpu.enqueue_indirect_dma source(%arg12 : memref<80x128xf32, #tpu.memory_space<vmem>>) target(%dma_start3A_273 : memref<10112x128xf32, #tpu.memory_space<vmem_shared>>) offsets(%dma_start3A_270 : memref<80xi32, #tpu.memory_space<vmem>>) semaphore(%arg20 : memref<!tpu.dma_semaphore, #tpu.memory_space<semaphore_mem>>) {add = true}
      %add3A_274 = arith.constant 1 : i32
      %add3A_275 = arith.addi %scan3A_95, %add3A_274 : i32
      %lt3A_276 = arith.constant 34 : i32
      %lt3A_277 = arith.cmpi slt, %add3A_275, %lt3A_276 : i32
      %convert_element_type3A_278 = arith.extui %lt3A_277 : i1 to i32
      %cond3A_279 = arith.constant 0 : i32
      %cond3A_280 = arith.cmpi ne, %convert_element_type3A_278, %cond3A_279 : i32
      scf.if %cond3A_280 {
        %mul3A_281 = arith.constant 4 : i32
        %mul3A_282 = arith.muli %scan3A_95, %mul3A_281 : i32
        %add3A_283 = arith.constant 0 : i32
        %add3A_284 = arith.addi %mul3A_282, %add3A_283 : i32
        %jit3A_285 = arith.constant 16 : i32
        %eq3A_286 = arith.constant 0 : i32
        %eq3A_287 = arith.cmpi eq, %jit3A_285, %eq3A_286 : i32
        %jit3A_288 = arith.constant 1 : i32
        %select_n3A_289 = arith.select %eq3A_287, %jit3A_288, %jit3A_285 : i32
        %rem3A_290 = arith.remsi %add3A_284, %select_n3A_289 : i32
        %ne3A_291 = arith.constant 0 : i32
        %ne3A_292 = arith.cmpi ne, %rem3A_290, %ne3A_291 : i32
        %lt3A_293 = arith.constant 0 : i32
        %lt3A_294 = arith.cmpi slt, %rem3A_290, %lt3A_293 : i32
        %lt3A_295 = arith.constant 0 : i32
        %lt3A_296 = arith.cmpi slt, %select_n3A_289, %lt3A_295 : i32
        %ne3A_297 = arith.xori %lt3A_294, %lt3A_296 : i1
        %and3A_298 = arith.andi %ne3A_297, %ne3A_292 : i1
        %add3A_299 = arith.addi %rem3A_290, %select_n3A_289 : i32
        %select_n3A_300 = arith.select %and3A_298, %add3A_299, %rem3A_290 : i32
        %add3A_301 = arith.constant 4 : i32
        %add3A_302 = arith.addi %add3A_284, %add3A_301 : i32
        %jit3A_303 = arith.constant 16 : i32
        %eq3A_304 = arith.constant 0 : i32
        %eq3A_305 = arith.cmpi eq, %jit3A_303, %eq3A_304 : i32
        %jit3A_306 = arith.constant 1 : i32
        %select_n3A_307 = arith.select %eq3A_305, %jit3A_306, %jit3A_303 : i32
        %rem3A_308 = arith.remsi %add3A_302, %select_n3A_307 : i32
        %ne3A_309 = arith.constant 0 : i32
        %ne3A_310 = arith.cmpi ne, %rem3A_308, %ne3A_309 : i32
        %lt3A_311 = arith.constant 0 : i32
        %lt3A_312 = arith.cmpi slt, %rem3A_308, %lt3A_311 : i32
        %lt3A_313 = arith.constant 0 : i32
        %lt3A_314 = arith.cmpi slt, %select_n3A_307, %lt3A_313 : i32
        %ne3A_315 = arith.xori %lt3A_312, %lt3A_314 : i1
        %and3A_316 = arith.andi %ne3A_315, %ne3A_310 : i1
        %add3A_317 = arith.addi %rem3A_308, %select_n3A_307 : i32
        %select_n3A_318 = arith.select %and3A_316, %add3A_317, %rem3A_308 : i32
        %dma_wait3A_319 = arith.constant 0 : i32
        %dma_wait3A_320 = tpu.memref_slice %arg8[%select_n3A_300, %dma_wait3A_319] : memref<16x80xi32, #tpu.memory_space<vmem>> -> memref<1x80xi32, #tpu.memory_space<vmem>>
        %dma_wait3A_321 = tpu.memref_squeeze %dma_wait3A_320 : memref<1x80xi32, #tpu.memory_space<vmem>> -> memref<80xi32, #tpu.memory_space<vmem>>
        %dma_wait3A_322 = arith.constant 0 : i32
        %dma_wait3A_323 = arith.constant 0 : i32
        %dma_wait3A_324 = tpu.memref_slice %arg22[%dma_wait3A_322, %dma_wait3A_323] : memref<10112x128xf32, #tpu.memory_space<vmem_shared>> -> memref<10112x128xf32, #tpu.memory_space<vmem_shared>>
        tpu.wait_indirect_dma semaphore(%arg17 : memref<!tpu.dma_semaphore, #tpu.memory_space<semaphore_mem>>) src(%arg9 : memref<80x128xf32, #tpu.memory_space<vmem>>) dst(%dma_wait3A_324 : memref<10112x128xf32, #tpu.memory_space<vmem_shared>>)
        %dma_start3A_325 = arith.constant 0 : i32
        %dma_start3A_326 = tpu.memref_slice %arg7[%select_n3A_318, %dma_start3A_325] : memref<16x80xi32, #tpu.memory_space<vmem>> -> memref<1x80xi32, #tpu.memory_space<vmem>>
        %dma_start3A_327 = tpu.memref_squeeze %dma_start3A_326 : memref<1x80xi32, #tpu.memory_space<vmem>> -> memref<80xi32, #tpu.memory_space<vmem>>
        %dma_start3A_328 = arith.constant 0 : i32
        %dma_start3A_329 = arith.constant 0 : i32
        %dma_start3A_330 = tpu.memref_slice %arg2[%dma_start3A_328, %dma_start3A_329] : memref<10000x128xf32, #tpu.memory_space<hbm>> -> memref<10000x128xf32, #tpu.memory_space<hbm>>
        tpu.enqueue_indirect_dma source(%dma_start3A_330 : memref<10000x128xf32, #tpu.memory_space<hbm>>) target(%arg9 : memref<80x128xf32, #tpu.memory_space<vmem>>) offsets(%dma_start3A_327 : memref<80xi32, #tpu.memory_space<vmem>>) semaphore(%arg13 : memref<!tpu.dma_semaphore, #tpu.memory_space<semaphore_mem>>)
        %mul3A_331 = arith.constant 4 : i32
        %mul3A_332 = arith.muli %scan3A_95, %mul3A_331 : i32
        %add3A_333 = arith.constant 1 : i32
        %add3A_334 = arith.addi %mul3A_332, %add3A_333 : i32
        %jit3A_335 = arith.constant 16 : i32
        %eq3A_336 = arith.constant 0 : i32
        %eq3A_337 = arith.cmpi eq, %jit3A_335, %eq3A_336 : i32
        %jit3A_338 = arith.constant 1 : i32
        %select_n3A_339 = arith.select %eq3A_337, %jit3A_338, %jit3A_335 : i32
        %rem3A_340 = arith.remsi %add3A_334, %select_n3A_339 : i32
        %ne3A_341 = arith.constant 0 : i32
        %ne3A_342 = arith.cmpi ne, %rem3A_340, %ne3A_341 : i32
        %lt3A_343 = arith.constant 0 : i32
        %lt3A_344 = arith.cmpi slt, %rem3A_340, %lt3A_343 : i32
        %lt3A_345 = arith.constant 0 : i32
        %lt3A_346 = arith.cmpi slt, %select_n3A_339, %lt3A_345 : i32
        %ne3A_347 = arith.xori %lt3A_344, %lt3A_346 : i1
        %and3A_348 = arith.andi %ne3A_347, %ne3A_342 : i1
        %add3A_349 = arith.addi %rem3A_340, %select_n3A_339 : i32
        %select_n3A_350 = arith.select %and3A_348, %add3A_349, %rem3A_340 : i32
        %add3A_351 = arith.constant 4 : i32
        %add3A_352 = arith.addi %add3A_334, %add3A_351 : i32
        %jit3A_353 = arith.constant 16 : i32
        %eq3A_354 = arith.constant 0 : i32
        %eq3A_355 = arith.cmpi eq, %jit3A_353, %eq3A_354 : i32
        %jit3A_356 = arith.constant 1 : i32
        %select_n3A_357 = arith.select %eq3A_355, %jit3A_356, %jit3A_353 : i32
        %rem3A_358 = arith.remsi %add3A_352, %select_n3A_357 : i32
        %ne3A_359 = arith.constant 0 : i32
        %ne3A_360 = arith.cmpi ne, %rem3A_358, %ne3A_359 : i32
        %lt3A_361 = arith.constant 0 : i32
        %lt3A_362 = arith.cmpi slt, %rem3A_358, %lt3A_361 : i32
        %lt3A_363 = arith.constant 0 : i32
        %lt3A_364 = arith.cmpi slt, %select_n3A_357, %lt3A_363 : i32
        %ne3A_365 = arith.xori %lt3A_362, %lt3A_364 : i1
        %and3A_366 = arith.andi %ne3A_365, %ne3A_360 : i1
        %add3A_367 = arith.addi %rem3A_358, %select_n3A_357 : i32
        %select_n3A_368 = arith.select %and3A_366, %add3A_367, %rem3A_358 : i32
        %dma_wait3A_369 = arith.constant 0 : i32
        %dma_wait3A_370 = tpu.memref_slice %arg8[%select_n3A_350, %dma_wait3A_369] : memref<16x80xi32, #tpu.memory_space<vmem>> -> memref<1x80xi32, #tpu.memory_space<vmem>>
        %dma_wait3A_371 = tpu.memref_squeeze %dma_wait3A_370 : memref<1x80xi32, #tpu.memory_space<vmem>> -> memref<80xi32, #tpu.memory_space<vmem>>
        %dma_wait3A_372 = arith.constant 0 : i32
        %dma_wait3A_373 = arith.constant 0 : i32
        %dma_wait3A_374 = tpu.memref_slice %arg22[%dma_wait3A_372, %dma_wait3A_373] : memref<10112x128xf32, #tpu.memory_space<vmem_shared>> -> memref<10112x128xf32, #tpu.memory_space<vmem_shared>>
        tpu.wait_indirect_dma semaphore(%arg18 : memref<!tpu.dma_semaphore, #tpu.memory_space<semaphore_mem>>) src(%arg10 : memref<80x128xf32, #tpu.memory_space<vmem>>) dst(%dma_wait3A_374 : memref<10112x128xf32, #tpu.memory_space<vmem_shared>>)
        %dma_start3A_375 = arith.constant 0 : i32
        %dma_start3A_376 = tpu.memref_slice %arg7[%select_n3A_368, %dma_start3A_375] : memref<16x80xi32, #tpu.memory_space<vmem>> -> memref<1x80xi32, #tpu.memory_space<vmem>>
        %dma_start3A_377 = tpu.memref_squeeze %dma_start3A_376 : memref<1x80xi32, #tpu.memory_space<vmem>> -> memref<80xi32, #tpu.memory_space<vmem>>
        %dma_start3A_378 = arith.constant 0 : i32
        %dma_start3A_379 = arith.constant 0 : i32
        %dma_start3A_380 = tpu.memref_slice %arg2[%dma_start3A_378, %dma_start3A_379] : memref<10000x128xf32, #tpu.memory_space<hbm>> -> memref<10000x128xf32, #tpu.memory_space<hbm>>
        tpu.enqueue_indirect_dma source(%dma_start3A_380 : memref<10000x128xf32, #tpu.memory_space<hbm>>) target(%arg10 : memref<80x128xf32, #tpu.memory_space<vmem>>) offsets(%dma_start3A_377 : memref<80xi32, #tpu.memory_space<vmem>>) semaphore(%arg14 : memref<!tpu.dma_semaphore, #tpu.memory_space<semaphore_mem>>)
        %mul3A_381 = arith.constant 4 : i32
        %mul3A_382 = arith.muli %scan3A_95, %mul3A_381 : i32
        %add3A_383 = arith.constant 2 : i32
        %add3A_384 = arith.addi %mul3A_382, %add3A_383 : i32
        %jit3A_385 = arith.constant 16 : i32
        %eq3A_386 = arith.constant 0 : i32
        %eq3A_387 = arith.cmpi eq, %jit3A_385, %eq3A_386 : i32
        %jit3A_388 = arith.constant 1 : i32
        %select_n3A_389 = arith.select %eq3A_387, %jit3A_388, %jit3A_385 : i32
        %rem3A_390 = arith.remsi %add3A_384, %select_n3A_389 : i32
        %ne3A_391 = arith.constant 0 : i32
        %ne3A_392 = arith.cmpi ne, %rem3A_390, %ne3A_391 : i32
        %lt3A_393 = arith.constant 0 : i32
        %lt3A_394 = arith.cmpi slt, %rem3A_390, %lt3A_393 : i32
        %lt3A_395 = arith.constant 0 : i32
        %lt3A_396 = arith.cmpi slt, %select_n3A_389, %lt3A_395 : i32
        %ne3A_397 = arith.xori %lt3A_394, %lt3A_396 : i1
        %and3A_398 = arith.andi %ne3A_397, %ne3A_392 : i1
        %add3A_399 = arith.addi %rem3A_390, %select_n3A_389 : i32
        %select_n3A_400 = arith.select %and3A_398, %add3A_399, %rem3A_390 : i32
        %add3A_401 = arith.constant 4 : i32
        %add3A_402 = arith.addi %add3A_384, %add3A_401 : i32
        %jit3A_403 = arith.constant 16 : i32
        %eq3A_404 = arith.constant 0 : i32
        %eq3A_405 = arith.cmpi eq, %jit3A_403, %eq3A_404 : i32
        %jit3A_406 = arith.constant 1 : i32
        %select_n3A_407 = arith.select %eq3A_405, %jit3A_406, %jit3A_403 : i32
        %rem3A_408 = arith.remsi %add3A_402, %select_n3A_407 : i32
        %ne3A_409 = arith.constant 0 : i32
        %ne3A_410 = arith.cmpi ne, %rem3A_408, %ne3A_409 : i32
        %lt3A_411 = arith.constant 0 : i32
        %lt3A_412 = arith.cmpi slt, %rem3A_408, %lt3A_411 : i32
        %lt3A_413 = arith.constant 0 : i32
        %lt3A_414 = arith.cmpi slt, %select_n3A_407, %lt3A_413 : i32
        %ne3A_415 = arith.xori %lt3A_412, %lt3A_414 : i1
        %and3A_416 = arith.andi %ne3A_415, %ne3A_410 : i1
        %add3A_417 = arith.addi %rem3A_408, %select_n3A_407 : i32
        %select_n3A_418 = arith.select %and3A_416, %add3A_417, %rem3A_408 : i32
        %dma_wait3A_419 = arith.constant 0 : i32
        %dma_wait3A_420 = tpu.memref_slice %arg8[%select_n3A_400, %dma_wait3A_419] : memref<16x80xi32, #tpu.memory_space<vmem>> -> memref<1x80xi32, #tpu.memory_space<vmem>>
        %dma_wait3A_421 = tpu.memref_squeeze %dma_wait3A_420 : memref<1x80xi32, #tpu.memory_space<vmem>> -> memref<80xi32, #tpu.memory_space<vmem>>
        %dma_wait3A_422 = arith.constant 0 : i32
        %dma_wait3A_423 = arith.constant 0 : i32
        %dma_wait3A_424 = tpu.memref_slice %arg22[%dma_wait3A_422, %dma_wait3A_423] : memref<10112x128xf32, #tpu.memory_space<vmem_shared>> -> memref<10112x128xf32, #tpu.memory_space<vmem_shared>>
        tpu.wait_indirect_dma semaphore(%arg19 : memref<!tpu.dma_semaphore, #tpu.memory_space<semaphore_mem>>) src(%arg11 : memref<80x128xf32, #tpu.memory_space<vmem>>) dst(%dma_wait3A_424 : memref<10112x128xf32, #tpu.memory_space<vmem_shared>>)
        %dma_start3A_425 = arith.constant 0 : i32
        %dma_start3A_426 = tpu.memref_slice %arg7[%select_n3A_418, %dma_start3A_425] : memref<16x80xi32, #tpu.memory_space<vmem>> -> memref<1x80xi32, #tpu.memory_space<vmem>>
        %dma_start3A_427 = tpu.memref_squeeze %dma_start3A_426 : memref<1x80xi32, #tpu.memory_space<vmem>> -> memref<80xi32, #tpu.memory_space<vmem>>
        %dma_start3A_428 = arith.constant 0 : i32
        %dma_start3A_429 = arith.constant 0 : i32
        %dma_start3A_430 = tpu.memref_slice %arg2[%dma_start3A_428, %dma_start3A_429] : memref<10000x128xf32, #tpu.memory_space<hbm>> -> memref<10000x128xf32, #tpu.memory_space<hbm>>
        tpu.enqueue_indirect_dma source(%dma_start3A_430 : memref<10000x128xf32, #tpu.memory_space<hbm>>) target(%arg11 : memref<80x128xf32, #tpu.memory_space<vmem>>) offsets(%dma_start3A_427 : memref<80xi32, #tpu.memory_space<vmem>>) semaphore(%arg15 : memref<!tpu.dma_semaphore, #tpu.memory_space<semaphore_mem>>)
        %mul3A_431 = arith.constant 4 : i32
        %mul3A_432 = arith.muli %scan3A_95, %mul3A_431 : i32
        %add3A_433 = arith.constant 3 : i32
        %add3A_434 = arith.addi %mul3A_432, %add3A_433 : i32
        %jit3A_435 = arith.constant 16 : i32
        %eq3A_436 = arith.constant 0 : i32
        %eq3A_437 = arith.cmpi eq, %jit3A_435, %eq3A_436 : i32
        %jit3A_438 = arith.constant 1 : i32
        %select_n3A_439 = arith.select %eq3A_437, %jit3A_438, %jit3A_435 : i32
        %rem3A_440 = arith.remsi %add3A_434, %select_n3A_439 : i32
        %ne3A_441 = arith.constant 0 : i32
        %ne3A_442 = arith.cmpi ne, %rem3A_440, %ne3A_441 : i32
        %lt3A_443 = arith.constant 0 : i32
        %lt3A_444 = arith.cmpi slt, %rem3A_440, %lt3A_443 : i32
        %lt3A_445 = arith.constant 0 : i32
        %lt3A_446 = arith.cmpi slt, %select_n3A_439, %lt3A_445 : i32
        %ne3A_447 = arith.xori %lt3A_444, %lt3A_446 : i1
        %and3A_448 = arith.andi %ne3A_447, %ne3A_442 : i1
        %add3A_449 = arith.addi %rem3A_440, %select_n3A_439 : i32
        %select_n3A_450 = arith.select %and3A_448, %add3A_449, %rem3A_440 : i32
        %add3A_451 = arith.constant 4 : i32
        %add3A_452 = arith.addi %add3A_434, %add3A_451 : i32
        %jit3A_453 = arith.constant 16 : i32
        %eq3A_454 = arith.constant 0 : i32
        %eq3A_455 = arith.cmpi eq, %jit3A_453, %eq3A_454 : i32
        %jit3A_456 = arith.constant 1 : i32
        %select_n3A_457 = arith.select %eq3A_455, %jit3A_456, %jit3A_453 : i32
        %rem3A_458 = arith.remsi %add3A_452, %select_n3A_457 : i32
        %ne3A_459 = arith.constant 0 : i32
        %ne3A_460 = arith.cmpi ne, %rem3A_458, %ne3A_459 : i32
        %lt3A_461 = arith.constant 0 : i32
        %lt3A_462 = arith.cmpi slt, %rem3A_458, %lt3A_461 : i32
        %lt3A_463 = arith.constant 0 : i32
        %lt3A_464 = arith.cmpi slt, %select_n3A_457, %lt3A_463 : i32
        %ne3A_465 = arith.xori %lt3A_462, %lt3A_464 : i1
        %and3A_466 = arith.andi %ne3A_465, %ne3A_460 : i1
        %add3A_467 = arith.addi %rem3A_458, %select_n3A_457 : i32
        %select_n3A_468 = arith.select %and3A_466, %add3A_467, %rem3A_458 : i32
        %dma_wait3A_469 = arith.constant 0 : i32
        %dma_wait3A_470 = tpu.memref_slice %arg8[%select_n3A_450, %dma_wait3A_469] : memref<16x80xi32, #tpu.memory_space<vmem>> -> memref<1x80xi32, #tpu.memory_space<vmem>>
        %dma_wait3A_471 = tpu.memref_squeeze %dma_wait3A_470 : memref<1x80xi32, #tpu.memory_space<vmem>> -> memref<80xi32, #tpu.memory_space<vmem>>
        %dma_wait3A_472 = arith.constant 0 : i32
        %dma_wait3A_473 = arith.constant 0 : i32
        %dma_wait3A_474 = tpu.memref_slice %arg22[%dma_wait3A_472, %dma_wait3A_473] : memref<10112x128xf32, #tpu.memory_space<vmem_shared>> -> memref<10112x128xf32, #tpu.memory_space<vmem_shared>>
        tpu.wait_indirect_dma semaphore(%arg20 : memref<!tpu.dma_semaphore, #tpu.memory_space<semaphore_mem>>) src(%arg12 : memref<80x128xf32, #tpu.memory_space<vmem>>) dst(%dma_wait3A_474 : memref<10112x128xf32, #tpu.memory_space<vmem_shared>>)
        %dma_start3A_475 = arith.constant 0 : i32
        %dma_start3A_476 = tpu.memref_slice %arg7[%select_n3A_468, %dma_start3A_475] : memref<16x80xi32, #tpu.memory_space<vmem>> -> memref<1x80xi32, #tpu.memory_space<vmem>>
        %dma_start3A_477 = tpu.memref_squeeze %dma_start3A_476 : memref<1x80xi32, #tpu.memory_space<vmem>> -> memref<80xi32, #tpu.memory_space<vmem>>
        %dma_start3A_478 = arith.constant 0 : i32
        %dma_start3A_479 = arith.constant 0 : i32
        %dma_start3A_480 = tpu.memref_slice %arg2[%dma_start3A_478, %dma_start3A_479] : memref<10000x128xf32, #tpu.memory_space<hbm>> -> memref<10000x128xf32, #tpu.memory_space<hbm>>
        tpu.enqueue_indirect_dma source(%dma_start3A_480 : memref<10000x128xf32, #tpu.memory_space<hbm>>) target(%arg12 : memref<80x128xf32, #tpu.memory_space<vmem>>) offsets(%dma_start3A_477 : memref<80xi32, #tpu.memory_space<vmem>>) semaphore(%arg16 : memref<!tpu.dma_semaphore, #tpu.memory_space<semaphore_mem>>)
      } else {
      }
    }
    %scan3A_62 = arith.constant 34 : i32
    %dma_wait3A = arith.constant 4 : i32
    %dma_wait3A_63 = arith.constant 0 : i32
    %dma_wait3A_64 = tpu.memref_slice %arg8[%dma_wait3A, %dma_wait3A_63] : memref<16x80xi32, #tpu.memory_space<vmem>> -> memref<1x80xi32, #tpu.memory_space<vmem>>
    %dma_wait3A_65 = tpu.memref_squeeze %dma_wait3A_64 : memref<1x80xi32, #tpu.memory_space<vmem>> -> memref<80xi32, #tpu.memory_space<vmem>>
    %dma_wait3A_66 = arith.constant 0 : i32
    %dma_wait3A_67 = arith.constant 0 : i32
    %dma_wait3A_68 = tpu.memref_slice %arg22[%dma_wait3A_66, %dma_wait3A_67] : memref<10112x128xf32, #tpu.memory_space<vmem_shared>> -> memref<10112x128xf32, #tpu.memory_space<vmem_shared>>
    tpu.wait_indirect_dma semaphore(%arg17 : memref<!tpu.dma_semaphore, #tpu.memory_space<semaphore_mem>>) src(%arg9 : memref<80x128xf32, #tpu.memory_space<vmem>>) dst(%dma_wait3A_68 : memref<10112x128xf32, #tpu.memory_space<vmem_shared>>)
    %dma_wait3A_69 = arith.constant 5 : i32
    %dma_wait3A_70 = arith.constant 0 : i32
    %dma_wait3A_71 = tpu.memref_slice %arg8[%dma_wait3A_69, %dma_wait3A_70] : memref<16x80xi32, #tpu.memory_space<vmem>> -> memref<1x80xi32, #tpu.memory_space<vmem>>
    %dma_wait3A_72 = tpu.memref_squeeze %dma_wait3A_71 : memref<1x80xi32, #tpu.memory_space<vmem>> -> memref<80xi32, #tpu.memory_space<vmem>>
    %dma_wait3A_73 = arith.constant 0 : i32
    %dma_wait3A_74 = arith.constant 0 : i32
    %dma_wait3A_75 = tpu.memref_slice %arg22[%dma_wait3A_73, %dma_wait3A_74] : memref<10112x128xf32, #tpu.memory_space<vmem_shared>> -> memref<10112x128xf32, #tpu.memory_space<vmem_shared>>
    tpu.wait_indirect_dma semaphore(%arg18 : memref<!tpu.dma_semaphore, #tpu.memory_space<semaphore_mem>>) src(%arg10 : memref<80x128xf32, #tpu.memory_space<vmem>>) dst(%dma_wait3A_75 : memref<10112x128xf32, #tpu.memory_space<vmem_shared>>)
    %dma_wait3A_76 = arith.constant 6 : i32
    %dma_wait3A_77 = arith.constant 0 : i32
    %dma_wait3A_78 = tpu.memref_slice %arg8[%dma_wait3A_76, %dma_wait3A_77] : memref<16x80xi32, #tpu.memory_space<vmem>> -> memref<1x80xi32, #tpu.memory_space<vmem>>
    %dma_wait3A_79 = tpu.memref_squeeze %dma_wait3A_78 : memref<1x80xi32, #tpu.memory_space<vmem>> -> memref<80xi32, #tpu.memory_space<vmem>>
    %dma_wait3A_80 = arith.constant 0 : i32
    %dma_wait3A_81 = arith.constant 0 : i32
    %dma_wait3A_82 = tpu.memref_slice %arg22[%dma_wait3A_80, %dma_wait3A_81] : memref<10112x128xf32, #tpu.memory_space<vmem_shared>> -> memref<10112x128xf32, #tpu.memory_space<vmem_shared>>
    tpu.wait_indirect_dma semaphore(%arg19 : memref<!tpu.dma_semaphore, #tpu.memory_space<semaphore_mem>>) src(%arg11 : memref<80x128xf32, #tpu.memory_space<vmem>>) dst(%dma_wait3A_82 : memref<10112x128xf32, #tpu.memory_space<vmem_shared>>)
    %dma_wait3A_83 = arith.constant 7 : i32
    %dma_wait3A_84 = arith.constant 0 : i32
    %dma_wait3A_85 = tpu.memref_slice %arg8[%dma_wait3A_83, %dma_wait3A_84] : memref<16x80xi32, #tpu.memory_space<vmem>> -> memref<1x80xi32, #tpu.memory_space<vmem>>
    %dma_wait3A_86 = tpu.memref_squeeze %dma_wait3A_85 : memref<1x80xi32, #tpu.memory_space<vmem>> -> memref<80xi32, #tpu.memory_space<vmem>>
    %dma_wait3A_87 = arith.constant 0 : i32
    %dma_wait3A_88 = arith.constant 0 : i32
    %dma_wait3A_89 = tpu.memref_slice %arg22[%dma_wait3A_87, %dma_wait3A_88] : memref<10112x128xf32, #tpu.memory_space<vmem_shared>> -> memref<10112x128xf32, #tpu.memory_space<vmem_shared>>
    tpu.wait_indirect_dma semaphore(%arg20 : memref<!tpu.dma_semaphore, #tpu.memory_space<semaphore_mem>>) src(%arg12 : memref<80x128xf32, #tpu.memory_space<vmem>>) dst(%dma_wait3A_89 : memref<10112x128xf32, #tpu.memory_space<vmem_shared>>)
    %barrier3A_90 = arith.constant 0 : index
    tpu.barrier barrier_id(%barrier3A_90)
    %mul3A_91 = arith.constant 632 : i32
    %mul3A_92 = arith.muli %arg1, %mul3A_91 : i32
    %mul3A_93 = arith.constant 632 : i32
    %mul3A_94 = arith.muli %arg1, %mul3A_93 : i32
    "tpu.region"() ({
      %run_scoped3A = tpu.sem_alloc : memref<!tpu.dma_semaphore, #tpu.memory_space<semaphore_mem>>
      %dma_start3A_95 = arith.constant 0 : i32
      %dma_start3A_96 = tpu.memref_slice %arg6[%arg0, %mul3A_94, %dma_start3A_95] : memref<2x10112x128xf32, #tpu.memory_space<hbm>> -> memref<1x632x128xf32, #tpu.memory_space<hbm>>
      %dma_start3A_97 = tpu.memref_squeeze %dma_start3A_96 : memref<1x632x128xf32, #tpu.memory_space<hbm>> -> memref<632x128xf32, #tpu.memory_space<hbm>>
      %dma_start3A_98 = arith.constant 0 : i32
      %dma_start3A_99 = tpu.memref_slice %arg22[%mul3A_92, %dma_start3A_98] : memref<10112x128xf32, #tpu.memory_space<vmem_shared>> -> memref<632x128xf32, #tpu.memory_space<vmem_shared>>
      tpu.enqueue_dma source(%dma_start3A_99 : memref<632x128xf32, #tpu.memory_space<vmem_shared>>) target(%dma_start3A_97 : memref<632x128xf32, #tpu.memory_space<hbm>>) target_semaphore(%run_scoped3A : memref<!tpu.dma_semaphore, #tpu.memory_space<semaphore_mem>>)
      %dma_wait3A_100 = arith.constant 0 : i32
      %dma_wait3A_101 = tpu.memref_slice %arg6[%arg0, %mul3A_94, %dma_wait3A_100] : memref<2x10112x128xf32, #tpu.memory_space<hbm>> -> memref<1x632x128xf32, #tpu.memory_space<hbm>>
      %dma_wait3A_102 = tpu.memref_squeeze %dma_wait3A_101 : memref<1x632x128xf32, #tpu.memory_space<hbm>> -> memref<632x128xf32, #tpu.memory_space<hbm>>
      %dma_wait3A_103 = arith.constant 0 : i32
      %dma_wait3A_104 = tpu.memref_slice %arg22[%mul3A_92, %dma_wait3A_103] : memref<10112x128xf32, #tpu.memory_space<vmem_shared>> -> memref<632x128xf32, #tpu.memory_space<vmem_shared>>
      tpu.wait_dma2 semaphore(%run_scoped3A : memref<!tpu.dma_semaphore, #tpu.memory_space<semaphore_mem>>) src(%dma_wait3A_104 : memref<632x128xf32, #tpu.memory_space<vmem_shared>>) dst(%dma_wait3A_102 : memref<632x128xf32, #tpu.memory_space<hbm>>)
      tpu.yield
    }) : () -> ()
    return
  }
}

module attributes {stable_mosaic.version = 14 : i64} {
  func.func @_tca_body(%arg0: i32, %arg1: memref<2x1000x16xf32, #tpu.memory_space<vmem>>, %arg2: memref<1000x128xf32, #tpu.memory_space<vmem>>, %arg3: memref<128x128xf32, #tpu.memory_space<vmem>>, %arg4: memref<1000x128xf32, #tpu.memory_space<vmem>>, %arg5: memref<1000x1xf32, #tpu.memory_space<vmem>>) attributes {dimension_semantics = [#tpu.dimension_semantics<arbitrary>], iteration_bounds = array<i64: 10>, scalar_prefetch = 0 : i64, scratch_operands = 0 : i64, tpu.core_type = #tpu.core_type<tc>, window_params = [{transform_indices = @transform_0, window_bounds = array<i64: 2, 1000, 16>}, {transform_indices = @transform_1, window_bounds = array<i64: 1000, 128>}, {pipeline_mode = #tpu.pipeline_mode<synchronous>, transform_indices = @transform_2, window_bounds = array<i64: 128, 128>}, {transform_indices = @transform_3, window_bounds = array<i64: 1000, 128>}, {transform_indices = @transform_4, window_bounds = array<i64: 1000, 1>}]} {
    %get3A = arith.constant 0 : index
    %get3A_0 = arith.constant 0 : index
    %get3A_1 = arith.constant 0 : index
    %get3A_2 = vector.load %arg1[%get3A, %get3A_0, %get3A_1] : memref<2x1000x16xf32, #tpu.memory_space<vmem>>, vector<1x1000x16xf32>
    %get3A_3 = vector.shape_cast %get3A_2 : vector<1x1000x16xf32> to vector<1000x16xf32>
    %get3A_4 = arith.constant 1 : index
    %get3A_5 = arith.constant 0 : index
    %get3A_6 = arith.constant 0 : index
    %get3A_7 = vector.load %arg1[%get3A_4, %get3A_5, %get3A_6] : memref<2x1000x16xf32, #tpu.memory_space<vmem>>, vector<1x1000x16xf32>
    %get3A_8 = vector.shape_cast %get3A_7 : vector<1x1000x16xf32> to vector<1000x16xf32>
    %add3A = arith.addf %get3A_3, %get3A_8 : vector<1000x16xf32>
    %reduce_sum3A = arith.constant dense<0.000000e+00> : vector<1000xf32>
    %reduce_sum3A_9 = vector.multi_reduction <add>, %add3A, %reduce_sum3A [1] : vector<1000x16xf32> to vector<1000xf32>
    %broadcast_in_dim3A = vector.shape_cast %reduce_sum3A_9 : vector<1000xf32> to vector<1000x1xf32>
    %mul3A = arith.constant 6.250000e-02 : f32
    %mul3A_10 = vector.broadcast %mul3A : f32 to vector<1000x1xf32>
    %mul3A_11 = arith.mulf %broadcast_in_dim3A, %mul3A_10 : vector<1000x1xf32>
    %rsqrt3A = math.rsqrt %mul3A_11 : vector<1000x1xf32>
    %get3A_12 = arith.constant 0 : index
    %get3A_13 = arith.constant 0 : index
    %get3A_14 = vector.load %arg2[%get3A_12, %get3A_13] : memref<1000x128xf32, #tpu.memory_space<vmem>>, vector<1000x128xf32>
    %get3A_15 = arith.constant 0 : index
    %get3A_16 = arith.constant 0 : index
    %get3A_17 = vector.load %arg3[%get3A_15, %get3A_16] : memref<128x128xf32, #tpu.memory_space<vmem>>, vector<128x128xf32>
    %dot_general3A = arith.constant dense<0.000000e+00> : vector<1000x128xf32>
    %dot_general3A_18 = tpu.matmul %get3A_14, %get3A_17, %dot_general3A {dimension_numbers = #tpu.dot_dimension_numbers<[1], [0], [0], [1], [0, 0, 1, 1], [], []>, transpose_lhs_hint = false} : vector<1000x128xf32>, vector<128x128xf32>, vector<1000x128xf32> -> vector<1000x128xf32>
    %mul3A_19 = vector.broadcast %rsqrt3A : vector<1000x1xf32> to vector<1000x128xf32>
    %mul3A_20 = arith.mulf %dot_general3A_18, %mul3A_19 : vector<1000x128xf32>
    %swap3A = arith.constant 0 : index
    %swap3A_21 = arith.constant 0 : index
    %swap3A_22 = vector.load %arg4[%swap3A, %swap3A_21] : memref<1000x128xf32, #tpu.memory_space<vmem>>, vector<1000x128xf32>
    tpu.vector_store %arg4[%swap3A, %swap3A_21], %mul3A_20 {strides = array<i32>} : memref<1000x128xf32, #tpu.memory_space<vmem>>, vector<1000x128xf32>,
    %swap3A_23 = arith.constant 0 : index
    %swap3A_24 = arith.constant 0 : index
    %swap3A_25 = vector.load %arg5[%swap3A_23, %swap3A_24] : memref<1000x1xf32, #tpu.memory_space<vmem>>, vector<1000x1xf32>
    tpu.vector_store %arg5[%swap3A_23, %swap3A_24], %rsqrt3A {strides = array<i32>} : memref<1000x1xf32, #tpu.memory_space<vmem>>, vector<1000x1xf32>,
    return
  }
  func.func @transform_0(%arg0: i32) -> (i32, i32, i32) {
    %c0_i32 = arith.constant 0 : i32
    %c0_i32_0 = arith.constant 0 : i32
    %c0_i32_1 = arith.constant 0 : i32
    return %c0_i32, %arg0, %c0_i32_0 : i32, i32, i32
  }
  func.func @transform_1(%arg0: i32) -> (i32, i32) {
    %c0_i32 = arith.constant 0 : i32
    %c0_i32_0 = arith.constant 0 : i32
    return %arg0, %c0_i32 : i32, i32
  }
  func.func @transform_2(%arg0: i32) -> (i32, i32) {
    %c0_i32 = arith.constant 0 : i32
    %c0_i32_0 = arith.constant 0 : i32
    %c0_i32_1 = arith.constant 0 : i32
    return %c0_i32, %c0_i32_0 : i32, i32
  }
  func.func @transform_3(%arg0: i32) -> (i32, i32) {
    %c0_i32 = arith.constant 0 : i32
    %c0_i32_0 = arith.constant 0 : i32
    return %arg0, %c0_i32 : i32, i32
  }
  func.func @transform_4(%arg0: i32) -> (i32, i32) {
    %c0_i32 = arith.constant 0 : i32
    %c0_i32_0 = arith.constant 0 : i32
    return %arg0, %c0_i32 : i32, i32
  }
}

module attributes {stable_mosaic.version = 14 : i64} {
  func.func @_tcb_body(%arg0: i32, %arg1: memref<2x1000x128xf32, #tpu.memory_space<vmem>>, %arg2: memref<1000x1xf32, #tpu.memory_space<vmem>>, %arg3: memref<1x128xf32, #tpu.memory_space<vmem>>, %arg4: memref<1x128xf32, #tpu.memory_space<vmem>>, %arg5: memref<1x128xf32, #tpu.memory_space<vmem>>, %arg6: memref<128x128xf32, #tpu.memory_space<vmem>>, %arg7: memref<1000x128xf32, #tpu.memory_space<vmem>>) attributes {dimension_semantics = [#tpu.dimension_semantics<arbitrary>], iteration_bounds = array<i64: 10>, scalar_prefetch = 0 : i64, scratch_operands = 0 : i64, tpu.core_type = #tpu.core_type<tc>, window_params = [{transform_indices = @transform_0, window_bounds = array<i64: 2, 1000, 128>}, {transform_indices = @transform_1, window_bounds = array<i64: 1000, 1>}, {pipeline_mode = #tpu.pipeline_mode<synchronous>, transform_indices = @transform_2, window_bounds = array<i64: 1, 128>}, {pipeline_mode = #tpu.pipeline_mode<synchronous>, transform_indices = @transform_3, window_bounds = array<i64: 1, 128>}, {pipeline_mode = #tpu.pipeline_mode<synchronous>, transform_indices = @transform_4, window_bounds = array<i64: 1, 128>}, {pipeline_mode = #tpu.pipeline_mode<synchronous>, transform_indices = @transform_5, window_bounds = array<i64: 128, 128>}, {transform_indices = @transform_6, window_bounds = array<i64: 1000, 128>}]} {
    %get3A = arith.constant 0 : index
    %get3A_0 = arith.constant 0 : index
    %get3A_1 = arith.constant 0 : index
    %get3A_2 = vector.load %arg1[%get3A, %get3A_0, %get3A_1] : memref<2x1000x128xf32, #tpu.memory_space<vmem>>, vector<1x1000x128xf32>
    %get3A_3 = vector.shape_cast %get3A_2 : vector<1x1000x128xf32> to vector<1000x128xf32>
    %get3A_4 = arith.constant 1 : index
    %get3A_5 = arith.constant 0 : index
    %get3A_6 = arith.constant 0 : index
    %get3A_7 = vector.load %arg1[%get3A_4, %get3A_5, %get3A_6] : memref<2x1000x128xf32, #tpu.memory_space<vmem>>, vector<1x1000x128xf32>
    %get3A_8 = vector.shape_cast %get3A_7 : vector<1x1000x128xf32> to vector<1000x128xf32>
    %add3A = arith.addf %get3A_3, %get3A_8 : vector<1000x128xf32>
    %get3A_9 = arith.constant 0 : index
    %get3A_10 = arith.constant 0 : index
    %get3A_11 = vector.load %arg2[%get3A_9, %get3A_10] : memref<1000x1xf32, #tpu.memory_space<vmem>>, vector<1000x1xf32>
    %mul3A = vector.broadcast %get3A_11 : vector<1000x1xf32> to vector<1000x128xf32>
    %mul3A_12 = arith.mulf %add3A, %mul3A : vector<1000x128xf32>
    %get3A_13 = arith.constant 0 : index
    %get3A_14 = arith.constant 0 : index
    %get3A_15 = vector.load %arg3[%get3A_13, %get3A_14] : memref<1x128xf32, #tpu.memory_space<vmem>>, vector<1x128xf32>
    %add3A_16 = vector.broadcast %get3A_15 : vector<1x128xf32> to vector<1000x128xf32>
    %add3A_17 = arith.addf %mul3A_12, %add3A_16 : vector<1000x128xf32>
    %reduce_sum3A = arith.constant dense<0.000000e+00> : vector<1000xf32>
    %reduce_sum3A_18 = vector.multi_reduction <add>, %add3A_17, %reduce_sum3A [1] : vector<1000x128xf32> to vector<1000xf32>
    %broadcast_in_dim3A = vector.shape_cast %reduce_sum3A_18 : vector<1000xf32> to vector<1000x1xf32>
    %div3A = arith.constant 1.280000e+02 : f32
    %div3A_19 = vector.broadcast %div3A : f32 to vector<1000x1xf32>
    %div3A_20 = arith.divf %broadcast_in_dim3A, %div3A_19 : vector<1000x1xf32>
    %sub3A = vector.broadcast %div3A_20 : vector<1000x1xf32> to vector<1000x128xf32>
    %sub3A_21 = arith.subf %add3A_17, %sub3A : vector<1000x128xf32>
    %mul3A_22 = arith.mulf %sub3A_21, %sub3A_21 : vector<1000x128xf32>
    %reduce_sum3A_23 = arith.constant dense<0.000000e+00> : vector<1000xf32>
    %reduce_sum3A_24 = vector.multi_reduction <add>, %mul3A_22, %reduce_sum3A_23 [1] : vector<1000x128xf32> to vector<1000xf32>
    %broadcast_in_dim3A_25 = vector.shape_cast %reduce_sum3A_24 : vector<1000xf32> to vector<1000x1xf32>
    %div3A_26 = arith.constant 1.280000e+02 : f32
    %div3A_27 = vector.broadcast %div3A_26 : f32 to vector<1000x1xf32>
    %div3A_28 = arith.divf %broadcast_in_dim3A_25, %div3A_27 : vector<1000x1xf32>
    %add3A_29 = arith.constant 9.99999974E-6 : f32
    %add3A_30 = vector.broadcast %add3A_29 : f32 to vector<1000x1xf32>
    %add3A_31 = arith.addf %div3A_28, %add3A_30 : vector<1000x1xf32>
    %rsqrt3A = math.rsqrt %add3A_31 : vector<1000x1xf32>
    %mul3A_32 = vector.broadcast %rsqrt3A : vector<1000x1xf32> to vector<1000x128xf32>
    %mul3A_33 = arith.mulf %sub3A_21, %mul3A_32 : vector<1000x128xf32>
    %get3A_34 = arith.constant 0 : index
    %get3A_35 = arith.constant 0 : index
    %get3A_36 = vector.load %arg4[%get3A_34, %get3A_35] : memref<1x128xf32, #tpu.memory_space<vmem>>, vector<1x128xf32>
    %mul3A_37 = vector.broadcast %get3A_36 : vector<1x128xf32> to vector<1000x128xf32>
    %mul3A_38 = arith.mulf %mul3A_33, %mul3A_37 : vector<1000x128xf32>
    %get3A_39 = arith.constant 0 : index
    %get3A_40 = arith.constant 0 : index
    %get3A_41 = vector.load %arg5[%get3A_39, %get3A_40] : memref<1x128xf32, #tpu.memory_space<vmem>>, vector<1x128xf32>
    %add3A_42 = vector.broadcast %get3A_41 : vector<1x128xf32> to vector<1000x128xf32>
    %add3A_43 = arith.addf %mul3A_38, %add3A_42 : vector<1000x128xf32>
    %max3A = arith.constant 0.000000e+00 : f32
    %max3A_44 = vector.broadcast %max3A : f32 to vector<1000x128xf32>
    %max3A_45 = arith.maximumf %add3A_43, %max3A_44 : vector<1000x128xf32>
    %get3A_46 = arith.constant 0 : index
    %get3A_47 = arith.constant 0 : index
    %get3A_48 = vector.load %arg6[%get3A_46, %get3A_47] : memref<128x128xf32, #tpu.memory_space<vmem>>, vector<128x128xf32>
    %dot_general3A = arith.constant dense<0.000000e+00> : vector<1000x128xf32>
    %dot_general3A_49 = tpu.matmul %max3A_45, %get3A_48, %dot_general3A {dimension_numbers = #tpu.dot_dimension_numbers<[1], [0], [0], [1], [0, 0, 1, 1], [], []>, transpose_lhs_hint = false} : vector<1000x128xf32>, vector<128x128xf32>, vector<1000x128xf32> -> vector<1000x128xf32>
    %get3A_50 = arith.constant 0 : index
    %get3A_51 = arith.constant 0 : index
    %get3A_52 = vector.load %arg2[%get3A_50, %get3A_51] : memref<1000x1xf32, #tpu.memory_space<vmem>>, vector<1000x1xf32>
    %mul3A_53 = vector.broadcast %get3A_52 : vector<1000x1xf32> to vector<1000x128xf32>
    %mul3A_54 = arith.mulf %dot_general3A_49, %mul3A_53 : vector<1000x128xf32>
    %swap3A = arith.constant 0 : index
    %swap3A_55 = arith.constant 0 : index
    %swap3A_56 = vector.load %arg7[%swap3A, %swap3A_55] : memref<1000x128xf32, #tpu.memory_space<vmem>>, vector<1000x128xf32>
    tpu.vector_store %arg7[%swap3A, %swap3A_55], %mul3A_54 {strides = array<i32>} : memref<1000x128xf32, #tpu.memory_space<vmem>>, vector<1000x128xf32>,
    return
  }
  func.func @transform_0(%arg0: i32) -> (i32, i32, i32) {
    %c0_i32 = arith.constant 0 : i32
    %c0_i32_0 = arith.constant 0 : i32
    %c0_i32_1 = arith.constant 0 : i32
    return %c0_i32, %arg0, %c0_i32_0 : i32, i32, i32
  }
  func.func @transform_1(%arg0: i32) -> (i32, i32) {
    %c0_i32 = arith.constant 0 : i32
    %c0_i32_0 = arith.constant 0 : i32
    return %arg0, %c0_i32 : i32, i32
  }
  func.func @transform_2(%arg0: i32) -> (i32, i32) {
    %c0_i32 = arith.constant 0 : i32
    %c0_i32_0 = arith.constant 0 : i32
    %c0_i32_1 = arith.constant 0 : i32
    return %c0_i32, %c0_i32_0 : i32, i32
  }
  func.func @transform_3(%arg0: i32) -> (i32, i32) {
    %c0_i32 = arith.constant 0 : i32
    %c0_i32_0 = arith.constant 0 : i32
    %c0_i32_1 = arith.constant 0 : i32
    return %c0_i32, %c0_i32_0 : i32, i32
  }
  func.func @transform_4(%arg0: i32) -> (i32, i32) {
    %c0_i32 = arith.constant 0 : i32
    %c0_i32_0 = arith.constant 0 : i32
    %c0_i32_1 = arith.constant 0 : i32
    return %c0_i32, %c0_i32_0 : i32, i32
  }
  func.func @transform_5(%arg0: i32) -> (i32, i32) {
    %c0_i32 = arith.constant 0 : i32
    %c0_i32_0 = arith.constant 0 : i32
    %c0_i32_1 = arith.constant 0 : i32
    return %c0_i32, %c0_i32_0 : i32, i32
  }
  func.func @transform_6(%arg0: i32) -> (i32, i32) {
    %c0_i32 = arith.constant 0 : i32
    %c0_i32_0 = arith.constant 0 : i32
    return %arg0, %c0_i32 : i32, i32
  }
}

module attributes {stable_mosaic.version = 14 : i64} {
  func.func @_tcc_body(%arg0: i32, %arg1: memref<2x1000x128xf32, #tpu.memory_space<vmem>>, %arg2: memref<1000x1xf32, #tpu.memory_space<vmem>>, %arg3: memref<1x128xf32, #tpu.memory_space<vmem>>, %arg4: memref<1x128xf32, #tpu.memory_space<vmem>>, %arg5: memref<1x128xf32, #tpu.memory_space<vmem>>, %arg6: memref<128x64xf32, #tpu.memory_space<vmem>>, %arg7: memref<1x64xf32, #tpu.memory_space<vmem>>, %arg8: memref<1000x64xf32, #tpu.memory_space<vmem>>) attributes {dimension_semantics = [#tpu.dimension_semantics<arbitrary>], iteration_bounds = array<i64: 10>, scalar_prefetch = 0 : i64, scratch_operands = 0 : i64, tpu.core_type = #tpu.core_type<tc>, window_params = [{transform_indices = @transform_0, window_bounds = array<i64: 2, 1000, 128>}, {transform_indices = @transform_1, window_bounds = array<i64: 1000, 1>}, {pipeline_mode = #tpu.pipeline_mode<synchronous>, transform_indices = @transform_2, window_bounds = array<i64: 1, 128>}, {pipeline_mode = #tpu.pipeline_mode<synchronous>, transform_indices = @transform_3, window_bounds = array<i64: 1, 128>}, {pipeline_mode = #tpu.pipeline_mode<synchronous>, transform_indices = @transform_4, window_bounds = array<i64: 1, 128>}, {pipeline_mode = #tpu.pipeline_mode<synchronous>, transform_indices = @transform_5, window_bounds = array<i64: 128, 64>}, {pipeline_mode = #tpu.pipeline_mode<synchronous>, transform_indices = @transform_6, window_bounds = array<i64: 1, 64>}, {transform_indices = @transform_7, window_bounds = array<i64: 1000, 64>}]} {
    %get3A = arith.constant 0 : index
    %get3A_0 = arith.constant 0 : index
    %get3A_1 = arith.constant 0 : index
    %get3A_2 = vector.load %arg1[%get3A, %get3A_0, %get3A_1] : memref<2x1000x128xf32, #tpu.memory_space<vmem>>, vector<1x1000x128xf32>
    %get3A_3 = vector.shape_cast %get3A_2 : vector<1x1000x128xf32> to vector<1000x128xf32>
    %get3A_4 = arith.constant 1 : index
    %get3A_5 = arith.constant 0 : index
    %get3A_6 = arith.constant 0 : index
    %get3A_7 = vector.load %arg1[%get3A_4, %get3A_5, %get3A_6] : memref<2x1000x128xf32, #tpu.memory_space<vmem>>, vector<1x1000x128xf32>
    %get3A_8 = vector.shape_cast %get3A_7 : vector<1x1000x128xf32> to vector<1000x128xf32>
    %add3A = arith.addf %get3A_3, %get3A_8 : vector<1000x128xf32>
    %get3A_9 = arith.constant 0 : index
    %get3A_10 = arith.constant 0 : index
    %get3A_11 = vector.load %arg2[%get3A_9, %get3A_10] : memref<1000x1xf32, #tpu.memory_space<vmem>>, vector<1000x1xf32>
    %mul3A = vector.broadcast %get3A_11 : vector<1000x1xf32> to vector<1000x128xf32>
    %mul3A_12 = arith.mulf %add3A, %mul3A : vector<1000x128xf32>
    %get3A_13 = arith.constant 0 : index
    %get3A_14 = arith.constant 0 : index
    %get3A_15 = vector.load %arg3[%get3A_13, %get3A_14] : memref<1x128xf32, #tpu.memory_space<vmem>>, vector<1x128xf32>
    %add3A_16 = vector.broadcast %get3A_15 : vector<1x128xf32> to vector<1000x128xf32>
    %add3A_17 = arith.addf %mul3A_12, %add3A_16 : vector<1000x128xf32>
    %reduce_sum3A = arith.constant dense<0.000000e+00> : vector<1000xf32>
    %reduce_sum3A_18 = vector.multi_reduction <add>, %add3A_17, %reduce_sum3A [1] : vector<1000x128xf32> to vector<1000xf32>
    %broadcast_in_dim3A = vector.shape_cast %reduce_sum3A_18 : vector<1000xf32> to vector<1000x1xf32>
    %div3A = arith.constant 1.280000e+02 : f32
    %div3A_19 = vector.broadcast %div3A : f32 to vector<1000x1xf32>
    %div3A_20 = arith.divf %broadcast_in_dim3A, %div3A_19 : vector<1000x1xf32>
    %sub3A = vector.broadcast %div3A_20 : vector<1000x1xf32> to vector<1000x128xf32>
    %sub3A_21 = arith.subf %add3A_17, %sub3A : vector<1000x128xf32>
    %mul3A_22 = arith.mulf %sub3A_21, %sub3A_21 : vector<1000x128xf32>
    %reduce_sum3A_23 = arith.constant dense<0.000000e+00> : vector<1000xf32>
    %reduce_sum3A_24 = vector.multi_reduction <add>, %mul3A_22, %reduce_sum3A_23 [1] : vector<1000x128xf32> to vector<1000xf32>
    %broadcast_in_dim3A_25 = vector.shape_cast %reduce_sum3A_24 : vector<1000xf32> to vector<1000x1xf32>
    %div3A_26 = arith.constant 1.280000e+02 : f32
    %div3A_27 = vector.broadcast %div3A_26 : f32 to vector<1000x1xf32>
    %div3A_28 = arith.divf %broadcast_in_dim3A_25, %div3A_27 : vector<1000x1xf32>
    %add3A_29 = arith.constant 9.99999974E-6 : f32
    %add3A_30 = vector.broadcast %add3A_29 : f32 to vector<1000x1xf32>
    %add3A_31 = arith.addf %div3A_28, %add3A_30 : vector<1000x1xf32>
    %rsqrt3A = math.rsqrt %add3A_31 : vector<1000x1xf32>
    %mul3A_32 = vector.broadcast %rsqrt3A : vector<1000x1xf32> to vector<1000x128xf32>
    %mul3A_33 = arith.mulf %sub3A_21, %mul3A_32 : vector<1000x128xf32>
    %get3A_34 = arith.constant 0 : index
    %get3A_35 = arith.constant 0 : index
    %get3A_36 = vector.load %arg4[%get3A_34, %get3A_35] : memref<1x128xf32, #tpu.memory_space<vmem>>, vector<1x128xf32>
    %mul3A_37 = vector.broadcast %get3A_36 : vector<1x128xf32> to vector<1000x128xf32>
    %mul3A_38 = arith.mulf %mul3A_33, %mul3A_37 : vector<1000x128xf32>
    %get3A_39 = arith.constant 0 : index
    %get3A_40 = arith.constant 0 : index
    %get3A_41 = vector.load %arg5[%get3A_39, %get3A_40] : memref<1x128xf32, #tpu.memory_space<vmem>>, vector<1x128xf32>
    %add3A_42 = vector.broadcast %get3A_41 : vector<1x128xf32> to vector<1000x128xf32>
    %add3A_43 = arith.addf %mul3A_38, %add3A_42 : vector<1000x128xf32>
    %max3A = arith.constant 0.000000e+00 : f32
    %max3A_44 = vector.broadcast %max3A : f32 to vector<1000x128xf32>
    %max3A_45 = arith.maximumf %add3A_43, %max3A_44 : vector<1000x128xf32>
    %get3A_46 = arith.constant 0 : index
    %get3A_47 = arith.constant 0 : index
    %get3A_48 = vector.load %arg6[%get3A_46, %get3A_47] : memref<128x64xf32, #tpu.memory_space<vmem>>, vector<128x64xf32>
    %dot_general3A = arith.constant dense<0.000000e+00> : vector<1000x64xf32>
    %dot_general3A_49 = tpu.matmul %max3A_45, %get3A_48, %dot_general3A {dimension_numbers = #tpu.dot_dimension_numbers<[1], [0], [0], [1], [0, 0, 1, 1], [], []>, transpose_lhs_hint = false} : vector<1000x128xf32>, vector<128x64xf32>, vector<1000x64xf32> -> vector<1000x64xf32>
    %get3A_50 = arith.constant 0 : index
    %get3A_51 = arith.constant 0 : index
    %get3A_52 = vector.load %arg7[%get3A_50, %get3A_51] : memref<1x64xf32, #tpu.memory_space<vmem>>, vector<1x64xf32>
    %add3A_53 = vector.broadcast %get3A_52 : vector<1x64xf32> to vector<1000x64xf32>
    %add3A_54 = arith.addf %dot_general3A_49, %add3A_53 : vector<1000x64xf32>
    %swap3A = arith.constant 0 : index
    %swap3A_55 = arith.constant 0 : index
    %swap3A_56 = vector.load %arg8[%swap3A, %swap3A_55] : memref<1000x64xf32, #tpu.memory_space<vmem>>, vector<1000x64xf32>
    tpu.vector_store %arg8[%swap3A, %swap3A_55], %add3A_54 {strides = array<i32>} : memref<1000x64xf32, #tpu.memory_space<vmem>>, vector<1000x64xf32>,
    return
  }
  func.func @transform_0(%arg0: i32) -> (i32, i32, i32) {
    %c0_i32 = arith.constant 0 : i32
    %c0_i32_0 = arith.constant 0 : i32
    %c0_i32_1 = arith.constant 0 : i32
    return %c0_i32, %arg0, %c0_i32_0 : i32, i32, i32
  }
  func.func @transform_1(%arg0: i32) -> (i32, i32) {
    %c0_i32 = arith.constant 0 : i32
    %c0_i32_0 = arith.constant 0 : i32
    return %arg0, %c0_i32 : i32, i32
  }
  func.func @transform_2(%arg0: i32) -> (i32, i32) {
    %c0_i32 = arith.constant 0 : i32
    %c0_i32_0 = arith.constant 0 : i32
    %c0_i32_1 = arith.constant 0 : i32
    return %c0_i32, %c0_i32_0 : i32, i32
  }
  func.func @transform_3(%arg0: i32) -> (i32, i32) {
    %c0_i32 = arith.constant 0 : i32
    %c0_i32_0 = arith.constant 0 : i32
    %c0_i32_1 = arith.constant 0 : i32
    return %c0_i32, %c0_i32_0 : i32, i32
  }
  func.func @transform_4(%arg0: i32) -> (i32, i32) {
    %c0_i32 = arith.constant 0 : i32
    %c0_i32_0 = arith.constant 0 : i32
    %c0_i32_1 = arith.constant 0 : i32
    return %c0_i32, %c0_i32_0 : i32, i32
  }
  func.func @transform_5(%arg0: i32) -> (i32, i32) {
    %c0_i32 = arith.constant 0 : i32
    %c0_i32_0 = arith.constant 0 : i32
    %c0_i32_1 = arith.constant 0 : i32
    return %c0_i32, %c0_i32_0 : i32, i32
  }
  func.func @transform_6(%arg0: i32) -> (i32, i32) {
    %c0_i32 = arith.constant 0 : i32
    %c0_i32_0 = arith.constant 0 : i32
    %c0_i32_1 = arith.constant 0 : i32
    return %c0_i32, %c0_i32_0 : i32, i32
  }
  func.func @transform_7(%arg0: i32) -> (i32, i32) {
    %c0_i32 = arith.constant 0 : i32
    %c0_i32_0 = arith.constant 0 : i32
    return %arg0, %c0_i32 : i32, i32
  }
}

</mosaic_0001>

<sc_bundles>
// kernel: kernel.14.cloned.1.call-start
scs
__scs_entry_jumppad:
0x0: {  	(pc) =	sbr.rel $0x88, $3  }
0x1: {  	(tag) =	ssettag $0x0;
	lr =	simm.s32 $0x1  }
0x2: {  	[smem:$0x3F99] =	sst lr;
	_ =	strace $0xD0000000  }
0x3: {  	_ = 	snop  }
0x4: {  	_ = 	snop  }
0x5: {  	_ = 	snop  }
0x6: {  	_ = 	snop  }
0x7: {  	_ = 	snop  }
__scs_overlays_trampoline_lowered:
0x8: {  	[smem:$0x3FA8] =	sst s0  }
0x9: {  	[smem:$0x3FA9] =	sst s1  }
0xa: {  	[smem:$0x3FAA] =	sst s2  }
0xb: {  	[smem:$0x3FAB] =	sst s3  }
0xc: {  	[smem:$0x3FAC] =	sst s4  }
0xd: {  	[smem:$0x3FAD] =	sst s5  }
0xe: {  	[smem:$0x3FAE] =	sst s6  }
0xf: {  	[smem:$0x3FAF] =	sst s7  }
0x10: {  	[smem:$0x3FB0] =	sst s8  }
0x11: {  	[smem:$0x3FB1] =	sst s9;
	s0 =	simm.s32 @!p0 $0x0  }
0x12: {  	s1 =	sld [smem:$0x3F97];
	s0 =	simm.s32 @p0 $0x1  }
0x13: {  	[smem:$0x3FB2] =	sst s0;
	s0 =	simm.s32 @!p1 $0x0  }
0x14: {  	s2 =	sld [smem:$0x3F96];
	s0 =	simm.s32 @p1 $0x1  }
0x15: {  	[smem:$0x3FB3] =	sst s0;
	s0 =	simm.s32 @!p2 $0x0  }
0x16: {  	s3 =	sld [smem:$0x3FDB];
	s0 =	simm.s32 @p2 $0x1  }
0x17: {  	s4 =	simm.s32 $0x1BF5;
	[smem:$0x3FB5] =	sst s0  }
0x18: {  	s0 =	sld [smem:$0x3F98];
	_ =	swait.ge [sflag:s4], $0x0  }
0x19: {  	s7 =	sld [smem:$0x3F99]  }
0x1a: {  	s8 =	sadd.s32 $0xFFFFE003, lr  }
0x1b: {  	s9 =	sadd.s32 $0xFFFFFEF7, lr;
	s5 =	simm.s32 $0xFFFFFFFF;
	p2 =	slt.u32 s8, $0xFFFFF086  }
0x1c: {  	p1 =	slt.u32 s9, $0xF7A;
	s5 =	simm.s32 @!p2 $0x0  }
0x1d: {  	s5 =	simm.s32 @p1 $0x1;
	p0 =	seq.s32 s7, s2  }
0x1e: {  	s7 =	smul.u32 @!p0 $0xF7A, s2;
	p2 =	seq.s32 @!p0 s5, $0x0  }
0x1f: {  	s9 =	smul.u32 $0xF7A, s1;
	s8 =	simm.s32 @!p0 $0x1BF5;
	p2 =	por !p2, p0  }
0x20: {  	[sflag:s8] =	ssyncset.s32 @!p0 $0xFFFFF086;
	s6 =	sadd.s32 @!p0 s3, s7;
	s7 =	simm.s32 @!p0 $0x108  }
0x21: {  	s3 =	sadd.s32 s3, s9;
	s6 =	sadd.s32 @!p0 $0x88, s6;
	s7 =	simm.s32 @p2 $0x1082  }
0x22: {  	[simem:s7], [sflag:s8] =	dma.local @!p0 [hbm:s6], $0xF7A  }
0x23: {  	s9 =	sor.u32 $0xD0000000, s2;
	s6 =	simm.s32 $0x108;
	_ =	swait.ge @!p0 [sflag:s8], $0x0  }
0x24: {  	s3 =	sadd.s32 $0x88, s3;
	s6 =	simm.s32 @!p1 $0x1082;
	[sflag:s4] =	ssyncset.s32 $0xFFFFF086  }
0x25: {  	[simem:s6], [sflag:s4] =	dma.local [hbm:s3], $0xF7A  }
0x26: {  	[smem:$0x3F99] =	sst s1;
	(tag) =	ssettag s2;
	_ =	strace s9  }
0x27: {  	s1 =	sld [smem:$0x3FA9]  }
0x28: {  	s2 =	sld [smem:$0x3FAA]  }
0x29: {  	s4 =	sld [smem:$0x3FAC]  }
0x2a: {  	p0 =	seq.s32 s5, $0x0;
	s5 =	sld [smem:$0x3FAD]  }
0x2b: {  	s6 =	sld [smem:$0x3FAE]  }
0x2c: {  	s7 =	sld [smem:$0x3FAF]  }
0x2d: {  	s3 =	simm.s32 $0x108;
	s8 =	sld [smem:$0x3FB0]  }
0x2e: {  	s3 =	simm.s32 @!p0 $0x1082;
	s9 =	sld [smem:$0x3FB1]  }
0x2f: {  	lr =	sadd.s32 s0, s3;
	s0 =	sld [smem:$0x3FA8]  }
0x30: {  	s3 =	sld [smem:$0x3FAB]  }
0x31: {  	[smem:$0x3FB4] =	sst s10  }
0x32: {  	s10 =	sld [smem:$0x3FB2];
	_ =	sdelay $0x3  }
0x33: {  	p0 =	seq.s32 s10, $0x1;
	s10 =	sld [smem:$0x3FB4];
	_ =	sdelay $0x3  }
0x34: {  	[smem:$0x3FB4] =	sst s10  }
0x35: {  	s10 =	sld [smem:$0x3FB3];
	_ =	sdelay $0x3  }
0x36: {  	p1 =	seq.s32 s10, $0x1;
	s10 =	sld [smem:$0x3FB4];
	_ =	sdelay $0x3  }
0x37: {  	[smem:$0x3FB4] =	sst s10  }
0x38: {  	s10 =	sld [smem:$0x3FB5]  }
0x39: {  	_ = 	snop;
	(pc) =	sbr.ind lr, $3  }
0x3a: {  	_ = 	snop  }
0x3b: {  	_ = 	snop  }
0x3c: {  	p2 =	seq.s32 s10, $0x1;
	s10 =	sld [smem:$0x3FB4]  }
0x3d: {  	_ =	shalt  }
0x3e: {  	_ =	shalt  }
0x3f: {  	_ =	shalt  }
0x40: {  	_ =	shalt  }
0x41: {  	_ =	shalt  }
0x42: {  	_ =	shalt  }
0x43: {  	_ =	shalt  }
0x44: {  	_ =	shalt  }
0x45: {  	_ =	shalt  }
0x46: {  	_ =	shalt  }
0x47: {  	_ =	shalt  }
0x48: {  	_ =	shalt  }
0x49: {  	_ =	shalt  }
0x4a: {  	_ =	shalt  }
0x4b: {  	_ =	shalt  }
0x4c: {  	_ =	shalt  }
0x4d: {  	_ =	shalt  }
0x4e: {  	_ =	shalt  }
0x4f: {  	_ =	shalt  }
0x50: {  	_ =	shalt  }
0x51: {  	_ =	shalt  }
0x52: {  	_ =	shalt  }
0x53: {  	_ =	shalt  }
0x54: {  	_ =	shalt  }
0x55: {  	_ =	shalt  }
0x56: {  	_ =	shalt  }
0x57: {  	_ =	shalt  }
0x58: {  	_ =	shalt  }
0x59: {  	_ =	shalt  }
0x5a: {  	_ =	shalt  }
0x5b: {  	_ =	shalt  }
0x5c: {  	_ =	shalt  }
0x5d: {  	_ =	shalt  }
0x5e: {  	_ =	shalt  }
0x5f: {  	_ =	shalt  }
0x60: {  	_ =	shalt  }
0x61: {  	_ =	shalt  }
0x62: {  	_ =	shalt  }
0x63: {  	_ =	shalt  }
0x64: {  	_ =	shalt  }
0x65: {  	_ =	shalt  }
0x66: {  	_ =	shalt  }
0x67: {  	_ =	shalt  }
0x68: {  	_ =	shalt  }
0x69: {  	_ =	shalt  }
0x6a: {  	_ =	shalt  }
0x6b: {  	_ =	shalt  }
0x6c: {  	_ =	shalt  }
0x6d: {  	_ =	shalt  }
0x6e: {  	_ =	shalt  }
0x6f: {  	_ =	shalt  }
0x70: {  	_ =	shalt  }
0x71: {  	_ =	shalt  }
0x72: {  	_ =	shalt  }
0x73: {  	_ =	shalt  }
0x74: {  	_ =	shalt  }
0x75: {  	_ =	shalt  }
0x76: {  	_ =	shalt  }
0x77: {  	_ =	shalt  }
0x78: {  	_ =	shalt  }
0x79: {  	_ =	shalt  }
0x7a: {  	_ =	shalt  }
0x7b: {  	_ =	shalt  }
0x7c: {  	_ =	shalt  }
0x7d: {  	_ =	shalt  }
0x7e: {  	_ =	shalt  }
0x7f: {  	_ =	shalt  }
0x80: {  	_ =	shalt  }
0x81: {  	_ =	shalt  }
0x82: {  	_ =	shalt  }
0x83: {  	_ =	shalt  }
0x84: {  	_ =	shalt  }
0x85: {  	_ =	shalt  }
0x86: {  	_ =	shalt  }
0x87: {  	_ =	shalt  }
.Lfunc_end0:
.L_simem_size_0:
called_computation_lowered:
.L_overlay_start_0:
0x88: {  	s2 =	sld [smem:$0x3FD9]  }
0x89: {  	s3 =	sld [smem:$0x3FFE];
	_ =	sdelay $0x1  }
0x8a: {  	s1 =	srdreg.scid  }
0x8b: {  	s0 =	sand.u32 $0x1, s1  }
0x8c: {  	s17 =	sshll.u32 s0, $0xA;
	s2 =	sadd.s32 s3, s2  }
0x8d: {  	s2 =	sadd.s32 s2, s17  }
0x8e: {  	[smem:$0x3FC0] =	sst s2  }
0x8f: {  	_ = 	snop  }
0x90: {  	s2 =	sld [smem:$0x3FD0];
	(tm) =	ssettm $0x1  }
0x91: {  	s18 =	sld [smem:$0x3FFB];
	_ =	sdelay $0x3  }
0x92: {  	_ =	strace s18  }
0x93: {  	s3 =	sld [smem:$0x3FFC];
	_ =	sdelay $0x3  }
0x94: {  	_ =	strace s3  }
0x95: {  	s3 =	sld [smem:$0x3FFD];
	_ =	sdelay $0x3  }
0x96: {  	_ =	strace s3  }
0x97: {  	_ =	strace $0x8FFFFFFF  }
0x98: {  	s19 =	sld [smem:$0x3FDB];
	_ =	sdelay $0x1  }
0x99: {  	s4 =	simm.s32 $_scs_section_size  }
0x9a: {  	s5 =	simm.s32 $_size__tile_overlayer_lowered;
	s6 =	simm.s32 $_tile_overlayer_lowered  }
0x9b: {  	s22 =	simm.s32 $0x1BFF;
	s21 =	sshll.u32 s6, $0x1;
	s3 =	sadd.s32 s4, s19  }
0x9c: {  	s7 =	simm.s32 $0x0;
	s20 =	sshll.u32 s5, $0x1;
	s5 =	sadd.s32 s21, s3  }
0x9d: {  	[timem:s7], [sflag:s22] =	dma.local [hbm:s5], s20  }
0x9e: {  	_ =	swait.ge [sflag:s22], s20  }
0x9f: {  	s4 =	ssub.s32 $0x0, s20;
	[sflag:s22] =	ssyncset.done $0x0  }
0xa0: {  	[sflag:s22] =	ssyncadd.s32 s4;
	_ =	sdelay $0x1  }
0xa1: {  	s23 =	simm.s32 $0x1B8B  }
0xa2: {  	_ =	swait.ge [sflag:s23], $0x1  }
0xa3: {  	[sflag:s23] =	ssyncset.done $0x0  }
0xa4: {  	s25 =	simm.s32 $0x1B8E;
	s24 =	sld [smem:$0x3FFE];
	[sflag:s23] =	ssyncadd.s32 $0xFFFFFFFF  }
0xa5: {  	s26 =	simm.s32 $execute0_lowered;
	[smem:$0x3FD2] =	sst s25  }
0xa6: {  	s5 =	sshll.u32 s26, $0x1;
	_ =	strace $0x80000046;
	[dreg:$0x1] =	wrdreg $0xFFFFFFFF  }
0xa7: {  	s28 =	simm.s32 $_size_execute0_lowered;
	s3 =	sadd.s32 s3, s5;
	[dreg:$0x0] =	wrdreg $0x0  }
0xa8: {  	s5 =	sshll.u32 s28, $0x1;
	[dreg:$0x2] =	wrdreg s3  }
0xa9: {  	[dreg:$0x3] =	wrdreg s5  }
0xaa: {  	[dreg:$0x4] =	wrdreg $0xC0  }
0xab: {  	_ =	task [dreg:s7], $0x5FFFF  }
0xac: {  	[dreg:$0x1] =	wrdreg $0xFFFFFFFF  }
0xad: {  	[dreg:$0x0] =	wrdreg $0x60  }
0xae: {  	[dreg:$0x2] =	wrdreg s2  }
0xaf: {  	[dreg:$0x3] =	wrdreg s24  }
0xb0: {  	[dreg:$0x4] =	wrdreg $0x6C000  }
0xb1: {  	[dreg:$0x5] =	wrdreg $0x9  }
0xb2: {  	_ =	task.clear_ibuf [dreg:s7], $0x6FFFF;
	_ =	strace $0x90000046  }
0xb3: {  	s29 =	simm.s32 $0x9;
	_ =	strace $0x80000048  }
0xb4: {  	_ =	swait.ge [sflag:s29], $0x1  }
0xb5: {  	[sflag:s29] =	ssyncadd.s32 $0xFFFFFFFF  }
0xb6: {  	_ =	strace $0x90000048  }
0xb7: {  	_ =	sfence  }
0xb8: {  	s30 =	sld [smem:$0x0];
	_ =	sdelay $0x2  }
0xb9: {  	s31 =	sshll.u32 s1, $0xD;
	s1 =	sshrl.u32 s1, $0x2  }
0xba: {  	s3 =	sand.u32 $0x4000, s31;
	s1 =	sadd.s32 s1, s30  }
0xbb: {  	s0 =	sor.u32 s3, s0;
	s1 =	sshll.u32 s1, $0x11  }
0xbc: {  	s0 =	sor.u32 s1, s0  }
0xbd: {  	s0 =	sadd.s32 $0x8F2B, s0  }
0xbe: {  	[sflag:s0] =	ssyncadd.remote.s32 $0x1  }
0xbf: {  	_ =	sfence.sel $0xFFFF  }
0xc0: {  	[dreg:$0x0] =	wrdreg $0xFFFFFFFF;
	(pc) =	sbr.abs _section_cstart, $3  }
0xc1: {  	[dreg:$0x1] =	wrdreg $0xFFFFFFFF  }
0xc2: {  	_ =	task.clear_ibuf [dreg:s7], $0x2FFFF;
	_ =	strace $0x9FFFFFFF  }
0xc3: {  	(tm) =	ssettm $0x7FFFFFFF  }
tec
execute0_lowered:
.L_overlay_start_1:
0x0: {  	(tag) =	ssettag $0x1  }
0x1: {  	s6 =	rddreg [dreg:$0x0]  }
0x2: {  	s7 =	rddreg [dreg:$0x1]  }
0x3: {  	s1 =	rddreg [dreg:$0x2];
	s2 =	srdreg.scid  }
0x4: {  	s0 =	rddreg [dreg:$0x3];
	s3 =	simm.s32 $0x0;
	s13 =	simm.s32 $0x50  }
0x5: {  	s14 =	simm.s32 $0x1;
	s8 =	sand.u32 $0x1, s2;
	s2 =	stileid.u32  }
0x6: {  	s15 =	simm.s32 $0x0;
	[smem:$0x7FF] =	sst s3;
	s9 =	smul.u32 $0x13C000, s8  }
0x7: {  	s4 =	sadd.s32 $0x6A00, s7;
	s5 =	sadd.s32 $0x4200, s7;
	s10 =	smul.u32 $0x13C00, s2  }
0x8: {  	_ =	strace $0x80000047;
	s28 =	sshll.u32 s8, $0x4;
	s8 =	ssub.s32 $0x2, s8  }
0x9: {  	s11 =	smul.u32 $0x4F000, s2;
	s31 =	sshll.u32 s2, $0x6;
	s12 =	sshrl.u32 s8, $0x1  }
0xa: {  	s9 =	sadd.s32 s10, s9;
	s10 =	sor.u32 s2, s28;
	s8 =	ssub.s32 s8, s12  }
0xb: {  	s29 =	sshrl.u32 s11, $0x2;
	s11 =	sor.u32 $0x1C02, s31;
	s9 =	sshrl.u32 s9, $0x3  }
0xc: {  	s10 =	smul.u32 $0x880, s10;
	s30 =	sadd.s32 s29, s1;
	s8 =	smax.u32 s8, $0x1  }
0xd: {  	s7 =	sadd.s32 s9, s7;
	s9 =	simm.s32 $0x2;
	s12 =	sshrl.u32 s30, $0x3  }
0xe: {  	s6 =	sadd.s32 s6, s10;
	s7 =	sadd.s32 $0x7000, s7;
	s10 =	simm.s32 $0x4400  }
.LBB2_1:
0xf: {  	[tilespmem:s3], [sflag:$0x2] =	stream.linear.gather [hbm4b:s6+s3], $0x4400, $0x38;
	[tilespmem:$0x9380] =	vst v63  }
0x10: {  	_ =	swait.ge [sflag:s9], $0x4400  }
0x11: {  	[sflag:s9] =	ssyncset.done $0x0  }
0x12: {  	[sflag:s9] =	ssyncadd.s32 $0xFFFFBC00  }
0x13: {  	[tilespmem:s10], [sflag:$0x2] =	stream.linear.gather [hbm4b:s4+s3], $0x2800, $0x38;
	[tilespmem:$0x9380] =	vst v63  }
0x14: {  	_ =	swait.ge [sflag:s9], $0x2800  }
0x15: {  	[sflag:s9] =	ssyncset.done $0x0  }
0x16: {  	[sflag:s9] =	ssyncadd.s32 $0xFFFFD800  }
0x17: {  	[spmem:s12], [sflag:s11] =	dma.local [hbm:s5], $0x2780  }
0x18: {  	_ =	swait.ge [sflag:s9], $0x2780  }
0x19: {  	[sflag:s9] =	ssyncset.done $0x0  }
0x1a: {  	p0 =	por $0x1, $0x1;
	[sflag:s9] =	ssyncadd.s32 $0xFFFFD880  }
0x1b: {  	s18 =	simm.s32 @!p0 $0x1;
	[bflag:$0x0] =	sbarrier.arrive $0xFFFF  }
0x1c: {  	[spmem:s1] =	stream.indirect.scatter.add.f32 [tilespmem:s10], [sflag:$0x1], $0x10, s3, s13, $0xb8;
	[tilespmem:$0x9380] =	vst v63  }
0x1d: {  	_ =	swait.ge @!p0 [sflag:s18], $0x500  }
0x1e: {  	s16 =	simm.s32 $0x1;
	s17 =	simm.s32 $0x0;
	[sflag:s18] =	ssyncset.done @!p0 $0x0  }
.LBB2_2:
0x1f: {  	[sflag:s18] =	ssyncadd.s32 @!p0 $0xFFFFFB00  }
0x20: {  	s17 =	sadd.s32 $0x80, s17;
	s18 =	smov.u32 s16;
	s16 =	sadd.s32 $0x1, s16  }
0x21: {  	p1 =	sne.s32 s16, $0x88  }
0x22: {  	[spmem:s1] =	stream.indirect.scatter.add.f32 [tilespmem:s10], [sflag:$0x1], $0x10, s17, s13, $0xb8;
	[tilespmem:$0x9380] =	vst v63  }
.Ltmp0:
0x23: {  	_ = 	snop;
	(pc) =	sbr.rel @p1 .LBB2_2-.Ltmp0, $4  }
0x24: {  	p0 =	slt.u32 s18, $0x8  }
0x25: {  	s18 =	simm.s32 @!p0 $0x1  }
0x26: {  	_ =	swait.ge @!p0 [sflag:s18], $0x500  }
0x27: {  	[sflag:s18] =	ssyncset.done @!p0 $0x0  }
0x28: {  	[sflag:s18] =	ssyncadd.s32 @!p0 $0xFFFFFB00  }
0x29: {  	_ =	swait.ge [sflag:s14], $0x500  }
0x2a: {  	[sflag:s14] =	ssyncset.done $0x0  }
0x2b: {  	[sflag:s14] =	ssyncadd.s32 $0xFFFFFB00  }
0x2c: {  	_ =	swait.ge [sflag:s14], $0x500  }
0x2d: {  	[sflag:s14] =	ssyncset.done $0x0  }
0x2e: {  	[sflag:s14] =	ssyncadd.s32 $0xFFFFFB00  }
0x2f: {  	_ =	swait.ge [sflag:s14], $0x500  }
0x30: {  	[sflag:s14] =	ssyncset.done $0x0  }
0x31: {  	[sflag:s14] =	ssyncadd.s32 $0xFFFFFB00  }
0x32: {  	_ =	swait.ge [sflag:s14], $0x500  }
0x33: {  	[sflag:s14] =	ssyncset.done $0x0  }
0x34: {  	[sflag:s14] =	ssyncadd.s32 $0xFFFFFB00  }
0x35: {  	_ =	swait.ge [sflag:s14], $0x500  }
0x36: {  	[sflag:s14] =	ssyncset.done $0x0  }
0x37: {  	[sflag:s14] =	ssyncadd.s32 $0xFFFFFB00  }
0x38: {  	_ =	swait.ge [sflag:s14], $0x500  }
0x39: {  	[sflag:s14] =	ssyncset.done $0x0  }
0x3a: {  	[sflag:s14] =	ssyncadd.s32 $0xFFFFFB00  }
0x3b: {  	_ =	swait.ge [sflag:s14], $0x500  }
0x3c: {  	[sflag:s14] =	ssyncset.done $0x0  }
0x3d: {  	[sflag:s14] =	ssyncadd.s32 $0xFFFFFB00  }
0x3e: {  	_ =	swait.ge [sflag:s14], $0x500  }
0x3f: {  	s15 =	sadd.s32 $0x1, s15;
	[sflag:s14] =	ssyncset.done $0x0  }
0x40: {  	p0 =	sne.s32 s15, s8;
	[sflag:s14] =	ssyncadd.s32 $0xFFFFFB00  }
.Ltmp1:
0x41: {  	[bflag:$0x0] =	sbarrier.arrive $0xFFFF;
	(pc) =	sbr.rel @p0 .LBB2_1-.Ltmp1, $4  }
0x42: {  	[hbm:s7], [sflag:s11] =	dma.local [spmem:s12], $0x2780  }
0x43: {  	_ =	swait.ge [sflag:s9], $0x2780  }
0x44: {  	[sflag:s9] =	ssyncset.done $0x0  }
0x45: {  	[sflag:s9] =	ssyncadd.s32 $0xFFFFD880  }
0x46: {  	_ =	sfence.sel $0x180000  }
0x47: {  	[bflag:$0x0] =	sbarrier.arrive $0xFFFF  }
0x48: {  	p0 =	sne.s32 s2, $0x0;
	_ =	strace $0x90000047  }
0x49: {  	s0 =	sadd.s32 @!p0 $0x100000, s0;
	[bflag:$0x2] =	sbarrier.arrive $0xFFFF  }
0x4a: {  	[sflag:s0] =	ssyncadd.tile.s32 @!p0 $0x1;
	_ =	shalt  }
.Lfunc_end2:
_tile_overlayer_lowered:
.L_overlay_start_2:
0x4b: {  	(tag) =	ssettag $0x2  }
0x4c: {  	s0 =	rddreg [dreg:$0x0];
	s2 =	stileid.u32  }
0x4d: {  	s1 =	rddreg [dreg:$0x1];
	p0 =	sne.s32 s2, $0x0  }
0x4e: {  	s3 =	rddreg [dreg:$0x2];
	[bflag:$0x3] =	sbarrier.arrive $0xFFFF;
	s2 =	simm.s32 @!p0 $0x1C02  }
0x4f: {  	[timem:s3], [sflag:s2] =	dma.local @!p0 [hbm:s0], s1  }
0x50: {  	s0 =	simm.s32 @!p0 $0x2  }
0x51: {  	_ =	swait.ge @!p0 [sflag:s0], s1  }
0x52: {  	s1 =	ssub.s32 @!p0 $0x0, s1;
	[sflag:s0] =	ssyncset.done @!p0 $0x0  }
0x53: {  	[sflag:s0] =	ssyncadd.s32 @!p0 s1  }
0x54: {  	[bflag:$0x3] =	sbarrier.arrive $0xFFFF  }
0x55: {  	_ =	shalt  }

// kernel: kernel.17.cloned.1.call-start
scs
__scs_entry_jumppad:
0x0: {  	(pc) =	sbr.rel $0x88, $3  }
0x1: {  	(tag) =	ssettag $0x0;
	lr =	simm.s32 $0x1  }
0x2: {  	[smem:$0x3F99] =	sst lr;
	_ =	strace $0xD0000000  }
0x3: {  	_ = 	snop  }
0x4: {  	_ = 	snop  }
0x5: {  	_ = 	snop  }
0x6: {  	_ = 	snop  }
0x7: {  	_ = 	snop  }
__scs_overlays_trampoline_lowered:
0x8: {  	[smem:$0x3FA8] =	sst s0  }
0x9: {  	[smem:$0x3FA9] =	sst s1  }
0xa: {  	[smem:$0x3FAA] =	sst s2  }
0xb: {  	[smem:$0x3FAB] =	sst s3  }
0xc: {  	[smem:$0x3FAC] =	sst s4  }
0xd: {  	[smem:$0x3FAD] =	sst s5  }
0xe: {  	[smem:$0x3FAE] =	sst s6  }
0xf: {  	[smem:$0x3FAF] =	sst s7  }
0x10: {  	[smem:$0x3FB0] =	sst s8  }
0x11: {  	[smem:$0x3FB1] =	sst s9;
	s0 =	simm.s32 @!p0 $0x0  }
0x12: {  	s1 =	sld [smem:$0x3F97];
	s0 =	simm.s32 @p0 $0x1  }
0x13: {  	[smem:$0x3FB2] =	sst s0;
	s0 =	simm.s32 @!p1 $0x0  }
0x14: {  	s2 =	sld [smem:$0x3F96];
	s0 =	simm.s32 @p1 $0x1  }
0x15: {  	[smem:$0x3FB3] =	sst s0;
	s0 =	simm.s32 @!p2 $0x0  }
0x16: {  	s3 =	sld [smem:$0x3FDB];
	s0 =	simm.s32 @p2 $0x1  }
0x17: {  	s4 =	simm.s32 $0x1BF5;
	[smem:$0x3FB5] =	sst s0  }
0x18: {  	s0 =	sld [smem:$0x3F98];
	_ =	swait.ge [sflag:s4], $0x0  }
0x19: {  	s7 =	sld [smem:$0x3F99]  }
0x1a: {  	s8 =	sadd.s32 $0xFFFFE003, lr  }
0x1b: {  	s9 =	sadd.s32 $0xFFFFFEF7, lr;
	s5 =	simm.s32 $0xFFFFFFFF;
	p2 =	slt.u32 s8, $0xFFFFF086  }
0x1c: {  	p1 =	slt.u32 s9, $0xF7A;
	s5 =	simm.s32 @!p2 $0x0  }
0x1d: {  	s5 =	simm.s32 @p1 $0x1;
	p0 =	seq.s32 s7, s2  }
0x1e: {  	s7 =	smul.u32 @!p0 $0xF7A, s2;
	p2 =	seq.s32 @!p0 s5, $0x0  }
0x1f: {  	s9 =	smul.u32 $0xF7A, s1;
	s8 =	simm.s32 @!p0 $0x1BF5;
	p2 =	por !p2, p0  }
0x20: {  	[sflag:s8] =	ssyncset.s32 @!p0 $0xFFFFF086;
	s6 =	sadd.s32 @!p0 s3, s7;
	s7 =	simm.s32 @!p0 $0x108  }
0x21: {  	s3 =	sadd.s32 s3, s9;
	s6 =	sadd.s32 @!p0 $0x88, s6;
	s7 =	simm.s32 @p2 $0x1082  }
0x22: {  	[simem:s7], [sflag:s8] =	dma.local @!p0 [hbm:s6], $0xF7A  }
0x23: {  	s9 =	sor.u32 $0xD0000000, s2;
	s6 =	simm.s32 $0x108;
	_ =	swait.ge @!p0 [sflag:s8], $0x0  }
0x24: {  	s3 =	sadd.s32 $0x88, s3;
	s6 =	simm.s32 @!p1 $0x1082;
	[sflag:s4] =	ssyncset.s32 $0xFFFFF086  }
0x25: {  	[simem:s6], [sflag:s4] =	dma.local [hbm:s3], $0xF7A  }
0x26: {  	[smem:$0x3F99] =	sst s1;
	(tag) =	ssettag s2;
	_ =	strace s9  }
0x27: {  	s1 =	sld [smem:$0x3FA9]  }
0x28: {  	s2 =	sld [smem:$0x3FAA]  }
0x29: {  	s4 =	sld [smem:$0x3FAC]  }
0x2a: {  	p0 =	seq.s32 s5, $0x0;
	s5 =	sld [smem:$0x3FAD]  }
0x2b: {  	s6 =	sld [smem:$0x3FAE]  }
0x2c: {  	s7 =	sld [smem:$0x3FAF]  }
0x2d: {  	s3 =	simm.s32 $0x108;
	s8 =	sld [smem:$0x3FB0]  }
0x2e: {  	s3 =	simm.s32 @!p0 $0x1082;
	s9 =	sld [smem:$0x3FB1]  }
0x2f: {  	lr =	sadd.s32 s0, s3;
	s0 =	sld [smem:$0x3FA8]  }
0x30: {  	s3 =	sld [smem:$0x3FAB]  }
0x31: {  	[smem:$0x3FB4] =	sst s10  }
0x32: {  	s10 =	sld [smem:$0x3FB2];
	_ =	sdelay $0x3  }
0x33: {  	p0 =	seq.s32 s10, $0x1;
	s10 =	sld [smem:$0x3FB4];
	_ =	sdelay $0x3  }
0x34: {  	[smem:$0x3FB4] =	sst s10  }
0x35: {  	s10 =	sld [smem:$0x3FB3];
	_ =	sdelay $0x3  }
0x36: {  	p1 =	seq.s32 s10, $0x1;
	s10 =	sld [smem:$0x3FB4];
	_ =	sdelay $0x3  }
0x37: {  	[smem:$0x3FB4] =	sst s10  }
0x38: {  	s10 =	sld [smem:$0x3FB5]  }
0x39: {  	_ = 	snop;
	(pc) =	sbr.ind lr, $3  }
0x3a: {  	_ = 	snop  }
0x3b: {  	_ = 	snop  }
0x3c: {  	p2 =	seq.s32 s10, $0x1;
	s10 =	sld [smem:$0x3FB4]  }
0x3d: {  	_ =	shalt  }
0x3e: {  	_ =	shalt  }
0x3f: {  	_ =	shalt  }
0x40: {  	_ =	shalt  }
0x41: {  	_ =	shalt  }
0x42: {  	_ =	shalt  }
0x43: {  	_ =	shalt  }
0x44: {  	_ =	shalt  }
0x45: {  	_ =	shalt  }
0x46: {  	_ =	shalt  }
0x47: {  	_ =	shalt  }
0x48: {  	_ =	shalt  }
0x49: {  	_ =	shalt  }
0x4a: {  	_ =	shalt  }
0x4b: {  	_ =	shalt  }
0x4c: {  	_ =	shalt  }
0x4d: {  	_ =	shalt  }
0x4e: {  	_ =	shalt  }
0x4f: {  	_ =	shalt  }
0x50: {  	_ =	shalt  }
0x51: {  	_ =	shalt  }
0x52: {  	_ =	shalt  }
0x53: {  	_ =	shalt  }
0x54: {  	_ =	shalt  }
0x55: {  	_ =	shalt  }
0x56: {  	_ =	shalt  }
0x57: {  	_ =	shalt  }
0x58: {  	_ =	shalt  }
0x59: {  	_ =	shalt  }
0x5a: {  	_ =	shalt  }
0x5b: {  	_ =	shalt  }
0x5c: {  	_ =	shalt  }
0x5d: {  	_ =	shalt  }
0x5e: {  	_ =	shalt  }
0x5f: {  	_ =	shalt  }
0x60: {  	_ =	shalt  }
0x61: {  	_ =	shalt  }
0x62: {  	_ =	shalt  }
0x63: {  	_ =	shalt  }
0x64: {  	_ =	shalt  }
0x65: {  	_ =	shalt  }
0x66: {  	_ =	shalt  }
0x67: {  	_ =	shalt  }
0x68: {  	_ =	shalt  }
0x69: {  	_ =	shalt  }
0x6a: {  	_ =	shalt  }
0x6b: {  	_ =	shalt  }
0x6c: {  	_ =	shalt  }
0x6d: {  	_ =	shalt  }
0x6e: {  	_ =	shalt  }
0x6f: {  	_ =	shalt  }
0x70: {  	_ =	shalt  }
0x71: {  	_ =	shalt  }
0x72: {  	_ =	shalt  }
0x73: {  	_ =	shalt  }
0x74: {  	_ =	shalt  }
0x75: {  	_ =	shalt  }
0x76: {  	_ =	shalt  }
0x77: {  	_ =	shalt  }
0x78: {  	_ =	shalt  }
0x79: {  	_ =	shalt  }
0x7a: {  	_ =	shalt  }
0x7b: {  	_ =	shalt  }
0x7c: {  	_ =	shalt  }
0x7d: {  	_ =	shalt  }
0x7e: {  	_ =	shalt  }
0x7f: {  	_ =	shalt  }
0x80: {  	_ =	shalt  }
0x81: {  	_ =	shalt  }
0x82: {  	_ =	shalt  }
0x83: {  	_ =	shalt  }
0x84: {  	_ =	shalt  }
0x85: {  	_ =	shalt  }
0x86: {  	_ =	shalt  }
0x87: {  	_ =	shalt  }
.Lfunc_end0:
.L_simem_size_0:
called_computation.1_lowered:
.L_overlay_start_0:
0x88: {  	s2 =	sld [smem:$0x3FD9]  }
0x89: {  	s3 =	sld [smem:$0x3FFE];
	_ =	sdelay $0x1  }
0x8a: {  	s1 =	srdreg.scid  }
0x8b: {  	s0 =	sand.u32 $0x1, s1  }
0x8c: {  	s17 =	sshll.u32 s0, $0xA;
	s2 =	sadd.s32 s3, s2  }
0x8d: {  	s2 =	sadd.s32 s2, s17  }
0x8e: {  	[smem:$0x3FC0] =	sst s2  }
0x8f: {  	_ = 	snop  }
0x90: {  	s2 =	sld [smem:$0x3FD0];
	(tm) =	ssettm $0x1  }
0x91: {  	s18 =	sld [smem:$0x3FFB];
	_ =	sdelay $0x3  }
0x92: {  	_ =	strace s18  }
0x93: {  	s3 =	sld [smem:$0x3FFC];
	_ =	sdelay $0x3  }
0x94: {  	_ =	strace s3  }
0x95: {  	s3 =	sld [smem:$0x3FFD];
	_ =	sdelay $0x3  }
0x96: {  	_ =	strace s3  }
0x97: {  	_ =	strace $0x8FFFFFFF  }
0x98: {  	s19 =	sld [smem:$0x3FDB];
	_ =	sdelay $0x1  }
0x99: {  	s4 =	simm.s32 $_scs_section_size  }
0x9a: {  	s5 =	simm.s32 $_size__tile_overlayer_lowered;
	s6 =	simm.s32 $_tile_overlayer_lowered  }
0x9b: {  	s22 =	simm.s32 $0x1BFF;
	s21 =	sshll.u32 s6, $0x1;
	s3 =	sadd.s32 s4, s19  }
0x9c: {  	s7 =	simm.s32 $0x0;
	s20 =	sshll.u32 s5, $0x1;
	s5 =	sadd.s32 s21, s3  }
0x9d: {  	[timem:s7], [sflag:s22] =	dma.local [hbm:s5], s20  }
0x9e: {  	_ =	swait.ge [sflag:s22], s20  }
0x9f: {  	s4 =	ssub.s32 $0x0, s20;
	[sflag:s22] =	ssyncset.done $0x0  }
0xa0: {  	[sflag:s22] =	ssyncadd.s32 s4;
	_ =	sdelay $0x1  }
0xa1: {  	s23 =	simm.s32 $0x1B8B  }
0xa2: {  	_ =	swait.ge [sflag:s23], $0x1  }
0xa3: {  	[sflag:s23] =	ssyncset.done $0x0  }
0xa4: {  	s25 =	simm.s32 $0x1B8E;
	s24 =	sld [smem:$0x3FFE];
	[sflag:s23] =	ssyncadd.s32 $0xFFFFFFFF  }
0xa5: {  	s26 =	simm.s32 $execute0_lowered;
	[smem:$0x3FD2] =	sst s25  }
0xa6: {  	s5 =	sshll.u32 s26, $0x1;
	_ =	strace $0x80000049;
	[dreg:$0x1] =	wrdreg $0xFFFFFFFF  }
0xa7: {  	s28 =	simm.s32 $_size_execute0_lowered;
	s3 =	sadd.s32 s3, s5;
	[dreg:$0x0] =	wrdreg $0x0  }
0xa8: {  	s5 =	sshll.u32 s28, $0x1;
	[dreg:$0x2] =	wrdreg s3  }
0xa9: {  	[dreg:$0x3] =	wrdreg s5  }
0xaa: {  	[dreg:$0x4] =	wrdreg $0xC0  }
0xab: {  	_ =	task [dreg:s7], $0x5FFFF  }
0xac: {  	[dreg:$0x1] =	wrdreg $0xFFFFFFFF  }
0xad: {  	[dreg:$0x0] =	wrdreg $0x60  }
0xae: {  	[dreg:$0x2] =	wrdreg s24  }
0xaf: {  	[dreg:$0x3] =	wrdreg s2  }
0xb0: {  	[dreg:$0x4] =	wrdreg $0xB0000  }
0xb1: {  	[dreg:$0x5] =	wrdreg $0x9  }
0xb2: {  	_ =	task.clear_ibuf [dreg:s7], $0x6FFFF;
	_ =	strace $0x90000049  }
0xb3: {  	s29 =	simm.s32 $0x9;
	_ =	strace $0x8000004B  }
0xb4: {  	_ =	swait.ge [sflag:s29], $0x1  }
0xb5: {  	[sflag:s29] =	ssyncadd.s32 $0xFFFFFFFF  }
0xb6: {  	_ =	strace $0x9000004B  }
0xb7: {  	_ =	sfence  }
0xb8: {  	s30 =	sld [smem:$0x0];
	_ =	sdelay $0x2  }
0xb9: {  	s31 =	sshll.u32 s1, $0xD;
	s1 =	sshrl.u32 s1, $0x2  }
0xba: {  	s3 =	sand.u32 $0x4000, s31;
	s1 =	sadd.s32 s1, s30  }
0xbb: {  	s0 =	sor.u32 s3, s0;
	s1 =	sshll.u32 s1, $0x11  }
0xbc: {  	s0 =	sor.u32 s1, s0  }
0xbd: {  	s0 =	sadd.s32 $0x8F2B, s0  }
0xbe: {  	[sflag:s0] =	ssyncadd.remote.s32 $0x1  }
0xbf: {  	_ =	sfence.sel $0xFFFF  }
0xc0: {  	[dreg:$0x0] =	wrdreg $0xFFFFFFFF;
	(pc) =	sbr.abs _section_cstart, $3  }
0xc1: {  	[dreg:$0x1] =	wrdreg $0xFFFFFFFF  }
0xc2: {  	_ =	task.clear_ibuf [dreg:s7], $0x2FFFF;
	_ =	strace $0x9FFFFFFF  }
0xc3: {  	(tm) =	ssettm $0x7FFFFFFF  }
tec
execute0_lowered:
.L_overlay_start_1:
0x0: {  	(tag) =	ssettag $0x1  }
0x1: {  	s0 =	rddreg [dreg:$0x0]  }
0x2: {  	s1 =	rddreg [dreg:$0x1]  }
0x3: {  	s2 =	rddreg [dreg:$0x2]  }
0x4: {  	s3 =	srdreg.scid;
	s4 =	simm.s32 $0x0;
	s10 =	stileid.u32  }
0x5: {  	s15 =	simm.s32 $0xA;
	s29 =	simm.s32 $0x8800;
	s30 =	simm.s32 $0x1  }
0x6: {  	s31 =	simm.s32 $0x2;
	s16 =	simm.s32 $0x5;
	s17 =	simm.s32 $0x6  }
0x7: {  	s3 =	sand.u32 $0x1, s3;
	[smem:$0x7FF] =	sst s4;
	s8 =	smul.u32 $0x13C00, s10  }
0x8: {  	s5 =	sadd.s32 $0x4200, s0;
	s6 =	sadd.s32 $0x56000, s0;
	s13 =	smul.u32 $0x4F000, s10  }
0x9: {  	s20 =	sadd.s32 $0x2B400, s0;
	s28 =	sshll.u32 s10, $0x6;
	s7 =	smul.u32 $0x13C000, s3  }
0xa: {  	_ =	strace $0x8000004A;
	s9 =	sshll.u32 s3, $0x4;
	s3 =	ssub.s32 $0x2, s3  }
0xb: {  	[dreg:$0x4] =	wrdreg s20;
	s18 =	sor.u32 s10, s9;
	s21 =	sshrl.u32 s3, $0x1  }
0xc: {  	s26 =	sshrl.u32 s13, $0x2;
	s7 =	sadd.s32 s8, s7;
	s3 =	ssub.s32 s3, s21  }
0xd: {  	s21 =	simm.s32 $0x50;
	s19 =	sshrl.u32 s7, $0x3;
	s7 =	smul.u32 $0x4400, s18  }
0xe: {  	s14 =	smax.u32 s3, $0x1;
	s3 =	simm.s32 $0x4;
	s18 =	simm.s32 $0x7  }
0xf: {  	s0 =	sadd.s32 s19, s0;
	s19 =	sor.u32 $0x1C0A, s28;
	s22 =	sshrl.u32 s7, $0x3  }
0x10: {  	s13 =	sadd.s32 $0x67000, s0;
	s0 =	simm.s32 $0x3;
	s23 =	sadd.s32 s6, s22  }
0x11: {  	s24 =	sadd.s32 s1, s22;
	s8 =	sadd.s32 $0x80, s22;
	[dreg:$0x5] =	wrdreg s23  }
0x12: {  	s22 =	simm.s32 $0x1000;
	[dreg:$0x6] =	wrdreg s24;
	s25 =	sadd.s32 s6, s8  }
0x13: {  	s8 =	sadd.s32 s1, s8;
	s24 =	simm.s32 $0x3800;
	[dreg:$0x7] =	wrdreg s25  }
0x14: {  	s23 =	simm.s32 $0x8;
	[dreg:$0x8] =	wrdreg s8;
	s8 =	sadd.s32 s26, s2  }
0x15: {  	s26 =	simm.s32 $0x6000;
	s25 =	simm.s32 $0x0;
	s20 =	sshrl.u32 s8, $0x3  }
.LBB2_1:
0x16: {  	s8 =	rddreg [dreg:$0x5]  }
0x17: {  	[tilespmem:s4], [sflag:$0xA] =	stream.linear.gather [hbm4b:s8+s4], $0x400, $0x38;
	[tilespmem:$0x1EC00] =	vst v63  }
0x18: {  	_ =	swait.ge [sflag:s15], $0x400  }
0x19: {  	[sflag:s15] =	ssyncset.done $0x0  }
0x1a: {  	s9 =	simm.s32 $0x800;
	s12 =	rddreg [dreg:$0x6];
	[sflag:s15] =	ssyncadd.s32 $0xFFFFFC00  }
0x1b: {  	[tilespmem:s9], [sflag:$0xA] =	stream.linear.gather [hbm4b:s12+s4], $0x400, $0x38;
	[tilespmem:$0x1EC00] =	vst v63  }
0x1c: {  	_ =	swait.ge [sflag:s15], $0x400  }
0x1d: {  	[sflag:s15] =	ssyncset.done $0x0;
	s9 =	rddreg [dreg:$0x7]  }
0x1e: {  	s10 =	simm.s32 $0x400;
	s11 =	rddreg [dreg:$0x8];
	[sflag:s15] =	ssyncadd.s32 $0xFFFFFC00  }
0x1f: {  	[tilespmem:s10], [sflag:$0x9] =	stream.linear.gather [hbm4b:s9+s4], $0x400, $0x38;
	[tilespmem:$0x1EC00] =	vst v63  }
0x20: {  	s12 =	simm.s32 $0xC00;
	s9 =	rddreg [dreg:$0x4]  }
0x21: {  	[tilespmem:s12], [sflag:$0x9] =	stream.linear.gather [hbm4b:s11+s4], $0x400, $0x38;
	[tilespmem:$0x1EC00] =	vst v63  }
0x22: {  	[spmem:s20], [sflag:s19] =	dma.local [hbm:s9], $0x2780  }
0x23: {  	_ =	swait.ge [sflag:s15], $0x2780  }
0x24: {  	[sflag:s15] =	ssyncset.done $0x0  }
0x25: {  	[sflag:s15] =	ssyncadd.s32 $0xFFFFD880  }
0x26: {  	[bflag:$0x0] =	sbarrier.arrive $0xFFFF  }
0x27: {  	[tilespmem:s22], [sflag:$0x1] =	stream.indirect.gather [hbm4b:s5+s21], $0x80, s4, s21, $0xb8;
	[tilespmem:$0x1EC00] =	vst v63  }
0x28: {  	s10 =	simm.s32 $0x80  }
0x29: {  	[tilespmem:s24], [sflag:$0x2] =	stream.indirect.gather [hbm4b:s5+s21], $0x80, s10, s21, $0xb8;
	[tilespmem:$0x1EC00] =	vst v63  }
0x2a: {  	s11 =	simm.s32 $0x100  }
0x2b: {  	[tilespmem:s26], [sflag:$0x3] =	stream.indirect.gather [hbm4b:s5+s21], $0x80, s11, s21, $0xb8;
	[tilespmem:$0x1EC00] =	vst v63  }
0x2c: {  	s28 =	simm.s32 $0x380;
	s8 =	simm.s32 $0x0;
	s12 =	simm.s32 $0x180  }
0x2d: {  	[tilespmem:s29], [sflag:$0x4] =	stream.indirect.gather [hbm4b:s5+s21], $0x80, s12, s21, $0xb8;
	[tilespmem:$0x1EC00] =	vst v63  }
.LBB2_2:
0x2e: {  	s9 =	sand.u32 $0x21, s8  }
0x2f: {  	s10 =	sshrl.u32 s8, $0x1;
	p0 =	sne.s32 s9, $0x1  }
0x30: {  	p1 =	seq.s32 @p0 s10, $0x0  }
0x31: {  	p2 =	por p1, !p0  }
0x32: {  	p2 =	sne.s32 @!p2 s9, $0x0  }
0x33: {  	p1 =	por @p0 p2, p1  }
0x34: {  	p1 =	por p1, !p0  }
0x35: {  	s9 =	sshll.u32 @!p1 s10, $0xA  }
0x36: {  	s9 =	sadd.s32 @!p1 $0x400, s9  }
0x37: {  	s10 =	sadd.s32 @!p1 s7, s9  }
0x38: {  	s10 =	sshrl.u32 @!p1 s10, $0x3  }
0x39: {  	s12 =	simm.s32 @!p1 $0x0;
	s9 =	sand.u32 @!p1 $0x400, s9;
	s11 =	sadd.s32 @!p1 s6, s10  }
0x3a: {  	[tilespmem:s9], [sflag:$0x9] =	stream.linear.gather @!p1 [hbm4b:s11+s12], $0x400, $0x38;
	[tilespmem:$0x1EC00] =	vst v63  }
0x3b: {  	s10 =	sadd.s32 @!p1 s1, s10;
	s9 =	sor.u32 @!p1 $0x800, s9  }
0x3c: {  	[tilespmem:s9], [sflag:$0x9] =	stream.linear.gather @!p1 [hbm4b:s10+s12], $0x400, $0x38;
	[tilespmem:$0x1EC00] =	vst v63  }
0x3d: {  	s9 =	simm.s32 @!p0 $0x9  }
0x3e: {  	_ =	swait.ge @!p0 [sflag:s9], $0x400  }
0x3f: {  	[sflag:s9] =	ssyncset.done @!p0 $0x0  }
0x40: {  	[sflag:s9] =	ssyncadd.s32 @!p0 $0xFFFFFC00  }
0x41: {  	_ =	swait.ge @!p0 [sflag:s9], $0x400  }
0x42: {  	[sflag:s9] =	ssyncset.done @!p0 $0x0  }
0x43: {  	[sflag:s9] =	ssyncadd.s32 @!p0 $0xFFFFFC00  }
0x44: {  	s11 =	sadd.s32 $0xFFFFFC80, s28;
	_ =	swait.ge [sflag:s30], $0x2800  }
0x45: {  	s9 =	sand.u32 $0x600, s11;
	[sflag:s30] =	ssyncset.done $0x0  }
0x46: {  	s12 =	sor.u32 $0x800, s9;
	[sflag:s30] =	ssyncadd.s32 $0xFFFFD800  }
0x47: {  	[spmem:s2] =	stream.indirect.scatter.add.f32 [tilespmem:s22], [sflag:$0x5], $0x80, s12, s21, $0xb8;
	[tilespmem:$0x1EC00] =	vst v63  }
0x48: {  	_ =	swait.ge [sflag:s31], $0x2800  }
0x49: {  	[sflag:s31] =	ssyncset.done $0x0  }
0x4a: {  	s11 =	sor.u32 $0x880, s9;
	[sflag:s31] =	ssyncadd.s32 $0xFFFFD800  }
0x4b: {  	[spmem:s2] =	stream.indirect.scatter.add.f32 [tilespmem:s24], [sflag:$0x6], $0x80, s11, s21, $0xb8;
	[tilespmem:$0x1EC00] =	vst v63  }
0x4c: {  	_ =	swait.ge [sflag:s0], $0x2800  }
0x4d: {  	[sflag:s0] =	ssyncset.done $0x0  }
0x4e: {  	s12 =	sor.u32 $0x900, s9;
	[sflag:s0] =	ssyncadd.s32 $0xFFFFD800  }
0x4f: {  	[spmem:s2] =	stream.indirect.scatter.add.f32 [tilespmem:s26], [sflag:$0x7], $0x80, s12, s21, $0xb8;
	[tilespmem:$0x1EC00] =	vst v63  }
0x50: {  	_ =	swait.ge [sflag:s3], $0x2800  }
0x51: {  	[sflag:s3] =	ssyncset.done $0x0  }
0x52: {  	p0 =	seq.s32 s28, $0x4580;
	s9 =	sor.u32 $0x980, s9;
	[sflag:s3] =	ssyncadd.s32 $0xFFFFD800  }
0x53: {  	[spmem:s2] =	stream.indirect.scatter.add.f32 [tilespmem:s29], [sflag:$0x8], $0x80, s9, s21, $0xb8;
	[tilespmem:$0x1EC00] =	vst v63  }
0x54: {  	s9 =	simm.s32 @!p0 $0x5  }
0x55: {  	_ =	swait.ge @!p0 [sflag:s9], $0x2800  }
0x56: {  	[sflag:s9] =	ssyncset.done @!p0 $0x0  }
0x57: {  	[sflag:s9] =	ssyncadd.s32 @!p0 $0xFFFFD800;
	s9 =	sadd.s32 @!p0 $0xFFFFFE80, s28  }
0x58: {  	s10 =	simm.s32 @!p0 $0x50;
	s11 =	simm.s32 @!p0 $0x1000;
	s9 =	sand.u32 @!p0 $0x600, s9  }
0x59: {  	[tilespmem:s11], [sflag:$0x1] =	stream.indirect.gather @!p0 [hbm4b:s5+s10], $0x80, s9, s10, $0xb8;
	[tilespmem:$0x1EC00] =	vst v63  }
0x5a: {  	s9 =	simm.s32 @!p0 $0x6  }
0x5b: {  	_ =	swait.ge @!p0 [sflag:s9], $0x2800  }
0x5c: {  	s11 =	sadd.s32 @!p0 $0xFFFFFF00, s28;
	[sflag:s9] =	ssyncset.done @!p0 $0x0  }
0x5d: {  	[sflag:s9] =	ssyncadd.s32 @!p0 $0xFFFFD800;
	s9 =	sand.u32 @!p0 $0x680, s11;
	s11 =	simm.s32 @!p0 $0x3800  }
0x5e: {  	[tilespmem:s11], [sflag:$0x2] =	stream.indirect.gather @!p0 [hbm4b:s5+s10], $0x80, s9, s10, $0xb8;
	[tilespmem:$0x1EC00] =	vst v63  }
0x5f: {  	s9 =	simm.s32 @!p0 $0x7  }
0x60: {  	_ =	swait.ge @!p0 [sflag:s9], $0x2800  }
0x61: {  	s11 =	sadd.s32 @!p0 $0xFFFFFF80, s28;
	[sflag:s9] =	ssyncset.done @!p0 $0x0  }
0x62: {  	[sflag:s9] =	ssyncadd.s32 @!p0 $0xFFFFD800;
	s9 =	sand.u32 @!p0 $0x700, s11;
	s11 =	simm.s32 @!p0 $0x6000  }
0x63: {  	[tilespmem:s11], [sflag:$0x3] =	stream.indirect.gather @!p0 [hbm4b:s5+s10], $0x80, s9, s10, $0xb8;
	[tilespmem:$0x1EC00] =	vst v63  }
0x64: {  	s11 =	sand.u32 @!p0 $0x780, s28;
	s28 =	sadd.s32 @!p0 $0x200, s28  }
0x65: {  	p1 =	sne.s32 @!p0 s28, $0x4780  }
0x66: {  	p1 =	por p0, !p1  }
.Ltmp0:
0x67: {  	s9 =	simm.s32 @!p0 $0x8;
	(pc) =	sbr.rel @!p1 .LBB2_2-.Ltmp0, $4  }
0x68: {  	_ =	swait.ge @!p0 [sflag:s9], $0x2800  }
0x69: {  	[sflag:s9] =	ssyncset.done @!p0 $0x0  }
0x6a: {  	s8 =	sadd.s32 @!p0 $0x1, s8;
	[sflag:s9] =	ssyncadd.s32 @!p0 $0xFFFFD800;
	s9 =	simm.s32 @!p0 $0x8800  }
0x6b: {  	[tilespmem:s9], [sflag:$0x4] =	stream.indirect.gather @!p0 [hbm4b:s5+s10], $0x80, s11, s10, $0xb8;
	[tilespmem:$0x1EC00] =	vst v63  }
0x6c: {  	_ =	swait.ge [sflag:s16], $0x2800  }
0x6d: {  	[sflag:s16] =	ssyncset.done $0x0  }
0x6e: {  	[sflag:s16] =	ssyncadd.s32 $0xFFFFD800  }
0x6f: {  	_ =	swait.ge [sflag:s17], $0x2800  }
0x70: {  	[sflag:s17] =	ssyncset.done $0x0  }
0x71: {  	[sflag:s17] =	ssyncadd.s32 $0xFFFFD800  }
0x72: {  	_ =	swait.ge [sflag:s18], $0x2800  }
0x73: {  	[sflag:s18] =	ssyncset.done $0x0  }
0x74: {  	[sflag:s18] =	ssyncadd.s32 $0xFFFFD800  }
0x75: {  	_ =	swait.ge [sflag:s23], $0x2800  }
0x76: {  	s25 =	sadd.s32 $0x1, s25;
	[sflag:s23] =	ssyncset.done $0x0  }
0x77: {  	p0 =	sne.s32 s25, s14;
	[sflag:s23] =	ssyncadd.s32 $0xFFFFD800  }
.Ltmp1:
0x78: {  	[bflag:$0x0] =	sbarrier.arrive $0xFFFF;
	(pc) =	sbr.rel @p0 .LBB2_1-.Ltmp1, $4  }
0x79: {  	[hbm:s13], [sflag:s19] =	dma.local [spmem:s20], $0x2780  }
0x7a: {  	_ =	swait.ge [sflag:s15], $0x2780  }
0x7b: {  	[sflag:s15] =	ssyncset.done $0x0  }
0x7c: {  	[sflag:s15] =	ssyncadd.s32 $0xFFFFD880  }
0x7d: {  	_ =	sfence.sel $0x180000  }
0x7e: {  	[bflag:$0x0] =	sbarrier.arrive $0xFFFF  }
0x7f: {  	_ =	strace $0x9000004A  }
0x80: {  	s0 =	stileid.u32;
	[bflag:$0x2] =	sbarrier.arrive $0xFFFF  }
0x81: {  	p0 =	sne.s32 s0, $0x0;
	s0 =	rddreg [dreg:$0x3]  }
0x82: {  	s0 =	sadd.s32 @!p0 $0x100000, s0  }
0x83: {  	[sflag:s0] =	ssyncadd.tile.s32 @!p0 $0x1;
	_ =	shalt  }
.Lfunc_end2:
_tile_overlayer_lowered:
.L_overlay_start_2:
0x84: {  	(tag) =	ssettag $0x2  }
0x85: {  	s0 =	rddreg [dreg:$0x0];
	s2 =	stileid.u32  }
0x86: {  	s1 =	rddreg [dreg:$0x1];
	p0 =	sne.s32 s2, $0x0  }
0x87: {  	s3 =	rddreg [dreg:$0x2];
	[bflag:$0x3] =	sbarrier.arrive $0xFFFF;
	s2 =	simm.s32 @!p0 $0x1C0A  }
0x88: {  	[timem:s3], [sflag:s2] =	dma.local @!p0 [hbm:s0], s1  }
0x89: {  	s0 =	simm.s32 @!p0 $0xA  }
0x8a: {  	_ =	swait.ge @!p0 [sflag:s0], s1  }
0x8b: {  	s1 =	ssub.s32 @!p0 $0x0, s1;
	[sflag:s0] =	ssyncset.done @!p0 $0x0  }
0x8c: {  	[sflag:s0] =	ssyncadd.s32 @!p0 s1  }
0x8d: {  	[bflag:$0x3] =	sbarrier.arrive $0xFFFF  }
0x8e: {  	_ =	shalt  }

// kernel: kernel.20.cloned.1.call-start
scs
__scs_entry_jumppad:
0x0: {  	(pc) =	sbr.rel $0x88, $3  }
0x1: {  	(tag) =	ssettag $0x0;
	lr =	simm.s32 $0x1  }
0x2: {  	[smem:$0x3F99] =	sst lr;
	_ =	strace $0xD0000000  }
0x3: {  	_ = 	snop  }
0x4: {  	_ = 	snop  }
0x5: {  	_ = 	snop  }
0x6: {  	_ = 	snop  }
0x7: {  	_ = 	snop  }
__scs_overlays_trampoline_lowered:
0x8: {  	[smem:$0x3FA8] =	sst s0  }
0x9: {  	[smem:$0x3FA9] =	sst s1  }
0xa: {  	[smem:$0x3FAA] =	sst s2  }
0xb: {  	[smem:$0x3FAB] =	sst s3  }
0xc: {  	[smem:$0x3FAC] =	sst s4  }
0xd: {  	[smem:$0x3FAD] =	sst s5  }
0xe: {  	[smem:$0x3FAE] =	sst s6  }
0xf: {  	[smem:$0x3FAF] =	sst s7  }
0x10: {  	[smem:$0x3FB0] =	sst s8  }
0x11: {  	[smem:$0x3FB1] =	sst s9;
	s0 =	simm.s32 @!p0 $0x0  }
0x12: {  	s1 =	sld [smem:$0x3F97];
	s0 =	simm.s32 @p0 $0x1  }
0x13: {  	[smem:$0x3FB2] =	sst s0;
	s0 =	simm.s32 @!p1 $0x0  }
0x14: {  	s2 =	sld [smem:$0x3F96];
	s0 =	simm.s32 @p1 $0x1  }
0x15: {  	[smem:$0x3FB3] =	sst s0;
	s0 =	simm.s32 @!p2 $0x0  }
0x16: {  	s3 =	sld [smem:$0x3FDB];
	s0 =	simm.s32 @p2 $0x1  }
0x17: {  	s4 =	simm.s32 $0x1BF5;
	[smem:$0x3FB5] =	sst s0  }
0x18: {  	s0 =	sld [smem:$0x3F98];
	_ =	swait.ge [sflag:s4], $0x0  }
0x19: {  	s7 =	sld [smem:$0x3F99]  }
0x1a: {  	s8 =	sadd.s32 $0xFFFFE003, lr  }
0x1b: {  	s9 =	sadd.s32 $0xFFFFFEF7, lr;
	s5 =	simm.s32 $0xFFFFFFFF;
	p2 =	slt.u32 s8, $0xFFFFF086  }
0x1c: {  	p1 =	slt.u32 s9, $0xF7A;
	s5 =	simm.s32 @!p2 $0x0  }
0x1d: {  	s5 =	simm.s32 @p1 $0x1;
	p0 =	seq.s32 s7, s2  }
0x1e: {  	s7 =	smul.u32 @!p0 $0xF7A, s2;
	p2 =	seq.s32 @!p0 s5, $0x0  }
0x1f: {  	s9 =	smul.u32 $0xF7A, s1;
	s8 =	simm.s32 @!p0 $0x1BF5;
	p2 =	por !p2, p0  }
0x20: {  	[sflag:s8] =	ssyncset.s32 @!p0 $0xFFFFF086;
	s6 =	sadd.s32 @!p0 s3, s7;
	s7 =	simm.s32 @!p0 $0x108  }
0x21: {  	s3 =	sadd.s32 s3, s9;
	s6 =	sadd.s32 @!p0 $0x88, s6;
	s7 =	simm.s32 @p2 $0x1082  }
0x22: {  	[simem:s7], [sflag:s8] =	dma.local @!p0 [hbm:s6], $0xF7A  }
0x23: {  	s9 =	sor.u32 $0xD0000000, s2;
	s6 =	simm.s32 $0x108;
	_ =	swait.ge @!p0 [sflag:s8], $0x0  }
0x24: {  	s3 =	sadd.s32 $0x88, s3;
	s6 =	simm.s32 @!p1 $0x1082;
	[sflag:s4] =	ssyncset.s32 $0xFFFFF086  }
0x25: {  	[simem:s6], [sflag:s4] =	dma.local [hbm:s3], $0xF7A  }
0x26: {  	[smem:$0x3F99] =	sst s1;
	(tag) =	ssettag s2;
	_ =	strace s9  }
0x27: {  	s1 =	sld [smem:$0x3FA9]  }
0x28: {  	s2 =	sld [smem:$0x3FAA]  }
0x29: {  	s4 =	sld [smem:$0x3FAC]  }
0x2a: {  	p0 =	seq.s32 s5, $0x0;
	s5 =	sld [smem:$0x3FAD]  }
0x2b: {  	s6 =	sld [smem:$0x3FAE]  }
0x2c: {  	s7 =	sld [smem:$0x3FAF]  }
0x2d: {  	s3 =	simm.s32 $0x108;
	s8 =	sld [smem:$0x3FB0]  }
0x2e: {  	s3 =	simm.s32 @!p0 $0x1082;
	s9 =	sld [smem:$0x3FB1]  }
0x2f: {  	lr =	sadd.s32 s0, s3;
	s0 =	sld [smem:$0x3FA8]  }
0x30: {  	s3 =	sld [smem:$0x3FAB]  }
0x31: {  	[smem:$0x3FB4] =	sst s10  }
0x32: {  	s10 =	sld [smem:$0x3FB2];
	_ =	sdelay $0x3  }
0x33: {  	p0 =	seq.s32 s10, $0x1;
	s10 =	sld [smem:$0x3FB4];
	_ =	sdelay $0x3  }
0x34: {  	[smem:$0x3FB4] =	sst s10  }
0x35: {  	s10 =	sld [smem:$0x3FB3];
	_ =	sdelay $0x3  }
0x36: {  	p1 =	seq.s32 s10, $0x1;
	s10 =	sld [smem:$0x3FB4];
	_ =	sdelay $0x3  }
0x37: {  	[smem:$0x3FB4] =	sst s10  }
0x38: {  	s10 =	sld [smem:$0x3FB5]  }
0x39: {  	_ = 	snop;
	(pc) =	sbr.ind lr, $3  }
0x3a: {  	_ = 	snop  }
0x3b: {  	_ = 	snop  }
0x3c: {  	p2 =	seq.s32 s10, $0x1;
	s10 =	sld [smem:$0x3FB4]  }
0x3d: {  	_ =	shalt  }
0x3e: {  	_ =	shalt  }
0x3f: {  	_ =	shalt  }
0x40: {  	_ =	shalt  }
0x41: {  	_ =	shalt  }
0x42: {  	_ =	shalt  }
0x43: {  	_ =	shalt  }
0x44: {  	_ =	shalt  }
0x45: {  	_ =	shalt  }
0x46: {  	_ =	shalt  }
0x47: {  	_ =	shalt  }
0x48: {  	_ =	shalt  }
0x49: {  	_ =	shalt  }
0x4a: {  	_ =	shalt  }
0x4b: {  	_ =	shalt  }
0x4c: {  	_ =	shalt  }
0x4d: {  	_ =	shalt  }
0x4e: {  	_ =	shalt  }
0x4f: {  	_ =	shalt  }
0x50: {  	_ =	shalt  }
0x51: {  	_ =	shalt  }
0x52: {  	_ =	shalt  }
0x53: {  	_ =	shalt  }
0x54: {  	_ =	shalt  }
0x55: {  	_ =	shalt  }
0x56: {  	_ =	shalt  }
0x57: {  	_ =	shalt  }
0x58: {  	_ =	shalt  }
0x59: {  	_ =	shalt  }
0x5a: {  	_ =	shalt  }
0x5b: {  	_ =	shalt  }
0x5c: {  	_ =	shalt  }
0x5d: {  	_ =	shalt  }
0x5e: {  	_ =	shalt  }
0x5f: {  	_ =	shalt  }
0x60: {  	_ =	shalt  }
0x61: {  	_ =	shalt  }
0x62: {  	_ =	shalt  }
0x63: {  	_ =	shalt  }
0x64: {  	_ =	shalt  }
0x65: {  	_ =	shalt  }
0x66: {  	_ =	shalt  }
0x67: {  	_ =	shalt  }
0x68: {  	_ =	shalt  }
0x69: {  	_ =	shalt  }
0x6a: {  	_ =	shalt  }
0x6b: {  	_ =	shalt  }
0x6c: {  	_ =	shalt  }
0x6d: {  	_ =	shalt  }
0x6e: {  	_ =	shalt  }
0x6f: {  	_ =	shalt  }
0x70: {  	_ =	shalt  }
0x71: {  	_ =	shalt  }
0x72: {  	_ =	shalt  }
0x73: {  	_ =	shalt  }
0x74: {  	_ =	shalt  }
0x75: {  	_ =	shalt  }
0x76: {  	_ =	shalt  }
0x77: {  	_ =	shalt  }
0x78: {  	_ =	shalt  }
0x79: {  	_ =	shalt  }
0x7a: {  	_ =	shalt  }
0x7b: {  	_ =	shalt  }
0x7c: {  	_ =	shalt  }
0x7d: {  	_ =	shalt  }
0x7e: {  	_ =	shalt  }
0x7f: {  	_ =	shalt  }
0x80: {  	_ =	shalt  }
0x81: {  	_ =	shalt  }
0x82: {  	_ =	shalt  }
0x83: {  	_ =	shalt  }
0x84: {  	_ =	shalt  }
0x85: {  	_ =	shalt  }
0x86: {  	_ =	shalt  }
0x87: {  	_ =	shalt  }
.Lfunc_end0:
.L_simem_size_0:
called_computation.2_lowered:
.L_overlay_start_0:
0x88: {  	s2 =	sld [smem:$0x3FD9]  }
0x89: {  	s3 =	sld [smem:$0x3FFE];
	_ =	sdelay $0x1  }
0x8a: {  	s1 =	srdreg.scid  }
0x8b: {  	s0 =	sand.u32 $0x1, s1  }
0x8c: {  	s17 =	sshll.u32 s0, $0xA;
	s2 =	sadd.s32 s3, s2  }
0x8d: {  	s2 =	sadd.s32 s2, s17  }
0x8e: {  	[smem:$0x3FC0] =	sst s2  }
0x8f: {  	_ = 	snop  }
0x90: {  	s2 =	sld [smem:$0x3FD0];
	(tm) =	ssettm $0x1  }
0x91: {  	s18 =	sld [smem:$0x3FFB];
	_ =	sdelay $0x3  }
0x92: {  	_ =	strace s18  }
0x93: {  	s3 =	sld [smem:$0x3FFC];
	_ =	sdelay $0x3  }
0x94: {  	_ =	strace s3  }
0x95: {  	s3 =	sld [smem:$0x3FFD];
	_ =	sdelay $0x3  }
0x96: {  	_ =	strace s3  }
0x97: {  	_ =	strace $0x8FFFFFFF  }
0x98: {  	s19 =	sld [smem:$0x3FDB];
	_ =	sdelay $0x1  }
0x99: {  	s4 =	simm.s32 $_scs_section_size  }
0x9a: {  	s5 =	simm.s32 $_size__tile_overlayer_lowered;
	s6 =	simm.s32 $_tile_overlayer_lowered  }
0x9b: {  	s22 =	simm.s32 $0x1BFF;
	s21 =	sshll.u32 s6, $0x1;
	s3 =	sadd.s32 s4, s19  }
0x9c: {  	s7 =	simm.s32 $0x0;
	s20 =	sshll.u32 s5, $0x1;
	s5 =	sadd.s32 s21, s3  }
0x9d: {  	[timem:s7], [sflag:s22] =	dma.local [hbm:s5], s20  }
0x9e: {  	_ =	swait.ge [sflag:s22], s20  }
0x9f: {  	s4 =	ssub.s32 $0x0, s20;
	[sflag:s22] =	ssyncset.done $0x0  }
0xa0: {  	[sflag:s22] =	ssyncadd.s32 s4;
	_ =	sdelay $0x1  }
0xa1: {  	s23 =	simm.s32 $0x1B8B  }
0xa2: {  	_ =	swait.ge [sflag:s23], $0x1  }
0xa3: {  	[sflag:s23] =	ssyncset.done $0x0  }
0xa4: {  	s25 =	simm.s32 $0x1B8E;
	s24 =	sld [smem:$0x3FFE];
	[sflag:s23] =	ssyncadd.s32 $0xFFFFFFFF  }
0xa5: {  	s26 =	simm.s32 $execute0_lowered;
	[smem:$0x3FD2] =	sst s25  }
0xa6: {  	s5 =	sshll.u32 s26, $0x1;
	_ =	strace $0x8000004C;
	[dreg:$0x1] =	wrdreg $0xFFFFFFFF  }
0xa7: {  	s28 =	simm.s32 $_size_execute0_lowered;
	s3 =	sadd.s32 s3, s5;
	[dreg:$0x0] =	wrdreg $0x0  }
0xa8: {  	s5 =	sshll.u32 s28, $0x1;
	[dreg:$0x2] =	wrdreg s3  }
0xa9: {  	[dreg:$0x3] =	wrdreg s5  }
0xaa: {  	[dreg:$0x4] =	wrdreg $0xC0  }
0xab: {  	_ =	task [dreg:s7], $0x5FFFF  }
0xac: {  	[dreg:$0x1] =	wrdreg $0xFFFFFFFF  }
0xad: {  	[dreg:$0x0] =	wrdreg $0x60  }
0xae: {  	[dreg:$0x2] =	wrdreg s24  }
0xaf: {  	[dreg:$0x3] =	wrdreg s2  }
0xb0: {  	[dreg:$0x4] =	wrdreg $0xB0000  }
0xb1: {  	[dreg:$0x5] =	wrdreg $0x9  }
0xb2: {  	_ =	task.clear_ibuf [dreg:s7], $0x6FFFF;
	_ =	strace $0x9000004C  }
0xb3: {  	s29 =	simm.s32 $0x9;
	_ =	strace $0x8000004E  }
0xb4: {  	_ =	swait.ge [sflag:s29], $0x1  }
0xb5: {  	[sflag:s29] =	ssyncadd.s32 $0xFFFFFFFF  }
0xb6: {  	_ =	strace $0x9000004E  }
0xb7: {  	_ =	sfence  }
0xb8: {  	s30 =	sld [smem:$0x0];
	_ =	sdelay $0x2  }
0xb9: {  	s31 =	sshll.u32 s1, $0xD;
	s1 =	sshrl.u32 s1, $0x2  }
0xba: {  	s3 =	sand.u32 $0x4000, s31;
	s1 =	sadd.s32 s1, s30  }
0xbb: {  	s0 =	sor.u32 s3, s0;
	s1 =	sshll.u32 s1, $0x11  }
0xbc: {  	s0 =	sor.u32 s1, s0  }
0xbd: {  	s0 =	sadd.s32 $0x8F2B, s0  }
0xbe: {  	[sflag:s0] =	ssyncadd.remote.s32 $0x1  }
0xbf: {  	_ =	sfence.sel $0xFFFF  }
0xc0: {  	[dreg:$0x0] =	wrdreg $0xFFFFFFFF;
	(pc) =	sbr.abs _section_cstart, $3  }
0xc1: {  	[dreg:$0x1] =	wrdreg $0xFFFFFFFF  }
0xc2: {  	_ =	task.clear_ibuf [dreg:s7], $0x2FFFF;
	_ =	strace $0x9FFFFFFF  }
0xc3: {  	(tm) =	ssettm $0x7FFFFFFF  }
tec
execute0_lowered:
.L_overlay_start_1:
0x0: {  	(tag) =	ssettag $0x1  }
0x1: {  	s0 =	rddreg [dreg:$0x0]  }
0x2: {  	s1 =	rddreg [dreg:$0x1]  }
0x3: {  	s2 =	rddreg [dreg:$0x2]  }
0x4: {  	s3 =	srdreg.scid;
	s4 =	simm.s32 $0x0;
	s10 =	stileid.u32  }
0x5: {  	s15 =	simm.s32 $0xA;
	s29 =	simm.s32 $0x8800;
	s30 =	simm.s32 $0x1  }
0x6: {  	s31 =	simm.s32 $0x2;
	s16 =	simm.s32 $0x5;
	s17 =	simm.s32 $0x6  }
0x7: {  	s3 =	sand.u32 $0x1, s3;
	[smem:$0x7FF] =	sst s4;
	s8 =	smul.u32 $0x13C00, s10  }
0x8: {  	s5 =	sadd.s32 $0x4200, s0;
	s6 =	sadd.s32 $0x56000, s0;
	s13 =	smul.u32 $0x4F000, s10  }
0x9: {  	s20 =	sadd.s32 $0x2B400, s0;
	s28 =	sshll.u32 s10, $0x6;
	s7 =	smul.u32 $0x13C000, s3  }
0xa: {  	_ =	strace $0x8000004D;
	s9 =	sshll.u32 s3, $0x4;
	s3 =	ssub.s32 $0x2, s3  }
0xb: {  	[dreg:$0x4] =	wrdreg s20;
	s18 =	sor.u32 s10, s9;
	s21 =	sshrl.u32 s3, $0x1  }
0xc: {  	s26 =	sshrl.u32 s13, $0x2;
	s7 =	sadd.s32 s8, s7;
	s3 =	ssub.s32 s3, s21  }
0xd: {  	s21 =	simm.s32 $0x50;
	s19 =	sshrl.u32 s7, $0x3;
	s7 =	smul.u32 $0x4400, s18  }
0xe: {  	s14 =	smax.u32 s3, $0x1;
	s3 =	simm.s32 $0x4;
	s18 =	simm.s32 $0x7  }
0xf: {  	s0 =	sadd.s32 s19, s0;
	s19 =	sor.u32 $0x1C0A, s28;
	s22 =	sshrl.u32 s7, $0x3  }
0x10: {  	s13 =	sadd.s32 $0x67000, s0;
	s0 =	simm.s32 $0x3;
	s23 =	sadd.s32 s6, s22  }
0x11: {  	s24 =	sadd.s32 s1, s22;
	s8 =	sadd.s32 $0x80, s22;
	[dreg:$0x5] =	wrdreg s23  }
0x12: {  	s22 =	simm.s32 $0x1000;
	[dreg:$0x6] =	wrdreg s24;
	s25 =	sadd.s32 s6, s8  }
0x13: {  	s8 =	sadd.s32 s1, s8;
	s24 =	simm.s32 $0x3800;
	[dreg:$0x7] =	wrdreg s25  }
0x14: {  	s23 =	simm.s32 $0x8;
	[dreg:$0x8] =	wrdreg s8;
	s8 =	sadd.s32 s26, s2  }
0x15: {  	s26 =	simm.s32 $0x6000;
	s25 =	simm.s32 $0x0;
	s20 =	sshrl.u32 s8, $0x3  }
.LBB2_1:
0x16: {  	s8 =	rddreg [dreg:$0x5]  }
0x17: {  	[tilespmem:s4], [sflag:$0xA] =	stream.linear.gather [hbm4b:s8+s4], $0x400, $0x38;
	[tilespmem:$0x1EC00] =	vst v63  }
0x18: {  	_ =	swait.ge [sflag:s15], $0x400  }
0x19: {  	[sflag:s15] =	ssyncset.done $0x0  }
0x1a: {  	s9 =	simm.s32 $0x800;
	s12 =	rddreg [dreg:$0x6];
	[sflag:s15] =	ssyncadd.s32 $0xFFFFFC00  }
0x1b: {  	[tilespmem:s9], [sflag:$0xA] =	stream.linear.gather [hbm4b:s12+s4], $0x400, $0x38;
	[tilespmem:$0x1EC00] =	vst v63  }
0x1c: {  	_ =	swait.ge [sflag:s15], $0x400  }
0x1d: {  	[sflag:s15] =	ssyncset.done $0x0;
	s9 =	rddreg [dreg:$0x7]  }
0x1e: {  	s10 =	simm.s32 $0x400;
	s11 =	rddreg [dreg:$0x8];
	[sflag:s15] =	ssyncadd.s32 $0xFFFFFC00  }
0x1f: {  	[tilespmem:s10], [sflag:$0x9] =	stream.linear.gather [hbm4b:s9+s4], $0x400, $0x38;
	[tilespmem:$0x1EC00] =	vst v63  }
0x20: {  	s12 =	simm.s32 $0xC00;
	s9 =	rddreg [dreg:$0x4]  }
0x21: {  	[tilespmem:s12], [sflag:$0x9] =	stream.linear.gather [hbm4b:s11+s4], $0x400, $0x38;
	[tilespmem:$0x1EC00] =	vst v63  }
0x22: {  	[spmem:s20], [sflag:s19] =	dma.local [hbm:s9], $0x2780  }
0x23: {  	_ =	swait.ge [sflag:s15], $0x2780  }
0x24: {  	[sflag:s15] =	ssyncset.done $0x0  }
0x25: {  	[sflag:s15] =	ssyncadd.s32 $0xFFFFD880  }
0x26: {  	[bflag:$0x0] =	sbarrier.arrive $0xFFFF  }
0x27: {  	[tilespmem:s22], [sflag:$0x1] =	stream.indirect.gather [hbm4b:s5+s21], $0x80, s4, s21, $0xb8;
	[tilespmem:$0x1EC00] =	vst v63  }
0x28: {  	s10 =	simm.s32 $0x80  }
0x29: {  	[tilespmem:s24], [sflag:$0x2] =	stream.indirect.gather [hbm4b:s5+s21], $0x80, s10, s21, $0xb8;
	[tilespmem:$0x1EC00] =	vst v63  }
0x2a: {  	s11 =	simm.s32 $0x100  }
0x2b: {  	[tilespmem:s26], [sflag:$0x3] =	stream.indirect.gather [hbm4b:s5+s21], $0x80, s11, s21, $0xb8;
	[tilespmem:$0x1EC00] =	vst v63  }
0x2c: {  	s28 =	simm.s32 $0x380;
	s8 =	simm.s32 $0x0;
	s12 =	simm.s32 $0x180  }
0x2d: {  	[tilespmem:s29], [sflag:$0x4] =	stream.indirect.gather [hbm4b:s5+s21], $0x80, s12, s21, $0xb8;
	[tilespmem:$0x1EC00] =	vst v63  }
.LBB2_2:
0x2e: {  	s9 =	sand.u32 $0x21, s8  }
0x2f: {  	s10 =	sshrl.u32 s8, $0x1;
	p0 =	sne.s32 s9, $0x1  }
0x30: {  	p1 =	seq.s32 @p0 s10, $0x0  }
0x31: {  	p2 =	por p1, !p0  }
0x32: {  	p2 =	sne.s32 @!p2 s9, $0x0  }
0x33: {  	p1 =	por @p0 p2, p1  }
0x34: {  	p1 =	por p1, !p0  }
0x35: {  	s9 =	sshll.u32 @!p1 s10, $0xA  }
0x36: {  	s9 =	sadd.s32 @!p1 $0x400, s9  }
0x37: {  	s10 =	sadd.s32 @!p1 s7, s9  }
0x38: {  	s10 =	sshrl.u32 @!p1 s10, $0x3  }
0x39: {  	s12 =	simm.s32 @!p1 $0x0;
	s9 =	sand.u32 @!p1 $0x400, s9;
	s11 =	sadd.s32 @!p1 s6, s10  }
0x3a: {  	[tilespmem:s9], [sflag:$0x9] =	stream.linear.gather @!p1 [hbm4b:s11+s12], $0x400, $0x38;
	[tilespmem:$0x1EC00] =	vst v63  }
0x3b: {  	s10 =	sadd.s32 @!p1 s1, s10;
	s9 =	sor.u32 @!p1 $0x800, s9  }
0x3c: {  	[tilespmem:s9], [sflag:$0x9] =	stream.linear.gather @!p1 [hbm4b:s10+s12], $0x400, $0x38;
	[tilespmem:$0x1EC00] =	vst v63  }
0x3d: {  	s9 =	simm.s32 @!p0 $0x9  }
0x3e: {  	_ =	swait.ge @!p0 [sflag:s9], $0x400  }
0x3f: {  	[sflag:s9] =	ssyncset.done @!p0 $0x0  }
0x40: {  	[sflag:s9] =	ssyncadd.s32 @!p0 $0xFFFFFC00  }
0x41: {  	_ =	swait.ge @!p0 [sflag:s9], $0x400  }
0x42: {  	[sflag:s9] =	ssyncset.done @!p0 $0x0  }
0x43: {  	[sflag:s9] =	ssyncadd.s32 @!p0 $0xFFFFFC00  }
0x44: {  	s11 =	sadd.s32 $0xFFFFFC80, s28;
	_ =	swait.ge [sflag:s30], $0x2800  }
0x45: {  	s9 =	sand.u32 $0x600, s11;
	[sflag:s30] =	ssyncset.done $0x0  }
0x46: {  	s12 =	sor.u32 $0x800, s9;
	[sflag:s30] =	ssyncadd.s32 $0xFFFFD800  }
0x47: {  	[spmem:s2] =	stream.indirect.scatter.add.f32 [tilespmem:s22], [sflag:$0x5], $0x80, s12, s21, $0xb8;
	[tilespmem:$0x1EC00] =	vst v63  }
0x48: {  	_ =	swait.ge [sflag:s31], $0x2800  }
0x49: {  	[sflag:s31] =	ssyncset.done $0x0  }
0x4a: {  	s11 =	sor.u32 $0x880, s9;
	[sflag:s31] =	ssyncadd.s32 $0xFFFFD800  }
0x4b: {  	[spmem:s2] =	stream.indirect.scatter.add.f32 [tilespmem:s24], [sflag:$0x6], $0x80, s11, s21, $0xb8;
	[tilespmem:$0x1EC00] =	vst v63  }
0x4c: {  	_ =	swait.ge [sflag:s0], $0x2800  }
0x4d: {  	[sflag:s0] =	ssyncset.done $0x0  }
0x4e: {  	s12 =	sor.u32 $0x900, s9;
	[sflag:s0] =	ssyncadd.s32 $0xFFFFD800  }
0x4f: {  	[spmem:s2] =	stream.indirect.scatter.add.f32 [tilespmem:s26], [sflag:$0x7], $0x80, s12, s21, $0xb8;
	[tilespmem:$0x1EC00] =	vst v63  }
0x50: {  	_ =	swait.ge [sflag:s3], $0x2800  }
0x51: {  	[sflag:s3] =	ssyncset.done $0x0  }
0x52: {  	p0 =	seq.s32 s28, $0x4580;
	s9 =	sor.u32 $0x980, s9;
	[sflag:s3] =	ssyncadd.s32 $0xFFFFD800  }
0x53: {  	[spmem:s2] =	stream.indirect.scatter.add.f32 [tilespmem:s29], [sflag:$0x8], $0x80, s9, s21, $0xb8;
	[tilespmem:$0x1EC00] =	vst v63  }
0x54: {  	s9 =	simm.s32 @!p0 $0x5  }
0x55: {  	_ =	swait.ge @!p0 [sflag:s9], $0x2800  }
0x56: {  	[sflag:s9] =	ssyncset.done @!p0 $0x0  }
0x57: {  	[sflag:s9] =	ssyncadd.s32 @!p0 $0xFFFFD800;
	s9 =	sadd.s32 @!p0 $0xFFFFFE80, s28  }
0x58: {  	s10 =	simm.s32 @!p0 $0x50;
	s11 =	simm.s32 @!p0 $0x1000;
	s9 =	sand.u32 @!p0 $0x600, s9  }
0x59: {  	[tilespmem:s11], [sflag:$0x1] =	stream.indirect.gather @!p0 [hbm4b:s5+s10], $0x80, s9, s10, $0xb8;
	[tilespmem:$0x1EC00] =	vst v63  }
0x5a: {  	s9 =	simm.s32 @!p0 $0x6  }
0x5b: {  	_ =	swait.ge @!p0 [sflag:s9], $0x2800  }
0x5c: {  	s11 =	sadd.s32 @!p0 $0xFFFFFF00, s28;
	[sflag:s9] =	ssyncset.done @!p0 $0x0  }
0x5d: {  	[sflag:s9] =	ssyncadd.s32 @!p0 $0xFFFFD800;
	s9 =	sand.u32 @!p0 $0x680, s11;
	s11 =	simm.s32 @!p0 $0x3800  }
0x5e: {  	[tilespmem:s11], [sflag:$0x2] =	stream.indirect.gather @!p0 [hbm4b:s5+s10], $0x80, s9, s10, $0xb8;
	[tilespmem:$0x1EC00] =	vst v63  }
0x5f: {  	s9 =	simm.s32 @!p0 $0x7  }
0x60: {  	_ =	swait.ge @!p0 [sflag:s9], $0x2800  }
0x61: {  	s11 =	sadd.s32 @!p0 $0xFFFFFF80, s28;
	[sflag:s9] =	ssyncset.done @!p0 $0x0  }
0x62: {  	[sflag:s9] =	ssyncadd.s32 @!p0 $0xFFFFD800;
	s9 =	sand.u32 @!p0 $0x700, s11;
	s11 =	simm.s32 @!p0 $0x6000  }
0x63: {  	[tilespmem:s11], [sflag:$0x3] =	stream.indirect.gather @!p0 [hbm4b:s5+s10], $0x80, s9, s10, $0xb8;
	[tilespmem:$0x1EC00] =	vst v63  }
0x64: {  	s11 =	sand.u32 @!p0 $0x780, s28;
	s28 =	sadd.s32 @!p0 $0x200, s28  }
0x65: {  	p1 =	sne.s32 @!p0 s28, $0x4780  }
0x66: {  	p1 =	por p0, !p1  }
.Ltmp0:
0x67: {  	s9 =	simm.s32 @!p0 $0x8;
	(pc) =	sbr.rel @!p1 .LBB2_2-.Ltmp0, $4  }
0x68: {  	_ =	swait.ge @!p0 [sflag:s9], $0x2800  }
0x69: {  	[sflag:s9] =	ssyncset.done @!p0 $0x0  }
0x6a: {  	s8 =	sadd.s32 @!p0 $0x1, s8;
	[sflag:s9] =	ssyncadd.s32 @!p0 $0xFFFFD800;
	s9 =	simm.s32 @!p0 $0x8800  }
0x6b: {  	[tilespmem:s9], [sflag:$0x4] =	stream.indirect.gather @!p0 [hbm4b:s5+s10], $0x80, s11, s10, $0xb8;
	[tilespmem:$0x1EC00] =	vst v63  }
0x6c: {  	_ =	swait.ge [sflag:s16], $0x2800  }
0x6d: {  	[sflag:s16] =	ssyncset.done $0x0  }
0x6e: {  	[sflag:s16] =	ssyncadd.s32 $0xFFFFD800  }
0x6f: {  	_ =	swait.ge [sflag:s17], $0x2800  }
0x70: {  	[sflag:s17] =	ssyncset.done $0x0  }
0x71: {  	[sflag:s17] =	ssyncadd.s32 $0xFFFFD800  }
0x72: {  	_ =	swait.ge [sflag:s18], $0x2800  }
0x73: {  	[sflag:s18] =	ssyncset.done $0x0  }
0x74: {  	[sflag:s18] =	ssyncadd.s32 $0xFFFFD800  }
0x75: {  	_ =	swait.ge [sflag:s23], $0x2800  }
0x76: {  	s25 =	sadd.s32 $0x1, s25;
	[sflag:s23] =	ssyncset.done $0x0  }
0x77: {  	p0 =	sne.s32 s25, s14;
	[sflag:s23] =	ssyncadd.s32 $0xFFFFD800  }
.Ltmp1:
0x78: {  	[bflag:$0x0] =	sbarrier.arrive $0xFFFF;
	(pc) =	sbr.rel @p0 .LBB2_1-.Ltmp1, $4  }
0x79: {  	[hbm:s13], [sflag:s19] =	dma.local [spmem:s20], $0x2780  }
0x7a: {  	_ =	swait.ge [sflag:s15], $0x2780  }
0x7b: {  	[sflag:s15] =	ssyncset.done $0x0  }
0x7c: {  	[sflag:s15] =	ssyncadd.s32 $0xFFFFD880  }
0x7d: {  	_ =	sfence.sel $0x180000  }
0x7e: {  	[bflag:$0x0] =	sbarrier.arrive $0xFFFF  }
0x7f: {  	_ =	strace $0x9000004D  }
0x80: {  	s0 =	stileid.u32;
	[bflag:$0x2] =	sbarrier.arrive $0xFFFF  }
0x81: {  	p0 =	sne.s32 s0, $0x0;
	s0 =	rddreg [dreg:$0x3]  }
0x82: {  	s0 =	sadd.s32 @!p0 $0x100000, s0  }
0x83: {  	[sflag:s0] =	ssyncadd.tile.s32 @!p0 $0x1;
	_ =	shalt  }
.Lfunc_end2:
_tile_overlayer_lowered:
.L_overlay_start_2:
0x84: {  	(tag) =	ssettag $0x2  }
0x85: {  	s0 =	rddreg [dreg:$0x0];
	s2 =	stileid.u32  }
0x86: {  	s1 =	rddreg [dreg:$0x1];
	p0 =	sne.s32 s2, $0x0  }
0x87: {  	s3 =	rddreg [dreg:$0x2];
	[bflag:$0x3] =	sbarrier.arrive $0xFFFF;
	s2 =	simm.s32 @!p0 $0x1C0A  }
0x88: {  	[timem:s3], [sflag:s2] =	dma.local @!p0 [hbm:s0], s1  }
0x89: {  	s0 =	simm.s32 @!p0 $0xA  }
0x8a: {  	_ =	swait.ge @!p0 [sflag:s0], s1  }
0x8b: {  	s1 =	ssub.s32 @!p0 $0x0, s1;
	[sflag:s0] =	ssyncset.done @!p0 $0x0  }
0x8c: {  	[sflag:s0] =	ssyncadd.s32 @!p0 s1  }
0x8d: {  	[bflag:$0x3] =	sbarrier.arrive $0xFFFF  }
0x8e: {  	_ =	shalt  }

// kernel: kernel.23.cloned.1.call-start
scs
__scs_entry_jumppad:
0x0: {  	(pc) =	sbr.rel $0x88, $3  }
0x1: {  	(tag) =	ssettag $0x0;
	lr =	simm.s32 $0x1  }
0x2: {  	[smem:$0x3F99] =	sst lr;
	_ =	strace $0xD0000000  }
0x3: {  	_ = 	snop  }
0x4: {  	_ = 	snop  }
0x5: {  	_ = 	snop  }
0x6: {  	_ = 	snop  }
0x7: {  	_ = 	snop  }
__scs_overlays_trampoline_lowered:
0x8: {  	[smem:$0x3FA8] =	sst s0  }
0x9: {  	[smem:$0x3FA9] =	sst s1  }
0xa: {  	[smem:$0x3FAA] =	sst s2  }
0xb: {  	[smem:$0x3FAB] =	sst s3  }
0xc: {  	[smem:$0x3FAC] =	sst s4  }
0xd: {  	[smem:$0x3FAD] =	sst s5  }
0xe: {  	[smem:$0x3FAE] =	sst s6  }
0xf: {  	[smem:$0x3FAF] =	sst s7  }
0x10: {  	[smem:$0x3FB0] =	sst s8  }
0x11: {  	[smem:$0x3FB1] =	sst s9;
	s0 =	simm.s32 @!p0 $0x0  }
0x12: {  	s1 =	sld [smem:$0x3F97];
	s0 =	simm.s32 @p0 $0x1  }
0x13: {  	[smem:$0x3FB2] =	sst s0;
	s0 =	simm.s32 @!p1 $0x0  }
0x14: {  	s2 =	sld [smem:$0x3F96];
	s0 =	simm.s32 @p1 $0x1  }
0x15: {  	[smem:$0x3FB3] =	sst s0;
	s0 =	simm.s32 @!p2 $0x0  }
0x16: {  	s3 =	sld [smem:$0x3FDB];
	s0 =	simm.s32 @p2 $0x1  }
0x17: {  	s4 =	simm.s32 $0x1BF5;
	[smem:$0x3FB5] =	sst s0  }
0x18: {  	s0 =	sld [smem:$0x3F98];
	_ =	swait.ge [sflag:s4], $0x0  }
0x19: {  	s7 =	sld [smem:$0x3F99]  }
0x1a: {  	s8 =	sadd.s32 $0xFFFFE003, lr  }
0x1b: {  	s9 =	sadd.s32 $0xFFFFFEF7, lr;
	s5 =	simm.s32 $0xFFFFFFFF;
	p2 =	slt.u32 s8, $0xFFFFF086  }
0x1c: {  	p1 =	slt.u32 s9, $0xF7A;
	s5 =	simm.s32 @!p2 $0x0  }
0x1d: {  	s5 =	simm.s32 @p1 $0x1;
	p0 =	seq.s32 s7, s2  }
0x1e: {  	s7 =	smul.u32 @!p0 $0xF7A, s2;
	p2 =	seq.s32 @!p0 s5, $0x0  }
0x1f: {  	s9 =	smul.u32 $0xF7A, s1;
	s8 =	simm.s32 @!p0 $0x1BF5;
	p2 =	por !p2, p0  }
0x20: {  	[sflag:s8] =	ssyncset.s32 @!p0 $0xFFFFF086;
	s6 =	sadd.s32 @!p0 s3, s7;
	s7 =	simm.s32 @!p0 $0x108  }
0x21: {  	s3 =	sadd.s32 s3, s9;
	s6 =	sadd.s32 @!p0 $0x88, s6;
	s7 =	simm.s32 @p2 $0x1082  }
0x22: {  	[simem:s7], [sflag:s8] =	dma.local @!p0 [hbm:s6], $0xF7A  }
0x23: {  	s9 =	sor.u32 $0xD0000000, s2;
	s6 =	simm.s32 $0x108;
	_ =	swait.ge @!p0 [sflag:s8], $0x0  }
0x24: {  	s3 =	sadd.s32 $0x88, s3;
	s6 =	simm.s32 @!p1 $0x1082;
	[sflag:s4] =	ssyncset.s32 $0xFFFFF086  }
0x25: {  	[simem:s6], [sflag:s4] =	dma.local [hbm:s3], $0xF7A  }
0x26: {  	[smem:$0x3F99] =	sst s1;
	(tag) =	ssettag s2;
	_ =	strace s9  }
0x27: {  	s1 =	sld [smem:$0x3FA9]  }
0x28: {  	s2 =	sld [smem:$0x3FAA]  }
0x29: {  	s4 =	sld [smem:$0x3FAC]  }
0x2a: {  	p0 =	seq.s32 s5, $0x0;
	s5 =	sld [smem:$0x3FAD]  }
0x2b: {  	s6 =	sld [smem:$0x3FAE]  }
0x2c: {  	s7 =	sld [smem:$0x3FAF]  }
0x2d: {  	s3 =	simm.s32 $0x108;
	s8 =	sld [smem:$0x3FB0]  }
0x2e: {  	s3 =	simm.s32 @!p0 $0x1082;
	s9 =	sld [smem:$0x3FB1]  }
0x2f: {  	lr =	sadd.s32 s0, s3;
	s0 =	sld [smem:$0x3FA8]  }
0x30: {  	s3 =	sld [smem:$0x3FAB]  }
0x31: {  	[smem:$0x3FB4] =	sst s10  }
0x32: {  	s10 =	sld [smem:$0x3FB2];
	_ =	sdelay $0x3  }
0x33: {  	p0 =	seq.s32 s10, $0x1;
	s10 =	sld [smem:$0x3FB4];
	_ =	sdelay $0x3  }
0x34: {  	[smem:$0x3FB4] =	sst s10  }
0x35: {  	s10 =	sld [smem:$0x3FB3];
	_ =	sdelay $0x3  }
0x36: {  	p1 =	seq.s32 s10, $0x1;
	s10 =	sld [smem:$0x3FB4];
	_ =	sdelay $0x3  }
0x37: {  	[smem:$0x3FB4] =	sst s10  }
0x38: {  	s10 =	sld [smem:$0x3FB5]  }
0x39: {  	_ = 	snop;
	(pc) =	sbr.ind lr, $3  }
0x3a: {  	_ = 	snop  }
0x3b: {  	_ = 	snop  }
0x3c: {  	p2 =	seq.s32 s10, $0x1;
	s10 =	sld [smem:$0x3FB4]  }
0x3d: {  	_ =	shalt  }
0x3e: {  	_ =	shalt  }
0x3f: {  	_ =	shalt  }
0x40: {  	_ =	shalt  }
0x41: {  	_ =	shalt  }
0x42: {  	_ =	shalt  }
0x43: {  	_ =	shalt  }
0x44: {  	_ =	shalt  }
0x45: {  	_ =	shalt  }
0x46: {  	_ =	shalt  }
0x47: {  	_ =	shalt  }
0x48: {  	_ =	shalt  }
0x49: {  	_ =	shalt  }
0x4a: {  	_ =	shalt  }
0x4b: {  	_ =	shalt  }
0x4c: {  	_ =	shalt  }
0x4d: {  	_ =	shalt  }
0x4e: {  	_ =	shalt  }
0x4f: {  	_ =	shalt  }
0x50: {  	_ =	shalt  }
0x51: {  	_ =	shalt  }
0x52: {  	_ =	shalt  }
0x53: {  	_ =	shalt  }
0x54: {  	_ =	shalt  }
0x55: {  	_ =	shalt  }
0x56: {  	_ =	shalt  }
0x57: {  	_ =	shalt  }
0x58: {  	_ =	shalt  }
0x59: {  	_ =	shalt  }
0x5a: {  	_ =	shalt  }
0x5b: {  	_ =	shalt  }
0x5c: {  	_ =	shalt  }
0x5d: {  	_ =	shalt  }
0x5e: {  	_ =	shalt  }
0x5f: {  	_ =	shalt  }
0x60: {  	_ =	shalt  }
0x61: {  	_ =	shalt  }
0x62: {  	_ =	shalt  }
0x63: {  	_ =	shalt  }
0x64: {  	_ =	shalt  }
0x65: {  	_ =	shalt  }
0x66: {  	_ =	shalt  }
0x67: {  	_ =	shalt  }
0x68: {  	_ =	shalt  }
0x69: {  	_ =	shalt  }
0x6a: {  	_ =	shalt  }
0x6b: {  	_ =	shalt  }
0x6c: {  	_ =	shalt  }
0x6d: {  	_ =	shalt  }
0x6e: {  	_ =	shalt  }
0x6f: {  	_ =	shalt  }
0x70: {  	_ =	shalt  }
0x71: {  	_ =	shalt  }
0x72: {  	_ =	shalt  }
0x73: {  	_ =	shalt  }
0x74: {  	_ =	shalt  }
0x75: {  	_ =	shalt  }
0x76: {  	_ =	shalt  }
0x77: {  	_ =	shalt  }
0x78: {  	_ =	shalt  }
0x79: {  	_ =	shalt  }
0x7a: {  	_ =	shalt  }
0x7b: {  	_ =	shalt  }
0x7c: {  	_ =	shalt  }
0x7d: {  	_ =	shalt  }
0x7e: {  	_ =	shalt  }
0x7f: {  	_ =	shalt  }
0x80: {  	_ =	shalt  }
0x81: {  	_ =	shalt  }
0x82: {  	_ =	shalt  }
0x83: {  	_ =	shalt  }
0x84: {  	_ =	shalt  }
0x85: {  	_ =	shalt  }
0x86: {  	_ =	shalt  }
0x87: {  	_ =	shalt  }
.Lfunc_end0:
.L_simem_size_0:
called_computation.3_lowered:
.L_overlay_start_0:
0x88: {  	s2 =	sld [smem:$0x3FD9]  }
0x89: {  	s3 =	sld [smem:$0x3FFE];
	_ =	sdelay $0x1  }
0x8a: {  	s1 =	srdreg.scid  }
0x8b: {  	s0 =	sand.u32 $0x1, s1  }
0x8c: {  	s17 =	sshll.u32 s0, $0xA;
	s2 =	sadd.s32 s3, s2  }
0x8d: {  	s2 =	sadd.s32 s2, s17  }
0x8e: {  	[smem:$0x3FC0] =	sst s2  }
0x8f: {  	_ = 	snop  }
0x90: {  	s2 =	sld [smem:$0x3FD0];
	(tm) =	ssettm $0x1  }
0x91: {  	s18 =	sld [smem:$0x3FFB];
	_ =	sdelay $0x3  }
0x92: {  	_ =	strace s18  }
0x93: {  	s3 =	sld [smem:$0x3FFC];
	_ =	sdelay $0x3  }
0x94: {  	_ =	strace s3  }
0x95: {  	s3 =	sld [smem:$0x3FFD];
	_ =	sdelay $0x3  }
0x96: {  	_ =	strace s3  }
0x97: {  	_ =	strace $0x8FFFFFFF  }
0x98: {  	s19 =	sld [smem:$0x3FDB];
	_ =	sdelay $0x1  }
0x99: {  	s4 =	simm.s32 $_scs_section_size  }
0x9a: {  	s5 =	simm.s32 $_size__tile_overlayer_lowered;
	s6 =	simm.s32 $_tile_overlayer_lowered  }
0x9b: {  	s22 =	simm.s32 $0x1BFF;
	s21 =	sshll.u32 s6, $0x1;
	s3 =	sadd.s32 s4, s19  }
0x9c: {  	s7 =	simm.s32 $0x0;
	s20 =	sshll.u32 s5, $0x1;
	s5 =	sadd.s32 s21, s3  }
0x9d: {  	[timem:s7], [sflag:s22] =	dma.local [hbm:s5], s20  }
0x9e: {  	_ =	swait.ge [sflag:s22], s20  }
0x9f: {  	s4 =	ssub.s32 $0x0, s20;
	[sflag:s22] =	ssyncset.done $0x0  }
0xa0: {  	[sflag:s22] =	ssyncadd.s32 s4;
	_ =	sdelay $0x1  }
0xa1: {  	s23 =	simm.s32 $0x1B8B  }
0xa2: {  	_ =	swait.ge [sflag:s23], $0x1  }
0xa3: {  	[sflag:s23] =	ssyncset.done $0x0  }
0xa4: {  	s25 =	simm.s32 $0x1B8E;
	s24 =	sld [smem:$0x3FFE];
	[sflag:s23] =	ssyncadd.s32 $0xFFFFFFFF  }
0xa5: {  	s26 =	simm.s32 $execute0_lowered;
	[smem:$0x3FD2] =	sst s25  }
0xa6: {  	s5 =	sshll.u32 s26, $0x1;
	_ =	strace $0x8000004F;
	[dreg:$0x1] =	wrdreg $0xFFFFFFFF  }
0xa7: {  	s28 =	simm.s32 $_size_execute0_lowered;
	s3 =	sadd.s32 s3, s5;
	[dreg:$0x0] =	wrdreg $0x0  }
0xa8: {  	s5 =	sshll.u32 s28, $0x1;
	[dreg:$0x2] =	wrdreg s3  }
0xa9: {  	[dreg:$0x3] =	wrdreg s5  }
0xaa: {  	[dreg:$0x4] =	wrdreg $0xC0  }
0xab: {  	_ =	task [dreg:s7], $0x5FFFF  }
0xac: {  	[dreg:$0x1] =	wrdreg $0xFFFFFFFF  }
0xad: {  	[dreg:$0x0] =	wrdreg $0x60  }
0xae: {  	[dreg:$0x2] =	wrdreg s24  }
0xaf: {  	[dreg:$0x3] =	wrdreg s2  }
0xb0: {  	[dreg:$0x4] =	wrdreg $0xB0000  }
0xb1: {  	[dreg:$0x5] =	wrdreg $0x9  }
0xb2: {  	_ =	task.clear_ibuf [dreg:s7], $0x6FFFF;
	_ =	strace $0x9000004F  }
0xb3: {  	s29 =	simm.s32 $0x9;
	_ =	strace $0x80000051  }
0xb4: {  	_ =	swait.ge [sflag:s29], $0x1  }
0xb5: {  	[sflag:s29] =	ssyncadd.s32 $0xFFFFFFFF  }
0xb6: {  	_ =	strace $0x90000051  }
0xb7: {  	_ =	sfence  }
0xb8: {  	s30 =	sld [smem:$0x0];
	_ =	sdelay $0x2  }
0xb9: {  	s31 =	sshll.u32 s1, $0xD;
	s1 =	sshrl.u32 s1, $0x2  }
0xba: {  	s3 =	sand.u32 $0x4000, s31;
	s1 =	sadd.s32 s1, s30  }
0xbb: {  	s0 =	sor.u32 s3, s0;
	s1 =	sshll.u32 s1, $0x11  }
0xbc: {  	s0 =	sor.u32 s1, s0  }
0xbd: {  	s0 =	sadd.s32 $0x8F2B, s0  }
0xbe: {  	[sflag:s0] =	ssyncadd.remote.s32 $0x1  }
0xbf: {  	_ =	sfence.sel $0xFFFF  }
0xc0: {  	[dreg:$0x0] =	wrdreg $0xFFFFFFFF;
	(pc) =	sbr.abs _section_cstart, $3  }
0xc1: {  	[dreg:$0x1] =	wrdreg $0xFFFFFFFF  }
0xc2: {  	_ =	task.clear_ibuf [dreg:s7], $0x2FFFF;
	_ =	strace $0x9FFFFFFF  }
0xc3: {  	(tm) =	ssettm $0x7FFFFFFF  }
tec
execute0_lowered:
.L_overlay_start_1:
0x0: {  	(tag) =	ssettag $0x1  }
0x1: {  	s0 =	rddreg [dreg:$0x0]  }
0x2: {  	s1 =	rddreg [dreg:$0x1]  }
0x3: {  	s2 =	rddreg [dreg:$0x2]  }
0x4: {  	s3 =	srdreg.scid;
	s4 =	simm.s32 $0x0;
	s10 =	stileid.u32  }
0x5: {  	s15 =	simm.s32 $0xA;
	s29 =	simm.s32 $0x8800;
	s30 =	simm.s32 $0x1  }
0x6: {  	s31 =	simm.s32 $0x2;
	s16 =	simm.s32 $0x5;
	s17 =	simm.s32 $0x6  }
0x7: {  	s3 =	sand.u32 $0x1, s3;
	[smem:$0x7FF] =	sst s4;
	s8 =	smul.u32 $0x13C00, s10  }
0x8: {  	s5 =	sadd.s32 $0x4200, s0;
	s6 =	sadd.s32 $0x56000, s0;
	s13 =	smul.u32 $0x4F000, s10  }
0x9: {  	s20 =	sadd.s32 $0x2B400, s0;
	s28 =	sshll.u32 s10, $0x6;
	s7 =	smul.u32 $0x13C000, s3  }
0xa: {  	_ =	strace $0x80000050;
	s9 =	sshll.u32 s3, $0x4;
	s3 =	ssub.s32 $0x2, s3  }
0xb: {  	[dreg:$0x4] =	wrdreg s20;
	s18 =	sor.u32 s10, s9;
	s21 =	sshrl.u32 s3, $0x1  }
0xc: {  	s26 =	sshrl.u32 s13, $0x2;
	s7 =	sadd.s32 s8, s7;
	s3 =	ssub.s32 s3, s21  }
0xd: {  	s21 =	simm.s32 $0x50;
	s19 =	sshrl.u32 s7, $0x3;
	s7 =	smul.u32 $0x4400, s18  }
0xe: {  	s14 =	smax.u32 s3, $0x1;
	s3 =	simm.s32 $0x4;
	s18 =	simm.s32 $0x7  }
0xf: {  	s0 =	sadd.s32 s19, s0;
	s19 =	sor.u32 $0x1C0A, s28;
	s22 =	sshrl.u32 s7, $0x3  }
0x10: {  	s13 =	sadd.s32 $0x67000, s0;
	s0 =	simm.s32 $0x3;
	s23 =	sadd.s32 s6, s22  }
0x11: {  	s24 =	sadd.s32 s1, s22;
	s8 =	sadd.s32 $0x80, s22;
	[dreg:$0x5] =	wrdreg s23  }
0x12: {  	s22 =	simm.s32 $0x1000;
	[dreg:$0x6] =	wrdreg s24;
	s25 =	sadd.s32 s6, s8  }
0x13: {  	s8 =	sadd.s32 s1, s8;
	s24 =	simm.s32 $0x3800;
	[dreg:$0x7] =	wrdreg s25  }
0x14: {  	s23 =	simm.s32 $0x8;
	[dreg:$0x8] =	wrdreg s8;
	s8 =	sadd.s32 s26, s2  }
0x15: {  	s26 =	simm.s32 $0x6000;
	s25 =	simm.s32 $0x0;
	s20 =	sshrl.u32 s8, $0x3  }
.LBB2_1:
0x16: {  	s8 =	rddreg [dreg:$0x5]  }
0x17: {  	[tilespmem:s4], [sflag:$0xA] =	stream.linear.gather [hbm4b:s8+s4], $0x400, $0x38;
	[tilespmem:$0x1EC00] =	vst v63  }
0x18: {  	_ =	swait.ge [sflag:s15], $0x400  }
0x19: {  	[sflag:s15] =	ssyncset.done $0x0  }
0x1a: {  	s9 =	simm.s32 $0x800;
	s12 =	rddreg [dreg:$0x6];
	[sflag:s15] =	ssyncadd.s32 $0xFFFFFC00  }
0x1b: {  	[tilespmem:s9], [sflag:$0xA] =	stream.linear.gather [hbm4b:s12+s4], $0x400, $0x38;
	[tilespmem:$0x1EC00] =	vst v63  }
0x1c: {  	_ =	swait.ge [sflag:s15], $0x400  }
0x1d: {  	[sflag:s15] =	ssyncset.done $0x0;
	s9 =	rddreg [dreg:$0x7]  }
0x1e: {  	s10 =	simm.s32 $0x400;
	s11 =	rddreg [dreg:$0x8];
	[sflag:s15] =	ssyncadd.s32 $0xFFFFFC00  }
0x1f: {  	[tilespmem:s10], [sflag:$0x9] =	stream.linear.gather [hbm4b:s9+s4], $0x400, $0x38;
	[tilespmem:$0x1EC00] =	vst v63  }
0x20: {  	s12 =	simm.s32 $0xC00;
	s9 =	rddreg [dreg:$0x4]  }
0x21: {  	[tilespmem:s12], [sflag:$0x9] =	stream.linear.gather [hbm4b:s11+s4], $0x400, $0x38;
	[tilespmem:$0x1EC00] =	vst v63  }
0x22: {  	[spmem:s20], [sflag:s19] =	dma.local [hbm:s9], $0x2780  }
0x23: {  	_ =	swait.ge [sflag:s15], $0x2780  }
0x24: {  	[sflag:s15] =	ssyncset.done $0x0  }
0x25: {  	[sflag:s15] =	ssyncadd.s32 $0xFFFFD880  }
0x26: {  	[bflag:$0x0] =	sbarrier.arrive $0xFFFF  }
0x27: {  	[tilespmem:s22], [sflag:$0x1] =	stream.indirect.gather [hbm4b:s5+s21], $0x80, s4, s21, $0xb8;
	[tilespmem:$0x1EC00] =	vst v63  }
0x28: {  	s10 =	simm.s32 $0x80  }
0x29: {  	[tilespmem:s24], [sflag:$0x2] =	stream.indirect.gather [hbm4b:s5+s21], $0x80, s10, s21, $0xb8;
	[tilespmem:$0x1EC00] =	vst v63  }
0x2a: {  	s11 =	simm.s32 $0x100  }
0x2b: {  	[tilespmem:s26], [sflag:$0x3] =	stream.indirect.gather [hbm4b:s5+s21], $0x80, s11, s21, $0xb8;
	[tilespmem:$0x1EC00] =	vst v63  }
0x2c: {  	s28 =	simm.s32 $0x380;
	s8 =	simm.s32 $0x0;
	s12 =	simm.s32 $0x180  }
0x2d: {  	[tilespmem:s29], [sflag:$0x4] =	stream.indirect.gather [hbm4b:s5+s21], $0x80, s12, s21, $0xb8;
	[tilespmem:$0x1EC00] =	vst v63  }
.LBB2_2:
0x2e: {  	s9 =	sand.u32 $0x21, s8  }
0x2f: {  	s10 =	sshrl.u32 s8, $0x1;
	p0 =	sne.s32 s9, $0x1  }
0x30: {  	p1 =	seq.s32 @p0 s10, $0x0  }
0x31: {  	p2 =	por p1, !p0  }
0x32: {  	p2 =	sne.s32 @!p2 s9, $0x0  }
0x33: {  	p1 =	por @p0 p2, p1  }
0x34: {  	p1 =	por p1, !p0  }
0x35: {  	s9 =	sshll.u32 @!p1 s10, $0xA  }
0x36: {  	s9 =	sadd.s32 @!p1 $0x400, s9  }
0x37: {  	s10 =	sadd.s32 @!p1 s7, s9  }
0x38: {  	s10 =	sshrl.u32 @!p1 s10, $0x3  }
0x39: {  	s12 =	simm.s32 @!p1 $0x0;
	s9 =	sand.u32 @!p1 $0x400, s9;
	s11 =	sadd.s32 @!p1 s6, s10  }
0x3a: {  	[tilespmem:s9], [sflag:$0x9] =	stream.linear.gather @!p1 [hbm4b:s11+s12], $0x400, $0x38;
	[tilespmem:$0x1EC00] =	vst v63  }
0x3b: {  	s10 =	sadd.s32 @!p1 s1, s10;
	s9 =	sor.u32 @!p1 $0x800, s9  }
0x3c: {  	[tilespmem:s9], [sflag:$0x9] =	stream.linear.gather @!p1 [hbm4b:s10+s12], $0x400, $0x38;
	[tilespmem:$0x1EC00] =	vst v63  }
0x3d: {  	s9 =	simm.s32 @!p0 $0x9  }
0x3e: {  	_ =	swait.ge @!p0 [sflag:s9], $0x400  }
0x3f: {  	[sflag:s9] =	ssyncset.done @!p0 $0x0  }
0x40: {  	[sflag:s9] =	ssyncadd.s32 @!p0 $0xFFFFFC00  }
0x41: {  	_ =	swait.ge @!p0 [sflag:s9], $0x400  }
0x42: {  	[sflag:s9] =	ssyncset.done @!p0 $0x0  }
0x43: {  	[sflag:s9] =	ssyncadd.s32 @!p0 $0xFFFFFC00  }
0x44: {  	s11 =	sadd.s32 $0xFFFFFC80, s28;
	_ =	swait.ge [sflag:s30], $0x2800  }
0x45: {  	s9 =	sand.u32 $0x600, s11;
	[sflag:s30] =	ssyncset.done $0x0  }
0x46: {  	s12 =	sor.u32 $0x800, s9;
	[sflag:s30] =	ssyncadd.s32 $0xFFFFD800  }
0x47: {  	[spmem:s2] =	stream.indirect.scatter.add.f32 [tilespmem:s22], [sflag:$0x5], $0x80, s12, s21, $0xb8;
	[tilespmem:$0x1EC00] =	vst v63  }
0x48: {  	_ =	swait.ge [sflag:s31], $0x2800  }
0x49: {  	[sflag:s31] =	ssyncset.done $0x0  }
0x4a: {  	s11 =	sor.u32 $0x880, s9;
	[sflag:s31] =	ssyncadd.s32 $0xFFFFD800  }
0x4b: {  	[spmem:s2] =	stream.indirect.scatter.add.f32 [tilespmem:s24], [sflag:$0x6], $0x80, s11, s21, $0xb8;
	[tilespmem:$0x1EC00] =	vst v63  }
0x4c: {  	_ =	swait.ge [sflag:s0], $0x2800  }
0x4d: {  	[sflag:s0] =	ssyncset.done $0x0  }
0x4e: {  	s12 =	sor.u32 $0x900, s9;
	[sflag:s0] =	ssyncadd.s32 $0xFFFFD800  }
0x4f: {  	[spmem:s2] =	stream.indirect.scatter.add.f32 [tilespmem:s26], [sflag:$0x7], $0x80, s12, s21, $0xb8;
	[tilespmem:$0x1EC00] =	vst v63  }
0x50: {  	_ =	swait.ge [sflag:s3], $0x2800  }
0x51: {  	[sflag:s3] =	ssyncset.done $0x0  }
0x52: {  	p0 =	seq.s32 s28, $0x4580;
	s9 =	sor.u32 $0x980, s9;
	[sflag:s3] =	ssyncadd.s32 $0xFFFFD800  }
0x53: {  	[spmem:s2] =	stream.indirect.scatter.add.f32 [tilespmem:s29], [sflag:$0x8], $0x80, s9, s21, $0xb8;
	[tilespmem:$0x1EC00] =	vst v63  }
0x54: {  	s9 =	simm.s32 @!p0 $0x5  }
0x55: {  	_ =	swait.ge @!p0 [sflag:s9], $0x2800  }
0x56: {  	[sflag:s9] =	ssyncset.done @!p0 $0x0  }
0x57: {  	[sflag:s9] =	ssyncadd.s32 @!p0 $0xFFFFD800;
	s9 =	sadd.s32 @!p0 $0xFFFFFE80, s28  }
0x58: {  	s10 =	simm.s32 @!p0 $0x50;
	s11 =	simm.s32 @!p0 $0x1000;
	s9 =	sand.u32 @!p0 $0x600, s9  }
0x59: {  	[tilespmem:s11], [sflag:$0x1] =	stream.indirect.gather @!p0 [hbm4b:s5+s10], $0x80, s9, s10, $0xb8;
	[tilespmem:$0x1EC00] =	vst v63  }
0x5a: {  	s9 =	simm.s32 @!p0 $0x6  }
0x5b: {  	_ =	swait.ge @!p0 [sflag:s9], $0x2800  }
0x5c: {  	s11 =	sadd.s32 @!p0 $0xFFFFFF00, s28;
	[sflag:s9] =	ssyncset.done @!p0 $0x0  }
0x5d: {  	[sflag:s9] =	ssyncadd.s32 @!p0 $0xFFFFD800;
	s9 =	sand.u32 @!p0 $0x680, s11;
	s11 =	simm.s32 @!p0 $0x3800  }
0x5e: {  	[tilespmem:s11], [sflag:$0x2] =	stream.indirect.gather @!p0 [hbm4b:s5+s10], $0x80, s9, s10, $0xb8;
	[tilespmem:$0x1EC00] =	vst v63  }
0x5f: {  	s9 =	simm.s32 @!p0 $0x7  }
0x60: {  	_ =	swait.ge @!p0 [sflag:s9], $0x2800  }
0x61: {  	s11 =	sadd.s32 @!p0 $0xFFFFFF80, s28;
	[sflag:s9] =	ssyncset.done @!p0 $0x0  }
0x62: {  	[sflag:s9] =	ssyncadd.s32 @!p0 $0xFFFFD800;
	s9 =	sand.u32 @!p0 $0x700, s11;
	s11 =	simm.s32 @!p0 $0x6000  }
0x63: {  	[tilespmem:s11], [sflag:$0x3] =	stream.indirect.gather @!p0 [hbm4b:s5+s10], $0x80, s9, s10, $0xb8;
	[tilespmem:$0x1EC00] =	vst v63  }
0x64: {  	s11 =	sand.u32 @!p0 $0x780, s28;
	s28 =	sadd.s32 @!p0 $0x200, s28  }
0x65: {  	p1 =	sne.s32 @!p0 s28, $0x4780  }
0x66: {  	p1 =	por p0, !p1  }
.Ltmp0:
0x67: {  	s9 =	simm.s32 @!p0 $0x8;
	(pc) =	sbr.rel @!p1 .LBB2_2-.Ltmp0, $4  }
0x68: {  	_ =	swait.ge @!p0 [sflag:s9], $0x2800  }
0x69: {  	[sflag:s9] =	ssyncset.done @!p0 $0x0  }
0x6a: {  	s8 =	sadd.s32 @!p0 $0x1, s8;
	[sflag:s9] =	ssyncadd.s32 @!p0 $0xFFFFD800;
	s9 =	simm.s32 @!p0 $0x8800  }
0x6b: {  	[tilespmem:s9], [sflag:$0x4] =	stream.indirect.gather @!p0 [hbm4b:s5+s10], $0x80, s11, s10, $0xb8;
	[tilespmem:$0x1EC00] =	vst v63  }
0x6c: {  	_ =	swait.ge [sflag:s16], $0x2800  }
0x6d: {  	[sflag:s16] =	ssyncset.done $0x0  }
0x6e: {  	[sflag:s16] =	ssyncadd.s32 $0xFFFFD800  }
0x6f: {  	_ =	swait.ge [sflag:s17], $0x2800  }
0x70: {  	[sflag:s17] =	ssyncset.done $0x0  }
0x71: {  	[sflag:s17] =	ssyncadd.s32 $0xFFFFD800  }
0x72: {  	_ =	swait.ge [sflag:s18], $0x2800  }
0x73: {  	[sflag:s18] =	ssyncset.done $0x0  }
0x74: {  	[sflag:s18] =	ssyncadd.s32 $0xFFFFD800  }
0x75: {  	_ =	swait.ge [sflag:s23], $0x2800  }
0x76: {  	s25 =	sadd.s32 $0x1, s25;
	[sflag:s23] =	ssyncset.done $0x0  }
0x77: {  	p0 =	sne.s32 s25, s14;
	[sflag:s23] =	ssyncadd.s32 $0xFFFFD800  }
.Ltmp1:
0x78: {  	[bflag:$0x0] =	sbarrier.arrive $0xFFFF;
	(pc) =	sbr.rel @p0 .LBB2_1-.Ltmp1, $4  }
0x79: {  	[hbm:s13], [sflag:s19] =	dma.local [spmem:s20], $0x2780  }
0x7a: {  	_ =	swait.ge [sflag:s15], $0x2780  }
0x7b: {  	[sflag:s15] =	ssyncset.done $0x0  }
0x7c: {  	[sflag:s15] =	ssyncadd.s32 $0xFFFFD880  }
0x7d: {  	_ =	sfence.sel $0x180000  }
0x7e: {  	[bflag:$0x0] =	sbarrier.arrive $0xFFFF  }
0x7f: {  	_ =	strace $0x90000050  }
0x80: {  	s0 =	stileid.u32;
	[bflag:$0x2] =	sbarrier.arrive $0xFFFF  }
0x81: {  	p0 =	sne.s32 s0, $0x0;
	s0 =	rddreg [dreg:$0x3]  }
0x82: {  	s0 =	sadd.s32 @!p0 $0x100000, s0  }
0x83: {  	[sflag:s0] =	ssyncadd.tile.s32 @!p0 $0x1;
	_ =	shalt  }
.Lfunc_end2:
_tile_overlayer_lowered:
.L_overlay_start_2:
0x84: {  	(tag) =	ssettag $0x2  }
0x85: {  	s0 =	rddreg [dreg:$0x0];
	s2 =	stileid.u32  }
0x86: {  	s1 =	rddreg [dreg:$0x1];
	p0 =	sne.s32 s2, $0x0  }
0x87: {  	s3 =	rddreg [dreg:$0x2];
	[bflag:$0x3] =	sbarrier.arrive $0xFFFF;
	s2 =	simm.s32 @!p0 $0x1C0A  }
0x88: {  	[timem:s3], [sflag:s2] =	dma.local @!p0 [hbm:s0], s1  }
0x89: {  	s0 =	simm.s32 @!p0 $0xA  }
0x8a: {  	_ =	swait.ge @!p0 [sflag:s0], s1  }
0x8b: {  	s1 =	ssub.s32 @!p0 $0x0, s1;
	[sflag:s0] =	ssyncset.done @!p0 $0x0  }
0x8c: {  	[sflag:s0] =	ssyncadd.s32 @!p0 s1  }
0x8d: {  	[bflag:$0x3] =	sbarrier.arrive $0xFFFF  }
0x8e: {  	_ =	shalt  }

// kernel: kernel.26.cloned.1.call-start
scs
__scs_entry_jumppad:
0x0: {  	(pc) =	sbr.rel $0x88, $3  }
0x1: {  	(tag) =	ssettag $0x0;
	lr =	simm.s32 $0x1  }
0x2: {  	[smem:$0x3F99] =	sst lr;
	_ =	strace $0xD0000000  }
0x3: {  	_ = 	snop  }
0x4: {  	_ = 	snop  }
0x5: {  	_ = 	snop  }
0x6: {  	_ = 	snop  }
0x7: {  	_ = 	snop  }
__scs_overlays_trampoline_lowered:
0x8: {  	[smem:$0x3FA8] =	sst s0  }
0x9: {  	[smem:$0x3FA9] =	sst s1  }
0xa: {  	[smem:$0x3FAA] =	sst s2  }
0xb: {  	[smem:$0x3FAB] =	sst s3  }
0xc: {  	[smem:$0x3FAC] =	sst s4  }
0xd: {  	[smem:$0x3FAD] =	sst s5  }
0xe: {  	[smem:$0x3FAE] =	sst s6  }
0xf: {  	[smem:$0x3FAF] =	sst s7  }
0x10: {  	[smem:$0x3FB0] =	sst s8  }
0x11: {  	[smem:$0x3FB1] =	sst s9;
	s0 =	simm.s32 @!p0 $0x0  }
0x12: {  	s1 =	sld [smem:$0x3F97];
	s0 =	simm.s32 @p0 $0x1  }
0x13: {  	[smem:$0x3FB2] =	sst s0;
	s0 =	simm.s32 @!p1 $0x0  }
0x14: {  	s2 =	sld [smem:$0x3F96];
	s0 =	simm.s32 @p1 $0x1  }
0x15: {  	[smem:$0x3FB3] =	sst s0;
	s0 =	simm.s32 @!p2 $0x0  }
0x16: {  	s3 =	sld [smem:$0x3FDB];
	s0 =	simm.s32 @p2 $0x1  }
0x17: {  	s4 =	simm.s32 $0x1BF5;
	[smem:$0x3FB5] =	sst s0  }
0x18: {  	s0 =	sld [smem:$0x3F98];
	_ =	swait.ge [sflag:s4], $0x0  }
0x19: {  	s7 =	sld [smem:$0x3F99]  }
0x1a: {  	s8 =	sadd.s32 $0xFFFFE003, lr  }
0x1b: {  	s9 =	sadd.s32 $0xFFFFFEF7, lr;
	s5 =	simm.s32 $0xFFFFFFFF;
	p2 =	slt.u32 s8, $0xFFFFF086  }
0x1c: {  	p1 =	slt.u32 s9, $0xF7A;
	s5 =	simm.s32 @!p2 $0x0  }
0x1d: {  	s5 =	simm.s32 @p1 $0x1;
	p0 =	seq.s32 s7, s2  }
0x1e: {  	s7 =	smul.u32 @!p0 $0xF7A, s2;
	p2 =	seq.s32 @!p0 s5, $0x0  }
0x1f: {  	s9 =	smul.u32 $0xF7A, s1;
	s8 =	simm.s32 @!p0 $0x1BF5;
	p2 =	por !p2, p0  }
0x20: {  	[sflag:s8] =	ssyncset.s32 @!p0 $0xFFFFF086;
	s6 =	sadd.s32 @!p0 s3, s7;
	s7 =	simm.s32 @!p0 $0x108  }
0x21: {  	s3 =	sadd.s32 s3, s9;
	s6 =	sadd.s32 @!p0 $0x88, s6;
	s7 =	simm.s32 @p2 $0x1082  }
0x22: {  	[simem:s7], [sflag:s8] =	dma.local @!p0 [hbm:s6], $0xF7A  }
0x23: {  	s9 =	sor.u32 $0xD0000000, s2;
	s6 =	simm.s32 $0x108;
	_ =	swait.ge @!p0 [sflag:s8], $0x0  }
0x24: {  	s3 =	sadd.s32 $0x88, s3;
	s6 =	simm.s32 @!p1 $0x1082;
	[sflag:s4] =	ssyncset.s32 $0xFFFFF086  }
0x25: {  	[simem:s6], [sflag:s4] =	dma.local [hbm:s3], $0xF7A  }
0x26: {  	[smem:$0x3F99] =	sst s1;
	(tag) =	ssettag s2;
	_ =	strace s9  }
0x27: {  	s1 =	sld [smem:$0x3FA9]  }
0x28: {  	s2 =	sld [smem:$0x3FAA]  }
0x29: {  	s4 =	sld [smem:$0x3FAC]  }
0x2a: {  	p0 =	seq.s32 s5, $0x0;
	s5 =	sld [smem:$0x3FAD]  }
0x2b: {  	s6 =	sld [smem:$0x3FAE]  }
0x2c: {  	s7 =	sld [smem:$0x3FAF]  }
0x2d: {  	s3 =	simm.s32 $0x108;
	s8 =	sld [smem:$0x3FB0]  }
0x2e: {  	s3 =	simm.s32 @!p0 $0x1082;
	s9 =	sld [smem:$0x3FB1]  }
0x2f: {  	lr =	sadd.s32 s0, s3;
	s0 =	sld [smem:$0x3FA8]  }
0x30: {  	s3 =	sld [smem:$0x3FAB]  }
0x31: {  	[smem:$0x3FB4] =	sst s10  }
0x32: {  	s10 =	sld [smem:$0x3FB2];
	_ =	sdelay $0x3  }
0x33: {  	p0 =	seq.s32 s10, $0x1;
	s10 =	sld [smem:$0x3FB4];
	_ =	sdelay $0x3  }
0x34: {  	[smem:$0x3FB4] =	sst s10  }
0x35: {  	s10 =	sld [smem:$0x3FB3];
	_ =	sdelay $0x3  }
0x36: {  	p1 =	seq.s32 s10, $0x1;
	s10 =	sld [smem:$0x3FB4];
	_ =	sdelay $0x3  }
0x37: {  	[smem:$0x3FB4] =	sst s10  }
0x38: {  	s10 =	sld [smem:$0x3FB5]  }
0x39: {  	_ = 	snop;
	(pc) =	sbr.ind lr, $3  }
0x3a: {  	_ = 	snop  }
0x3b: {  	_ = 	snop  }
0x3c: {  	p2 =	seq.s32 s10, $0x1;
	s10 =	sld [smem:$0x3FB4]  }
0x3d: {  	_ =	shalt  }
0x3e: {  	_ =	shalt  }
0x3f: {  	_ =	shalt  }
0x40: {  	_ =	shalt  }
0x41: {  	_ =	shalt  }
0x42: {  	_ =	shalt  }
0x43: {  	_ =	shalt  }
0x44: {  	_ =	shalt  }
0x45: {  	_ =	shalt  }
0x46: {  	_ =	shalt  }
0x47: {  	_ =	shalt  }
0x48: {  	_ =	shalt  }
0x49: {  	_ =	shalt  }
0x4a: {  	_ =	shalt  }
0x4b: {  	_ =	shalt  }
0x4c: {  	_ =	shalt  }
0x4d: {  	_ =	shalt  }
0x4e: {  	_ =	shalt  }
0x4f: {  	_ =	shalt  }
0x50: {  	_ =	shalt  }
0x51: {  	_ =	shalt  }
0x52: {  	_ =	shalt  }
0x53: {  	_ =	shalt  }
0x54: {  	_ =	shalt  }
0x55: {  	_ =	shalt  }
0x56: {  	_ =	shalt  }
0x57: {  	_ =	shalt  }
0x58: {  	_ =	shalt  }
0x59: {  	_ =	shalt  }
0x5a: {  	_ =	shalt  }
0x5b: {  	_ =	shalt  }
0x5c: {  	_ =	shalt  }
0x5d: {  	_ =	shalt  }
0x5e: {  	_ =	shalt  }
0x5f: {  	_ =	shalt  }
0x60: {  	_ =	shalt  }
0x61: {  	_ =	shalt  }
0x62: {  	_ =	shalt  }
0x63: {  	_ =	shalt  }
0x64: {  	_ =	shalt  }
0x65: {  	_ =	shalt  }
0x66: {  	_ =	shalt  }
0x67: {  	_ =	shalt  }
0x68: {  	_ =	shalt  }
0x69: {  	_ =	shalt  }
0x6a: {  	_ =	shalt  }
0x6b: {  	_ =	shalt  }
0x6c: {  	_ =	shalt  }
0x6d: {  	_ =	shalt  }
0x6e: {  	_ =	shalt  }
0x6f: {  	_ =	shalt  }
0x70: {  	_ =	shalt  }
0x71: {  	_ =	shalt  }
0x72: {  	_ =	shalt  }
0x73: {  	_ =	shalt  }
0x74: {  	_ =	shalt  }
0x75: {  	_ =	shalt  }
0x76: {  	_ =	shalt  }
0x77: {  	_ =	shalt  }
0x78: {  	_ =	shalt  }
0x79: {  	_ =	shalt  }
0x7a: {  	_ =	shalt  }
0x7b: {  	_ =	shalt  }
0x7c: {  	_ =	shalt  }
0x7d: {  	_ =	shalt  }
0x7e: {  	_ =	shalt  }
0x7f: {  	_ =	shalt  }
0x80: {  	_ =	shalt  }
0x81: {  	_ =	shalt  }
0x82: {  	_ =	shalt  }
0x83: {  	_ =	shalt  }
0x84: {  	_ =	shalt  }
0x85: {  	_ =	shalt  }
0x86: {  	_ =	shalt  }
0x87: {  	_ =	shalt  }
.Lfunc_end0:
.L_simem_size_0:
called_computation.4_lowered:
.L_overlay_start_0:
0x88: {  	s2 =	sld [smem:$0x3FD9]  }
0x89: {  	s3 =	sld [smem:$0x3FFE];
	_ =	sdelay $0x1  }
0x8a: {  	s1 =	srdreg.scid  }
0x8b: {  	s0 =	sand.u32 $0x1, s1  }
0x8c: {  	s17 =	sshll.u32 s0, $0xA;
	s2 =	sadd.s32 s3, s2  }
0x8d: {  	s2 =	sadd.s32 s2, s17  }
0x8e: {  	[smem:$0x3FC0] =	sst s2  }
0x8f: {  	_ = 	snop  }
0x90: {  	s2 =	sld [smem:$0x3FD0];
	(tm) =	ssettm $0x1  }
0x91: {  	s18 =	sld [smem:$0x3FFB];
	_ =	sdelay $0x3  }
0x92: {  	_ =	strace s18  }
0x93: {  	s3 =	sld [smem:$0x3FFC];
	_ =	sdelay $0x3  }
0x94: {  	_ =	strace s3  }
0x95: {  	s3 =	sld [smem:$0x3FFD];
	_ =	sdelay $0x3  }
0x96: {  	_ =	strace s3  }
0x97: {  	_ =	strace $0x8FFFFFFF  }
0x98: {  	s19 =	sld [smem:$0x3FDB];
	_ =	sdelay $0x1  }
0x99: {  	s4 =	simm.s32 $_scs_section_size  }
0x9a: {  	s5 =	simm.s32 $_size__tile_overlayer_lowered;
	s6 =	simm.s32 $_tile_overlayer_lowered  }
0x9b: {  	s22 =	simm.s32 $0x1BFF;
	s21 =	sshll.u32 s6, $0x1;
	s3 =	sadd.s32 s4, s19  }
0x9c: {  	s7 =	simm.s32 $0x0;
	s20 =	sshll.u32 s5, $0x1;
	s5 =	sadd.s32 s21, s3  }
0x9d: {  	[timem:s7], [sflag:s22] =	dma.local [hbm:s5], s20  }
0x9e: {  	_ =	swait.ge [sflag:s22], s20  }
0x9f: {  	s4 =	ssub.s32 $0x0, s20;
	[sflag:s22] =	ssyncset.done $0x0  }
0xa0: {  	[sflag:s22] =	ssyncadd.s32 s4;
	_ =	sdelay $0x1  }
0xa1: {  	s23 =	simm.s32 $0x1B8B  }
0xa2: {  	_ =	swait.ge [sflag:s23], $0x1  }
0xa3: {  	[sflag:s23] =	ssyncset.done $0x0  }
0xa4: {  	s25 =	simm.s32 $0x1B8E;
	s24 =	sld [smem:$0x3FFE];
	[sflag:s23] =	ssyncadd.s32 $0xFFFFFFFF  }
0xa5: {  	s26 =	simm.s32 $execute0_lowered;
	[smem:$0x3FD2] =	sst s25  }
0xa6: {  	s5 =	sshll.u32 s26, $0x1;
	_ =	strace $0x80000052;
	[dreg:$0x1] =	wrdreg $0xFFFFFFFF  }
0xa7: {  	s28 =	simm.s32 $_size_execute0_lowered;
	s3 =	sadd.s32 s3, s5;
	[dreg:$0x0] =	wrdreg $0x0  }
0xa8: {  	s5 =	sshll.u32 s28, $0x1;
	[dreg:$0x2] =	wrdreg s3  }
0xa9: {  	[dreg:$0x3] =	wrdreg s5  }
0xaa: {  	[dreg:$0x4] =	wrdreg $0xC0  }
0xab: {  	_ =	task [dreg:s7], $0x5FFFF  }
0xac: {  	[dreg:$0x1] =	wrdreg $0xFFFFFFFF  }
0xad: {  	[dreg:$0x0] =	wrdreg $0x60  }
0xae: {  	[dreg:$0x2] =	wrdreg s24  }
0xaf: {  	[dreg:$0x3] =	wrdreg s2  }
0xb0: {  	[dreg:$0x4] =	wrdreg $0xB0000  }
0xb1: {  	[dreg:$0x5] =	wrdreg $0x9  }
0xb2: {  	_ =	task.clear_ibuf [dreg:s7], $0x6FFFF;
	_ =	strace $0x90000052  }
0xb3: {  	s29 =	simm.s32 $0x9;
	_ =	strace $0x80000054  }
0xb4: {  	_ =	swait.ge [sflag:s29], $0x1  }
0xb5: {  	[sflag:s29] =	ssyncadd.s32 $0xFFFFFFFF  }
0xb6: {  	_ =	strace $0x90000054  }
0xb7: {  	_ =	sfence  }
0xb8: {  	s30 =	sld [smem:$0x0];
	_ =	sdelay $0x2  }
0xb9: {  	s31 =	sshll.u32 s1, $0xD;
	s1 =	sshrl.u32 s1, $0x2  }
0xba: {  	s3 =	sand.u32 $0x4000, s31;
	s1 =	sadd.s32 s1, s30  }
0xbb: {  	s0 =	sor.u32 s3, s0;
	s1 =	sshll.u32 s1, $0x11  }
0xbc: {  	s0 =	sor.u32 s1, s0  }
0xbd: {  	s0 =	sadd.s32 $0x8F2B, s0  }
0xbe: {  	[sflag:s0] =	ssyncadd.remote.s32 $0x1  }
0xbf: {  	_ =	sfence.sel $0xFFFF  }
0xc0: {  	[dreg:$0x0] =	wrdreg $0xFFFFFFFF;
	(pc) =	sbr.abs _section_cstart, $3  }
0xc1: {  	[dreg:$0x1] =	wrdreg $0xFFFFFFFF  }
0xc2: {  	_ =	task.clear_ibuf [dreg:s7], $0x2FFFF;
	_ =	strace $0x9FFFFFFF  }
0xc3: {  	(tm) =	ssettm $0x7FFFFFFF  }
tec
execute0_lowered:
.L_overlay_start_1:
0x0: {  	(tag) =	ssettag $0x1  }
0x1: {  	s0 =	rddreg [dreg:$0x0]  }
0x2: {  	s1 =	rddreg [dreg:$0x1]  }
0x3: {  	s2 =	rddreg [dreg:$0x2]  }
0x4: {  	s3 =	srdreg.scid;
	s4 =	simm.s32 $0x0;
	s10 =	stileid.u32  }
0x5: {  	s15 =	simm.s32 $0xA;
	s29 =	simm.s32 $0x8800;
	s30 =	simm.s32 $0x1  }
0x6: {  	s31 =	simm.s32 $0x2;
	s16 =	simm.s32 $0x5;
	s17 =	simm.s32 $0x6  }
0x7: {  	s3 =	sand.u32 $0x1, s3;
	[smem:$0x7FF] =	sst s4;
	s8 =	smul.u32 $0x13C00, s10  }
0x8: {  	s5 =	sadd.s32 $0x4200, s0;
	s6 =	sadd.s32 $0x56000, s0;
	s13 =	smul.u32 $0x4F000, s10  }
0x9: {  	s20 =	sadd.s32 $0x2B400, s0;
	s28 =	sshll.u32 s10, $0x6;
	s7 =	smul.u32 $0x13C000, s3  }
0xa: {  	_ =	strace $0x80000053;
	s9 =	sshll.u32 s3, $0x4;
	s3 =	ssub.s32 $0x2, s3  }
0xb: {  	[dreg:$0x4] =	wrdreg s20;
	s18 =	sor.u32 s10, s9;
	s21 =	sshrl.u32 s3, $0x1  }
0xc: {  	s26 =	sshrl.u32 s13, $0x2;
	s7 =	sadd.s32 s8, s7;
	s3 =	ssub.s32 s3, s21  }
0xd: {  	s21 =	simm.s32 $0x50;
	s19 =	sshrl.u32 s7, $0x3;
	s7 =	smul.u32 $0x4400, s18  }
0xe: {  	s14 =	smax.u32 s3, $0x1;
	s3 =	simm.s32 $0x4;
	s18 =	simm.s32 $0x7  }
0xf: {  	s0 =	sadd.s32 s19, s0;
	s19 =	sor.u32 $0x1C0A, s28;
	s22 =	sshrl.u32 s7, $0x3  }
0x10: {  	s13 =	sadd.s32 $0x67000, s0;
	s0 =	simm.s32 $0x3;
	s23 =	sadd.s32 s6, s22  }
0x11: {  	s24 =	sadd.s32 s1, s22;
	s8 =	sadd.s32 $0x80, s22;
	[dreg:$0x5] =	wrdreg s23  }
0x12: {  	s22 =	simm.s32 $0x1000;
	[dreg:$0x6] =	wrdreg s24;
	s25 =	sadd.s32 s6, s8  }
0x13: {  	s8 =	sadd.s32 s1, s8;
	s24 =	simm.s32 $0x3800;
	[dreg:$0x7] =	wrdreg s25  }
0x14: {  	s23 =	simm.s32 $0x8;
	[dreg:$0x8] =	wrdreg s8;
	s8 =	sadd.s32 s26, s2  }
0x15: {  	s26 =	simm.s32 $0x6000;
	s25 =	simm.s32 $0x0;
	s20 =	sshrl.u32 s8, $0x3  }
.LBB2_1:
0x16: {  	s8 =	rddreg [dreg:$0x5]  }
0x17: {  	[tilespmem:s4], [sflag:$0xA] =	stream.linear.gather [hbm4b:s8+s4], $0x400, $0x38;
	[tilespmem:$0x1EC00] =	vst v63  }
0x18: {  	_ =	swait.ge [sflag:s15], $0x400  }
0x19: {  	[sflag:s15] =	ssyncset.done $0x0  }
0x1a: {  	s9 =	simm.s32 $0x800;
	s12 =	rddreg [dreg:$0x6];
	[sflag:s15] =	ssyncadd.s32 $0xFFFFFC00  }
0x1b: {  	[tilespmem:s9], [sflag:$0xA] =	stream.linear.gather [hbm4b:s12+s4], $0x400, $0x38;
	[tilespmem:$0x1EC00] =	vst v63  }
0x1c: {  	_ =	swait.ge [sflag:s15], $0x400  }
0x1d: {  	[sflag:s15] =	ssyncset.done $0x0;
	s9 =	rddreg [dreg:$0x7]  }
0x1e: {  	s10 =	simm.s32 $0x400;
	s11 =	rddreg [dreg:$0x8];
	[sflag:s15] =	ssyncadd.s32 $0xFFFFFC00  }
0x1f: {  	[tilespmem:s10], [sflag:$0x9] =	stream.linear.gather [hbm4b:s9+s4], $0x400, $0x38;
	[tilespmem:$0x1EC00] =	vst v63  }
0x20: {  	s12 =	simm.s32 $0xC00;
	s9 =	rddreg [dreg:$0x4]  }
0x21: {  	[tilespmem:s12], [sflag:$0x9] =	stream.linear.gather [hbm4b:s11+s4], $0x400, $0x38;
	[tilespmem:$0x1EC00] =	vst v63  }
0x22: {  	[spmem:s20], [sflag:s19] =	dma.local [hbm:s9], $0x2780  }
0x23: {  	_ =	swait.ge [sflag:s15], $0x2780  }
0x24: {  	[sflag:s15] =	ssyncset.done $0x0  }
0x25: {  	[sflag:s15] =	ssyncadd.s32 $0xFFFFD880  }
0x26: {  	[bflag:$0x0] =	sbarrier.arrive $0xFFFF  }
0x27: {  	[tilespmem:s22], [sflag:$0x1] =	stream.indirect.gather [hbm4b:s5+s21], $0x80, s4, s21, $0xb8;
	[tilespmem:$0x1EC00] =	vst v63  }
0x28: {  	s10 =	simm.s32 $0x80  }
0x29: {  	[tilespmem:s24], [sflag:$0x2] =	stream.indirect.gather [hbm4b:s5+s21], $0x80, s10, s21, $0xb8;
	[tilespmem:$0x1EC00] =	vst v63  }
0x2a: {  	s11 =	simm.s32 $0x100  }
0x2b: {  	[tilespmem:s26], [sflag:$0x3] =	stream.indirect.gather [hbm4b:s5+s21], $0x80, s11, s21, $0xb8;
	[tilespmem:$0x1EC00] =	vst v63  }
0x2c: {  	s28 =	simm.s32 $0x380;
	s8 =	simm.s32 $0x0;
	s12 =	simm.s32 $0x180  }
0x2d: {  	[tilespmem:s29], [sflag:$0x4] =	stream.indirect.gather [hbm4b:s5+s21], $0x80, s12, s21, $0xb8;
	[tilespmem:$0x1EC00] =	vst v63  }
.LBB2_2:
0x2e: {  	s9 =	sand.u32 $0x21, s8  }
0x2f: {  	s10 =	sshrl.u32 s8, $0x1;
	p0 =	sne.s32 s9, $0x1  }
0x30: {  	p1 =	seq.s32 @p0 s10, $0x0  }
0x31: {  	p2 =	por p1, !p0  }
0x32: {  	p2 =	sne.s32 @!p2 s9, $0x0  }
0x33: {  	p1 =	por @p0 p2, p1  }
0x34: {  	p1 =	por p1, !p0  }
0x35: {  	s9 =	sshll.u32 @!p1 s10, $0xA  }
0x36: {  	s9 =	sadd.s32 @!p1 $0x400, s9  }
0x37: {  	s10 =	sadd.s32 @!p1 s7, s9  }
0x38: {  	s10 =	sshrl.u32 @!p1 s10, $0x3  }
0x39: {  	s12 =	simm.s32 @!p1 $0x0;
	s9 =	sand.u32 @!p1 $0x400, s9;
	s11 =	sadd.s32 @!p1 s6, s10  }
0x3a: {  	[tilespmem:s9], [sflag:$0x9] =	stream.linear.gather @!p1 [hbm4b:s11+s12], $0x400, $0x38;
	[tilespmem:$0x1EC00] =	vst v63  }
0x3b: {  	s10 =	sadd.s32 @!p1 s1, s10;
	s9 =	sor.u32 @!p1 $0x800, s9  }
0x3c: {  	[tilespmem:s9], [sflag:$0x9] =	stream.linear.gather @!p1 [hbm4b:s10+s12], $0x400, $0x38;
	[tilespmem:$0x1EC00] =	vst v63  }
0x3d: {  	s9 =	simm.s32 @!p0 $0x9  }
0x3e: {  	_ =	swait.ge @!p0 [sflag:s9], $0x400  }
0x3f: {  	[sflag:s9] =	ssyncset.done @!p0 $0x0  }
0x40: {  	[sflag:s9] =	ssyncadd.s32 @!p0 $0xFFFFFC00  }
0x41: {  	_ =	swait.ge @!p0 [sflag:s9], $0x400  }
0x42: {  	[sflag:s9] =	ssyncset.done @!p0 $0x0  }
0x43: {  	[sflag:s9] =	ssyncadd.s32 @!p0 $0xFFFFFC00  }
0x44: {  	s11 =	sadd.s32 $0xFFFFFC80, s28;
	_ =	swait.ge [sflag:s30], $0x2800  }
0x45: {  	s9 =	sand.u32 $0x600, s11;
	[sflag:s30] =	ssyncset.done $0x0  }
0x46: {  	s12 =	sor.u32 $0x800, s9;
	[sflag:s30] =	ssyncadd.s32 $0xFFFFD800  }
0x47: {  	[spmem:s2] =	stream.indirect.scatter.add.f32 [tilespmem:s22], [sflag:$0x5], $0x80, s12, s21, $0xb8;
	[tilespmem:$0x1EC00] =	vst v63  }
0x48: {  	_ =	swait.ge [sflag:s31], $0x2800  }
0x49: {  	[sflag:s31] =	ssyncset.done $0x0  }
0x4a: {  	s11 =	sor.u32 $0x880, s9;
	[sflag:s31] =	ssyncadd.s32 $0xFFFFD800  }
0x4b: {  	[spmem:s2] =	stream.indirect.scatter.add.f32 [tilespmem:s24], [sflag:$0x6], $0x80, s11, s21, $0xb8;
	[tilespmem:$0x1EC00] =	vst v63  }
0x4c: {  	_ =	swait.ge [sflag:s0], $0x2800  }
0x4d: {  	[sflag:s0] =	ssyncset.done $0x0  }
0x4e: {  	s12 =	sor.u32 $0x900, s9;
	[sflag:s0] =	ssyncadd.s32 $0xFFFFD800  }
0x4f: {  	[spmem:s2] =	stream.indirect.scatter.add.f32 [tilespmem:s26], [sflag:$0x7], $0x80, s12, s21, $0xb8;
	[tilespmem:$0x1EC00] =	vst v63  }
0x50: {  	_ =	swait.ge [sflag:s3], $0x2800  }
0x51: {  	[sflag:s3] =	ssyncset.done $0x0  }
0x52: {  	p0 =	seq.s32 s28, $0x4580;
	s9 =	sor.u32 $0x980, s9;
	[sflag:s3] =	ssyncadd.s32 $0xFFFFD800  }
0x53: {  	[spmem:s2] =	stream.indirect.scatter.add.f32 [tilespmem:s29], [sflag:$0x8], $0x80, s9, s21, $0xb8;
	[tilespmem:$0x1EC00] =	vst v63  }
0x54: {  	s9 =	simm.s32 @!p0 $0x5  }
0x55: {  	_ =	swait.ge @!p0 [sflag:s9], $0x2800  }
0x56: {  	[sflag:s9] =	ssyncset.done @!p0 $0x0  }
0x57: {  	[sflag:s9] =	ssyncadd.s32 @!p0 $0xFFFFD800;
	s9 =	sadd.s32 @!p0 $0xFFFFFE80, s28  }
0x58: {  	s10 =	simm.s32 @!p0 $0x50;
	s11 =	simm.s32 @!p0 $0x1000;
	s9 =	sand.u32 @!p0 $0x600, s9  }
0x59: {  	[tilespmem:s11], [sflag:$0x1] =	stream.indirect.gather @!p0 [hbm4b:s5+s10], $0x80, s9, s10, $0xb8;
	[tilespmem:$0x1EC00] =	vst v63  }
0x5a: {  	s9 =	simm.s32 @!p0 $0x6  }
0x5b: {  	_ =	swait.ge @!p0 [sflag:s9], $0x2800  }
0x5c: {  	s11 =	sadd.s32 @!p0 $0xFFFFFF00, s28;
	[sflag:s9] =	ssyncset.done @!p0 $0x0  }
0x5d: {  	[sflag:s9] =	ssyncadd.s32 @!p0 $0xFFFFD800;
	s9 =	sand.u32 @!p0 $0x680, s11;
	s11 =	simm.s32 @!p0 $0x3800  }
0x5e: {  	[tilespmem:s11], [sflag:$0x2] =	stream.indirect.gather @!p0 [hbm4b:s5+s10], $0x80, s9, s10, $0xb8;
	[tilespmem:$0x1EC00] =	vst v63  }
0x5f: {  	s9 =	simm.s32 @!p0 $0x7  }
0x60: {  	_ =	swait.ge @!p0 [sflag:s9], $0x2800  }
0x61: {  	s11 =	sadd.s32 @!p0 $0xFFFFFF80, s28;
	[sflag:s9] =	ssyncset.done @!p0 $0x0  }
0x62: {  	[sflag:s9] =	ssyncadd.s32 @!p0 $0xFFFFD800;
	s9 =	sand.u32 @!p0 $0x700, s11;
	s11 =	simm.s32 @!p0 $0x6000  }
0x63: {  	[tilespmem:s11], [sflag:$0x3] =	stream.indirect.gather @!p0 [hbm4b:s5+s10], $0x80, s9, s10, $0xb8;
	[tilespmem:$0x1EC00] =	vst v63  }
0x64: {  	s11 =	sand.u32 @!p0 $0x780, s28;
	s28 =	sadd.s32 @!p0 $0x200, s28  }
0x65: {  	p1 =	sne.s32 @!p0 s28, $0x4780  }
0x66: {  	p1 =	por p0, !p1  }
.Ltmp0:
0x67: {  	s9 =	simm.s32 @!p0 $0x8;
	(pc) =	sbr.rel @!p1 .LBB2_2-.Ltmp0, $4  }
0x68: {  	_ =	swait.ge @!p0 [sflag:s9], $0x2800  }
0x69: {  	[sflag:s9] =	ssyncset.done @!p0 $0x0  }
0x6a: {  	s8 =	sadd.s32 @!p0 $0x1, s8;
	[sflag:s9] =	ssyncadd.s32 @!p0 $0xFFFFD800;
	s9 =	simm.s32 @!p0 $0x8800  }
0x6b: {  	[tilespmem:s9], [sflag:$0x4] =	stream.indirect.gather @!p0 [hbm4b:s5+s10], $0x80, s11, s10, $0xb8;
	[tilespmem:$0x1EC00] =	vst v63  }
0x6c: {  	_ =	swait.ge [sflag:s16], $0x2800  }
0x6d: {  	[sflag:s16] =	ssyncset.done $0x0  }
0x6e: {  	[sflag:s16] =	ssyncadd.s32 $0xFFFFD800  }
0x6f: {  	_ =	swait.ge [sflag:s17], $0x2800  }
0x70: {  	[sflag:s17] =	ssyncset.done $0x0  }
0x71: {  	[sflag:s17] =	ssyncadd.s32 $0xFFFFD800  }
0x72: {  	_ =	swait.ge [sflag:s18], $0x2800  }
0x73: {  	[sflag:s18] =	ssyncset.done $0x0  }
0x74: {  	[sflag:s18] =	ssyncadd.s32 $0xFFFFD800  }
0x75: {  	_ =	swait.ge [sflag:s23], $0x2800  }
0x76: {  	s25 =	sadd.s32 $0x1, s25;
	[sflag:s23] =	ssyncset.done $0x0  }
0x77: {  	p0 =	sne.s32 s25, s14;
	[sflag:s23] =	ssyncadd.s32 $0xFFFFD800  }
.Ltmp1:
0x78: {  	[bflag:$0x0] =	sbarrier.arrive $0xFFFF;
	(pc) =	sbr.rel @p0 .LBB2_1-.Ltmp1, $4  }
0x79: {  	[hbm:s13], [sflag:s19] =	dma.local [spmem:s20], $0x2780  }
0x7a: {  	_ =	swait.ge [sflag:s15], $0x2780  }
0x7b: {  	[sflag:s15] =	ssyncset.done $0x0  }
0x7c: {  	[sflag:s15] =	ssyncadd.s32 $0xFFFFD880  }
0x7d: {  	_ =	sfence.sel $0x180000  }
0x7e: {  	[bflag:$0x0] =	sbarrier.arrive $0xFFFF  }
0x7f: {  	_ =	strace $0x90000053  }
0x80: {  	s0 =	stileid.u32;
	[bflag:$0x2] =	sbarrier.arrive $0xFFFF  }
0x81: {  	p0 =	sne.s32 s0, $0x0;
	s0 =	rddreg [dreg:$0x3]  }
0x82: {  	s0 =	sadd.s32 @!p0 $0x100000, s0  }
0x83: {  	[sflag:s0] =	ssyncadd.tile.s32 @!p0 $0x1;
	_ =	shalt  }
.Lfunc_end2:
_tile_overlayer_lowered:
.L_overlay_start_2:
0x84: {  	(tag) =	ssettag $0x2  }
0x85: {  	s0 =	rddreg [dreg:$0x0];
	s2 =	stileid.u32  }
0x86: {  	s1 =	rddreg [dreg:$0x1];
	p0 =	sne.s32 s2, $0x0  }
0x87: {  	s3 =	rddreg [dreg:$0x2];
	[bflag:$0x3] =	sbarrier.arrive $0xFFFF;
	s2 =	simm.s32 @!p0 $0x1C0A  }
0x88: {  	[timem:s3], [sflag:s2] =	dma.local @!p0 [hbm:s0], s1  }
0x89: {  	s0 =	simm.s32 @!p0 $0xA  }
0x8a: {  	_ =	swait.ge @!p0 [sflag:s0], s1  }
0x8b: {  	s1 =	ssub.s32 @!p0 $0x0, s1;
	[sflag:s0] =	ssyncset.done @!p0 $0x0  }
0x8c: {  	[sflag:s0] =	ssyncadd.s32 @!p0 s1  }
0x8d: {  	[bflag:$0x3] =	sbarrier.arrive $0xFFFF  }
0x8e: {  	_ =	shalt  }

// kernel: kernel.29.cloned.1.call-start
scs
__scs_entry_jumppad:
0x0: {  	(pc) =	sbr.rel $0x88, $3  }
0x1: {  	(tag) =	ssettag $0x0;
	lr =	simm.s32 $0x1  }
0x2: {  	[smem:$0x3F99] =	sst lr;
	_ =	strace $0xD0000000  }
0x3: {  	_ = 	snop  }
0x4: {  	_ = 	snop  }
0x5: {  	_ = 	snop  }
0x6: {  	_ = 	snop  }
0x7: {  	_ = 	snop  }
__scs_overlays_trampoline_lowered:
0x8: {  	[smem:$0x3FA8] =	sst s0  }
0x9: {  	[smem:$0x3FA9] =	sst s1  }
0xa: {  	[smem:$0x3FAA] =	sst s2  }
0xb: {  	[smem:$0x3FAB] =	sst s3  }
0xc: {  	[smem:$0x3FAC] =	sst s4  }
0xd: {  	[smem:$0x3FAD] =	sst s5  }
0xe: {  	[smem:$0x3FAE] =	sst s6  }
0xf: {  	[smem:$0x3FAF] =	sst s7  }
0x10: {  	[smem:$0x3FB0] =	sst s8  }
0x11: {  	[smem:$0x3FB1] =	sst s9;
	s0 =	simm.s32 @!p0 $0x0  }
0x12: {  	s1 =	sld [smem:$0x3F97];
	s0 =	simm.s32 @p0 $0x1  }
0x13: {  	[smem:$0x3FB2] =	sst s0;
	s0 =	simm.s32 @!p1 $0x0  }
0x14: {  	s2 =	sld [smem:$0x3F96];
	s0 =	simm.s32 @p1 $0x1  }
0x15: {  	[smem:$0x3FB3] =	sst s0;
	s0 =	simm.s32 @!p2 $0x0  }
0x16: {  	s3 =	sld [smem:$0x3FDB];
	s0 =	simm.s32 @p2 $0x1  }
0x17: {  	s4 =	simm.s32 $0x1BF5;
	[smem:$0x3FB5] =	sst s0  }
0x18: {  	s0 =	sld [smem:$0x3F98];
	_ =	swait.ge [sflag:s4], $0x0  }
0x19: {  	s7 =	sld [smem:$0x3F99]  }
0x1a: {  	s8 =	sadd.s32 $0xFFFFE003, lr  }
0x1b: {  	s9 =	sadd.s32 $0xFFFFFEF7, lr;
	s5 =	simm.s32 $0xFFFFFFFF;
	p2 =	slt.u32 s8, $0xFFFFF086  }
0x1c: {  	p1 =	slt.u32 s9, $0xF7A;
	s5 =	simm.s32 @!p2 $0x0  }
0x1d: {  	s5 =	simm.s32 @p1 $0x1;
	p0 =	seq.s32 s7, s2  }
0x1e: {  	s7 =	smul.u32 @!p0 $0xF7A, s2;
	p2 =	seq.s32 @!p0 s5, $0x0  }
0x1f: {  	s9 =	smul.u32 $0xF7A, s1;
	s8 =	simm.s32 @!p0 $0x1BF5;
	p2 =	por !p2, p0  }
0x20: {  	[sflag:s8] =	ssyncset.s32 @!p0 $0xFFFFF086;
	s6 =	sadd.s32 @!p0 s3, s7;
	s7 =	simm.s32 @!p0 $0x108  }
0x21: {  	s3 =	sadd.s32 s3, s9;
	s6 =	sadd.s32 @!p0 $0x88, s6;
	s7 =	simm.s32 @p2 $0x1082  }
0x22: {  	[simem:s7], [sflag:s8] =	dma.local @!p0 [hbm:s6], $0xF7A  }
0x23: {  	s9 =	sor.u32 $0xD0000000, s2;
	s6 =	simm.s32 $0x108;
	_ =	swait.ge @!p0 [sflag:s8], $0x0  }
0x24: {  	s3 =	sadd.s32 $0x88, s3;
	s6 =	simm.s32 @!p1 $0x1082;
	[sflag:s4] =	ssyncset.s32 $0xFFFFF086  }
0x25: {  	[simem:s6], [sflag:s4] =	dma.local [hbm:s3], $0xF7A  }
0x26: {  	[smem:$0x3F99] =	sst s1;
	(tag) =	ssettag s2;
	_ =	strace s9  }
0x27: {  	s1 =	sld [smem:$0x3FA9]  }
0x28: {  	s2 =	sld [smem:$0x3FAA]  }
0x29: {  	s4 =	sld [smem:$0x3FAC]  }
0x2a: {  	p0 =	seq.s32 s5, $0x0;
	s5 =	sld [smem:$0x3FAD]  }
0x2b: {  	s6 =	sld [smem:$0x3FAE]  }
0x2c: {  	s7 =	sld [smem:$0x3FAF]  }
0x2d: {  	s3 =	simm.s32 $0x108;
	s8 =	sld [smem:$0x3FB0]  }
0x2e: {  	s3 =	simm.s32 @!p0 $0x1082;
	s9 =	sld [smem:$0x3FB1]  }
0x2f: {  	lr =	sadd.s32 s0, s3;
	s0 =	sld [smem:$0x3FA8]  }
0x30: {  	s3 =	sld [smem:$0x3FAB]  }
0x31: {  	[smem:$0x3FB4] =	sst s10  }
0x32: {  	s10 =	sld [smem:$0x3FB2];
	_ =	sdelay $0x3  }
0x33: {  	p0 =	seq.s32 s10, $0x1;
	s10 =	sld [smem:$0x3FB4];
	_ =	sdelay $0x3  }
0x34: {  	[smem:$0x3FB4] =	sst s10  }
0x35: {  	s10 =	sld [smem:$0x3FB3];
	_ =	sdelay $0x3  }
0x36: {  	p1 =	seq.s32 s10, $0x1;
	s10 =	sld [smem:$0x3FB4];
	_ =	sdelay $0x3  }
0x37: {  	[smem:$0x3FB4] =	sst s10  }
0x38: {  	s10 =	sld [smem:$0x3FB5]  }
0x39: {  	_ = 	snop;
	(pc) =	sbr.ind lr, $3  }
0x3a: {  	_ = 	snop  }
0x3b: {  	_ = 	snop  }
0x3c: {  	p2 =	seq.s32 s10, $0x1;
	s10 =	sld [smem:$0x3FB4]  }
0x3d: {  	_ =	shalt  }
0x3e: {  	_ =	shalt  }
0x3f: {  	_ =	shalt  }
0x40: {  	_ =	shalt  }
0x41: {  	_ =	shalt  }
0x42: {  	_ =	shalt  }
0x43: {  	_ =	shalt  }
0x44: {  	_ =	shalt  }
0x45: {  	_ =	shalt  }
0x46: {  	_ =	shalt  }
0x47: {  	_ =	shalt  }
0x48: {  	_ =	shalt  }
0x49: {  	_ =	shalt  }
0x4a: {  	_ =	shalt  }
0x4b: {  	_ =	shalt  }
0x4c: {  	_ =	shalt  }
0x4d: {  	_ =	shalt  }
0x4e: {  	_ =	shalt  }
0x4f: {  	_ =	shalt  }
0x50: {  	_ =	shalt  }
0x51: {  	_ =	shalt  }
0x52: {  	_ =	shalt  }
0x53: {  	_ =	shalt  }
0x54: {  	_ =	shalt  }
0x55: {  	_ =	shalt  }
0x56: {  	_ =	shalt  }
0x57: {  	_ =	shalt  }
0x58: {  	_ =	shalt  }
0x59: {  	_ =	shalt  }
0x5a: {  	_ =	shalt  }
0x5b: {  	_ =	shalt  }
0x5c: {  	_ =	shalt  }
0x5d: {  	_ =	shalt  }
0x5e: {  	_ =	shalt  }
0x5f: {  	_ =	shalt  }
0x60: {  	_ =	shalt  }
0x61: {  	_ =	shalt  }
0x62: {  	_ =	shalt  }
0x63: {  	_ =	shalt  }
0x64: {  	_ =	shalt  }
0x65: {  	_ =	shalt  }
0x66: {  	_ =	shalt  }
0x67: {  	_ =	shalt  }
0x68: {  	_ =	shalt  }
0x69: {  	_ =	shalt  }
0x6a: {  	_ =	shalt  }
0x6b: {  	_ =	shalt  }
0x6c: {  	_ =	shalt  }
0x6d: {  	_ =	shalt  }
0x6e: {  	_ =	shalt  }
0x6f: {  	_ =	shalt  }
0x70: {  	_ =	shalt  }
0x71: {  	_ =	shalt  }
0x72: {  	_ =	shalt  }
0x73: {  	_ =	shalt  }
0x74: {  	_ =	shalt  }
0x75: {  	_ =	shalt  }
0x76: {  	_ =	shalt  }
0x77: {  	_ =	shalt  }
0x78: {  	_ =	shalt  }
0x79: {  	_ =	shalt  }
0x7a: {  	_ =	shalt  }
0x7b: {  	_ =	shalt  }
0x7c: {  	_ =	shalt  }
0x7d: {  	_ =	shalt  }
0x7e: {  	_ =	shalt  }
0x7f: {  	_ =	shalt  }
0x80: {  	_ =	shalt  }
0x81: {  	_ =	shalt  }
0x82: {  	_ =	shalt  }
0x83: {  	_ =	shalt  }
0x84: {  	_ =	shalt  }
0x85: {  	_ =	shalt  }
0x86: {  	_ =	shalt  }
0x87: {  	_ =	shalt  }
.Lfunc_end0:
.L_simem_size_0:
called_computation.5_lowered:
.L_overlay_start_0:
0x88: {  	s2 =	sld [smem:$0x3FD9]  }
0x89: {  	s3 =	sld [smem:$0x3FFE];
	_ =	sdelay $0x1  }
0x8a: {  	s1 =	srdreg.scid  }
0x8b: {  	s0 =	sand.u32 $0x1, s1  }
0x8c: {  	s17 =	sshll.u32 s0, $0xA;
	s2 =	sadd.s32 s3, s2  }
0x8d: {  	s2 =	sadd.s32 s2, s17  }
0x8e: {  	[smem:$0x3FC0] =	sst s2  }
0x8f: {  	_ = 	snop  }
0x90: {  	s2 =	sld [smem:$0x3FD0];
	(tm) =	ssettm $0x1  }
0x91: {  	s18 =	sld [smem:$0x3FFB];
	_ =	sdelay $0x3  }
0x92: {  	_ =	strace s18  }
0x93: {  	s3 =	sld [smem:$0x3FFC];
	_ =	sdelay $0x3  }
0x94: {  	_ =	strace s3  }
0x95: {  	s3 =	sld [smem:$0x3FFD];
	_ =	sdelay $0x3  }
0x96: {  	_ =	strace s3  }
0x97: {  	_ =	strace $0x8FFFFFFF  }
0x98: {  	s19 =	sld [smem:$0x3FDB];
	_ =	sdelay $0x1  }
0x99: {  	s4 =	simm.s32 $_scs_section_size  }
0x9a: {  	s5 =	simm.s32 $_size__tile_overlayer_lowered;
	s6 =	simm.s32 $_tile_overlayer_lowered  }
0x9b: {  	s22 =	simm.s32 $0x1BFF;
	s21 =	sshll.u32 s6, $0x1;
	s3 =	sadd.s32 s4, s19  }
0x9c: {  	s7 =	simm.s32 $0x0;
	s20 =	sshll.u32 s5, $0x1;
	s5 =	sadd.s32 s21, s3  }
0x9d: {  	[timem:s7], [sflag:s22] =	dma.local [hbm:s5], s20  }
0x9e: {  	_ =	swait.ge [sflag:s22], s20  }
0x9f: {  	s4 =	ssub.s32 $0x0, s20;
	[sflag:s22] =	ssyncset.done $0x0  }
0xa0: {  	[sflag:s22] =	ssyncadd.s32 s4;
	_ =	sdelay $0x1  }
0xa1: {  	s23 =	simm.s32 $0x1B8B  }
0xa2: {  	_ =	swait.ge [sflag:s23], $0x1  }
0xa3: {  	[sflag:s23] =	ssyncset.done $0x0  }
0xa4: {  	s25 =	simm.s32 $0x1B8E;
	s24 =	sld [smem:$0x3FFE];
	[sflag:s23] =	ssyncadd.s32 $0xFFFFFFFF  }
0xa5: {  	s26 =	simm.s32 $execute0_lowered;
	[smem:$0x3FD2] =	sst s25  }
0xa6: {  	s5 =	sshll.u32 s26, $0x1;
	_ =	strace $0x80000055;
	[dreg:$0x1] =	wrdreg $0xFFFFFFFF  }
0xa7: {  	s28 =	simm.s32 $_size_execute0_lowered;
	s3 =	sadd.s32 s3, s5;
	[dreg:$0x0] =	wrdreg $0x0  }
0xa8: {  	s5 =	sshll.u32 s28, $0x1;
	[dreg:$0x2] =	wrdreg s3  }
0xa9: {  	[dreg:$0x3] =	wrdreg s5  }
0xaa: {  	[dreg:$0x4] =	wrdreg $0xC0  }
0xab: {  	_ =	task [dreg:s7], $0x5FFFF  }
0xac: {  	[dreg:$0x1] =	wrdreg $0xFFFFFFFF  }
0xad: {  	[dreg:$0x0] =	wrdreg $0x60  }
0xae: {  	[dreg:$0x2] =	wrdreg s24  }
0xaf: {  	[dreg:$0x3] =	wrdreg s2  }
0xb0: {  	[dreg:$0x4] =	wrdreg $0xB0000  }
0xb1: {  	[dreg:$0x5] =	wrdreg $0x9  }
0xb2: {  	_ =	task.clear_ibuf [dreg:s7], $0x6FFFF;
	_ =	strace $0x90000055  }
0xb3: {  	s29 =	simm.s32 $0x9;
	_ =	strace $0x80000057  }
0xb4: {  	_ =	swait.ge [sflag:s29], $0x1  }
0xb5: {  	[sflag:s29] =	ssyncadd.s32 $0xFFFFFFFF  }
0xb6: {  	_ =	strace $0x90000057  }
0xb7: {  	_ =	sfence  }
0xb8: {  	s30 =	sld [smem:$0x0];
	_ =	sdelay $0x2  }
0xb9: {  	s31 =	sshll.u32 s1, $0xD;
	s1 =	sshrl.u32 s1, $0x2  }
0xba: {  	s3 =	sand.u32 $0x4000, s31;
	s1 =	sadd.s32 s1, s30  }
0xbb: {  	s0 =	sor.u32 s3, s0;
	s1 =	sshll.u32 s1, $0x11  }
0xbc: {  	s0 =	sor.u32 s1, s0  }
0xbd: {  	s0 =	sadd.s32 $0x8F2B, s0  }
0xbe: {  	[sflag:s0] =	ssyncadd.remote.s32 $0x1  }
0xbf: {  	_ =	sfence.sel $0xFFFF  }
0xc0: {  	[dreg:$0x0] =	wrdreg $0xFFFFFFFF;
	(pc) =	sbr.abs _section_cstart, $3  }
0xc1: {  	[dreg:$0x1] =	wrdreg $0xFFFFFFFF  }
0xc2: {  	_ =	task.clear_ibuf [dreg:s7], $0x2FFFF;
	_ =	strace $0x9FFFFFFF  }
0xc3: {  	(tm) =	ssettm $0x7FFFFFFF  }
tec
execute0_lowered:
.L_overlay_start_1:
0x0: {  	(tag) =	ssettag $0x1  }
0x1: {  	s0 =	rddreg [dreg:$0x0]  }
0x2: {  	s1 =	rddreg [dreg:$0x1]  }
0x3: {  	s2 =	rddreg [dreg:$0x2]  }
0x4: {  	s3 =	srdreg.scid;
	s4 =	simm.s32 $0x0;
	s10 =	stileid.u32  }
0x5: {  	s15 =	simm.s32 $0xA;
	s29 =	simm.s32 $0x8800;
	s30 =	simm.s32 $0x1  }
0x6: {  	s31 =	simm.s32 $0x2;
	s16 =	simm.s32 $0x5;
	s17 =	simm.s32 $0x6  }
0x7: {  	s3 =	sand.u32 $0x1, s3;
	[smem:$0x7FF] =	sst s4;
	s8 =	smul.u32 $0x13C00, s10  }
0x8: {  	s5 =	sadd.s32 $0x4200, s0;
	s6 =	sadd.s32 $0x56000, s0;
	s13 =	smul.u32 $0x4F000, s10  }
0x9: {  	s20 =	sadd.s32 $0x2B400, s0;
	s28 =	sshll.u32 s10, $0x6;
	s7 =	smul.u32 $0x13C000, s3  }
0xa: {  	_ =	strace $0x80000056;
	s9 =	sshll.u32 s3, $0x4;
	s3 =	ssub.s32 $0x2, s3  }
0xb: {  	[dreg:$0x4] =	wrdreg s20;
	s18 =	sor.u32 s10, s9;
	s21 =	sshrl.u32 s3, $0x1  }
0xc: {  	s26 =	sshrl.u32 s13, $0x2;
	s7 =	sadd.s32 s8, s7;
	s3 =	ssub.s32 s3, s21  }
0xd: {  	s21 =	simm.s32 $0x50;
	s19 =	sshrl.u32 s7, $0x3;
	s7 =	smul.u32 $0x4400, s18  }
0xe: {  	s14 =	smax.u32 s3, $0x1;
	s3 =	simm.s32 $0x4;
	s18 =	simm.s32 $0x7  }
0xf: {  	s0 =	sadd.s32 s19, s0;
	s19 =	sor.u32 $0x1C0A, s28;
	s22 =	sshrl.u32 s7, $0x3  }
0x10: {  	s13 =	sadd.s32 $0x67000, s0;
	s0 =	simm.s32 $0x3;
	s23 =	sadd.s32 s6, s22  }
0x11: {  	s24 =	sadd.s32 s1, s22;
	s8 =	sadd.s32 $0x80, s22;
	[dreg:$0x5] =	wrdreg s23  }
0x12: {  	s22 =	simm.s32 $0x1000;
	[dreg:$0x6] =	wrdreg s24;
	s25 =	sadd.s32 s6, s8  }
0x13: {  	s8 =	sadd.s32 s1, s8;
	s24 =	simm.s32 $0x3800;
	[dreg:$0x7] =	wrdreg s25  }
0x14: {  	s23 =	simm.s32 $0x8;
	[dreg:$0x8] =	wrdreg s8;
	s8 =	sadd.s32 s26, s2  }
0x15: {  	s26 =	simm.s32 $0x6000;
	s25 =	simm.s32 $0x0;
	s20 =	sshrl.u32 s8, $0x3  }
.LBB2_1:
0x16: {  	s8 =	rddreg [dreg:$0x5]  }
0x17: {  	[tilespmem:s4], [sflag:$0xA] =	stream.linear.gather [hbm4b:s8+s4], $0x400, $0x38;
	[tilespmem:$0x1EC00] =	vst v63  }
0x18: {  	_ =	swait.ge [sflag:s15], $0x400  }
0x19: {  	[sflag:s15] =	ssyncset.done $0x0  }
0x1a: {  	s9 =	simm.s32 $0x800;
	s12 =	rddreg [dreg:$0x6];
	[sflag:s15] =	ssyncadd.s32 $0xFFFFFC00  }
0x1b: {  	[tilespmem:s9], [sflag:$0xA] =	stream.linear.gather [hbm4b:s12+s4], $0x400, $0x38;
	[tilespmem:$0x1EC00] =	vst v63  }
0x1c: {  	_ =	swait.ge [sflag:s15], $0x400  }
0x1d: {  	[sflag:s15] =	ssyncset.done $0x0;
	s9 =	rddreg [dreg:$0x7]  }
0x1e: {  	s10 =	simm.s32 $0x400;
	s11 =	rddreg [dreg:$0x8];
	[sflag:s15] =	ssyncadd.s32 $0xFFFFFC00  }
0x1f: {  	[tilespmem:s10], [sflag:$0x9] =	stream.linear.gather [hbm4b:s9+s4], $0x400, $0x38;
	[tilespmem:$0x1EC00] =	vst v63  }
0x20: {  	s12 =	simm.s32 $0xC00;
	s9 =	rddreg [dreg:$0x4]  }
0x21: {  	[tilespmem:s12], [sflag:$0x9] =	stream.linear.gather [hbm4b:s11+s4], $0x400, $0x38;
	[tilespmem:$0x1EC00] =	vst v63  }
0x22: {  	[spmem:s20], [sflag:s19] =	dma.local [hbm:s9], $0x2780  }
0x23: {  	_ =	swait.ge [sflag:s15], $0x2780  }
0x24: {  	[sflag:s15] =	ssyncset.done $0x0  }
0x25: {  	[sflag:s15] =	ssyncadd.s32 $0xFFFFD880  }
0x26: {  	[bflag:$0x0] =	sbarrier.arrive $0xFFFF  }
0x27: {  	[tilespmem:s22], [sflag:$0x1] =	stream.indirect.gather [hbm4b:s5+s21], $0x80, s4, s21, $0xb8;
	[tilespmem:$0x1EC00] =	vst v63  }
0x28: {  	s10 =	simm.s32 $0x80  }
0x29: {  	[tilespmem:s24], [sflag:$0x2] =	stream.indirect.gather [hbm4b:s5+s21], $0x80, s10, s21, $0xb8;
	[tilespmem:$0x1EC00] =	vst v63  }
0x2a: {  	s11 =	simm.s32 $0x100  }
0x2b: {  	[tilespmem:s26], [sflag:$0x3] =	stream.indirect.gather [hbm4b:s5+s21], $0x80, s11, s21, $0xb8;
	[tilespmem:$0x1EC00] =	vst v63  }
0x2c: {  	s28 =	simm.s32 $0x380;
	s8 =	simm.s32 $0x0;
	s12 =	simm.s32 $0x180  }
0x2d: {  	[tilespmem:s29], [sflag:$0x4] =	stream.indirect.gather [hbm4b:s5+s21], $0x80, s12, s21, $0xb8;
	[tilespmem:$0x1EC00] =	vst v63  }
.LBB2_2:
0x2e: {  	s9 =	sand.u32 $0x21, s8  }
0x2f: {  	s10 =	sshrl.u32 s8, $0x1;
	p0 =	sne.s32 s9, $0x1  }
0x30: {  	p1 =	seq.s32 @p0 s10, $0x0  }
0x31: {  	p2 =	por p1, !p0  }
0x32: {  	p2 =	sne.s32 @!p2 s9, $0x0  }
0x33: {  	p1 =	por @p0 p2, p1  }
0x34: {  	p1 =	por p1, !p0  }
0x35: {  	s9 =	sshll.u32 @!p1 s10, $0xA  }
0x36: {  	s9 =	sadd.s32 @!p1 $0x400, s9  }
0x37: {  	s10 =	sadd.s32 @!p1 s7, s9  }
0x38: {  	s10 =	sshrl.u32 @!p1 s10, $0x3  }
0x39: {  	s12 =	simm.s32 @!p1 $0x0;
	s9 =	sand.u32 @!p1 $0x400, s9;
	s11 =	sadd.s32 @!p1 s6, s10  }
0x3a: {  	[tilespmem:s9], [sflag:$0x9] =	stream.linear.gather @!p1 [hbm4b:s11+s12], $0x400, $0x38;
	[tilespmem:$0x1EC00] =	vst v63  }
0x3b: {  	s10 =	sadd.s32 @!p1 s1, s10;
	s9 =	sor.u32 @!p1 $0x800, s9  }
0x3c: {  	[tilespmem:s9], [sflag:$0x9] =	stream.linear.gather @!p1 [hbm4b:s10+s12], $0x400, $0x38;
	[tilespmem:$0x1EC00] =	vst v63  }
0x3d: {  	s9 =	simm.s32 @!p0 $0x9  }
0x3e: {  	_ =	swait.ge @!p0 [sflag:s9], $0x400  }
0x3f: {  	[sflag:s9] =	ssyncset.done @!p0 $0x0  }
0x40: {  	[sflag:s9] =	ssyncadd.s32 @!p0 $0xFFFFFC00  }
0x41: {  	_ =	swait.ge @!p0 [sflag:s9], $0x400  }
0x42: {  	[sflag:s9] =	ssyncset.done @!p0 $0x0  }
0x43: {  	[sflag:s9] =	ssyncadd.s32 @!p0 $0xFFFFFC00  }
0x44: {  	s11 =	sadd.s32 $0xFFFFFC80, s28;
	_ =	swait.ge [sflag:s30], $0x2800  }
0x45: {  	s9 =	sand.u32 $0x600, s11;
	[sflag:s30] =	ssyncset.done $0x0  }
0x46: {  	s12 =	sor.u32 $0x800, s9;
	[sflag:s30] =	ssyncadd.s32 $0xFFFFD800  }
0x47: {  	[spmem:s2] =	stream.indirect.scatter.add.f32 [tilespmem:s22], [sflag:$0x5], $0x80, s12, s21, $0xb8;
	[tilespmem:$0x1EC00] =	vst v63  }
0x48: {  	_ =	swait.ge [sflag:s31], $0x2800  }
0x49: {  	[sflag:s31] =	ssyncset.done $0x0  }
0x4a: {  	s11 =	sor.u32 $0x880, s9;
	[sflag:s31] =	ssyncadd.s32 $0xFFFFD800  }
0x4b: {  	[spmem:s2] =	stream.indirect.scatter.add.f32 [tilespmem:s24], [sflag:$0x6], $0x80, s11, s21, $0xb8;
	[tilespmem:$0x1EC00] =	vst v63  }
0x4c: {  	_ =	swait.ge [sflag:s0], $0x2800  }
0x4d: {  	[sflag:s0] =	ssyncset.done $0x0  }
0x4e: {  	s12 =	sor.u32 $0x900, s9;
	[sflag:s0] =	ssyncadd.s32 $0xFFFFD800  }
0x4f: {  	[spmem:s2] =	stream.indirect.scatter.add.f32 [tilespmem:s26], [sflag:$0x7], $0x80, s12, s21, $0xb8;
	[tilespmem:$0x1EC00] =	vst v63  }
0x50: {  	_ =	swait.ge [sflag:s3], $0x2800  }
0x51: {  	[sflag:s3] =	ssyncset.done $0x0  }
0x52: {  	p0 =	seq.s32 s28, $0x4580;
	s9 =	sor.u32 $0x980, s9;
	[sflag:s3] =	ssyncadd.s32 $0xFFFFD800  }
0x53: {  	[spmem:s2] =	stream.indirect.scatter.add.f32 [tilespmem:s29], [sflag:$0x8], $0x80, s9, s21, $0xb8;
	[tilespmem:$0x1EC00] =	vst v63  }
0x54: {  	s9 =	simm.s32 @!p0 $0x5  }
0x55: {  	_ =	swait.ge @!p0 [sflag:s9], $0x2800  }
0x56: {  	[sflag:s9] =	ssyncset.done @!p0 $0x0  }
0x57: {  	[sflag:s9] =	ssyncadd.s32 @!p0 $0xFFFFD800;
	s9 =	sadd.s32 @!p0 $0xFFFFFE80, s28  }
0x58: {  	s10 =	simm.s32 @!p0 $0x50;
	s11 =	simm.s32 @!p0 $0x1000;
	s9 =	sand.u32 @!p0 $0x600, s9  }
0x59: {  	[tilespmem:s11], [sflag:$0x1] =	stream.indirect.gather @!p0 [hbm4b:s5+s10], $0x80, s9, s10, $0xb8;
	[tilespmem:$0x1EC00] =	vst v63  }
0x5a: {  	s9 =	simm.s32 @!p0 $0x6  }
0x5b: {  	_ =	swait.ge @!p0 [sflag:s9], $0x2800  }
0x5c: {  	s11 =	sadd.s32 @!p0 $0xFFFFFF00, s28;
	[sflag:s9] =	ssyncset.done @!p0 $0x0  }
0x5d: {  	[sflag:s9] =	ssyncadd.s32 @!p0 $0xFFFFD800;
	s9 =	sand.u32 @!p0 $0x680, s11;
	s11 =	simm.s32 @!p0 $0x3800  }
0x5e: {  	[tilespmem:s11], [sflag:$0x2] =	stream.indirect.gather @!p0 [hbm4b:s5+s10], $0x80, s9, s10, $0xb8;
	[tilespmem:$0x1EC00] =	vst v63  }
0x5f: {  	s9 =	simm.s32 @!p0 $0x7  }
0x60: {  	_ =	swait.ge @!p0 [sflag:s9], $0x2800  }
0x61: {  	s11 =	sadd.s32 @!p0 $0xFFFFFF80, s28;
	[sflag:s9] =	ssyncset.done @!p0 $0x0  }
0x62: {  	[sflag:s9] =	ssyncadd.s32 @!p0 $0xFFFFD800;
	s9 =	sand.u32 @!p0 $0x700, s11;
	s11 =	simm.s32 @!p0 $0x6000  }
0x63: {  	[tilespmem:s11], [sflag:$0x3] =	stream.indirect.gather @!p0 [hbm4b:s5+s10], $0x80, s9, s10, $0xb8;
	[tilespmem:$0x1EC00] =	vst v63  }
0x64: {  	s11 =	sand.u32 @!p0 $0x780, s28;
	s28 =	sadd.s32 @!p0 $0x200, s28  }
0x65: {  	p1 =	sne.s32 @!p0 s28, $0x4780  }
0x66: {  	p1 =	por p0, !p1  }
.Ltmp0:
0x67: {  	s9 =	simm.s32 @!p0 $0x8;
	(pc) =	sbr.rel @!p1 .LBB2_2-.Ltmp0, $4  }
0x68: {  	_ =	swait.ge @!p0 [sflag:s9], $0x2800  }
0x69: {  	[sflag:s9] =	ssyncset.done @!p0 $0x0  }
0x6a: {  	s8 =	sadd.s32 @!p0 $0x1, s8;
	[sflag:s9] =	ssyncadd.s32 @!p0 $0xFFFFD800;
	s9 =	simm.s32 @!p0 $0x8800  }
0x6b: {  	[tilespmem:s9], [sflag:$0x4] =	stream.indirect.gather @!p0 [hbm4b:s5+s10], $0x80, s11, s10, $0xb8;
	[tilespmem:$0x1EC00] =	vst v63  }
0x6c: {  	_ =	swait.ge [sflag:s16], $0x2800  }
0x6d: {  	[sflag:s16] =	ssyncset.done $0x0  }
0x6e: {  	[sflag:s16] =	ssyncadd.s32 $0xFFFFD800  }
0x6f: {  	_ =	swait.ge [sflag:s17], $0x2800  }
0x70: {  	[sflag:s17] =	ssyncset.done $0x0  }
0x71: {  	[sflag:s17] =	ssyncadd.s32 $0xFFFFD800  }
0x72: {  	_ =	swait.ge [sflag:s18], $0x2800  }
0x73: {  	[sflag:s18] =	ssyncset.done $0x0  }
0x74: {  	[sflag:s18] =	ssyncadd.s32 $0xFFFFD800  }
0x75: {  	_ =	swait.ge [sflag:s23], $0x2800  }
0x76: {  	s25 =	sadd.s32 $0x1, s25;
	[sflag:s23] =	ssyncset.done $0x0  }
0x77: {  	p0 =	sne.s32 s25, s14;
	[sflag:s23] =	ssyncadd.s32 $0xFFFFD800  }
.Ltmp1:
0x78: {  	[bflag:$0x0] =	sbarrier.arrive $0xFFFF;
	(pc) =	sbr.rel @p0 .LBB2_1-.Ltmp1, $4  }
0x79: {  	[hbm:s13], [sflag:s19] =	dma.local [spmem:s20], $0x2780  }
0x7a: {  	_ =	swait.ge [sflag:s15], $0x2780  }
0x7b: {  	[sflag:s15] =	ssyncset.done $0x0  }
0x7c: {  	[sflag:s15] =	ssyncadd.s32 $0xFFFFD880  }
0x7d: {  	_ =	sfence.sel $0x180000  }
0x7e: {  	[bflag:$0x0] =	sbarrier.arrive $0xFFFF  }
0x7f: {  	_ =	strace $0x90000056  }
0x80: {  	s0 =	stileid.u32;
	[bflag:$0x2] =	sbarrier.arrive $0xFFFF  }
0x81: {  	p0 =	sne.s32 s0, $0x0;
	s0 =	rddreg [dreg:$0x3]  }
0x82: {  	s0 =	sadd.s32 @!p0 $0x100000, s0  }
0x83: {  	[sflag:s0] =	ssyncadd.tile.s32 @!p0 $0x1;
	_ =	shalt  }
.Lfunc_end2:
_tile_overlayer_lowered:
.L_overlay_start_2:
0x84: {  	(tag) =	ssettag $0x2  }
0x85: {  	s0 =	rddreg [dreg:$0x0];
	s2 =	stileid.u32  }
0x86: {  	s1 =	rddreg [dreg:$0x1];
	p0 =	sne.s32 s2, $0x0  }
0x87: {  	s3 =	rddreg [dreg:$0x2];
	[bflag:$0x3] =	sbarrier.arrive $0xFFFF;
	s2 =	simm.s32 @!p0 $0x1C0A  }
0x88: {  	[timem:s3], [sflag:s2] =	dma.local @!p0 [hbm:s0], s1  }
0x89: {  	s0 =	simm.s32 @!p0 $0xA  }
0x8a: {  	_ =	swait.ge @!p0 [sflag:s0], s1  }
0x8b: {  	s1 =	ssub.s32 @!p0 $0x0, s1;
	[sflag:s0] =	ssyncset.done @!p0 $0x0  }
0x8c: {  	[sflag:s0] =	ssyncadd.s32 @!p0 s1  }
0x8d: {  	[bflag:$0x3] =	sbarrier.arrive $0xFFFF  }
0x8e: {  	_ =	shalt  }

</sc_bundles>
